<compile_context>
chip_gen: v7x
topology: tpu7x:2x2x1
jax: 0.10.2.dev20260603
libtpu: 0.0.44.dev20260713+nightly
codegen_flags: <defaults>
</compile_context>

<pallas_src>
import functools

import jax
import jax.numpy as jnp
from jax import lax
from jax.experimental import pallas as pl
from jax.experimental.pallas import tpu as pltpu
from jax.experimental.pallas import tpu_sc as plsc

IDX_MINOR = 128


@functools.cache
def _make_sc_lookup(N: int, L: int, V: int, D: int):
    info = plsc.get_sparse_core_info()
    NC = info.num_cores
    num_workers = NC * info.num_subcores
    B = N * L
    DT = D // 8
    NT = N // IDX_MINOR
    NTG = 2
    n_tasks = L * (NT // NTG)
    tasks_per_w = n_tasks // num_workers
    rows_per_task = NTG * IDX_MINOR
    idxrows_per_w = tasks_per_w * NTG

    mesh = plsc.VectorSubcoreMesh(core_axis_name="c", subcore_axis_name="s")

    @functools.partial(
        pl.kernel,
        out_type=jax.ShapeDtypeStruct((L, DT, NT, 8, IDX_MINOR), jnp.float32),
        mesh=mesh,
        scratch_types=[
            pltpu.VMEM((idxrows_per_w, IDX_MINOR), jnp.int32),
            pltpu.VMEM((4, rows_per_task, D), jnp.float32),
            pltpu.VMEM((2, DT, NTG, 8, IDX_MINOR), jnp.float32),
            pltpu.SemaphoreType.DMA,
            pltpu.SemaphoreType.DMA,
        ],
        compiler_params=pltpu.CompilerParams(
            use_tc_tiling_on_sc=False, needs_layout_passes=False
        ),
    )
    def lookup_kernel(idx_hbm, table_hbm, out_hbm, idx_v, rows_v, tr_v, gsem, wsem):
        wid = lax.axis_index("s") * NC + lax.axis_index("c")
        pltpu.sync_copy(
            idx_hbm.at[pl.ds(wid * idxrows_per_w, idxrows_per_w)], idx_v
        )
        task0 = wid * tasks_per_w

        def fire_gathers(tl, buf):
            for j in range(NTG):
                pltpu.async_copy(
                    table_hbm.at[idx_v.at[tl * NTG + j]],
                    rows_v.at[buf].at[pl.ds(j * IDX_MINOR, IDX_MINOR)],
                    gsem,
                )

        for p in range(3):
            fire_gathers(p, p)

        @pl.loop(0, tasks_per_w, step=4)
        def _quad(c0):
            for b in range(4):
                t = c0 + b
                tb = b % 2
                pltpu.make_async_copy(
                    table_hbm.at[pl.ds(0, rows_per_task)], rows_v.at[b], gsem
                ).wait()

                @pl.when(t + 3 < tasks_per_w)
                def _():
                    fire_gathers(t + 3, (b + 3) % 4)

                @pl.when(t >= 2)
                def _():
                    pltpu.make_async_copy(
                        out_hbm.at[0, :, pl.ds(0, NTG)], tr_v.at[tb], wsem
                    ).wait()

                @plsc.parallel_loop(0, rows_per_task // 16, unroll=1)
                def _jk(jk):
                    j = jk // (IDX_MINOR // 16)
                    k = jk % (IDX_MINOR // 16)
                    n_idx = lax.iota(jnp.int32, 16) + jk * 16
                    vals = []
                    for d in range(D):
                        d_idx = jnp.full((16,), d, jnp.int32)
                        vals.append(plsc.load_gather(rows_v.at[b], [n_idx, d_idx]))
                    for d in range(D):
                        tr_v[tb, d // 8, j, d % 8, pl.ds(k * 16, 16)] = vals[d]

                task = task0 + t
                l = task // (NT // NTG)
                ntg = task % (NT // NTG)
                pltpu.async_copy(
                    tr_v.at[tb], out_hbm.at[l, :, pl.ds(ntg * NTG, NTG)], wsem
                )

        for b in range(2):
            pltpu.make_async_copy(
                out_hbm.at[0, :, pl.ds(0, NTG)], tr_v.at[b], wsem
            ).wait()

    return lookup_kernel


@jax.jit
def kernel(x, embeddings):
    N_, L_ = x.shape
    V, D = embeddings.shape
    B = N_ * L_
    idx = x.T.reshape(B // IDX_MINOR, IDX_MINOR).astype(jnp.int32)
    out5d = _make_sc_lookup(N_, L_, V, D)(idx, embeddings)
    return out5d.transpose(2, 4, 0, 1, 3).reshape(N_, L_, D)

# --- scband reference (transcript-rebuilt; emitter-appended) ---
"""Pipeline reference for scband-embedding-layer-59064390254851 (READ-ONLY COPY).

The authoritative reference and input builder live on the scoring server;
editing this copy changes nothing except your own understanding.
"""

import jax, jax.numpy as jnp
import numpy as np

VOCAB = 1000000
DIM = 32
N = 16384
L = 50

def setup_inputs(seed: int = 0) -> dict:
    key = jax.random.key(seed)
    k1, k2 = jax.random.split(key)
    embeddings = jax.random.normal(k1, (VOCAB, DIM), dtype=jnp.float32)
    x = jax.random.randint(k2, (N, L), 0, VOCAB, dtype=jnp.int64 if jax.config.jax_enable_x64 else jnp.int32)
    return {"x": x, "embeddings": embeddings}

def reference(x, embeddings):
    N_, L_ = x.shape
    D = embeddings.shape[1]
    flat = x.reshape(N_ * L_)
    out = jnp.take(embeddings, flat, axis=0)
    return out.reshape(N_, L_, D)

if __name__ == "__main__":
    import jax
    _d = setup_inputs()
    print(jax.jit(kernel)(*tuple(_d.values())))

</pallas_src>

<mosaic_0001>
#map = affine_map<(d0, d1) -> (0, 0)>
#map1 = affine_map<(d0, d1) -> (0, 0, 0, 0, 0)>
module attributes {stable_mosaic.version = 14 : i64} {
  func.func @lookup_kernel(%arg0: i32, %arg1: i32, %arg2: memref<6400x128xi32, #tpu.memory_space<hbm>>, %arg3: memref<1000000x32xf32, #tpu.memory_space<hbm>>, %arg4: memref<50x4x128x8x128xf32, #tpu.memory_space<hbm>>, %arg5: memref<200x128xi32, #tpu.memory_space<vmem>>, %arg6: memref<4x256x32xf32, #tpu.memory_space<vmem>>, %arg7: memref<2x4x2x8x128xf32, #tpu.memory_space<vmem>>, %arg8: memref<!tpu.dma_semaphore, #tpu.memory_space<semaphore_mem>>, %arg9: memref<!tpu.dma_semaphore, #tpu.memory_space<semaphore_mem>>) attributes {dimension_semantics = [#tpu.dimension_semantics<core_parallel>, #tpu.dimension_semantics<subcore_parallel>], iteration_bounds = array<i64: 2, 16>, scalar_prefetch = 0 : i64, scratch_operands = 5 : i64, tpu.core_type = #tpu.core_type<sc_vector_subcore>, window_params = [{transform_indices = #map}, {transform_indices = #map}, {transform_indices = #map1}]} {
    %mul3A = arith.constant 2 : i32
    %mul3A_0 = arith.muli %arg1, %mul3A : i32
    %add3A = arith.addi %mul3A_0, %arg0 : i32
    %mul3A_1 = arith.constant 200 : i32
    %mul3A_2 = arith.muli %add3A, %mul3A_1 : i32
    "tpu.region"() ({
      %run_scoped3A = tpu.sem_alloc : memref<!tpu.dma_semaphore, #tpu.memory_space<semaphore_mem>>
      %dma_start3A_149 = arith.constant 0 : i32
      %dma_start3A_150 = tpu.memref_slice %arg2[%mul3A_2, %dma_start3A_149] : memref<6400x128xi32, #tpu.memory_space<hbm>> -> memref<200x128xi32, #tpu.memory_space<hbm>>
      %dma_start3A_151 = arith.constant 0 : i32
      %dma_start3A_152 = tpu.memref_slice %arg2[%mul3A_2, %dma_start3A_151] : memref<6400x128xi32, #tpu.memory_space<hbm>> -> memref<200x128xi32, #tpu.memory_space<hbm>>
      tpu.enqueue_dma source(%dma_start3A_152 : memref<200x128xi32, #tpu.memory_space<hbm>>) target(%arg5 : memref<200x128xi32, #tpu.memory_space<vmem>>) target_semaphore(%run_scoped3A : memref<!tpu.dma_semaphore, #tpu.memory_space<semaphore_mem>>)
      %dma_wait3A_153 = arith.constant 0 : i32
      %dma_wait3A_154 = tpu.memref_slice %arg2[%mul3A_2, %dma_wait3A_153] : memref<6400x128xi32, #tpu.memory_space<hbm>> -> memref<200x128xi32, #tpu.memory_space<hbm>>
      %dma_wait3A_155 = arith.constant 0 : i32
      %dma_wait3A_156 = tpu.memref_slice %arg2[%mul3A_2, %dma_wait3A_155] : memref<6400x128xi32, #tpu.memory_space<hbm>> -> memref<200x128xi32, #tpu.memory_space<hbm>>
      tpu.wait_dma2 semaphore(%run_scoped3A : memref<!tpu.dma_semaphore, #tpu.memory_space<semaphore_mem>>) src(%dma_wait3A_156 : memref<200x128xi32, #tpu.memory_space<hbm>>) dst(%arg5 : memref<200x128xi32, #tpu.memory_space<vmem>>)
      tpu.yield
    }) : () -> ()
    %mul3A_3 = arith.constant 100 : i32
    %mul3A_4 = arith.muli %add3A, %mul3A_3 : i32
    %dma_start3A = arith.constant 0 : i32
    %dma_start3A_5 = arith.constant 0 : i32
    %dma_start3A_6 = arith.constant 0 : i32
    %dma_start3A_7 = arith.constant 0 : i32
    %dma_start3A_8 = tpu.memref_slice %arg6[%dma_start3A_5, %dma_start3A_6, %dma_start3A_7] : memref<4x256x32xf32, #tpu.memory_space<vmem>> -> memref<1x256x32xf32, #tpu.memory_space<vmem>>
    %dma_start3A_9 = tpu.memref_squeeze %dma_start3A_8 : memref<1x256x32xf32, #tpu.memory_space<vmem>> -> memref<256x32xf32, #tpu.memory_space<vmem>>
    %dma_start3A_10 = arith.constant 0 : i32
    %dma_start3A_11 = arith.constant 0 : i32
    %dma_start3A_12 = tpu.memref_slice %dma_start3A_9[%dma_start3A_10, %dma_start3A_11] : memref<256x32xf32, #tpu.memory_space<vmem>> -> memref<128x32xf32, #tpu.memory_space<vmem>>
    %dma_start3A_13 = arith.constant 0 : i32
    %dma_start3A_14 = tpu.memref_slice %arg5[%dma_start3A, %dma_start3A_13] : memref<200x128xi32, #tpu.memory_space<vmem>> -> memref<1x128xi32, #tpu.memory_space<vmem>>
    %dma_start3A_15 = tpu.memref_squeeze %dma_start3A_14 : memref<1x128xi32, #tpu.memory_space<vmem>> -> memref<128xi32, #tpu.memory_space<vmem>>
    %dma_start3A_16 = arith.constant 0 : i32
    %dma_start3A_17 = arith.constant 0 : i32
    %dma_start3A_18 = tpu.memref_slice %arg3[%dma_start3A_16, %dma_start3A_17] : memref<1000000x32xf32, #tpu.memory_space<hbm>> -> memref<1000000x32xf32, #tpu.memory_space<hbm>>
    tpu.enqueue_indirect_dma source(%dma_start3A_18 : memref<1000000x32xf32, #tpu.memory_space<hbm>>) target(%dma_start3A_12 : memref<128x32xf32, #tpu.memory_space<vmem>>) offsets(%dma_start3A_15 : memref<128xi32, #tpu.memory_space<vmem>>) semaphore(%arg8 : memref<!tpu.dma_semaphore, #tpu.memory_space<semaphore_mem>>)
    %dma_start3A_19 = arith.constant 1 : i32
    %dma_start3A_20 = arith.constant 0 : i32
    %dma_start3A_21 = arith.constant 0 : i32
    %dma_start3A_22 = arith.constant 0 : i32
    %dma_start3A_23 = tpu.memref_slice %arg6[%dma_start3A_20, %dma_start3A_21, %dma_start3A_22] : memref<4x256x32xf32, #tpu.memory_space<vmem>> -> memref<1x256x32xf32, #tpu.memory_space<vmem>>
    %dma_start3A_24 = tpu.memref_squeeze %dma_start3A_23 : memref<1x256x32xf32, #tpu.memory_space<vmem>> -> memref<256x32xf32, #tpu.memory_space<vmem>>
    %dma_start3A_25 = arith.constant 128 : i32
    %dma_start3A_26 = arith.constant 0 : i32
    %dma_start3A_27 = tpu.memref_slice %dma_start3A_24[%dma_start3A_25, %dma_start3A_26] : memref<256x32xf32, #tpu.memory_space<vmem>> -> memref<128x32xf32, #tpu.memory_space<vmem>>
    %dma_start3A_28 = arith.constant 0 : i32
    %dma_start3A_29 = tpu.memref_slice %arg5[%dma_start3A_19, %dma_start3A_28] : memref<200x128xi32, #tpu.memory_space<vmem>> -> memref<1x128xi32, #tpu.memory_space<vmem>>
    %dma_start3A_30 = tpu.memref_squeeze %dma_start3A_29 : memref<1x128xi32, #tpu.memory_space<vmem>> -> memref<128xi32, #tpu.memory_space<vmem>>
    %dma_start3A_31 = arith.constant 0 : i32
    %dma_start3A_32 = arith.constant 0 : i32
    %dma_start3A_33 = tpu.memref_slice %arg3[%dma_start3A_31, %dma_start3A_32] : memref<1000000x32xf32, #tpu.memory_space<hbm>> -> memref<1000000x32xf32, #tpu.memory_space<hbm>>
    tpu.enqueue_indirect_dma source(%dma_start3A_33 : memref<1000000x32xf32, #tpu.memory_space<hbm>>) target(%dma_start3A_27 : memref<128x32xf32, #tpu.memory_space<vmem>>) offsets(%dma_start3A_30 : memref<128xi32, #tpu.memory_space<vmem>>) semaphore(%arg8 : memref<!tpu.dma_semaphore, #tpu.memory_space<semaphore_mem>>)
    %dma_start3A_34 = arith.constant 2 : i32
    %dma_start3A_35 = arith.constant 1 : i32
    %dma_start3A_36 = arith.constant 0 : i32
    %dma_start3A_37 = arith.constant 0 : i32
    %dma_start3A_38 = tpu.memref_slice %arg6[%dma_start3A_35, %dma_start3A_36, %dma_start3A_37] : memref<4x256x32xf32, #tpu.memory_space<vmem>> -> memref<1x256x32xf32, #tpu.memory_space<vmem>>
    %dma_start3A_39 = tpu.memref_squeeze %dma_start3A_38 : memref<1x256x32xf32, #tpu.memory_space<vmem>> -> memref<256x32xf32, #tpu.memory_space<vmem>>
    %dma_start3A_40 = arith.constant 0 : i32
    %dma_start3A_41 = arith.constant 0 : i32
    %dma_start3A_42 = tpu.memref_slice %dma_start3A_39[%dma_start3A_40, %dma_start3A_41] : memref<256x32xf32, #tpu.memory_space<vmem>> -> memref<128x32xf32, #tpu.memory_space<vmem>>
    %dma_start3A_43 = arith.constant 0 : i32
    %dma_start3A_44 = tpu.memref_slice %arg5[%dma_start3A_34, %dma_start3A_43] : memref<200x128xi32, #tpu.memory_space<vmem>> -> memref<1x128xi32, #tpu.memory_space<vmem>>
    %dma_start3A_45 = tpu.memref_squeeze %dma_start3A_44 : memref<1x128xi32, #tpu.memory_space<vmem>> -> memref<128xi32, #tpu.memory_space<vmem>>
    %dma_start3A_46 = arith.constant 0 : i32
    %dma_start3A_47 = arith.constant 0 : i32
    %dma_start3A_48 = tpu.memref_slice %arg3[%dma_start3A_46, %dma_start3A_47] : memref<1000000x32xf32, #tpu.memory_space<hbm>> -> memref<1000000x32xf32, #tpu.memory_space<hbm>>
    tpu.enqueue_indirect_dma source(%dma_start3A_48 : memref<1000000x32xf32, #tpu.memory_space<hbm>>) target(%dma_start3A_42 : memref<128x32xf32, #tpu.memory_space<vmem>>) offsets(%dma_start3A_45 : memref<128xi32, #tpu.memory_space<vmem>>) semaphore(%arg8 : memref<!tpu.dma_semaphore, #tpu.memory_space<semaphore_mem>>)
    %dma_start3A_49 = arith.constant 3 : i32
    %dma_start3A_50 = arith.constant 1 : i32
    %dma_start3A_51 = arith.constant 0 : i32
    %dma_start3A_52 = arith.constant 0 : i32
    %dma_start3A_53 = tpu.memref_slice %arg6[%dma_start3A_50, %dma_start3A_51, %dma_start3A_52] : memref<4x256x32xf32, #tpu.memory_space<vmem>> -> memref<1x256x32xf32, #tpu.memory_space<vmem>>
    %dma_start3A_54 = tpu.memref_squeeze %dma_start3A_53 : memref<1x256x32xf32, #tpu.memory_space<vmem>> -> memref<256x32xf32, #tpu.memory_space<vmem>>
    %dma_start3A_55 = arith.constant 128 : i32
    %dma_start3A_56 = arith.constant 0 : i32
    %dma_start3A_57 = tpu.memref_slice %dma_start3A_54[%dma_start3A_55, %dma_start3A_56] : memref<256x32xf32, #tpu.memory_space<vmem>> -> memref<128x32xf32, #tpu.memory_space<vmem>>
    %dma_start3A_58 = arith.constant 0 : i32
    %dma_start3A_59 = tpu.memref_slice %arg5[%dma_start3A_49, %dma_start3A_58] : memref<200x128xi32, #tpu.memory_space<vmem>> -> memref<1x128xi32, #tpu.memory_space<vmem>>
    %dma_start3A_60 = tpu.memref_squeeze %dma_start3A_59 : memref<1x128xi32, #tpu.memory_space<vmem>> -> memref<128xi32, #tpu.memory_space<vmem>>
    %dma_start3A_61 = arith.constant 0 : i32
    %dma_start3A_62 = arith.constant 0 : i32
    %dma_start3A_63 = tpu.memref_slice %arg3[%dma_start3A_61, %dma_start3A_62] : memref<1000000x32xf32, #tpu.memory_space<hbm>> -> memref<1000000x32xf32, #tpu.memory_space<hbm>>
    tpu.enqueue_indirect_dma source(%dma_start3A_63 : memref<1000000x32xf32, #tpu.memory_space<hbm>>) target(%dma_start3A_57 : memref<128x32xf32, #tpu.memory_space<vmem>>) offsets(%dma_start3A_60 : memref<128xi32, #tpu.memory_space<vmem>>) semaphore(%arg8 : memref<!tpu.dma_semaphore, #tpu.memory_space<semaphore_mem>>)
    %dma_start3A_64 = arith.constant 4 : i32
    %dma_start3A_65 = arith.constant 2 : i32
    %dma_start3A_66 = arith.constant 0 : i32
    %dma_start3A_67 = arith.constant 0 : i32
    %dma_start3A_68 = tpu.memref_slice %arg6[%dma_start3A_65, %dma_start3A_66, %dma_start3A_67] : memref<4x256x32xf32, #tpu.memory_space<vmem>> -> memref<1x256x32xf32, #tpu.memory_space<vmem>>
    %dma_start3A_69 = tpu.memref_squeeze %dma_start3A_68 : memref<1x256x32xf32, #tpu.memory_space<vmem>> -> memref<256x32xf32, #tpu.memory_space<vmem>>
    %dma_start3A_70 = arith.constant 0 : i32
    %dma_start3A_71 = arith.constant 0 : i32
    %dma_start3A_72 = tpu.memref_slice %dma_start3A_69[%dma_start3A_70, %dma_start3A_71] : memref<256x32xf32, #tpu.memory_space<vmem>> -> memref<128x32xf32, #tpu.memory_space<vmem>>
    %dma_start3A_73 = arith.constant 0 : i32
    %dma_start3A_74 = tpu.memref_slice %arg5[%dma_start3A_64, %dma_start3A_73] : memref<200x128xi32, #tpu.memory_space<vmem>> -> memref<1x128xi32, #tpu.memory_space<vmem>>
    %dma_start3A_75 = tpu.memref_squeeze %dma_start3A_74 : memref<1x128xi32, #tpu.memory_space<vmem>> -> memref<128xi32, #tpu.memory_space<vmem>>
    %dma_start3A_76 = arith.constant 0 : i32
    %dma_start3A_77 = arith.constant 0 : i32
    %dma_start3A_78 = tpu.memref_slice %arg3[%dma_start3A_76, %dma_start3A_77] : memref<1000000x32xf32, #tpu.memory_space<hbm>> -> memref<1000000x32xf32, #tpu.memory_space<hbm>>
    tpu.enqueue_indirect_dma source(%dma_start3A_78 : memref<1000000x32xf32, #tpu.memory_space<hbm>>) target(%dma_start3A_72 : memref<128x32xf32, #tpu.memory_space<vmem>>) offsets(%dma_start3A_75 : memref<128xi32, #tpu.memory_space<vmem>>) semaphore(%arg8 : memref<!tpu.dma_semaphore, #tpu.memory_space<semaphore_mem>>)
    %dma_start3A_79 = arith.constant 5 : i32
    %dma_start3A_80 = arith.constant 2 : i32
    %dma_start3A_81 = arith.constant 0 : i32
    %dma_start3A_82 = arith.constant 0 : i32
    %dma_start3A_83 = tpu.memref_slice %arg6[%dma_start3A_80, %dma_start3A_81, %dma_start3A_82] : memref<4x256x32xf32, #tpu.memory_space<vmem>> -> memref<1x256x32xf32, #tpu.memory_space<vmem>>
    %dma_start3A_84 = tpu.memref_squeeze %dma_start3A_83 : memref<1x256x32xf32, #tpu.memory_space<vmem>> -> memref<256x32xf32, #tpu.memory_space<vmem>>
    %dma_start3A_85 = arith.constant 128 : i32
    %dma_start3A_86 = arith.constant 0 : i32
    %dma_start3A_87 = tpu.memref_slice %dma_start3A_84[%dma_start3A_85, %dma_start3A_86] : memref<256x32xf32, #tpu.memory_space<vmem>> -> memref<128x32xf32, #tpu.memory_space<vmem>>
    %dma_start3A_88 = arith.constant 0 : i32
    %dma_start3A_89 = tpu.memref_slice %arg5[%dma_start3A_79, %dma_start3A_88] : memref<200x128xi32, #tpu.memory_space<vmem>> -> memref<1x128xi32, #tpu.memory_space<vmem>>
    %dma_start3A_90 = tpu.memref_squeeze %dma_start3A_89 : memref<1x128xi32, #tpu.memory_space<vmem>> -> memref<128xi32, #tpu.memory_space<vmem>>
    %dma_start3A_91 = arith.constant 0 : i32
    %dma_start3A_92 = arith.constant 0 : i32
    %dma_start3A_93 = tpu.memref_slice %arg3[%dma_start3A_91, %dma_start3A_92] : memref<1000000x32xf32, #tpu.memory_space<hbm>> -> memref<1000000x32xf32, #tpu.memory_space<hbm>>
    tpu.enqueue_indirect_dma source(%dma_start3A_93 : memref<1000000x32xf32, #tpu.memory_space<hbm>>) target(%dma_start3A_87 : memref<128x32xf32, #tpu.memory_space<vmem>>) offsets(%dma_start3A_90 : memref<128xi32, #tpu.memory_space<vmem>>) semaphore(%arg8 : memref<!tpu.dma_semaphore, #tpu.memory_space<semaphore_mem>>)
    %scan3A = arith.constant 0 : i32
    %scan3A_94 = arith.constant 25 : i32
    %scan3A_95 = arith.addi %scan3A, %scan3A_94 : i32
    %scan3A_96 = arith.constant 1 : i32
    scf.for %scan3A_149 = %scan3A to %scan3A_95 step %scan3A_96  : i32 {
      %mul3A_150 = arith.constant 4 : i32
      %mul3A_151 = arith.muli %scan3A_149, %mul3A_150 : i32
      %add3A_152 = arith.constant 0 : i32
      %add3A_153 = arith.addi %add3A_152, %mul3A_151 : i32
      %add3A_154 = arith.constant 0 : i32
      %add3A_155 = arith.addi %add3A_153, %add3A_154 : i32
      %dma_wait3A_156 = arith.constant 0 : i32
      %dma_wait3A_157 = arith.constant 0 : i32
      %dma_wait3A_158 = arith.constant 0 : i32
      %dma_wait3A_159 = tpu.memref_slice %arg6[%dma_wait3A_156, %dma_wait3A_157, %dma_wait3A_158] : memref<4x256x32xf32, #tpu.memory_space<vmem>> -> memref<1x256x32xf32, #tpu.memory_space<vmem>>
      %dma_wait3A_160 = tpu.memref_squeeze %dma_wait3A_159 : memref<1x256x32xf32, #tpu.memory_space<vmem>> -> memref<256x32xf32, #tpu.memory_space<vmem>>
      %dma_wait3A_161 = arith.constant 0 : i32
      %dma_wait3A_162 = arith.constant 0 : i32
      %dma_wait3A_163 = tpu.memref_slice %arg3[%dma_wait3A_161, %dma_wait3A_162] : memref<1000000x32xf32, #tpu.memory_space<hbm>> -> memref<256x32xf32, #tpu.memory_space<hbm>>
      %dma_wait3A_164 = arith.constant 0 : i32
      %dma_wait3A_165 = arith.constant 0 : i32
      %dma_wait3A_166 = tpu.memref_slice %arg6[%dma_wait3A_156, %dma_wait3A_164, %dma_wait3A_165] : memref<4x256x32xf32, #tpu.memory_space<vmem>> -> memref<1x256x32xf32, #tpu.memory_space<vmem>>
      %dma_wait3A_167 = tpu.memref_squeeze %dma_wait3A_166 : memref<1x256x32xf32, #tpu.memory_space<vmem>> -> memref<256x32xf32, #tpu.memory_space<vmem>>
      %dma_wait3A_168 = arith.constant 0 : i32
      %dma_wait3A_169 = arith.constant 0 : i32
      %dma_wait3A_170 = tpu.memref_slice %arg3[%dma_wait3A_168, %dma_wait3A_169] : memref<1000000x32xf32, #tpu.memory_space<hbm>> -> memref<256x32xf32, #tpu.memory_space<hbm>>
      tpu.wait_dma2 semaphore(%arg8 : memref<!tpu.dma_semaphore, #tpu.memory_space<semaphore_mem>>) src(%dma_wait3A_170 : memref<256x32xf32, #tpu.memory_space<hbm>>) dst(%dma_wait3A_167 : memref<256x32xf32, #tpu.memory_space<vmem>>)
      %add3A_171 = arith.constant 3 : i32
      %add3A_172 = arith.addi %add3A_155, %add3A_171 : i32
      %lt3A = arith.constant 100 : i32
      %lt3A_173 = arith.cmpi slt, %add3A_172, %lt3A : i32
      %convert_element_type3A = arith.extui %lt3A_173 : i1 to i32
      %cond3A = arith.constant 0 : i32
      %cond3A_174 = arith.cmpi ne, %convert_element_type3A, %cond3A : i32
      scf.if %cond3A_174 {
        %add3A_532 = arith.constant 3 : i32
        %add3A_533 = arith.addi %add3A_155, %add3A_532 : i32
        %mul3A_534 = arith.constant 2 : i32
        %mul3A_535 = arith.muli %add3A_533, %mul3A_534 : i32
        %add3A_536 = arith.constant 0 : i32
        %add3A_537 = arith.addi %mul3A_535, %add3A_536 : i32
        %dma_start3A_538 = arith.constant 3 : i32
        %dma_start3A_539 = arith.constant 0 : i32
        %dma_start3A_540 = arith.constant 0 : i32
        %dma_start3A_541 = tpu.memref_slice %arg6[%dma_start3A_538, %dma_start3A_539, %dma_start3A_540] : memref<4x256x32xf32, #tpu.memory_space<vmem>> -> memref<1x256x32xf32, #tpu.memory_space<vmem>>
        %dma_start3A_542 = tpu.memref_squeeze %dma_start3A_541 : memref<1x256x32xf32, #tpu.memory_space<vmem>> -> memref<256x32xf32, #tpu.memory_space<vmem>>
        %dma_start3A_543 = arith.constant 0 : i32
        %dma_start3A_544 = arith.constant 0 : i32
        %dma_start3A_545 = tpu.memref_slice %dma_start3A_542[%dma_start3A_543, %dma_start3A_544] : memref<256x32xf32, #tpu.memory_space<vmem>> -> memref<128x32xf32, #tpu.memory_space<vmem>>
        %dma_start3A_546 = arith.constant 0 : i32
        %dma_start3A_547 = tpu.memref_slice %arg5[%add3A_537, %dma_start3A_546] : memref<200x128xi32, #tpu.memory_space<vmem>> -> memref<1x128xi32, #tpu.memory_space<vmem>>
        %dma_start3A_548 = tpu.memref_squeeze %dma_start3A_547 : memref<1x128xi32, #tpu.memory_space<vmem>> -> memref<128xi32, #tpu.memory_space<vmem>>
        %dma_start3A_549 = arith.constant 0 : i32
        %dma_start3A_550 = arith.constant 0 : i32
        %dma_start3A_551 = tpu.memref_slice %arg3[%dma_start3A_549, %dma_start3A_550] : memref<1000000x32xf32, #tpu.memory_space<hbm>> -> memref<1000000x32xf32, #tpu.memory_space<hbm>>
        tpu.enqueue_indirect_dma source(%dma_start3A_551 : memref<1000000x32xf32, #tpu.memory_space<hbm>>) target(%dma_start3A_545 : memref<128x32xf32, #tpu.memory_space<vmem>>) offsets(%dma_start3A_548 : memref<128xi32, #tpu.memory_space<vmem>>) semaphore(%arg8 : memref<!tpu.dma_semaphore, #tpu.memory_space<semaphore_mem>>)
        %mul3A_552 = arith.constant 2 : i32
        %mul3A_553 = arith.muli %add3A_533, %mul3A_552 : i32
        %add3A_554 = arith.constant 1 : i32
        %add3A_555 = arith.addi %mul3A_553, %add3A_554 : i32
        %dma_start3A_556 = arith.constant 3 : i32
        %dma_start3A_557 = arith.constant 0 : i32
        %dma_start3A_558 = arith.constant 0 : i32
        %dma_start3A_559 = tpu.memref_slice %arg6[%dma_start3A_556, %dma_start3A_557, %dma_start3A_558] : memref<4x256x32xf32, #tpu.memory_space<vmem>> -> memref<1x256x32xf32, #tpu.memory_space<vmem>>
        %dma_start3A_560 = tpu.memref_squeeze %dma_start3A_559 : memref<1x256x32xf32, #tpu.memory_space<vmem>> -> memref<256x32xf32, #tpu.memory_space<vmem>>
        %dma_start3A_561 = arith.constant 128 : i32
        %dma_start3A_562 = arith.constant 0 : i32
        %dma_start3A_563 = tpu.memref_slice %dma_start3A_560[%dma_start3A_561, %dma_start3A_562] : memref<256x32xf32, #tpu.memory_space<vmem>> -> memref<128x32xf32, #tpu.memory_space<vmem>>
        %dma_start3A_564 = arith.constant 0 : i32
        %dma_start3A_565 = tpu.memref_slice %arg5[%add3A_555, %dma_start3A_564] : memref<200x128xi32, #tpu.memory_space<vmem>> -> memref<1x128xi32, #tpu.memory_space<vmem>>
        %dma_start3A_566 = tpu.memref_squeeze %dma_start3A_565 : memref<1x128xi32, #tpu.memory_space<vmem>> -> memref<128xi32, #tpu.memory_space<vmem>>
        %dma_start3A_567 = arith.constant 0 : i32
        %dma_start3A_568 = arith.constant 0 : i32
        %dma_start3A_569 = tpu.memref_slice %arg3[%dma_start3A_567, %dma_start3A_568] : memref<1000000x32xf32, #tpu.memory_space<hbm>> -> memref<1000000x32xf32, #tpu.memory_space<hbm>>
        tpu.enqueue_indirect_dma source(%dma_start3A_569 : memref<1000000x32xf32, #tpu.memory_space<hbm>>) target(%dma_start3A_563 : memref<128x32xf32, #tpu.memory_space<vmem>>) offsets(%dma_start3A_566 : memref<128xi32, #tpu.memory_space<vmem>>) semaphore(%arg8 : memref<!tpu.dma_semaphore, #tpu.memory_space<semaphore_mem>>)
      } else {
      }
      %ge3A = arith.constant 2 : i32
      %ge3A_175 = arith.cmpi sge, %add3A_155, %ge3A : i32
      %convert_element_type3A_176 = arith.extui %ge3A_175 : i1 to i32
      %cond3A_177 = arith.constant 0 : i32
      %cond3A_178 = arith.cmpi ne, %convert_element_type3A_176, %cond3A_177 : i32
      scf.if %cond3A_178 {
        %dma_wait3A_532 = arith.constant 0 : i32
        %dma_wait3A_533 = arith.constant 0 : i32
        %dma_wait3A_534 = arith.constant 0 : i32
        %dma_wait3A_535 = arith.constant 0 : i32
        %dma_wait3A_536 = arith.constant 0 : i32
        %dma_wait3A_537 = arith.constant 0 : i32
        %dma_wait3A_538 = tpu.memref_slice %arg7[%dma_wait3A_533, %dma_wait3A_534, %dma_wait3A_535, %dma_wait3A_536, %dma_wait3A_537] : memref<2x4x2x8x128xf32, #tpu.memory_space<vmem>> -> memref<1x4x2x8x128xf32, #tpu.memory_space<vmem>>
        %dma_wait3A_539 = tpu.memref_squeeze %dma_wait3A_538 : memref<1x4x2x8x128xf32, #tpu.memory_space<vmem>> -> memref<4x2x8x128xf32, #tpu.memory_space<vmem>>
        %dma_wait3A_540 = arith.constant 0 : i32
        %dma_wait3A_541 = arith.constant 0 : i32
        %dma_wait3A_542 = arith.constant 0 : i32
        %dma_wait3A_543 = arith.constant 0 : i32
        %dma_wait3A_544 = tpu.memref_slice %arg4[%dma_wait3A_532, %dma_wait3A_540, %dma_wait3A_541, %dma_wait3A_542, %dma_wait3A_543] : memref<50x4x128x8x128xf32, #tpu.memory_space<hbm>> -> memref<1x4x2x8x128xf32, #tpu.memory_space<hbm>>
        %dma_wait3A_545 = tpu.memref_squeeze %dma_wait3A_544 : memref<1x4x2x8x128xf32, #tpu.memory_space<hbm>> -> memref<4x2x8x128xf32, #tpu.memory_space<hbm>>
        %dma_wait3A_546 = arith.constant 0 : i32
        %dma_wait3A_547 = arith.constant 0 : i32
        %dma_wait3A_548 = arith.constant 0 : i32
        %dma_wait3A_549 = arith.constant 0 : i32
        %dma_wait3A_550 = tpu.memref_slice %arg7[%dma_wait3A_533, %dma_wait3A_546, %dma_wait3A_547, %dma_wait3A_548, %dma_wait3A_549] : memref<2x4x2x8x128xf32, #tpu.memory_space<vmem>> -> memref<1x4x2x8x128xf32, #tpu.memory_space<vmem>>
        %dma_wait3A_551 = tpu.memref_squeeze %dma_wait3A_550 : memref<1x4x2x8x128xf32, #tpu.memory_space<vmem>> -> memref<4x2x8x128xf32, #tpu.memory_space<vmem>>
        %dma_wait3A_552 = arith.constant 0 : i32
        %dma_wait3A_553 = arith.constant 0 : i32
        %dma_wait3A_554 = arith.constant 0 : i32
        %dma_wait3A_555 = arith.constant 0 : i32
        %dma_wait3A_556 = tpu.memref_slice %arg4[%dma_wait3A_532, %dma_wait3A_552, %dma_wait3A_553, %dma_wait3A_554, %dma_wait3A_555] : memref<50x4x128x8x128xf32, #tpu.memory_space<hbm>> -> memref<1x4x2x8x128xf32, #tpu.memory_space<hbm>>
        %dma_wait3A_557 = tpu.memref_squeeze %dma_wait3A_556 : memref<1x4x2x8x128xf32, #tpu.memory_space<hbm>> -> memref<4x2x8x128xf32, #tpu.memory_space<hbm>>
        tpu.wait_dma2 semaphore(%arg9 : memref<!tpu.dma_semaphore, #tpu.memory_space<semaphore_mem>>) src(%dma_wait3A_557 : memref<4x2x8x128xf32, #tpu.memory_space<hbm>>) dst(%dma_wait3A_551 : memref<4x2x8x128xf32, #tpu.memory_space<vmem>>)
      } else {
      }
      %parallel_loop3A = arith.constant 0 : i32
      %parallel_loop3A_179 = arith.constant 16 : i32
      %parallel_loop3A_180 = arith.constant 1 : i32
      scf.for %parallel_loop3A_532 = %parallel_loop3A to %parallel_loop3A_179 step %parallel_loop3A_180  : i32 {
        %parallel_loop3A_533 = arith.constant 8 : i32
        %parallel_loop3A_534 = arith.divsi %parallel_loop3A_532, %parallel_loop3A_533 : i32
        %parallel_loop3A_535 = arith.constant 0 : i32
        %parallel_loop3A_536 = arith.cmpi sgt, %parallel_loop3A_532, %parallel_loop3A_535 : i32
        %parallel_loop3A_537 = arith.extui %parallel_loop3A_536 : i1 to i32
        %parallel_loop3A_538 = arith.constant 0 : i32
        %parallel_loop3A_539 = arith.cmpi slt, %parallel_loop3A_532, %parallel_loop3A_538 : i32
        %parallel_loop3A_540 = arith.extui %parallel_loop3A_539 : i1 to i32
        %parallel_loop3A_541 = arith.subi %parallel_loop3A_537, %parallel_loop3A_540 : i32
        %parallel_loop3A_542 = arith.constant 0 : i32
        %parallel_loop3A_543 = arith.cmpi sgt, %parallel_loop3A_533, %parallel_loop3A_542 : i32
        %parallel_loop3A_544 = arith.extui %parallel_loop3A_543 : i1 to i32
        %parallel_loop3A_545 = arith.constant 0 : i32
        %parallel_loop3A_546 = arith.cmpi slt, %parallel_loop3A_533, %parallel_loop3A_545 : i32
        %parallel_loop3A_547 = arith.extui %parallel_loop3A_546 : i1 to i32
        %parallel_loop3A_548 = arith.subi %parallel_loop3A_544, %parallel_loop3A_547 : i32
        %parallel_loop3A_549 = arith.cmpi ne, %parallel_loop3A_541, %parallel_loop3A_548 : i32
        %parallel_loop3A_550 = arith.remsi %parallel_loop3A_532, %parallel_loop3A_533 : i32
        %parallel_loop3A_551 = arith.constant 0 : i32
        %parallel_loop3A_552 = arith.cmpi ne, %parallel_loop3A_550, %parallel_loop3A_551 : i32
        %parallel_loop3A_553 = arith.andi %parallel_loop3A_549, %parallel_loop3A_552 : i1
        %parallel_loop3A_554 = arith.constant 1 : i32
        %parallel_loop3A_555 = arith.subi %parallel_loop3A_534, %parallel_loop3A_554 : i32
        %parallel_loop3A_556 = arith.select %parallel_loop3A_553, %parallel_loop3A_555, %parallel_loop3A_534 : i32
        %parallel_loop3A_557 = arith.constant 8 : i32
        %parallel_loop3A_558 = arith.constant 0 : i32
        %parallel_loop3A_559 = arith.cmpi eq, %parallel_loop3A_557, %parallel_loop3A_558 : i32
        %parallel_loop3A_560 = arith.constant 1 : i32
        %parallel_loop3A_561 = arith.select %parallel_loop3A_559, %parallel_loop3A_560, %parallel_loop3A_557 : i32
        %parallel_loop3A_562 = arith.remsi %parallel_loop3A_532, %parallel_loop3A_561 : i32
        %parallel_loop3A_563 = arith.constant 0 : i32
        %parallel_loop3A_564 = arith.cmpi ne, %parallel_loop3A_562, %parallel_loop3A_563 : i32
        %parallel_loop3A_565 = arith.constant 0 : i32
        %parallel_loop3A_566 = arith.cmpi slt, %parallel_loop3A_562, %parallel_loop3A_565 : i32
        %parallel_loop3A_567 = arith.constant 0 : i32
        %parallel_loop3A_568 = arith.cmpi slt, %parallel_loop3A_561, %parallel_loop3A_567 : i32
        %parallel_loop3A_569 = arith.xori %parallel_loop3A_566, %parallel_loop3A_568 : i1
        %parallel_loop3A_570 = arith.andi %parallel_loop3A_569, %parallel_loop3A_564 : i1
        %parallel_loop3A_571 = arith.addi %parallel_loop3A_562, %parallel_loop3A_561 : i32
        %parallel_loop3A_572 = arith.select %parallel_loop3A_570, %parallel_loop3A_571, %parallel_loop3A_562 : i32
        %parallel_loop3A_573 = tpu.iota {dimensions = array<i32: 0>} : vector<16xi32>
        %parallel_loop3A_574 = arith.constant 16 : i32
        %parallel_loop3A_575 = arith.muli %parallel_loop3A_532, %parallel_loop3A_574 : i32
        %parallel_loop3A_576 = vector.broadcast %parallel_loop3A_575 : i32 to vector<16xi32>
        %parallel_loop3A_577 = arith.addi %parallel_loop3A_573, %parallel_loop3A_576 : vector<16xi32>
        %parallel_loop3A_578 = arith.constant 0 : i32
        %parallel_loop3A_579 = vector.broadcast %parallel_loop3A_578 : i32 to vector<16xi32>
        %parallel_loop3A_580 = arith.constant 0 : i32
        %parallel_loop3A_581 = arith.constant 0 : i32
        %parallel_loop3A_582 = arith.constant 0 : i32
        %parallel_loop3A_583 = tpu.memref_slice %arg6[%parallel_loop3A_580, %parallel_loop3A_581, %parallel_loop3A_582] : memref<4x256x32xf32, #tpu.memory_space<vmem>> -> memref<1x256x32xf32, #tpu.memory_space<vmem>>
        %parallel_loop3A_584 = tpu.memref_squeeze %parallel_loop3A_583 : memref<1x256x32xf32, #tpu.memory_space<vmem>> -> memref<256x32xf32, #tpu.memory_space<vmem>>
        %parallel_loop3A_585 = tpu.vector_load_idx %parallel_loop3A_584[%parallel_loop3A_577, %parallel_loop3A_579] : memref<256x32xf32, #tpu.memory_space<vmem>>[vector<16xi32>, vector<16xi32>], vector<16xf32>,
        %parallel_loop3A_586 = arith.constant 1 : i32
        %parallel_loop3A_587 = vector.broadcast %parallel_loop3A_586 : i32 to vector<16xi32>
        %parallel_loop3A_588 = arith.constant 0 : i32
        %parallel_loop3A_589 = arith.constant 0 : i32
        %parallel_loop3A_590 = arith.constant 0 : i32
        %parallel_loop3A_591 = tpu.memref_slice %arg6[%parallel_loop3A_588, %parallel_loop3A_589, %parallel_loop3A_590] : memref<4x256x32xf32, #tpu.memory_space<vmem>> -> memref<1x256x32xf32, #tpu.memory_space<vmem>>
        %parallel_loop3A_592 = tpu.memref_squeeze %parallel_loop3A_591 : memref<1x256x32xf32, #tpu.memory_space<vmem>> -> memref<256x32xf32, #tpu.memory_space<vmem>>
        %parallel_loop3A_593 = tpu.vector_load_idx %parallel_loop3A_592[%parallel_loop3A_577, %parallel_loop3A_587] : memref<256x32xf32, #tpu.memory_space<vmem>>[vector<16xi32>, vector<16xi32>], vector<16xf32>,
        %parallel_loop3A_594 = arith.constant 2 : i32
        %parallel_loop3A_595 = vector.broadcast %parallel_loop3A_594 : i32 to vector<16xi32>
        %parallel_loop3A_596 = arith.constant 0 : i32
        %parallel_loop3A_597 = arith.constant 0 : i32
        %parallel_loop3A_598 = arith.constant 0 : i32
        %parallel_loop3A_599 = tpu.memref_slice %arg6[%parallel_loop3A_596, %parallel_loop3A_597, %parallel_loop3A_598] : memref<4x256x32xf32, #tpu.memory_space<vmem>> -> memref<1x256x32xf32, #tpu.memory_space<vmem>>
        %parallel_loop3A_600 = tpu.memref_squeeze %parallel_loop3A_599 : memref<1x256x32xf32, #tpu.memory_space<vmem>> -> memref<256x32xf32, #tpu.memory_space<vmem>>
        %parallel_loop3A_601 = tpu.vector_load_idx %parallel_loop3A_600[%parallel_loop3A_577, %parallel_loop3A_595] : memref<256x32xf32, #tpu.memory_space<vmem>>[vector<16xi32>, vector<16xi32>], vector<16xf32>,
        %parallel_loop3A_602 = arith.constant 3 : i32
        %parallel_loop3A_603 = vector.broadcast %parallel_loop3A_602 : i32 to vector<16xi32>
        %parallel_loop3A_604 = arith.constant 0 : i32
        %parallel_loop3A_605 = arith.constant 0 : i32
        %parallel_loop3A_606 = arith.constant 0 : i32
        %parallel_loop3A_607 = tpu.memref_slice %arg6[%parallel_loop3A_604, %parallel_loop3A_605, %parallel_loop3A_606] : memref<4x256x32xf32, #tpu.memory_space<vmem>> -> memref<1x256x32xf32, #tpu.memory_space<vmem>>
        %parallel_loop3A_608 = tpu.memref_squeeze %parallel_loop3A_607 : memref<1x256x32xf32, #tpu.memory_space<vmem>> -> memref<256x32xf32, #tpu.memory_space<vmem>>
        %parallel_loop3A_609 = tpu.vector_load_idx %parallel_loop3A_608[%parallel_loop3A_577, %parallel_loop3A_603] : memref<256x32xf32, #tpu.memory_space<vmem>>[vector<16xi32>, vector<16xi32>], vector<16xf32>,
        %parallel_loop3A_610 = arith.constant 4 : i32
        %parallel_loop3A_611 = vector.broadcast %parallel_loop3A_610 : i32 to vector<16xi32>
        %parallel_loop3A_612 = arith.constant 0 : i32
        %parallel_loop3A_613 = arith.constant 0 : i32
        %parallel_loop3A_614 = arith.constant 0 : i32
        %parallel_loop3A_615 = tpu.memref_slice %arg6[%parallel_loop3A_612, %parallel_loop3A_613, %parallel_loop3A_614] : memref<4x256x32xf32, #tpu.memory_space<vmem>> -> memref<1x256x32xf32, #tpu.memory_space<vmem>>
        %parallel_loop3A_616 = tpu.memref_squeeze %parallel_loop3A_615 : memref<1x256x32xf32, #tpu.memory_space<vmem>> -> memref<256x32xf32, #tpu.memory_space<vmem>>
        %parallel_loop3A_617 = tpu.vector_load_idx %parallel_loop3A_616[%parallel_loop3A_577, %parallel_loop3A_611] : memref<256x32xf32, #tpu.memory_space<vmem>>[vector<16xi32>, vector<16xi32>], vector<16xf32>,
        %parallel_loop3A_618 = arith.constant 5 : i32
        %parallel_loop3A_619 = vector.broadcast %parallel_loop3A_618 : i32 to vector<16xi32>
        %parallel_loop3A_620 = arith.constant 0 : i32
        %parallel_loop3A_621 = arith.constant 0 : i32
        %parallel_loop3A_622 = arith.constant 0 : i32
        %parallel_loop3A_623 = tpu.memref_slice %arg6[%parallel_loop3A_620, %parallel_loop3A_621, %parallel_loop3A_622] : memref<4x256x32xf32, #tpu.memory_space<vmem>> -> memref<1x256x32xf32, #tpu.memory_space<vmem>>
        %parallel_loop3A_624 = tpu.memref_squeeze %parallel_loop3A_623 : memref<1x256x32xf32, #tpu.memory_space<vmem>> -> memref<256x32xf32, #tpu.memory_space<vmem>>
        %parallel_loop3A_625 = tpu.vector_load_idx %parallel_loop3A_624[%parallel_loop3A_577, %parallel_loop3A_619] : memref<256x32xf32, #tpu.memory_space<vmem>>[vector<16xi32>, vector<16xi32>], vector<16xf32>,
        %parallel_loop3A_626 = arith.constant 6 : i32
        %parallel_loop3A_627 = vector.broadcast %parallel_loop3A_626 : i32 to vector<16xi32>
        %parallel_loop3A_628 = arith.constant 0 : i32
        %parallel_loop3A_629 = arith.constant 0 : i32
        %parallel_loop3A_630 = arith.constant 0 : i32
        %parallel_loop3A_631 = tpu.memref_slice %arg6[%parallel_loop3A_628, %parallel_loop3A_629, %parallel_loop3A_630] : memref<4x256x32xf32, #tpu.memory_space<vmem>> -> memref<1x256x32xf32, #tpu.memory_space<vmem>>
        %parallel_loop3A_632 = tpu.memref_squeeze %parallel_loop3A_631 : memref<1x256x32xf32, #tpu.memory_space<vmem>> -> memref<256x32xf32, #tpu.memory_space<vmem>>
        %parallel_loop3A_633 = tpu.vector_load_idx %parallel_loop3A_632[%parallel_loop3A_577, %parallel_loop3A_627] : memref<256x32xf32, #tpu.memory_space<vmem>>[vector<16xi32>, vector<16xi32>], vector<16xf32>,
        %parallel_loop3A_634 = arith.constant 7 : i32
        %parallel_loop3A_635 = vector.broadcast %parallel_loop3A_634 : i32 to vector<16xi32>
        %parallel_loop3A_636 = arith.constant 0 : i32
        %parallel_loop3A_637 = arith.constant 0 : i32
        %parallel_loop3A_638 = arith.constant 0 : i32
        %parallel_loop3A_639 = tpu.memref_slice %arg6[%parallel_loop3A_636, %parallel_loop3A_637, %parallel_loop3A_638] : memref<4x256x32xf32, #tpu.memory_space<vmem>> -> memref<1x256x32xf32, #tpu.memory_space<vmem>>
        %parallel_loop3A_640 = tpu.memref_squeeze %parallel_loop3A_639 : memref<1x256x32xf32, #tpu.memory_space<vmem>> -> memref<256x32xf32, #tpu.memory_space<vmem>>
        %parallel_loop3A_641 = tpu.vector_load_idx %parallel_loop3A_640[%parallel_loop3A_577, %parallel_loop3A_635] : memref<256x32xf32, #tpu.memory_space<vmem>>[vector<16xi32>, vector<16xi32>], vector<16xf32>,
        %parallel_loop3A_642 = arith.constant 8 : i32
        %parallel_loop3A_643 = vector.broadcast %parallel_loop3A_642 : i32 to vector<16xi32>
        %parallel_loop3A_644 = arith.constant 0 : i32
        %parallel_loop3A_645 = arith.constant 0 : i32
        %parallel_loop3A_646 = arith.constant 0 : i32
        %parallel_loop3A_647 = tpu.memref_slice %arg6[%parallel_loop3A_644, %parallel_loop3A_645, %parallel_loop3A_646] : memref<4x256x32xf32, #tpu.memory_space<vmem>> -> memref<1x256x32xf32, #tpu.memory_space<vmem>>
        %parallel_loop3A_648 = tpu.memref_squeeze %parallel_loop3A_647 : memref<1x256x32xf32, #tpu.memory_space<vmem>> -> memref<256x32xf32, #tpu.memory_space<vmem>>
        %parallel_loop3A_649 = tpu.vector_load_idx %parallel_loop3A_648[%parallel_loop3A_577, %parallel_loop3A_643] : memref<256x32xf32, #tpu.memory_space<vmem>>[vector<16xi32>, vector<16xi32>], vector<16xf32>,
        %parallel_loop3A_650 = arith.constant 9 : i32
        %parallel_loop3A_651 = vector.broadcast %parallel_loop3A_650 : i32 to vector<16xi32>
        %parallel_loop3A_652 = arith.constant 0 : i32
        %parallel_loop3A_653 = arith.constant 0 : i32
        %parallel_loop3A_654 = arith.constant 0 : i32
        %parallel_loop3A_655 = tpu.memref_slice %arg6[%parallel_loop3A_652, %parallel_loop3A_653, %parallel_loop3A_654] : memref<4x256x32xf32, #tpu.memory_space<vmem>> -> memref<1x256x32xf32, #tpu.memory_space<vmem>>
        %parallel_loop3A_656 = tpu.memref_squeeze %parallel_loop3A_655 : memref<1x256x32xf32, #tpu.memory_space<vmem>> -> memref<256x32xf32, #tpu.memory_space<vmem>>
        %parallel_loop3A_657 = tpu.vector_load_idx %parallel_loop3A_656[%parallel_loop3A_577, %parallel_loop3A_651] : memref<256x32xf32, #tpu.memory_space<vmem>>[vector<16xi32>, vector<16xi32>], vector<16xf32>,
        %parallel_loop3A_658 = arith.constant 10 : i32
        %parallel_loop3A_659 = vector.broadcast %parallel_loop3A_658 : i32 to vector<16xi32>
        %parallel_loop3A_660 = arith.constant 0 : i32
        %parallel_loop3A_661 = arith.constant 0 : i32
        %parallel_loop3A_662 = arith.constant 0 : i32
        %parallel_loop3A_663 = tpu.memref_slice %arg6[%parallel_loop3A_660, %parallel_loop3A_661, %parallel_loop3A_662] : memref<4x256x32xf32, #tpu.memory_space<vmem>> -> memref<1x256x32xf32, #tpu.memory_space<vmem>>
        %parallel_loop3A_664 = tpu.memref_squeeze %parallel_loop3A_663 : memref<1x256x32xf32, #tpu.memory_space<vmem>> -> memref<256x32xf32, #tpu.memory_space<vmem>>
        %parallel_loop3A_665 = tpu.vector_load_idx %parallel_loop3A_664[%parallel_loop3A_577, %parallel_loop3A_659] : memref<256x32xf32, #tpu.memory_space<vmem>>[vector<16xi32>, vector<16xi32>], vector<16xf32>,
        %parallel_loop3A_666 = arith.constant 11 : i32
        %parallel_loop3A_667 = vector.broadcast %parallel_loop3A_666 : i32 to vector<16xi32>
        %parallel_loop3A_668 = arith.constant 0 : i32
        %parallel_loop3A_669 = arith.constant 0 : i32
        %parallel_loop3A_670 = arith.constant 0 : i32
        %parallel_loop3A_671 = tpu.memref_slice %arg6[%parallel_loop3A_668, %parallel_loop3A_669, %parallel_loop3A_670] : memref<4x256x32xf32, #tpu.memory_space<vmem>> -> memref<1x256x32xf32, #tpu.memory_space<vmem>>
        %parallel_loop3A_672 = tpu.memref_squeeze %parallel_loop3A_671 : memref<1x256x32xf32, #tpu.memory_space<vmem>> -> memref<256x32xf32, #tpu.memory_space<vmem>>
        %parallel_loop3A_673 = tpu.vector_load_idx %parallel_loop3A_672[%parallel_loop3A_577, %parallel_loop3A_667] : memref<256x32xf32, #tpu.memory_space<vmem>>[vector<16xi32>, vector<16xi32>], vector<16xf32>,
        %parallel_loop3A_674 = arith.constant 12 : i32
        %parallel_loop3A_675 = vector.broadcast %parallel_loop3A_674 : i32 to vector<16xi32>
        %parallel_loop3A_676 = arith.constant 0 : i32
        %parallel_loop3A_677 = arith.constant 0 : i32
        %parallel_loop3A_678 = arith.constant 0 : i32
        %parallel_loop3A_679 = tpu.memref_slice %arg6[%parallel_loop3A_676, %parallel_loop3A_677, %parallel_loop3A_678] : memref<4x256x32xf32, #tpu.memory_space<vmem>> -> memref<1x256x32xf32, #tpu.memory_space<vmem>>
        %parallel_loop3A_680 = tpu.memref_squeeze %parallel_loop3A_679 : memref<1x256x32xf32, #tpu.memory_space<vmem>> -> memref<256x32xf32, #tpu.memory_space<vmem>>
        %parallel_loop3A_681 = tpu.vector_load_idx %parallel_loop3A_680[%parallel_loop3A_577, %parallel_loop3A_675] : memref<256x32xf32, #tpu.memory_space<vmem>>[vector<16xi32>, vector<16xi32>], vector<16xf32>,
        %parallel_loop3A_682 = arith.constant 13 : i32
        %parallel_loop3A_683 = vector.broadcast %parallel_loop3A_682 : i32 to vector<16xi32>
        %parallel_loop3A_684 = arith.constant 0 : i32
        %parallel_loop3A_685 = arith.constant 0 : i32
        %parallel_loop3A_686 = arith.constant 0 : i32
        %parallel_loop3A_687 = tpu.memref_slice %arg6[%parallel_loop3A_684, %parallel_loop3A_685, %parallel_loop3A_686] : memref<4x256x32xf32, #tpu.memory_space<vmem>> -> memref<1x256x32xf32, #tpu.memory_space<vmem>>
        %parallel_loop3A_688 = tpu.memref_squeeze %parallel_loop3A_687 : memref<1x256x32xf32, #tpu.memory_space<vmem>> -> memref<256x32xf32, #tpu.memory_space<vmem>>
        %parallel_loop3A_689 = tpu.vector_load_idx %parallel_loop3A_688[%parallel_loop3A_577, %parallel_loop3A_683] : memref<256x32xf32, #tpu.memory_space<vmem>>[vector<16xi32>, vector<16xi32>], vector<16xf32>,
        %parallel_loop3A_690 = arith.constant 14 : i32
        %parallel_loop3A_691 = vector.broadcast %parallel_loop3A_690 : i32 to vector<16xi32>
        %parallel_loop3A_692 = arith.constant 0 : i32
        %parallel_loop3A_693 = arith.constant 0 : i32
        %parallel_loop3A_694 = arith.constant 0 : i32
        %parallel_loop3A_695 = tpu.memref_slice %arg6[%parallel_loop3A_692, %parallel_loop3A_693, %parallel_loop3A_694] : memref<4x256x32xf32, #tpu.memory_space<vmem>> -> memref<1x256x32xf32, #tpu.memory_space<vmem>>
        %parallel_loop3A_696 = tpu.memref_squeeze %parallel_loop3A_695 : memref<1x256x32xf32, #tpu.memory_space<vmem>> -> memref<256x32xf32, #tpu.memory_space<vmem>>
        %parallel_loop3A_697 = tpu.vector_load_idx %parallel_loop3A_696[%parallel_loop3A_577, %parallel_loop3A_691] : memref<256x32xf32, #tpu.memory_space<vmem>>[vector<16xi32>, vector<16xi32>], vector<16xf32>,
        %parallel_loop3A_698 = arith.constant 15 : i32
        %parallel_loop3A_699 = vector.broadcast %parallel_loop3A_698 : i32 to vector<16xi32>
        %parallel_loop3A_700 = arith.constant 0 : i32
        %parallel_loop3A_701 = arith.constant 0 : i32
        %parallel_loop3A_702 = arith.constant 0 : i32
        %parallel_loop3A_703 = tpu.memref_slice %arg6[%parallel_loop3A_700, %parallel_loop3A_701, %parallel_loop3A_702] : memref<4x256x32xf32, #tpu.memory_space<vmem>> -> memref<1x256x32xf32, #tpu.memory_space<vmem>>
        %parallel_loop3A_704 = tpu.memref_squeeze %parallel_loop3A_703 : memref<1x256x32xf32, #tpu.memory_space<vmem>> -> memref<256x32xf32, #tpu.memory_space<vmem>>
        %parallel_loop3A_705 = tpu.vector_load_idx %parallel_loop3A_704[%parallel_loop3A_577, %parallel_loop3A_699] : memref<256x32xf32, #tpu.memory_space<vmem>>[vector<16xi32>, vector<16xi32>], vector<16xf32>,
        %parallel_loop3A_706 = arith.constant 16 : i32
        %parallel_loop3A_707 = vector.broadcast %parallel_loop3A_706 : i32 to vector<16xi32>
        %parallel_loop3A_708 = arith.constant 0 : i32
        %parallel_loop3A_709 = arith.constant 0 : i32
        %parallel_loop3A_710 = arith.constant 0 : i32
        %parallel_loop3A_711 = tpu.memref_slice %arg6[%parallel_loop3A_708, %parallel_loop3A_709, %parallel_loop3A_710] : memref<4x256x32xf32, #tpu.memory_space<vmem>> -> memref<1x256x32xf32, #tpu.memory_space<vmem>>
        %parallel_loop3A_712 = tpu.memref_squeeze %parallel_loop3A_711 : memref<1x256x32xf32, #tpu.memory_space<vmem>> -> memref<256x32xf32, #tpu.memory_space<vmem>>
        %parallel_loop3A_713 = tpu.vector_load_idx %parallel_loop3A_712[%parallel_loop3A_577, %parallel_loop3A_707] : memref<256x32xf32, #tpu.memory_space<vmem>>[vector<16xi32>, vector<16xi32>], vector<16xf32>,
        %parallel_loop3A_714 = arith.constant 17 : i32
        %parallel_loop3A_715 = vector.broadcast %parallel_loop3A_714 : i32 to vector<16xi32>
        %parallel_loop3A_716 = arith.constant 0 : i32
        %parallel_loop3A_717 = arith.constant 0 : i32
        %parallel_loop3A_718 = arith.constant 0 : i32
        %parallel_loop3A_719 = tpu.memref_slice %arg6[%parallel_loop3A_716, %parallel_loop3A_717, %parallel_loop3A_718] : memref<4x256x32xf32, #tpu.memory_space<vmem>> -> memref<1x256x32xf32, #tpu.memory_space<vmem>>
        %parallel_loop3A_720 = tpu.memref_squeeze %parallel_loop3A_719 : memref<1x256x32xf32, #tpu.memory_space<vmem>> -> memref<256x32xf32, #tpu.memory_space<vmem>>
        %parallel_loop3A_721 = tpu.vector_load_idx %parallel_loop3A_720[%parallel_loop3A_577, %parallel_loop3A_715] : memref<256x32xf32, #tpu.memory_space<vmem>>[vector<16xi32>, vector<16xi32>], vector<16xf32>,
        %parallel_loop3A_722 = arith.constant 18 : i32
        %parallel_loop3A_723 = vector.broadcast %parallel_loop3A_722 : i32 to vector<16xi32>
        %parallel_loop3A_724 = arith.constant 0 : i32
        %parallel_loop3A_725 = arith.constant 0 : i32
        %parallel_loop3A_726 = arith.constant 0 : i32
        %parallel_loop3A_727 = tpu.memref_slice %arg6[%parallel_loop3A_724, %parallel_loop3A_725, %parallel_loop3A_726] : memref<4x256x32xf32, #tpu.memory_space<vmem>> -> memref<1x256x32xf32, #tpu.memory_space<vmem>>
        %parallel_loop3A_728 = tpu.memref_squeeze %parallel_loop3A_727 : memref<1x256x32xf32, #tpu.memory_space<vmem>> -> memref<256x32xf32, #tpu.memory_space<vmem>>
        %parallel_loop3A_729 = tpu.vector_load_idx %parallel_loop3A_728[%parallel_loop3A_577, %parallel_loop3A_723] : memref<256x32xf32, #tpu.memory_space<vmem>>[vector<16xi32>, vector<16xi32>], vector<16xf32>,
        %parallel_loop3A_730 = arith.constant 19 : i32
        %parallel_loop3A_731 = vector.broadcast %parallel_loop3A_730 : i32 to vector<16xi32>
        %parallel_loop3A_732 = arith.constant 0 : i32
        %parallel_loop3A_733 = arith.constant 0 : i32
        %parallel_loop3A_734 = arith.constant 0 : i32
        %parallel_loop3A_735 = tpu.memref_slice %arg6[%parallel_loop3A_732, %parallel_loop3A_733, %parallel_loop3A_734] : memref<4x256x32xf32, #tpu.memory_space<vmem>> -> memref<1x256x32xf32, #tpu.memory_space<vmem>>
        %parallel_loop3A_736 = tpu.memref_squeeze %parallel_loop3A_735 : memref<1x256x32xf32, #tpu.memory_space<vmem>> -> memref<256x32xf32, #tpu.memory_space<vmem>>
        %parallel_loop3A_737 = tpu.vector_load_idx %parallel_loop3A_736[%parallel_loop3A_577, %parallel_loop3A_731] : memref<256x32xf32, #tpu.memory_space<vmem>>[vector<16xi32>, vector<16xi32>], vector<16xf32>,
        %parallel_loop3A_738 = arith.constant 20 : i32
        %parallel_loop3A_739 = vector.broadcast %parallel_loop3A_738 : i32 to vector<16xi32>
        %parallel_loop3A_740 = arith.constant 0 : i32
        %parallel_loop3A_741 = arith.constant 0 : i32
        %parallel_loop3A_742 = arith.constant 0 : i32
        %parallel_loop3A_743 = tpu.memref_slice %arg6[%parallel_loop3A_740, %parallel_loop3A_741, %parallel_loop3A_742] : memref<4x256x32xf32, #tpu.memory_space<vmem>> -> memref<1x256x32xf32, #tpu.memory_space<vmem>>
        %parallel_loop3A_744 = tpu.memref_squeeze %parallel_loop3A_743 : memref<1x256x32xf32, #tpu.memory_space<vmem>> -> memref<256x32xf32, #tpu.memory_space<vmem>>
        %parallel_loop3A_745 = tpu.vector_load_idx %parallel_loop3A_744[%parallel_loop3A_577, %parallel_loop3A_739] : memref<256x32xf32, #tpu.memory_space<vmem>>[vector<16xi32>, vector<16xi32>], vector<16xf32>,
        %parallel_loop3A_746 = arith.constant 21 : i32
        %parallel_loop3A_747 = vector.broadcast %parallel_loop3A_746 : i32 to vector<16xi32>
        %parallel_loop3A_748 = arith.constant 0 : i32
        %parallel_loop3A_749 = arith.constant 0 : i32
        %parallel_loop3A_750 = arith.constant 0 : i32
        %parallel_loop3A_751 = tpu.memref_slice %arg6[%parallel_loop3A_748, %parallel_loop3A_749, %parallel_loop3A_750] : memref<4x256x32xf32, #tpu.memory_space<vmem>> -> memref<1x256x32xf32, #tpu.memory_space<vmem>>
        %parallel_loop3A_752 = tpu.memref_squeeze %parallel_loop3A_751 : memref<1x256x32xf32, #tpu.memory_space<vmem>> -> memref<256x32xf32, #tpu.memory_space<vmem>>
        %parallel_loop3A_753 = tpu.vector_load_idx %parallel_loop3A_752[%parallel_loop3A_577, %parallel_loop3A_747] : memref<256x32xf32, #tpu.memory_space<vmem>>[vector<16xi32>, vector<16xi32>], vector<16xf32>,
        %parallel_loop3A_754 = arith.constant 22 : i32
        %parallel_loop3A_755 = vector.broadcast %parallel_loop3A_754 : i32 to vector<16xi32>
        %parallel_loop3A_756 = arith.constant 0 : i32
        %parallel_loop3A_757 = arith.constant 0 : i32
        %parallel_loop3A_758 = arith.constant 0 : i32
        %parallel_loop3A_759 = tpu.memref_slice %arg6[%parallel_loop3A_756, %parallel_loop3A_757, %parallel_loop3A_758] : memref<4x256x32xf32, #tpu.memory_space<vmem>> -> memref<1x256x32xf32, #tpu.memory_space<vmem>>
        %parallel_loop3A_760 = tpu.memref_squeeze %parallel_loop3A_759 : memref<1x256x32xf32, #tpu.memory_space<vmem>> -> memref<256x32xf32, #tpu.memory_space<vmem>>
        %parallel_loop3A_761 = tpu.vector_load_idx %parallel_loop3A_760[%parallel_loop3A_577, %parallel_loop3A_755] : memref<256x32xf32, #tpu.memory_space<vmem>>[vector<16xi32>, vector<16xi32>], vector<16xf32>,
        %parallel_loop3A_762 = arith.constant 23 : i32
        %parallel_loop3A_763 = vector.broadcast %parallel_loop3A_762 : i32 to vector<16xi32>
        %parallel_loop3A_764 = arith.constant 0 : i32
        %parallel_loop3A_765 = arith.constant 0 : i32
        %parallel_loop3A_766 = arith.constant 0 : i32
        %parallel_loop3A_767 = tpu.memref_slice %arg6[%parallel_loop3A_764, %parallel_loop3A_765, %parallel_loop3A_766] : memref<4x256x32xf32, #tpu.memory_space<vmem>> -> memref<1x256x32xf32, #tpu.memory_space<vmem>>
        %parallel_loop3A_768 = tpu.memref_squeeze %parallel_loop3A_767 : memref<1x256x32xf32, #tpu.memory_space<vmem>> -> memref<256x32xf32, #tpu.memory_space<vmem>>
        %parallel_loop3A_769 = tpu.vector_load_idx %parallel_loop3A_768[%parallel_loop3A_577, %parallel_loop3A_763] : memref<256x32xf32, #tpu.memory_space<vmem>>[vector<16xi32>, vector<16xi32>], vector<16xf32>,
        %parallel_loop3A_770 = arith.constant 24 : i32
        %parallel_loop3A_771 = vector.broadcast %parallel_loop3A_770 : i32 to vector<16xi32>
        %parallel_loop3A_772 = arith.constant 0 : i32
        %parallel_loop3A_773 = arith.constant 0 : i32
        %parallel_loop3A_774 = arith.constant 0 : i32
        %parallel_loop3A_775 = tpu.memref_slice %arg6[%parallel_loop3A_772, %parallel_loop3A_773, %parallel_loop3A_774] : memref<4x256x32xf32, #tpu.memory_space<vmem>> -> memref<1x256x32xf32, #tpu.memory_space<vmem>>
        %parallel_loop3A_776 = tpu.memref_squeeze %parallel_loop3A_775 : memref<1x256x32xf32, #tpu.memory_space<vmem>> -> memref<256x32xf32, #tpu.memory_space<vmem>>
        %parallel_loop3A_777 = tpu.vector_load_idx %parallel_loop3A_776[%parallel_loop3A_577, %parallel_loop3A_771] : memref<256x32xf32, #tpu.memory_space<vmem>>[vector<16xi32>, vector<16xi32>], vector<16xf32>,
        %parallel_loop3A_778 = arith.constant 25 : i32
        %parallel_loop3A_779 = vector.broadcast %parallel_loop3A_778 : i32 to vector<16xi32>
        %parallel_loop3A_780 = arith.constant 0 : i32
        %parallel_loop3A_781 = arith.constant 0 : i32
        %parallel_loop3A_782 = arith.constant 0 : i32
        %parallel_loop3A_783 = tpu.memref_slice %arg6[%parallel_loop3A_780, %parallel_loop3A_781, %parallel_loop3A_782] : memref<4x256x32xf32, #tpu.memory_space<vmem>> -> memref<1x256x32xf32, #tpu.memory_space<vmem>>
        %parallel_loop3A_784 = tpu.memref_squeeze %parallel_loop3A_783 : memref<1x256x32xf32, #tpu.memory_space<vmem>> -> memref<256x32xf32, #tpu.memory_space<vmem>>
        %parallel_loop3A_785 = tpu.vector_load_idx %parallel_loop3A_784[%parallel_loop3A_577, %parallel_loop3A_779] : memref<256x32xf32, #tpu.memory_space<vmem>>[vector<16xi32>, vector<16xi32>], vector<16xf32>,
        %parallel_loop3A_786 = arith.constant 26 : i32
        %parallel_loop3A_787 = vector.broadcast %parallel_loop3A_786 : i32 to vector<16xi32>
        %parallel_loop3A_788 = arith.constant 0 : i32
        %parallel_loop3A_789 = arith.constant 0 : i32
        %parallel_loop3A_790 = arith.constant 0 : i32
        %parallel_loop3A_791 = tpu.memref_slice %arg6[%parallel_loop3A_788, %parallel_loop3A_789, %parallel_loop3A_790] : memref<4x256x32xf32, #tpu.memory_space<vmem>> -> memref<1x256x32xf32, #tpu.memory_space<vmem>>
        %parallel_loop3A_792 = tpu.memref_squeeze %parallel_loop3A_791 : memref<1x256x32xf32, #tpu.memory_space<vmem>> -> memref<256x32xf32, #tpu.memory_space<vmem>>
        %parallel_loop3A_793 = tpu.vector_load_idx %parallel_loop3A_792[%parallel_loop3A_577, %parallel_loop3A_787] : memref<256x32xf32, #tpu.memory_space<vmem>>[vector<16xi32>, vector<16xi32>], vector<16xf32>,
        %parallel_loop3A_794 = arith.constant 27 : i32
        %parallel_loop3A_795 = vector.broadcast %parallel_loop3A_794 : i32 to vector<16xi32>
        %parallel_loop3A_796 = arith.constant 0 : i32
        %parallel_loop3A_797 = arith.constant 0 : i32
        %parallel_loop3A_798 = arith.constant 0 : i32
        %parallel_loop3A_799 = tpu.memref_slice %arg6[%parallel_loop3A_796, %parallel_loop3A_797, %parallel_loop3A_798] : memref<4x256x32xf32, #tpu.memory_space<vmem>> -> memref<1x256x32xf32, #tpu.memory_space<vmem>>
        %parallel_loop3A_800 = tpu.memref_squeeze %parallel_loop3A_799 : memref<1x256x32xf32, #tpu.memory_space<vmem>> -> memref<256x32xf32, #tpu.memory_space<vmem>>
        %parallel_loop3A_801 = tpu.vector_load_idx %parallel_loop3A_800[%parallel_loop3A_577, %parallel_loop3A_795] : memref<256x32xf32, #tpu.memory_space<vmem>>[vector<16xi32>, vector<16xi32>], vector<16xf32>,
        %parallel_loop3A_802 = arith.constant 28 : i32
        %parallel_loop3A_803 = vector.broadcast %parallel_loop3A_802 : i32 to vector<16xi32>
        %parallel_loop3A_804 = arith.constant 0 : i32
        %parallel_loop3A_805 = arith.constant 0 : i32
        %parallel_loop3A_806 = arith.constant 0 : i32
        %parallel_loop3A_807 = tpu.memref_slice %arg6[%parallel_loop3A_804, %parallel_loop3A_805, %parallel_loop3A_806] : memref<4x256x32xf32, #tpu.memory_space<vmem>> -> memref<1x256x32xf32, #tpu.memory_space<vmem>>
        %parallel_loop3A_808 = tpu.memref_squeeze %parallel_loop3A_807 : memref<1x256x32xf32, #tpu.memory_space<vmem>> -> memref<256x32xf32, #tpu.memory_space<vmem>>
        %parallel_loop3A_809 = tpu.vector_load_idx %parallel_loop3A_808[%parallel_loop3A_577, %parallel_loop3A_803] : memref<256x32xf32, #tpu.memory_space<vmem>>[vector<16xi32>, vector<16xi32>], vector<16xf32>,
        %parallel_loop3A_810 = arith.constant 29 : i32
        %parallel_loop3A_811 = vector.broadcast %parallel_loop3A_810 : i32 to vector<16xi32>
        %parallel_loop3A_812 = arith.constant 0 : i32
        %parallel_loop3A_813 = arith.constant 0 : i32
        %parallel_loop3A_814 = arith.constant 0 : i32
        %parallel_loop3A_815 = tpu.memref_slice %arg6[%parallel_loop3A_812, %parallel_loop3A_813, %parallel_loop3A_814] : memref<4x256x32xf32, #tpu.memory_space<vmem>> -> memref<1x256x32xf32, #tpu.memory_space<vmem>>
        %parallel_loop3A_816 = tpu.memref_squeeze %parallel_loop3A_815 : memref<1x256x32xf32, #tpu.memory_space<vmem>> -> memref<256x32xf32, #tpu.memory_space<vmem>>
        %parallel_loop3A_817 = tpu.vector_load_idx %parallel_loop3A_816[%parallel_loop3A_577, %parallel_loop3A_811] : memref<256x32xf32, #tpu.memory_space<vmem>>[vector<16xi32>, vector<16xi32>], vector<16xf32>,
        %parallel_loop3A_818 = arith.constant 30 : i32
        %parallel_loop3A_819 = vector.broadcast %parallel_loop3A_818 : i32 to vector<16xi32>
        %parallel_loop3A_820 = arith.constant 0 : i32
        %parallel_loop3A_821 = arith.constant 0 : i32
        %parallel_loop3A_822 = arith.constant 0 : i32
        %parallel_loop3A_823 = tpu.memref_slice %arg6[%parallel_loop3A_820, %parallel_loop3A_821, %parallel_loop3A_822] : memref<4x256x32xf32, #tpu.memory_space<vmem>> -> memref<1x256x32xf32, #tpu.memory_space<vmem>>
        %parallel_loop3A_824 = tpu.memref_squeeze %parallel_loop3A_823 : memref<1x256x32xf32, #tpu.memory_space<vmem>> -> memref<256x32xf32, #tpu.memory_space<vmem>>
        %parallel_loop3A_825 = tpu.vector_load_idx %parallel_loop3A_824[%parallel_loop3A_577, %parallel_loop3A_819] : memref<256x32xf32, #tpu.memory_space<vmem>>[vector<16xi32>, vector<16xi32>], vector<16xf32>,
        %parallel_loop3A_826 = arith.constant 31 : i32
        %parallel_loop3A_827 = vector.broadcast %parallel_loop3A_826 : i32 to vector<16xi32>
        %parallel_loop3A_828 = arith.constant 0 : i32
        %parallel_loop3A_829 = arith.constant 0 : i32
        %parallel_loop3A_830 = arith.constant 0 : i32
        %parallel_loop3A_831 = tpu.memref_slice %arg6[%parallel_loop3A_828, %parallel_loop3A_829, %parallel_loop3A_830] : memref<4x256x32xf32, #tpu.memory_space<vmem>> -> memref<1x256x32xf32, #tpu.memory_space<vmem>>
        %parallel_loop3A_832 = tpu.memref_squeeze %parallel_loop3A_831 : memref<1x256x32xf32, #tpu.memory_space<vmem>> -> memref<256x32xf32, #tpu.memory_space<vmem>>
        %parallel_loop3A_833 = tpu.vector_load_idx %parallel_loop3A_832[%parallel_loop3A_577, %parallel_loop3A_827] : memref<256x32xf32, #tpu.memory_space<vmem>>[vector<16xi32>, vector<16xi32>], vector<16xf32>,
        %parallel_loop3A_834 = arith.constant 16 : i32
        %parallel_loop3A_835 = arith.muli %parallel_loop3A_572, %parallel_loop3A_834 : i32
        %parallel_loop3A_836 = arith.constant 0 : i32
        %parallel_loop3A_837 = arith.constant 0 : i32
        %parallel_loop3A_838 = arith.constant 0 : i32
        %parallel_loop3A_839 = arith.index_cast %parallel_loop3A_836 : i32 to index
        %parallel_loop3A_840 = arith.index_cast %parallel_loop3A_837 : i32 to index
        %parallel_loop3A_841 = arith.index_cast %parallel_loop3A_556 : i32 to index
        %parallel_loop3A_842 = arith.index_cast %parallel_loop3A_838 : i32 to index
        %parallel_loop3A_843 = arith.index_cast %parallel_loop3A_835 : i32 to index
        %parallel_loop3A_844 = tpu.vector_load %arg7[%parallel_loop3A_839, %parallel_loop3A_840, %parallel_loop3A_841, %parallel_loop3A_842, %parallel_loop3A_843] {strides = array<i32>} : memref<2x4x2x8x128xf32, #tpu.memory_space<vmem>>, vector<16xf32>,
        tpu.vector_store %arg7[%parallel_loop3A_839, %parallel_loop3A_840, %parallel_loop3A_841, %parallel_loop3A_842, %parallel_loop3A_843], %parallel_loop3A_585 {strides = array<i32>} : memref<2x4x2x8x128xf32, #tpu.memory_space<vmem>>, vector<16xf32>,
        %parallel_loop3A_845 = arith.constant 16 : i32
        %parallel_loop3A_846 = arith.muli %parallel_loop3A_572, %parallel_loop3A_845 : i32
        %parallel_loop3A_847 = arith.constant 0 : i32
        %parallel_loop3A_848 = arith.constant 0 : i32
        %parallel_loop3A_849 = arith.constant 1 : i32
        %parallel_loop3A_850 = arith.index_cast %parallel_loop3A_847 : i32 to index
        %parallel_loop3A_851 = arith.index_cast %parallel_loop3A_848 : i32 to index
        %parallel_loop3A_852 = arith.index_cast %parallel_loop3A_556 : i32 to index
        %parallel_loop3A_853 = arith.index_cast %parallel_loop3A_849 : i32 to index
        %parallel_loop3A_854 = arith.index_cast %parallel_loop3A_846 : i32 to index
        %parallel_loop3A_855 = tpu.vector_load %arg7[%parallel_loop3A_850, %parallel_loop3A_851, %parallel_loop3A_852, %parallel_loop3A_853, %parallel_loop3A_854] {strides = array<i32>} : memref<2x4x2x8x128xf32, #tpu.memory_space<vmem>>, vector<16xf32>,
        tpu.vector_store %arg7[%parallel_loop3A_850, %parallel_loop3A_851, %parallel_loop3A_852, %parallel_loop3A_853, %parallel_loop3A_854], %parallel_loop3A_593 {strides = array<i32>} : memref<2x4x2x8x128xf32, #tpu.memory_space<vmem>>, vector<16xf32>,
        %parallel_loop3A_856 = arith.constant 16 : i32
        %parallel_loop3A_857 = arith.muli %parallel_loop3A_572, %parallel_loop3A_856 : i32
        %parallel_loop3A_858 = arith.constant 0 : i32
        %parallel_loop3A_859 = arith.constant 0 : i32
        %parallel_loop3A_860 = arith.constant 2 : i32
        %parallel_loop3A_861 = arith.index_cast %parallel_loop3A_858 : i32 to index
        %parallel_loop3A_862 = arith.index_cast %parallel_loop3A_859 : i32 to index
        %parallel_loop3A_863 = arith.index_cast %parallel_loop3A_556 : i32 to index
        %parallel_loop3A_864 = arith.index_cast %parallel_loop3A_860 : i32 to index
        %parallel_loop3A_865 = arith.index_cast %parallel_loop3A_857 : i32 to index
        %parallel_loop3A_866 = tpu.vector_load %arg7[%parallel_loop3A_861, %parallel_loop3A_862, %parallel_loop3A_863, %parallel_loop3A_864, %parallel_loop3A_865] {strides = array<i32>} : memref<2x4x2x8x128xf32, #tpu.memory_space<vmem>>, vector<16xf32>,
        tpu.vector_store %arg7[%parallel_loop3A_861, %parallel_loop3A_862, %parallel_loop3A_863, %parallel_loop3A_864, %parallel_loop3A_865], %parallel_loop3A_601 {strides = array<i32>} : memref<2x4x2x8x128xf32, #tpu.memory_space<vmem>>, vector<16xf32>,
        %parallel_loop3A_867 = arith.constant 16 : i32
        %parallel_loop3A_868 = arith.muli %parallel_loop3A_572, %parallel_loop3A_867 : i32
        %parallel_loop3A_869 = arith.constant 0 : i32
        %parallel_loop3A_870 = arith.constant 0 : i32
        %parallel_loop3A_871 = arith.constant 3 : i32
        %parallel_loop3A_872 = arith.index_cast %parallel_loop3A_869 : i32 to index
        %parallel_loop3A_873 = arith.index_cast %parallel_loop3A_870 : i32 to index
        %parallel_loop3A_874 = arith.index_cast %parallel_loop3A_556 : i32 to index
        %parallel_loop3A_875 = arith.index_cast %parallel_loop3A_871 : i32 to index
        %parallel_loop3A_876 = arith.index_cast %parallel_loop3A_868 : i32 to index
        %parallel_loop3A_877 = tpu.vector_load %arg7[%parallel_loop3A_872, %parallel_loop3A_873, %parallel_loop3A_874, %parallel_loop3A_875, %parallel_loop3A_876] {strides = array<i32>} : memref<2x4x2x8x128xf32, #tpu.memory_space<vmem>>, vector<16xf32>,
        tpu.vector_store %arg7[%parallel_loop3A_872, %parallel_loop3A_873, %parallel_loop3A_874, %parallel_loop3A_875, %parallel_loop3A_876], %parallel_loop3A_609 {strides = array<i32>} : memref<2x4x2x8x128xf32, #tpu.memory_space<vmem>>, vector<16xf32>,
        %parallel_loop3A_878 = arith.constant 16 : i32
        %parallel_loop3A_879 = arith.muli %parallel_loop3A_572, %parallel_loop3A_878 : i32
        %parallel_loop3A_880 = arith.constant 0 : i32
        %parallel_loop3A_881 = arith.constant 0 : i32
        %parallel_loop3A_882 = arith.constant 4 : i32
        %parallel_loop3A_883 = arith.index_cast %parallel_loop3A_880 : i32 to index
        %parallel_loop3A_884 = arith.index_cast %parallel_loop3A_881 : i32 to index
        %parallel_loop3A_885 = arith.index_cast %parallel_loop3A_556 : i32 to index
        %parallel_loop3A_886 = arith.index_cast %parallel_loop3A_882 : i32 to index
        %parallel_loop3A_887 = arith.index_cast %parallel_loop3A_879 : i32 to index
        %parallel_loop3A_888 = tpu.vector_load %arg7[%parallel_loop3A_883, %parallel_loop3A_884, %parallel_loop3A_885, %parallel_loop3A_886, %parallel_loop3A_887] {strides = array<i32>} : memref<2x4x2x8x128xf32, #tpu.memory_space<vmem>>, vector<16xf32>,
        tpu.vector_store %arg7[%parallel_loop3A_883, %parallel_loop3A_884, %parallel_loop3A_885, %parallel_loop3A_886, %parallel_loop3A_887], %parallel_loop3A_617 {strides = array<i32>} : memref<2x4x2x8x128xf32, #tpu.memory_space<vmem>>, vector<16xf32>,
        %parallel_loop3A_889 = arith.constant 16 : i32
        %parallel_loop3A_890 = arith.muli %parallel_loop3A_572, %parallel_loop3A_889 : i32
        %parallel_loop3A_891 = arith.constant 0 : i32
        %parallel_loop3A_892 = arith.constant 0 : i32
        %parallel_loop3A_893 = arith.constant 5 : i32
        %parallel_loop3A_894 = arith.index_cast %parallel_loop3A_891 : i32 to index
        %parallel_loop3A_895 = arith.index_cast %parallel_loop3A_892 : i32 to index
        %parallel_loop3A_896 = arith.index_cast %parallel_loop3A_556 : i32 to index
        %parallel_loop3A_897 = arith.index_cast %parallel_loop3A_893 : i32 to index
        %parallel_loop3A_898 = arith.index_cast %parallel_loop3A_890 : i32 to index
        %parallel_loop3A_899 = tpu.vector_load %arg7[%parallel_loop3A_894, %parallel_loop3A_895, %parallel_loop3A_896, %parallel_loop3A_897, %parallel_loop3A_898] {strides = array<i32>} : memref<2x4x2x8x128xf32, #tpu.memory_space<vmem>>, vector<16xf32>,
        tpu.vector_store %arg7[%parallel_loop3A_894, %parallel_loop3A_895, %parallel_loop3A_896, %parallel_loop3A_897, %parallel_loop3A_898], %parallel_loop3A_625 {strides = array<i32>} : memref<2x4x2x8x128xf32, #tpu.memory_space<vmem>>, vector<16xf32>,
        %parallel_loop3A_900 = arith.constant 16 : i32
        %parallel_loop3A_901 = arith.muli %parallel_loop3A_572, %parallel_loop3A_900 : i32
        %parallel_loop3A_902 = arith.constant 0 : i32
        %parallel_loop3A_903 = arith.constant 0 : i32
        %parallel_loop3A_904 = arith.constant 6 : i32
        %parallel_loop3A_905 = arith.index_cast %parallel_loop3A_902 : i32 to index
        %parallel_loop3A_906 = arith.index_cast %parallel_loop3A_903 : i32 to index
        %parallel_loop3A_907 = arith.index_cast %parallel_loop3A_556 : i32 to index
        %parallel_loop3A_908 = arith.index_cast %parallel_loop3A_904 : i32 to index
        %parallel_loop3A_909 = arith.index_cast %parallel_loop3A_901 : i32 to index
        %parallel_loop3A_910 = tpu.vector_load %arg7[%parallel_loop3A_905, %parallel_loop3A_906, %parallel_loop3A_907, %parallel_loop3A_908, %parallel_loop3A_909] {strides = array<i32>} : memref<2x4x2x8x128xf32, #tpu.memory_space<vmem>>, vector<16xf32>,
        tpu.vector_store %arg7[%parallel_loop3A_905, %parallel_loop3A_906, %parallel_loop3A_907, %parallel_loop3A_908, %parallel_loop3A_909], %parallel_loop3A_633 {strides = array<i32>} : memref<2x4x2x8x128xf32, #tpu.memory_space<vmem>>, vector<16xf32>,
        %parallel_loop3A_911 = arith.constant 16 : i32
        %parallel_loop3A_912 = arith.muli %parallel_loop3A_572, %parallel_loop3A_911 : i32
        %parallel_loop3A_913 = arith.constant 0 : i32
        %parallel_loop3A_914 = arith.constant 0 : i32
        %parallel_loop3A_915 = arith.constant 7 : i32
        %parallel_loop3A_916 = arith.index_cast %parallel_loop3A_913 : i32 to index
        %parallel_loop3A_917 = arith.index_cast %parallel_loop3A_914 : i32 to index
        %parallel_loop3A_918 = arith.index_cast %parallel_loop3A_556 : i32 to index
        %parallel_loop3A_919 = arith.index_cast %parallel_loop3A_915 : i32 to index
        %parallel_loop3A_920 = arith.index_cast %parallel_loop3A_912 : i32 to index
        %parallel_loop3A_921 = tpu.vector_load %arg7[%parallel_loop3A_916, %parallel_loop3A_917, %parallel_loop3A_918, %parallel_loop3A_919, %parallel_loop3A_920] {strides = array<i32>} : memref<2x4x2x8x128xf32, #tpu.memory_space<vmem>>, vector<16xf32>,
        tpu.vector_store %arg7[%parallel_loop3A_916, %parallel_loop3A_917, %parallel_loop3A_918, %parallel_loop3A_919, %parallel_loop3A_920], %parallel_loop3A_641 {strides = array<i32>} : memref<2x4x2x8x128xf32, #tpu.memory_space<vmem>>, vector<16xf32>,
        %parallel_loop3A_922 = arith.constant 16 : i32
        %parallel_loop3A_923 = arith.muli %parallel_loop3A_572, %parallel_loop3A_922 : i32
        %parallel_loop3A_924 = arith.constant 0 : i32
        %parallel_loop3A_925 = arith.constant 1 : i32
        %parallel_loop3A_926 = arith.constant 0 : i32
        %parallel_loop3A_927 = arith.index_cast %parallel_loop3A_924 : i32 to index
        %parallel_loop3A_928 = arith.index_cast %parallel_loop3A_925 : i32 to index
        %parallel_loop3A_929 = arith.index_cast %parallel_loop3A_556 : i32 to index
        %parallel_loop3A_930 = arith.index_cast %parallel_loop3A_926 : i32 to index
        %parallel_loop3A_931 = arith.index_cast %parallel_loop3A_923 : i32 to index
        %parallel_loop3A_932 = tpu.vector_load %arg7[%parallel_loop3A_927, %parallel_loop3A_928, %parallel_loop3A_929, %parallel_loop3A_930, %parallel_loop3A_931] {strides = array<i32>} : memref<2x4x2x8x128xf32, #tpu.memory_space<vmem>>, vector<16xf32>,
        tpu.vector_store %arg7[%parallel_loop3A_927, %parallel_loop3A_928, %parallel_loop3A_929, %parallel_loop3A_930, %parallel_loop3A_931], %parallel_loop3A_649 {strides = array<i32>} : memref<2x4x2x8x128xf32, #tpu.memory_space<vmem>>, vector<16xf32>,
        %parallel_loop3A_933 = arith.constant 16 : i32
        %parallel_loop3A_934 = arith.muli %parallel_loop3A_572, %parallel_loop3A_933 : i32
        %parallel_loop3A_935 = arith.constant 0 : i32
        %parallel_loop3A_936 = arith.constant 1 : i32
        %parallel_loop3A_937 = arith.constant 1 : i32
        %parallel_loop3A_938 = arith.index_cast %parallel_loop3A_935 : i32 to index
        %parallel_loop3A_939 = arith.index_cast %parallel_loop3A_936 : i32 to index
        %parallel_loop3A_940 = arith.index_cast %parallel_loop3A_556 : i32 to index
        %parallel_loop3A_941 = arith.index_cast %parallel_loop3A_937 : i32 to index
        %parallel_loop3A_942 = arith.index_cast %parallel_loop3A_934 : i32 to index
        %parallel_loop3A_943 = tpu.vector_load %arg7[%parallel_loop3A_938, %parallel_loop3A_939, %parallel_loop3A_940, %parallel_loop3A_941, %parallel_loop3A_942] {strides = array<i32>} : memref<2x4x2x8x128xf32, #tpu.memory_space<vmem>>, vector<16xf32>,
        tpu.vector_store %arg7[%parallel_loop3A_938, %parallel_loop3A_939, %parallel_loop3A_940, %parallel_loop3A_941, %parallel_loop3A_942], %parallel_loop3A_657 {strides = array<i32>} : memref<2x4x2x8x128xf32, #tpu.memory_space<vmem>>, vector<16xf32>,
        %parallel_loop3A_944 = arith.constant 16 : i32
        %parallel_loop3A_945 = arith.muli %parallel_loop3A_572, %parallel_loop3A_944 : i32
        %parallel_loop3A_946 = arith.constant 0 : i32
        %parallel_loop3A_947 = arith.constant 1 : i32
        %parallel_loop3A_948 = arith.constant 2 : i32
        %parallel_loop3A_949 = arith.index_cast %parallel_loop3A_946 : i32 to index
        %parallel_loop3A_950 = arith.index_cast %parallel_loop3A_947 : i32 to index
        %parallel_loop3A_951 = arith.index_cast %parallel_loop3A_556 : i32 to index
        %parallel_loop3A_952 = arith.index_cast %parallel_loop3A_948 : i32 to index
        %parallel_loop3A_953 = arith.index_cast %parallel_loop3A_945 : i32 to index
        %parallel_loop3A_954 = tpu.vector_load %arg7[%parallel_loop3A_949, %parallel_loop3A_950, %parallel_loop3A_951, %parallel_loop3A_952, %parallel_loop3A_953] {strides = array<i32>} : memref<2x4x2x8x128xf32, #tpu.memory_space<vmem>>, vector<16xf32>,
        tpu.vector_store %arg7[%parallel_loop3A_949, %parallel_loop3A_950, %parallel_loop3A_951, %parallel_loop3A_952, %parallel_loop3A_953], %parallel_loop3A_665 {strides = array<i32>} : memref<2x4x2x8x128xf32, #tpu.memory_space<vmem>>, vector<16xf32>,
        %parallel_loop3A_955 = arith.constant 16 : i32
        %parallel_loop3A_956 = arith.muli %parallel_loop3A_572, %parallel_loop3A_955 : i32
        %parallel_loop3A_957 = arith.constant 0 : i32
        %parallel_loop3A_958 = arith.constant 1 : i32
        %parallel_loop3A_959 = arith.constant 3 : i32
        %parallel_loop3A_960 = arith.index_cast %parallel_loop3A_957 : i32 to index
        %parallel_loop3A_961 = arith.index_cast %parallel_loop3A_958 : i32 to index
        %parallel_loop3A_962 = arith.index_cast %parallel_loop3A_556 : i32 to index
        %parallel_loop3A_963 = arith.index_cast %parallel_loop3A_959 : i32 to index
        %parallel_loop3A_964 = arith.index_cast %parallel_loop3A_956 : i32 to index
        %parallel_loop3A_965 = tpu.vector_load %arg7[%parallel_loop3A_960, %parallel_loop3A_961, %parallel_loop3A_962, %parallel_loop3A_963, %parallel_loop3A_964] {strides = array<i32>} : memref<2x4x2x8x128xf32, #tpu.memory_space<vmem>>, vector<16xf32>,
        tpu.vector_store %arg7[%parallel_loop3A_960, %parallel_loop3A_961, %parallel_loop3A_962, %parallel_loop3A_963, %parallel_loop3A_964], %parallel_loop3A_673 {strides = array<i32>} : memref<2x4x2x8x128xf32, #tpu.memory_space<vmem>>, vector<16xf32>,
        %parallel_loop3A_966 = arith.constant 16 : i32
        %parallel_loop3A_967 = arith.muli %parallel_loop3A_572, %parallel_loop3A_966 : i32
        %parallel_loop3A_968 = arith.constant 0 : i32
        %parallel_loop3A_969 = arith.constant 1 : i32
        %parallel_loop3A_970 = arith.constant 4 : i32
        %parallel_loop3A_971 = arith.index_cast %parallel_loop3A_968 : i32 to index
        %parallel_loop3A_972 = arith.index_cast %parallel_loop3A_969 : i32 to index
        %parallel_loop3A_973 = arith.index_cast %parallel_loop3A_556 : i32 to index
        %parallel_loop3A_974 = arith.index_cast %parallel_loop3A_970 : i32 to index
        %parallel_loop3A_975 = arith.index_cast %parallel_loop3A_967 : i32 to index
        %parallel_loop3A_976 = tpu.vector_load %arg7[%parallel_loop3A_971, %parallel_loop3A_972, %parallel_loop3A_973, %parallel_loop3A_974, %parallel_loop3A_975] {strides = array<i32>} : memref<2x4x2x8x128xf32, #tpu.memory_space<vmem>>, vector<16xf32>,
        tpu.vector_store %arg7[%parallel_loop3A_971, %parallel_loop3A_972, %parallel_loop3A_973, %parallel_loop3A_974, %parallel_loop3A_975], %parallel_loop3A_681 {strides = array<i32>} : memref<2x4x2x8x128xf32, #tpu.memory_space<vmem>>, vector<16xf32>,
        %parallel_loop3A_977 = arith.constant 16 : i32
        %parallel_loop3A_978 = arith.muli %parallel_loop3A_572, %parallel_loop3A_977 : i32
        %parallel_loop3A_979 = arith.constant 0 : i32
        %parallel_loop3A_980 = arith.constant 1 : i32
        %parallel_loop3A_981 = arith.constant 5 : i32
        %parallel_loop3A_982 = arith.index_cast %parallel_loop3A_979 : i32 to index
        %parallel_loop3A_983 = arith.index_cast %parallel_loop3A_980 : i32 to index
        %parallel_loop3A_984 = arith.index_cast %parallel_loop3A_556 : i32 to index
        %parallel_loop3A_985 = arith.index_cast %parallel_loop3A_981 : i32 to index
        %parallel_loop3A_986 = arith.index_cast %parallel_loop3A_978 : i32 to index
        %parallel_loop3A_987 = tpu.vector_load %arg7[%parallel_loop3A_982, %parallel_loop3A_983, %parallel_loop3A_984, %parallel_loop3A_985, %parallel_loop3A_986] {strides = array<i32>} : memref<2x4x2x8x128xf32, #tpu.memory_space<vmem>>, vector<16xf32>,
        tpu.vector_store %arg7[%parallel_loop3A_982, %parallel_loop3A_983, %parallel_loop3A_984, %parallel_loop3A_985, %parallel_loop3A_986], %parallel_loop3A_689 {strides = array<i32>} : memref<2x4x2x8x128xf32, #tpu.memory_space<vmem>>, vector<16xf32>,
        %parallel_loop3A_988 = arith.constant 16 : i32
        %parallel_loop3A_989 = arith.muli %parallel_loop3A_572, %parallel_loop3A_988 : i32
        %parallel_loop3A_990 = arith.constant 0 : i32
        %parallel_loop3A_991 = arith.constant 1 : i32
        %parallel_loop3A_992 = arith.constant 6 : i32
        %parallel_loop3A_993 = arith.index_cast %parallel_loop3A_990 : i32 to index
        %parallel_loop3A_994 = arith.index_cast %parallel_loop3A_991 : i32 to index
        %parallel_loop3A_995 = arith.index_cast %parallel_loop3A_556 : i32 to index
        %parallel_loop3A_996 = arith.index_cast %parallel_loop3A_992 : i32 to index
        %parallel_loop3A_997 = arith.index_cast %parallel_loop3A_989 : i32 to index
        %parallel_loop3A_998 = tpu.vector_load %arg7[%parallel_loop3A_993, %parallel_loop3A_994, %parallel_loop3A_995, %parallel_loop3A_996, %parallel_loop3A_997] {strides = array<i32>} : memref<2x4x2x8x128xf32, #tpu.memory_space<vmem>>, vector<16xf32>,
        tpu.vector_store %arg7[%parallel_loop3A_993, %parallel_loop3A_994, %parallel_loop3A_995, %parallel_loop3A_996, %parallel_loop3A_997], %parallel_loop3A_697 {strides = array<i32>} : memref<2x4x2x8x128xf32, #tpu.memory_space<vmem>>, vector<16xf32>,
        %parallel_loop3A_999 = arith.constant 16 : i32
        %parallel_loop3A_1000 = arith.muli %parallel_loop3A_572, %parallel_loop3A_999 : i32
        %parallel_loop3A_1001 = arith.constant 0 : i32
        %parallel_loop3A_1002 = arith.constant 1 : i32
        %parallel_loop3A_1003 = arith.constant 7 : i32
        %parallel_loop3A_1004 = arith.index_cast %parallel_loop3A_1001 : i32 to index
        %parallel_loop3A_1005 = arith.index_cast %parallel_loop3A_1002 : i32 to index
        %parallel_loop3A_1006 = arith.index_cast %parallel_loop3A_556 : i32 to index
        %parallel_loop3A_1007 = arith.index_cast %parallel_loop3A_1003 : i32 to index
        %parallel_loop3A_1008 = arith.index_cast %parallel_loop3A_1000 : i32 to index
        %parallel_loop3A_1009 = tpu.vector_load %arg7[%parallel_loop3A_1004, %parallel_loop3A_1005, %parallel_loop3A_1006, %parallel_loop3A_1007, %parallel_loop3A_1008] {strides = array<i32>} : memref<2x4x2x8x128xf32, #tpu.memory_space<vmem>>, vector<16xf32>,
        tpu.vector_store %arg7[%parallel_loop3A_1004, %parallel_loop3A_1005, %parallel_loop3A_1006, %parallel_loop3A_1007, %parallel_loop3A_1008], %parallel_loop3A_705 {strides = array<i32>} : memref<2x4x2x8x128xf32, #tpu.memory_space<vmem>>, vector<16xf32>,
        %parallel_loop3A_1010 = arith.constant 16 : i32
        %parallel_loop3A_1011 = arith.muli %parallel_loop3A_572, %parallel_loop3A_1010 : i32
        %parallel_loop3A_1012 = arith.constant 0 : i32
        %parallel_loop3A_1013 = arith.constant 2 : i32
        %parallel_loop3A_1014 = arith.constant 0 : i32
        %parallel_loop3A_1015 = arith.index_cast %parallel_loop3A_1012 : i32 to index
        %parallel_loop3A_1016 = arith.index_cast %parallel_loop3A_1013 : i32 to index
        %parallel_loop3A_1017 = arith.index_cast %parallel_loop3A_556 : i32 to index
        %parallel_loop3A_1018 = arith.index_cast %parallel_loop3A_1014 : i32 to index
        %parallel_loop3A_1019 = arith.index_cast %parallel_loop3A_1011 : i32 to index
        %parallel_loop3A_1020 = tpu.vector_load %arg7[%parallel_loop3A_1015, %parallel_loop3A_1016, %parallel_loop3A_1017, %parallel_loop3A_1018, %parallel_loop3A_1019] {strides = array<i32>} : memref<2x4x2x8x128xf32, #tpu.memory_space<vmem>>, vector<16xf32>,
        tpu.vector_store %arg7[%parallel_loop3A_1015, %parallel_loop3A_1016, %parallel_loop3A_1017, %parallel_loop3A_1018, %parallel_loop3A_1019], %parallel_loop3A_713 {strides = array<i32>} : memref<2x4x2x8x128xf32, #tpu.memory_space<vmem>>, vector<16xf32>,
        %parallel_loop3A_1021 = arith.constant 16 : i32
        %parallel_loop3A_1022 = arith.muli %parallel_loop3A_572, %parallel_loop3A_1021 : i32
        %parallel_loop3A_1023 = arith.constant 0 : i32
        %parallel_loop3A_1024 = arith.constant 2 : i32
        %parallel_loop3A_1025 = arith.constant 1 : i32
        %parallel_loop3A_1026 = arith.index_cast %parallel_loop3A_1023 : i32 to index
        %parallel_loop3A_1027 = arith.index_cast %parallel_loop3A_1024 : i32 to index
        %parallel_loop3A_1028 = arith.index_cast %parallel_loop3A_556 : i32 to index
        %parallel_loop3A_1029 = arith.index_cast %parallel_loop3A_1025 : i32 to index
        %parallel_loop3A_1030 = arith.index_cast %parallel_loop3A_1022 : i32 to index
        %parallel_loop3A_1031 = tpu.vector_load %arg7[%parallel_loop3A_1026, %parallel_loop3A_1027, %parallel_loop3A_1028, %parallel_loop3A_1029, %parallel_loop3A_1030] {strides = array<i32>} : memref<2x4x2x8x128xf32, #tpu.memory_space<vmem>>, vector<16xf32>,
        tpu.vector_store %arg7[%parallel_loop3A_1026, %parallel_loop3A_1027, %parallel_loop3A_1028, %parallel_loop3A_1029, %parallel_loop3A_1030], %parallel_loop3A_721 {strides = array<i32>} : memref<2x4x2x8x128xf32, #tpu.memory_space<vmem>>, vector<16xf32>,
        %parallel_loop3A_1032 = arith.constant 16 : i32
        %parallel_loop3A_1033 = arith.muli %parallel_loop3A_572, %parallel_loop3A_1032 : i32
        %parallel_loop3A_1034 = arith.constant 0 : i32
        %parallel_loop3A_1035 = arith.constant 2 : i32
        %parallel_loop3A_1036 = arith.constant 2 : i32
        %parallel_loop3A_1037 = arith.index_cast %parallel_loop3A_1034 : i32 to index
        %parallel_loop3A_1038 = arith.index_cast %parallel_loop3A_1035 : i32 to index
        %parallel_loop3A_1039 = arith.index_cast %parallel_loop3A_556 : i32 to index
        %parallel_loop3A_1040 = arith.index_cast %parallel_loop3A_1036 : i32 to index
        %parallel_loop3A_1041 = arith.index_cast %parallel_loop3A_1033 : i32 to index
        %parallel_loop3A_1042 = tpu.vector_load %arg7[%parallel_loop3A_1037, %parallel_loop3A_1038, %parallel_loop3A_1039, %parallel_loop3A_1040, %parallel_loop3A_1041] {strides = array<i32>} : memref<2x4x2x8x128xf32, #tpu.memory_space<vmem>>, vector<16xf32>,
        tpu.vector_store %arg7[%parallel_loop3A_1037, %parallel_loop3A_1038, %parallel_loop3A_1039, %parallel_loop3A_1040, %parallel_loop3A_1041], %parallel_loop3A_729 {strides = array<i32>} : memref<2x4x2x8x128xf32, #tpu.memory_space<vmem>>, vector<16xf32>,
        %parallel_loop3A_1043 = arith.constant 16 : i32
        %parallel_loop3A_1044 = arith.muli %parallel_loop3A_572, %parallel_loop3A_1043 : i32
        %parallel_loop3A_1045 = arith.constant 0 : i32
        %parallel_loop3A_1046 = arith.constant 2 : i32
        %parallel_loop3A_1047 = arith.constant 3 : i32
        %parallel_loop3A_1048 = arith.index_cast %parallel_loop3A_1045 : i32 to index
        %parallel_loop3A_1049 = arith.index_cast %parallel_loop3A_1046 : i32 to index
        %parallel_loop3A_1050 = arith.index_cast %parallel_loop3A_556 : i32 to index
        %parallel_loop3A_1051 = arith.index_cast %parallel_loop3A_1047 : i32 to index
        %parallel_loop3A_1052 = arith.index_cast %parallel_loop3A_1044 : i32 to index
        %parallel_loop3A_1053 = tpu.vector_load %arg7[%parallel_loop3A_1048, %parallel_loop3A_1049, %parallel_loop3A_1050, %parallel_loop3A_1051, %parallel_loop3A_1052] {strides = array<i32>} : memref<2x4x2x8x128xf32, #tpu.memory_space<vmem>>, vector<16xf32>,
        tpu.vector_store %arg7[%parallel_loop3A_1048, %parallel_loop3A_1049, %parallel_loop3A_1050, %parallel_loop3A_1051, %parallel_loop3A_1052], %parallel_loop3A_737 {strides = array<i32>} : memref<2x4x2x8x128xf32, #tpu.memory_space<vmem>>, vector<16xf32>,
        %parallel_loop3A_1054 = arith.constant 16 : i32
        %parallel_loop3A_1055 = arith.muli %parallel_loop3A_572, %parallel_loop3A_1054 : i32
        %parallel_loop3A_1056 = arith.constant 0 : i32
        %parallel_loop3A_1057 = arith.constant 2 : i32
        %parallel_loop3A_1058 = arith.constant 4 : i32
        %parallel_loop3A_1059 = arith.index_cast %parallel_loop3A_1056 : i32 to index
        %parallel_loop3A_1060 = arith.index_cast %parallel_loop3A_1057 : i32 to index
        %parallel_loop3A_1061 = arith.index_cast %parallel_loop3A_556 : i32 to index
        %parallel_loop3A_1062 = arith.index_cast %parallel_loop3A_1058 : i32 to index
        %parallel_loop3A_1063 = arith.index_cast %parallel_loop3A_1055 : i32 to index
        %parallel_loop3A_1064 = tpu.vector_load %arg7[%parallel_loop3A_1059, %parallel_loop3A_1060, %parallel_loop3A_1061, %parallel_loop3A_1062, %parallel_loop3A_1063] {strides = array<i32>} : memref<2x4x2x8x128xf32, #tpu.memory_space<vmem>>, vector<16xf32>,
        tpu.vector_store %arg7[%parallel_loop3A_1059, %parallel_loop3A_1060, %parallel_loop3A_1061, %parallel_loop3A_1062, %parallel_loop3A_1063], %parallel_loop3A_745 {strides = array<i32>} : memref<2x4x2x8x128xf32, #tpu.memory_space<vmem>>, vector<16xf32>,
        %parallel_loop3A_1065 = arith.constant 16 : i32
        %parallel_loop3A_1066 = arith.muli %parallel_loop3A_572, %parallel_loop3A_1065 : i32
        %parallel_loop3A_1067 = arith.constant 0 : i32
        %parallel_loop3A_1068 = arith.constant 2 : i32
        %parallel_loop3A_1069 = arith.constant 5 : i32
        %parallel_loop3A_1070 = arith.index_cast %parallel_loop3A_1067 : i32 to index
        %parallel_loop3A_1071 = arith.index_cast %parallel_loop3A_1068 : i32 to index
        %parallel_loop3A_1072 = arith.index_cast %parallel_loop3A_556 : i32 to index
        %parallel_loop3A_1073 = arith.index_cast %parallel_loop3A_1069 : i32 to index
        %parallel_loop3A_1074 = arith.index_cast %parallel_loop3A_1066 : i32 to index
        %parallel_loop3A_1075 = tpu.vector_load %arg7[%parallel_loop3A_1070, %parallel_loop3A_1071, %parallel_loop3A_1072, %parallel_loop3A_1073, %parallel_loop3A_1074] {strides = array<i32>} : memref<2x4x2x8x128xf32, #tpu.memory_space<vmem>>, vector<16xf32>,
        tpu.vector_store %arg7[%parallel_loop3A_1070, %parallel_loop3A_1071, %parallel_loop3A_1072, %parallel_loop3A_1073, %parallel_loop3A_1074], %parallel_loop3A_753 {strides = array<i32>} : memref<2x4x2x8x128xf32, #tpu.memory_space<vmem>>, vector<16xf32>,
        %parallel_loop3A_1076 = arith.constant 16 : i32
        %parallel_loop3A_1077 = arith.muli %parallel_loop3A_572, %parallel_loop3A_1076 : i32
        %parallel_loop3A_1078 = arith.constant 0 : i32
        %parallel_loop3A_1079 = arith.constant 2 : i32
        %parallel_loop3A_1080 = arith.constant 6 : i32
        %parallel_loop3A_1081 = arith.index_cast %parallel_loop3A_1078 : i32 to index
        %parallel_loop3A_1082 = arith.index_cast %parallel_loop3A_1079 : i32 to index
        %parallel_loop3A_1083 = arith.index_cast %parallel_loop3A_556 : i32 to index
        %parallel_loop3A_1084 = arith.index_cast %parallel_loop3A_1080 : i32 to index
        %parallel_loop3A_1085 = arith.index_cast %parallel_loop3A_1077 : i32 to index
        %parallel_loop3A_1086 = tpu.vector_load %arg7[%parallel_loop3A_1081, %parallel_loop3A_1082, %parallel_loop3A_1083, %parallel_loop3A_1084, %parallel_loop3A_1085] {strides = array<i32>} : memref<2x4x2x8x128xf32, #tpu.memory_space<vmem>>, vector<16xf32>,
        tpu.vector_store %arg7[%parallel_loop3A_1081, %parallel_loop3A_1082, %parallel_loop3A_1083, %parallel_loop3A_1084, %parallel_loop3A_1085], %parallel_loop3A_761 {strides = array<i32>} : memref<2x4x2x8x128xf32, #tpu.memory_space<vmem>>, vector<16xf32>,
        %parallel_loop3A_1087 = arith.constant 16 : i32
        %parallel_loop3A_1088 = arith.muli %parallel_loop3A_572, %parallel_loop3A_1087 : i32
        %parallel_loop3A_1089 = arith.constant 0 : i32
        %parallel_loop3A_1090 = arith.constant 2 : i32
        %parallel_loop3A_1091 = arith.constant 7 : i32
        %parallel_loop3A_1092 = arith.index_cast %parallel_loop3A_1089 : i32 to index
        %parallel_loop3A_1093 = arith.index_cast %parallel_loop3A_1090 : i32 to index
        %parallel_loop3A_1094 = arith.index_cast %parallel_loop3A_556 : i32 to index
        %parallel_loop3A_1095 = arith.index_cast %parallel_loop3A_1091 : i32 to index
        %parallel_loop3A_1096 = arith.index_cast %parallel_loop3A_1088 : i32 to index
        %parallel_loop3A_1097 = tpu.vector_load %arg7[%parallel_loop3A_1092, %parallel_loop3A_1093, %parallel_loop3A_1094, %parallel_loop3A_1095, %parallel_loop3A_1096] {strides = array<i32>} : memref<2x4x2x8x128xf32, #tpu.memory_space<vmem>>, vector<16xf32>,
        tpu.vector_store %arg7[%parallel_loop3A_1092, %parallel_loop3A_1093, %parallel_loop3A_1094, %parallel_loop3A_1095, %parallel_loop3A_1096], %parallel_loop3A_769 {strides = array<i32>} : memref<2x4x2x8x128xf32, #tpu.memory_space<vmem>>, vector<16xf32>,
        %parallel_loop3A_1098 = arith.constant 16 : i32
        %parallel_loop3A_1099 = arith.muli %parallel_loop3A_572, %parallel_loop3A_1098 : i32
        %parallel_loop3A_1100 = arith.constant 0 : i32
        %parallel_loop3A_1101 = arith.constant 3 : i32
        %parallel_loop3A_1102 = arith.constant 0 : i32
        %parallel_loop3A_1103 = arith.index_cast %parallel_loop3A_1100 : i32 to index
        %parallel_loop3A_1104 = arith.index_cast %parallel_loop3A_1101 : i32 to index
        %parallel_loop3A_1105 = arith.index_cast %parallel_loop3A_556 : i32 to index
        %parallel_loop3A_1106 = arith.index_cast %parallel_loop3A_1102 : i32 to index
        %parallel_loop3A_1107 = arith.index_cast %parallel_loop3A_1099 : i32 to index
        %parallel_loop3A_1108 = tpu.vector_load %arg7[%parallel_loop3A_1103, %parallel_loop3A_1104, %parallel_loop3A_1105, %parallel_loop3A_1106, %parallel_loop3A_1107] {strides = array<i32>} : memref<2x4x2x8x128xf32, #tpu.memory_space<vmem>>, vector<16xf32>,
        tpu.vector_store %arg7[%parallel_loop3A_1103, %parallel_loop3A_1104, %parallel_loop3A_1105, %parallel_loop3A_1106, %parallel_loop3A_1107], %parallel_loop3A_777 {strides = array<i32>} : memref<2x4x2x8x128xf32, #tpu.memory_space<vmem>>, vector<16xf32>,
        %parallel_loop3A_1109 = arith.constant 16 : i32
        %parallel_loop3A_1110 = arith.muli %parallel_loop3A_572, %parallel_loop3A_1109 : i32
        %parallel_loop3A_1111 = arith.constant 0 : i32
        %parallel_loop3A_1112 = arith.constant 3 : i32
        %parallel_loop3A_1113 = arith.constant 1 : i32
        %parallel_loop3A_1114 = arith.index_cast %parallel_loop3A_1111 : i32 to index
        %parallel_loop3A_1115 = arith.index_cast %parallel_loop3A_1112 : i32 to index
        %parallel_loop3A_1116 = arith.index_cast %parallel_loop3A_556 : i32 to index
        %parallel_loop3A_1117 = arith.index_cast %parallel_loop3A_1113 : i32 to index
        %parallel_loop3A_1118 = arith.index_cast %parallel_loop3A_1110 : i32 to index
        %parallel_loop3A_1119 = tpu.vector_load %arg7[%parallel_loop3A_1114, %parallel_loop3A_1115, %parallel_loop3A_1116, %parallel_loop3A_1117, %parallel_loop3A_1118] {strides = array<i32>} : memref<2x4x2x8x128xf32, #tpu.memory_space<vmem>>, vector<16xf32>,
        tpu.vector_store %arg7[%parallel_loop3A_1114, %parallel_loop3A_1115, %parallel_loop3A_1116, %parallel_loop3A_1117, %parallel_loop3A_1118], %parallel_loop3A_785 {strides = array<i32>} : memref<2x4x2x8x128xf32, #tpu.memory_space<vmem>>, vector<16xf32>,
        %parallel_loop3A_1120 = arith.constant 16 : i32
        %parallel_loop3A_1121 = arith.muli %parallel_loop3A_572, %parallel_loop3A_1120 : i32
        %parallel_loop3A_1122 = arith.constant 0 : i32
        %parallel_loop3A_1123 = arith.constant 3 : i32
        %parallel_loop3A_1124 = arith.constant 2 : i32
        %parallel_loop3A_1125 = arith.index_cast %parallel_loop3A_1122 : i32 to index
        %parallel_loop3A_1126 = arith.index_cast %parallel_loop3A_1123 : i32 to index
        %parallel_loop3A_1127 = arith.index_cast %parallel_loop3A_556 : i32 to index
        %parallel_loop3A_1128 = arith.index_cast %parallel_loop3A_1124 : i32 to index
        %parallel_loop3A_1129 = arith.index_cast %parallel_loop3A_1121 : i32 to index
        %parallel_loop3A_1130 = tpu.vector_load %arg7[%parallel_loop3A_1125, %parallel_loop3A_1126, %parallel_loop3A_1127, %parallel_loop3A_1128, %parallel_loop3A_1129] {strides = array<i32>} : memref<2x4x2x8x128xf32, #tpu.memory_space<vmem>>, vector<16xf32>,
        tpu.vector_store %arg7[%parallel_loop3A_1125, %parallel_loop3A_1126, %parallel_loop3A_1127, %parallel_loop3A_1128, %parallel_loop3A_1129], %parallel_loop3A_793 {strides = array<i32>} : memref<2x4x2x8x128xf32, #tpu.memory_space<vmem>>, vector<16xf32>,
        %parallel_loop3A_1131 = arith.constant 16 : i32
        %parallel_loop3A_1132 = arith.muli %parallel_loop3A_572, %parallel_loop3A_1131 : i32
        %parallel_loop3A_1133 = arith.constant 0 : i32
        %parallel_loop3A_1134 = arith.constant 3 : i32
        %parallel_loop3A_1135 = arith.constant 3 : i32
        %parallel_loop3A_1136 = arith.index_cast %parallel_loop3A_1133 : i32 to index
        %parallel_loop3A_1137 = arith.index_cast %parallel_loop3A_1134 : i32 to index
        %parallel_loop3A_1138 = arith.index_cast %parallel_loop3A_556 : i32 to index
        %parallel_loop3A_1139 = arith.index_cast %parallel_loop3A_1135 : i32 to index
        %parallel_loop3A_1140 = arith.index_cast %parallel_loop3A_1132 : i32 to index
        %parallel_loop3A_1141 = tpu.vector_load %arg7[%parallel_loop3A_1136, %parallel_loop3A_1137, %parallel_loop3A_1138, %parallel_loop3A_1139, %parallel_loop3A_1140] {strides = array<i32>} : memref<2x4x2x8x128xf32, #tpu.memory_space<vmem>>, vector<16xf32>,
        tpu.vector_store %arg7[%parallel_loop3A_1136, %parallel_loop3A_1137, %parallel_loop3A_1138, %parallel_loop3A_1139, %parallel_loop3A_1140], %parallel_loop3A_801 {strides = array<i32>} : memref<2x4x2x8x128xf32, #tpu.memory_space<vmem>>, vector<16xf32>,
        %parallel_loop3A_1142 = arith.constant 16 : i32
        %parallel_loop3A_1143 = arith.muli %parallel_loop3A_572, %parallel_loop3A_1142 : i32
        %parallel_loop3A_1144 = arith.constant 0 : i32
        %parallel_loop3A_1145 = arith.constant 3 : i32
        %parallel_loop3A_1146 = arith.constant 4 : i32
        %parallel_loop3A_1147 = arith.index_cast %parallel_loop3A_1144 : i32 to index
        %parallel_loop3A_1148 = arith.index_cast %parallel_loop3A_1145 : i32 to index
        %parallel_loop3A_1149 = arith.index_cast %parallel_loop3A_556 : i32 to index
        %parallel_loop3A_1150 = arith.index_cast %parallel_loop3A_1146 : i32 to index
        %parallel_loop3A_1151 = arith.index_cast %parallel_loop3A_1143 : i32 to index
        %parallel_loop3A_1152 = tpu.vector_load %arg7[%parallel_loop3A_1147, %parallel_loop3A_1148, %parallel_loop3A_1149, %parallel_loop3A_1150, %parallel_loop3A_1151] {strides = array<i32>} : memref<2x4x2x8x128xf32, #tpu.memory_space<vmem>>, vector<16xf32>,
        tpu.vector_store %arg7[%parallel_loop3A_1147, %parallel_loop3A_1148, %parallel_loop3A_1149, %parallel_loop3A_1150, %parallel_loop3A_1151], %parallel_loop3A_809 {strides = array<i32>} : memref<2x4x2x8x128xf32, #tpu.memory_space<vmem>>, vector<16xf32>,
        %parallel_loop3A_1153 = arith.constant 16 : i32
        %parallel_loop3A_1154 = arith.muli %parallel_loop3A_572, %parallel_loop3A_1153 : i32
        %parallel_loop3A_1155 = arith.constant 0 : i32
        %parallel_loop3A_1156 = arith.constant 3 : i32
        %parallel_loop3A_1157 = arith.constant 5 : i32
        %parallel_loop3A_1158 = arith.index_cast %parallel_loop3A_1155 : i32 to index
        %parallel_loop3A_1159 = arith.index_cast %parallel_loop3A_1156 : i32 to index
        %parallel_loop3A_1160 = arith.index_cast %parallel_loop3A_556 : i32 to index
        %parallel_loop3A_1161 = arith.index_cast %parallel_loop3A_1157 : i32 to index
        %parallel_loop3A_1162 = arith.index_cast %parallel_loop3A_1154 : i32 to index
        %parallel_loop3A_1163 = tpu.vector_load %arg7[%parallel_loop3A_1158, %parallel_loop3A_1159, %parallel_loop3A_1160, %parallel_loop3A_1161, %parallel_loop3A_1162] {strides = array<i32>} : memref<2x4x2x8x128xf32, #tpu.memory_space<vmem>>, vector<16xf32>,
        tpu.vector_store %arg7[%parallel_loop3A_1158, %parallel_loop3A_1159, %parallel_loop3A_1160, %parallel_loop3A_1161, %parallel_loop3A_1162], %parallel_loop3A_817 {strides = array<i32>} : memref<2x4x2x8x128xf32, #tpu.memory_space<vmem>>, vector<16xf32>,
        %parallel_loop3A_1164 = arith.constant 16 : i32
        %parallel_loop3A_1165 = arith.muli %parallel_loop3A_572, %parallel_loop3A_1164 : i32
        %parallel_loop3A_1166 = arith.constant 0 : i32
        %parallel_loop3A_1167 = arith.constant 3 : i32
        %parallel_loop3A_1168 = arith.constant 6 : i32
        %parallel_loop3A_1169 = arith.index_cast %parallel_loop3A_1166 : i32 to index
        %parallel_loop3A_1170 = arith.index_cast %parallel_loop3A_1167 : i32 to index
        %parallel_loop3A_1171 = arith.index_cast %parallel_loop3A_556 : i32 to index
        %parallel_loop3A_1172 = arith.index_cast %parallel_loop3A_1168 : i32 to index
        %parallel_loop3A_1173 = arith.index_cast %parallel_loop3A_1165 : i32 to index
        %parallel_loop3A_1174 = tpu.vector_load %arg7[%parallel_loop3A_1169, %parallel_loop3A_1170, %parallel_loop3A_1171, %parallel_loop3A_1172, %parallel_loop3A_1173] {strides = array<i32>} : memref<2x4x2x8x128xf32, #tpu.memory_space<vmem>>, vector<16xf32>,
        tpu.vector_store %arg7[%parallel_loop3A_1169, %parallel_loop3A_1170, %parallel_loop3A_1171, %parallel_loop3A_1172, %parallel_loop3A_1173], %parallel_loop3A_825 {strides = array<i32>} : memref<2x4x2x8x128xf32, #tpu.memory_space<vmem>>, vector<16xf32>,
        %parallel_loop3A_1175 = arith.constant 16 : i32
        %parallel_loop3A_1176 = arith.muli %parallel_loop3A_572, %parallel_loop3A_1175 : i32
        %parallel_loop3A_1177 = arith.constant 0 : i32
        %parallel_loop3A_1178 = arith.constant 3 : i32
        %parallel_loop3A_1179 = arith.constant 7 : i32
        %parallel_loop3A_1180 = arith.index_cast %parallel_loop3A_1177 : i32 to index
        %parallel_loop3A_1181 = arith.index_cast %parallel_loop3A_1178 : i32 to index
        %parallel_loop3A_1182 = arith.index_cast %parallel_loop3A_556 : i32 to index
        %parallel_loop3A_1183 = arith.index_cast %parallel_loop3A_1179 : i32 to index
        %parallel_loop3A_1184 = arith.index_cast %parallel_loop3A_1176 : i32 to index
        %parallel_loop3A_1185 = tpu.vector_load %arg7[%parallel_loop3A_1180, %parallel_loop3A_1181, %parallel_loop3A_1182, %parallel_loop3A_1183, %parallel_loop3A_1184] {strides = array<i32>} : memref<2x4x2x8x128xf32, #tpu.memory_space<vmem>>, vector<16xf32>,
        tpu.vector_store %arg7[%parallel_loop3A_1180, %parallel_loop3A_1181, %parallel_loop3A_1182, %parallel_loop3A_1183, %parallel_loop3A_1184], %parallel_loop3A_833 {strides = array<i32>} : memref<2x4x2x8x128xf32, #tpu.memory_space<vmem>>, vector<16xf32>,
      } {sc.loop_unroll_factor = 1 : i64, sc.parallel_access}
      %add3A_181 = arith.addi %mul3A_4, %add3A_155 : i32
      %jit3A = arith.constant 64 : i32
      %div3A = arith.divsi %add3A_181, %jit3A : i32
      %sign3A = arith.constant 0 : i32
      %sign3A_182 = arith.cmpi sgt, %add3A_181, %sign3A : i32
      %sign3A_183 = arith.extui %sign3A_182 : i1 to i32
      %sign3A_184 = arith.constant 0 : i32
      %sign3A_185 = arith.cmpi slt, %add3A_181, %sign3A_184 : i32
      %sign3A_186 = arith.extui %sign3A_185 : i1 to i32
      %sign3A_187 = arith.subi %sign3A_183, %sign3A_186 : i32
      %sign3A_188 = arith.constant 0 : i32
      %sign3A_189 = arith.cmpi sgt, %jit3A, %sign3A_188 : i32
      %sign3A_190 = arith.extui %sign3A_189 : i1 to i32
      %sign3A_191 = arith.constant 0 : i32
      %sign3A_192 = arith.cmpi slt, %jit3A, %sign3A_191 : i32
      %sign3A_193 = arith.extui %sign3A_192 : i1 to i32
      %sign3A_194 = arith.subi %sign3A_190, %sign3A_193 : i32
      %ne3A = arith.cmpi ne, %sign3A_187, %sign3A_194 : i32
      %rem3A = arith.remsi %add3A_181, %jit3A : i32
      %ne3A_195 = arith.constant 0 : i32
      %ne3A_196 = arith.cmpi ne, %rem3A, %ne3A_195 : i32
      %and3A = arith.andi %ne3A, %ne3A_196 : i1
      %sub3A = arith.constant 1 : i32
      %sub3A_197 = arith.subi %div3A, %sub3A : i32
      %select_n3A = arith.select %and3A, %sub3A_197, %div3A : i32
      %jit3A_198 = arith.constant 64 : i32
      %eq3A = arith.constant 0 : i32
      %eq3A_199 = arith.cmpi eq, %jit3A_198, %eq3A : i32
      %jit3A_200 = arith.constant 1 : i32
      %select_n3A_201 = arith.select %eq3A_199, %jit3A_200, %jit3A_198 : i32
      %rem3A_202 = arith.remsi %add3A_181, %select_n3A_201 : i32
      %ne3A_203 = arith.constant 0 : i32
      %ne3A_204 = arith.cmpi ne, %rem3A_202, %ne3A_203 : i32
      %lt3A_205 = arith.constant 0 : i32
      %lt3A_206 = arith.cmpi slt, %rem3A_202, %lt3A_205 : i32
      %lt3A_207 = arith.constant 0 : i32
      %lt3A_208 = arith.cmpi slt, %select_n3A_201, %lt3A_207 : i32
      %ne3A_209 = arith.xori %lt3A_206, %lt3A_208 : i1
      %and3A_210 = arith.andi %ne3A_209, %ne3A_204 : i1
      %add3A_211 = arith.addi %rem3A_202, %select_n3A_201 : i32
      %select_n3A_212 = arith.select %and3A_210, %add3A_211, %rem3A_202 : i32
      %mul3A_213 = arith.constant 2 : i32
      %mul3A_214 = arith.muli %select_n3A_212, %mul3A_213 : i32
      %dma_start3A_215 = arith.constant 0 : i32
      %dma_start3A_216 = arith.constant 0 : i32
      %dma_start3A_217 = arith.constant 0 : i32
      %dma_start3A_218 = arith.constant 0 : i32
      %dma_start3A_219 = arith.constant 0 : i32
      %dma_start3A_220 = tpu.memref_slice %arg7[%dma_start3A_215, %dma_start3A_216, %dma_start3A_217, %dma_start3A_218, %dma_start3A_219] : memref<2x4x2x8x128xf32, #tpu.memory_space<vmem>> -> memref<1x4x2x8x128xf32, #tpu.memory_space<vmem>>
      %dma_start3A_221 = tpu.memref_squeeze %dma_start3A_220 : memref<1x4x2x8x128xf32, #tpu.memory_space<vmem>> -> memref<4x2x8x128xf32, #tpu.memory_space<vmem>>
      %dma_start3A_222 = arith.constant 0 : i32
      %dma_start3A_223 = arith.constant 0 : i32
      %dma_start3A_224 = arith.constant 0 : i32
      %dma_start3A_225 = tpu.memref_slice %arg4[%select_n3A, %dma_start3A_222, %mul3A_214, %dma_start3A_223, %dma_start3A_224] : memref<50x4x128x8x128xf32, #tpu.memory_space<hbm>> -> memref<1x4x2x8x128xf32, #tpu.memory_space<hbm>>
      %dma_start3A_226 = tpu.memref_squeeze %dma_start3A_225 : memref<1x4x2x8x128xf32, #tpu.memory_space<hbm>> -> memref<4x2x8x128xf32, #tpu.memory_space<hbm>>
      %dma_start3A_227 = arith.constant 0 : i32
      %dma_start3A_228 = arith.constant 0 : i32
      %dma_start3A_229 = arith.constant 0 : i32
      %dma_start3A_230 = tpu.memref_slice %arg4[%select_n3A, %dma_start3A_227, %mul3A_214, %dma_start3A_228, %dma_start3A_229] : memref<50x4x128x8x128xf32, #tpu.memory_space<hbm>> -> memref<1x4x2x8x128xf32, #tpu.memory_space<hbm>>
      %dma_start3A_231 = tpu.memref_squeeze %dma_start3A_230 : memref<1x4x2x8x128xf32, #tpu.memory_space<hbm>> -> memref<4x2x8x128xf32, #tpu.memory_space<hbm>>
      %dma_start3A_232 = arith.constant 0 : i32
      %dma_start3A_233 = arith.constant 0 : i32
      %dma_start3A_234 = arith.constant 0 : i32
      %dma_start3A_235 = arith.constant 0 : i32
      %dma_start3A_236 = tpu.memref_slice %arg7[%dma_start3A_215, %dma_start3A_232, %dma_start3A_233, %dma_start3A_234, %dma_start3A_235] : memref<2x4x2x8x128xf32, #tpu.memory_space<vmem>> -> memref<1x4x2x8x128xf32, #tpu.memory_space<vmem>>
      %dma_start3A_237 = tpu.memref_squeeze %dma_start3A_236 : memref<1x4x2x8x128xf32, #tpu.memory_space<vmem>> -> memref<4x2x8x128xf32, #tpu.memory_space<vmem>>
      tpu.enqueue_dma source(%dma_start3A_237 : memref<4x2x8x128xf32, #tpu.memory_space<vmem>>) target(%dma_start3A_231 : memref<4x2x8x128xf32, #tpu.memory_space<hbm>>) target_semaphore(%arg9 : memref<!tpu.dma_semaphore, #tpu.memory_space<semaphore_mem>>)
      %add3A_238 = arith.constant 1 : i32
      %add3A_239 = arith.addi %add3A_153, %add3A_238 : i32
      %dma_wait3A_240 = arith.constant 1 : i32
      %dma_wait3A_241 = arith.constant 0 : i32
      %dma_wait3A_242 = arith.constant 0 : i32
      %dma_wait3A_243 = tpu.memref_slice %arg6[%dma_wait3A_240, %dma_wait3A_241, %dma_wait3A_242] : memref<4x256x32xf32, #tpu.memory_space<vmem>> -> memref<1x256x32xf32, #tpu.memory_space<vmem>>
      %dma_wait3A_244 = tpu.memref_squeeze %dma_wait3A_243 : memref<1x256x32xf32, #tpu.memory_space<vmem>> -> memref<256x32xf32, #tpu.memory_space<vmem>>
      %dma_wait3A_245 = arith.constant 0 : i32
      %dma_wait3A_246 = arith.constant 0 : i32
      %dma_wait3A_247 = tpu.memref_slice %arg3[%dma_wait3A_245, %dma_wait3A_246] : memref<1000000x32xf32, #tpu.memory_space<hbm>> -> memref<256x32xf32, #tpu.memory_space<hbm>>
      %dma_wait3A_248 = arith.constant 0 : i32
      %dma_wait3A_249 = arith.constant 0 : i32
      %dma_wait3A_250 = tpu.memref_slice %arg6[%dma_wait3A_240, %dma_wait3A_248, %dma_wait3A_249] : memref<4x256x32xf32, #tpu.memory_space<vmem>> -> memref<1x256x32xf32, #tpu.memory_space<vmem>>
      %dma_wait3A_251 = tpu.memref_squeeze %dma_wait3A_250 : memref<1x256x32xf32, #tpu.memory_space<vmem>> -> memref<256x32xf32, #tpu.memory_space<vmem>>
      %dma_wait3A_252 = arith.constant 0 : i32
      %dma_wait3A_253 = arith.constant 0 : i32
      %dma_wait3A_254 = tpu.memref_slice %arg3[%dma_wait3A_252, %dma_wait3A_253] : memref<1000000x32xf32, #tpu.memory_space<hbm>> -> memref<256x32xf32, #tpu.memory_space<hbm>>
      tpu.wait_dma2 semaphore(%arg8 : memref<!tpu.dma_semaphore, #tpu.memory_space<semaphore_mem>>) src(%dma_wait3A_254 : memref<256x32xf32, #tpu.memory_space<hbm>>) dst(%dma_wait3A_251 : memref<256x32xf32, #tpu.memory_space<vmem>>)
      %add3A_255 = arith.constant 3 : i32
      %add3A_256 = arith.addi %add3A_239, %add3A_255 : i32
      %lt3A_257 = arith.constant 100 : i32
      %lt3A_258 = arith.cmpi slt, %add3A_256, %lt3A_257 : i32
      %convert_element_type3A_259 = arith.extui %lt3A_258 : i1 to i32
      %cond3A_260 = arith.constant 0 : i32
      %cond3A_261 = arith.cmpi ne, %convert_element_type3A_259, %cond3A_260 : i32
      scf.if %cond3A_261 {
        %add3A_532 = arith.constant 3 : i32
        %add3A_533 = arith.addi %add3A_239, %add3A_532 : i32
        %mul3A_534 = arith.constant 2 : i32
        %mul3A_535 = arith.muli %add3A_533, %mul3A_534 : i32
        %add3A_536 = arith.constant 0 : i32
        %add3A_537 = arith.addi %mul3A_535, %add3A_536 : i32
        %dma_start3A_538 = arith.constant 0 : i32
        %dma_start3A_539 = arith.constant 0 : i32
        %dma_start3A_540 = arith.constant 0 : i32
        %dma_start3A_541 = tpu.memref_slice %arg6[%dma_start3A_538, %dma_start3A_539, %dma_start3A_540] : memref<4x256x32xf32, #tpu.memory_space<vmem>> -> memref<1x256x32xf32, #tpu.memory_space<vmem>>
        %dma_start3A_542 = tpu.memref_squeeze %dma_start3A_541 : memref<1x256x32xf32, #tpu.memory_space<vmem>> -> memref<256x32xf32, #tpu.memory_space<vmem>>
        %dma_start3A_543 = arith.constant 0 : i32
        %dma_start3A_544 = arith.constant 0 : i32
        %dma_start3A_545 = tpu.memref_slice %dma_start3A_542[%dma_start3A_543, %dma_start3A_544] : memref<256x32xf32, #tpu.memory_space<vmem>> -> memref<128x32xf32, #tpu.memory_space<vmem>>
        %dma_start3A_546 = arith.constant 0 : i32
        %dma_start3A_547 = tpu.memref_slice %arg5[%add3A_537, %dma_start3A_546] : memref<200x128xi32, #tpu.memory_space<vmem>> -> memref<1x128xi32, #tpu.memory_space<vmem>>
        %dma_start3A_548 = tpu.memref_squeeze %dma_start3A_547 : memref<1x128xi32, #tpu.memory_space<vmem>> -> memref<128xi32, #tpu.memory_space<vmem>>
        %dma_start3A_549 = arith.constant 0 : i32
        %dma_start3A_550 = arith.constant 0 : i32
        %dma_start3A_551 = tpu.memref_slice %arg3[%dma_start3A_549, %dma_start3A_550] : memref<1000000x32xf32, #tpu.memory_space<hbm>> -> memref<1000000x32xf32, #tpu.memory_space<hbm>>
        tpu.enqueue_indirect_dma source(%dma_start3A_551 : memref<1000000x32xf32, #tpu.memory_space<hbm>>) target(%dma_start3A_545 : memref<128x32xf32, #tpu.memory_space<vmem>>) offsets(%dma_start3A_548 : memref<128xi32, #tpu.memory_space<vmem>>) semaphore(%arg8 : memref<!tpu.dma_semaphore, #tpu.memory_space<semaphore_mem>>)
        %mul3A_552 = arith.constant 2 : i32
        %mul3A_553 = arith.muli %add3A_533, %mul3A_552 : i32
        %add3A_554 = arith.constant 1 : i32
        %add3A_555 = arith.addi %mul3A_553, %add3A_554 : i32
        %dma_start3A_556 = arith.constant 0 : i32
        %dma_start3A_557 = arith.constant 0 : i32
        %dma_start3A_558 = arith.constant 0 : i32
        %dma_start3A_559 = tpu.memref_slice %arg6[%dma_start3A_556, %dma_start3A_557, %dma_start3A_558] : memref<4x256x32xf32, #tpu.memory_space<vmem>> -> memref<1x256x32xf32, #tpu.memory_space<vmem>>
        %dma_start3A_560 = tpu.memref_squeeze %dma_start3A_559 : memref<1x256x32xf32, #tpu.memory_space<vmem>> -> memref<256x32xf32, #tpu.memory_space<vmem>>
        %dma_start3A_561 = arith.constant 128 : i32
        %dma_start3A_562 = arith.constant 0 : i32
        %dma_start3A_563 = tpu.memref_slice %dma_start3A_560[%dma_start3A_561, %dma_start3A_562] : memref<256x32xf32, #tpu.memory_space<vmem>> -> memref<128x32xf32, #tpu.memory_space<vmem>>
        %dma_start3A_564 = arith.constant 0 : i32
        %dma_start3A_565 = tpu.memref_slice %arg5[%add3A_555, %dma_start3A_564] : memref<200x128xi32, #tpu.memory_space<vmem>> -> memref<1x128xi32, #tpu.memory_space<vmem>>
        %dma_start3A_566 = tpu.memref_squeeze %dma_start3A_565 : memref<1x128xi32, #tpu.memory_space<vmem>> -> memref<128xi32, #tpu.memory_space<vmem>>
        %dma_start3A_567 = arith.constant 0 : i32
        %dma_start3A_568 = arith.constant 0 : i32
        %dma_start3A_569 = tpu.memref_slice %arg3[%dma_start3A_567, %dma_start3A_568] : memref<1000000x32xf32, #tpu.memory_space<hbm>> -> memref<1000000x32xf32, #tpu.memory_space<hbm>>
        tpu.enqueue_indirect_dma source(%dma_start3A_569 : memref<1000000x32xf32, #tpu.memory_space<hbm>>) target(%dma_start3A_563 : memref<128x32xf32, #tpu.memory_space<vmem>>) offsets(%dma_start3A_566 : memref<128xi32, #tpu.memory_space<vmem>>) semaphore(%arg8 : memref<!tpu.dma_semaphore, #tpu.memory_space<semaphore_mem>>)
      } else {
      }
      %ge3A_262 = arith.constant 2 : i32
      %ge3A_263 = arith.cmpi sge, %add3A_239, %ge3A_262 : i32
      %convert_element_type3A_264 = arith.extui %ge3A_263 : i1 to i32
      %cond3A_265 = arith.constant 0 : i32
      %cond3A_266 = arith.cmpi ne, %convert_element_type3A_264, %cond3A_265 : i32
      scf.if %cond3A_266 {
        %dma_wait3A_532 = arith.constant 0 : i32
        %dma_wait3A_533 = arith.constant 1 : i32
        %dma_wait3A_534 = arith.constant 0 : i32
        %dma_wait3A_535 = arith.constant 0 : i32
        %dma_wait3A_536 = arith.constant 0 : i32
        %dma_wait3A_537 = arith.constant 0 : i32
        %dma_wait3A_538 = tpu.memref_slice %arg7[%dma_wait3A_533, %dma_wait3A_534, %dma_wait3A_535, %dma_wait3A_536, %dma_wait3A_537] : memref<2x4x2x8x128xf32, #tpu.memory_space<vmem>> -> memref<1x4x2x8x128xf32, #tpu.memory_space<vmem>>
        %dma_wait3A_539 = tpu.memref_squeeze %dma_wait3A_538 : memref<1x4x2x8x128xf32, #tpu.memory_space<vmem>> -> memref<4x2x8x128xf32, #tpu.memory_space<vmem>>
        %dma_wait3A_540 = arith.constant 0 : i32
        %dma_wait3A_541 = arith.constant 0 : i32
        %dma_wait3A_542 = arith.constant 0 : i32
        %dma_wait3A_543 = arith.constant 0 : i32
        %dma_wait3A_544 = tpu.memref_slice %arg4[%dma_wait3A_532, %dma_wait3A_540, %dma_wait3A_541, %dma_wait3A_542, %dma_wait3A_543] : memref<50x4x128x8x128xf32, #tpu.memory_space<hbm>> -> memref<1x4x2x8x128xf32, #tpu.memory_space<hbm>>
        %dma_wait3A_545 = tpu.memref_squeeze %dma_wait3A_544 : memref<1x4x2x8x128xf32, #tpu.memory_space<hbm>> -> memref<4x2x8x128xf32, #tpu.memory_space<hbm>>
        %dma_wait3A_546 = arith.constant 0 : i32
        %dma_wait3A_547 = arith.constant 0 : i32
        %dma_wait3A_548 = arith.constant 0 : i32
        %dma_wait3A_549 = arith.constant 0 : i32
        %dma_wait3A_550 = tpu.memref_slice %arg7[%dma_wait3A_533, %dma_wait3A_546, %dma_wait3A_547, %dma_wait3A_548, %dma_wait3A_549] : memref<2x4x2x8x128xf32, #tpu.memory_space<vmem>> -> memref<1x4x2x8x128xf32, #tpu.memory_space<vmem>>
        %dma_wait3A_551 = tpu.memref_squeeze %dma_wait3A_550 : memref<1x4x2x8x128xf32, #tpu.memory_space<vmem>> -> memref<4x2x8x128xf32, #tpu.memory_space<vmem>>
        %dma_wait3A_552 = arith.constant 0 : i32
        %dma_wait3A_553 = arith.constant 0 : i32
        %dma_wait3A_554 = arith.constant 0 : i32
        %dma_wait3A_555 = arith.constant 0 : i32
        %dma_wait3A_556 = tpu.memref_slice %arg4[%dma_wait3A_532, %dma_wait3A_552, %dma_wait3A_553, %dma_wait3A_554, %dma_wait3A_555] : memref<50x4x128x8x128xf32, #tpu.memory_space<hbm>> -> memref<1x4x2x8x128xf32, #tpu.memory_space<hbm>>
        %dma_wait3A_557 = tpu.memref_squeeze %dma_wait3A_556 : memref<1x4x2x8x128xf32, #tpu.memory_space<hbm>> -> memref<4x2x8x128xf32, #tpu.memory_space<hbm>>
        tpu.wait_dma2 semaphore(%arg9 : memref<!tpu.dma_semaphore, #tpu.memory_space<semaphore_mem>>) src(%dma_wait3A_557 : memref<4x2x8x128xf32, #tpu.memory_space<hbm>>) dst(%dma_wait3A_551 : memref<4x2x8x128xf32, #tpu.memory_space<vmem>>)
      } else {
      }
      %parallel_loop3A_267 = arith.constant 0 : i32
      %parallel_loop3A_268 = arith.constant 16 : i32
      %parallel_loop3A_269 = arith.constant 1 : i32
      scf.for %parallel_loop3A_532 = %parallel_loop3A_267 to %parallel_loop3A_268 step %parallel_loop3A_269  : i32 {
        %parallel_loop3A_533 = arith.constant 8 : i32
        %parallel_loop3A_534 = arith.divsi %parallel_loop3A_532, %parallel_loop3A_533 : i32
        %parallel_loop3A_535 = arith.constant 0 : i32
        %parallel_loop3A_536 = arith.cmpi sgt, %parallel_loop3A_532, %parallel_loop3A_535 : i32
        %parallel_loop3A_537 = arith.extui %parallel_loop3A_536 : i1 to i32
        %parallel_loop3A_538 = arith.constant 0 : i32
        %parallel_loop3A_539 = arith.cmpi slt, %parallel_loop3A_532, %parallel_loop3A_538 : i32
        %parallel_loop3A_540 = arith.extui %parallel_loop3A_539 : i1 to i32
        %parallel_loop3A_541 = arith.subi %parallel_loop3A_537, %parallel_loop3A_540 : i32
        %parallel_loop3A_542 = arith.constant 0 : i32
        %parallel_loop3A_543 = arith.cmpi sgt, %parallel_loop3A_533, %parallel_loop3A_542 : i32
        %parallel_loop3A_544 = arith.extui %parallel_loop3A_543 : i1 to i32
        %parallel_loop3A_545 = arith.constant 0 : i32
        %parallel_loop3A_546 = arith.cmpi slt, %parallel_loop3A_533, %parallel_loop3A_545 : i32
        %parallel_loop3A_547 = arith.extui %parallel_loop3A_546 : i1 to i32
        %parallel_loop3A_548 = arith.subi %parallel_loop3A_544, %parallel_loop3A_547 : i32
        %parallel_loop3A_549 = arith.cmpi ne, %parallel_loop3A_541, %parallel_loop3A_548 : i32
        %parallel_loop3A_550 = arith.remsi %parallel_loop3A_532, %parallel_loop3A_533 : i32
        %parallel_loop3A_551 = arith.constant 0 : i32
        %parallel_loop3A_552 = arith.cmpi ne, %parallel_loop3A_550, %parallel_loop3A_551 : i32
        %parallel_loop3A_553 = arith.andi %parallel_loop3A_549, %parallel_loop3A_552 : i1
        %parallel_loop3A_554 = arith.constant 1 : i32
        %parallel_loop3A_555 = arith.subi %parallel_loop3A_534, %parallel_loop3A_554 : i32
        %parallel_loop3A_556 = arith.select %parallel_loop3A_553, %parallel_loop3A_555, %parallel_loop3A_534 : i32
        %parallel_loop3A_557 = arith.constant 8 : i32
        %parallel_loop3A_558 = arith.constant 0 : i32
        %parallel_loop3A_559 = arith.cmpi eq, %parallel_loop3A_557, %parallel_loop3A_558 : i32
        %parallel_loop3A_560 = arith.constant 1 : i32
        %parallel_loop3A_561 = arith.select %parallel_loop3A_559, %parallel_loop3A_560, %parallel_loop3A_557 : i32
        %parallel_loop3A_562 = arith.remsi %parallel_loop3A_532, %parallel_loop3A_561 : i32
        %parallel_loop3A_563 = arith.constant 0 : i32
        %parallel_loop3A_564 = arith.cmpi ne, %parallel_loop3A_562, %parallel_loop3A_563 : i32
        %parallel_loop3A_565 = arith.constant 0 : i32
        %parallel_loop3A_566 = arith.cmpi slt, %parallel_loop3A_562, %parallel_loop3A_565 : i32
        %parallel_loop3A_567 = arith.constant 0 : i32
        %parallel_loop3A_568 = arith.cmpi slt, %parallel_loop3A_561, %parallel_loop3A_567 : i32
        %parallel_loop3A_569 = arith.xori %parallel_loop3A_566, %parallel_loop3A_568 : i1
        %parallel_loop3A_570 = arith.andi %parallel_loop3A_569, %parallel_loop3A_564 : i1
        %parallel_loop3A_571 = arith.addi %parallel_loop3A_562, %parallel_loop3A_561 : i32
        %parallel_loop3A_572 = arith.select %parallel_loop3A_570, %parallel_loop3A_571, %parallel_loop3A_562 : i32
        %parallel_loop3A_573 = tpu.iota {dimensions = array<i32: 0>} : vector<16xi32>
        %parallel_loop3A_574 = arith.constant 16 : i32
        %parallel_loop3A_575 = arith.muli %parallel_loop3A_532, %parallel_loop3A_574 : i32
        %parallel_loop3A_576 = vector.broadcast %parallel_loop3A_575 : i32 to vector<16xi32>
        %parallel_loop3A_577 = arith.addi %parallel_loop3A_573, %parallel_loop3A_576 : vector<16xi32>
        %parallel_loop3A_578 = arith.constant 0 : i32
        %parallel_loop3A_579 = vector.broadcast %parallel_loop3A_578 : i32 to vector<16xi32>
        %parallel_loop3A_580 = arith.constant 1 : i32
        %parallel_loop3A_581 = arith.constant 0 : i32
        %parallel_loop3A_582 = arith.constant 0 : i32
        %parallel_loop3A_583 = tpu.memref_slice %arg6[%parallel_loop3A_580, %parallel_loop3A_581, %parallel_loop3A_582] : memref<4x256x32xf32, #tpu.memory_space<vmem>> -> memref<1x256x32xf32, #tpu.memory_space<vmem>>
        %parallel_loop3A_584 = tpu.memref_squeeze %parallel_loop3A_583 : memref<1x256x32xf32, #tpu.memory_space<vmem>> -> memref<256x32xf32, #tpu.memory_space<vmem>>
        %parallel_loop3A_585 = tpu.vector_load_idx %parallel_loop3A_584[%parallel_loop3A_577, %parallel_loop3A_579] : memref<256x32xf32, #tpu.memory_space<vmem>>[vector<16xi32>, vector<16xi32>], vector<16xf32>,
        %parallel_loop3A_586 = arith.constant 1 : i32
        %parallel_loop3A_587 = vector.broadcast %parallel_loop3A_586 : i32 to vector<16xi32>
        %parallel_loop3A_588 = arith.constant 1 : i32
        %parallel_loop3A_589 = arith.constant 0 : i32
        %parallel_loop3A_590 = arith.constant 0 : i32
        %parallel_loop3A_591 = tpu.memref_slice %arg6[%parallel_loop3A_588, %parallel_loop3A_589, %parallel_loop3A_590] : memref<4x256x32xf32, #tpu.memory_space<vmem>> -> memref<1x256x32xf32, #tpu.memory_space<vmem>>
        %parallel_loop3A_592 = tpu.memref_squeeze %parallel_loop3A_591 : memref<1x256x32xf32, #tpu.memory_space<vmem>> -> memref<256x32xf32, #tpu.memory_space<vmem>>
        %parallel_loop3A_593 = tpu.vector_load_idx %parallel_loop3A_592[%parallel_loop3A_577, %parallel_loop3A_587] : memref<256x32xf32, #tpu.memory_space<vmem>>[vector<16xi32>, vector<16xi32>], vector<16xf32>,
        %parallel_loop3A_594 = arith.constant 2 : i32
        %parallel_loop3A_595 = vector.broadcast %parallel_loop3A_594 : i32 to vector<16xi32>
        %parallel_loop3A_596 = arith.constant 1 : i32
        %parallel_loop3A_597 = arith.constant 0 : i32
        %parallel_loop3A_598 = arith.constant 0 : i32
        %parallel_loop3A_599 = tpu.memref_slice %arg6[%parallel_loop3A_596, %parallel_loop3A_597, %parallel_loop3A_598] : memref<4x256x32xf32, #tpu.memory_space<vmem>> -> memref<1x256x32xf32, #tpu.memory_space<vmem>>
        %parallel_loop3A_600 = tpu.memref_squeeze %parallel_loop3A_599 : memref<1x256x32xf32, #tpu.memory_space<vmem>> -> memref<256x32xf32, #tpu.memory_space<vmem>>
        %parallel_loop3A_601 = tpu.vector_load_idx %parallel_loop3A_600[%parallel_loop3A_577, %parallel_loop3A_595] : memref<256x32xf32, #tpu.memory_space<vmem>>[vector<16xi32>, vector<16xi32>], vector<16xf32>,
        %parallel_loop3A_602 = arith.constant 3 : i32
        %parallel_loop3A_603 = vector.broadcast %parallel_loop3A_602 : i32 to vector<16xi32>
        %parallel_loop3A_604 = arith.constant 1 : i32
        %parallel_loop3A_605 = arith.constant 0 : i32
        %parallel_loop3A_606 = arith.constant 0 : i32
        %parallel_loop3A_607 = tpu.memref_slice %arg6[%parallel_loop3A_604, %parallel_loop3A_605, %parallel_loop3A_606] : memref<4x256x32xf32, #tpu.memory_space<vmem>> -> memref<1x256x32xf32, #tpu.memory_space<vmem>>
        %parallel_loop3A_608 = tpu.memref_squeeze %parallel_loop3A_607 : memref<1x256x32xf32, #tpu.memory_space<vmem>> -> memref<256x32xf32, #tpu.memory_space<vmem>>
        %parallel_loop3A_609 = tpu.vector_load_idx %parallel_loop3A_608[%parallel_loop3A_577, %parallel_loop3A_603] : memref<256x32xf32, #tpu.memory_space<vmem>>[vector<16xi32>, vector<16xi32>], vector<16xf32>,
        %parallel_loop3A_610 = arith.constant 4 : i32
        %parallel_loop3A_611 = vector.broadcast %parallel_loop3A_610 : i32 to vector<16xi32>
        %parallel_loop3A_612 = arith.constant 1 : i32
        %parallel_loop3A_613 = arith.constant 0 : i32
        %parallel_loop3A_614 = arith.constant 0 : i32
        %parallel_loop3A_615 = tpu.memref_slice %arg6[%parallel_loop3A_612, %parallel_loop3A_613, %parallel_loop3A_614] : memref<4x256x32xf32, #tpu.memory_space<vmem>> -> memref<1x256x32xf32, #tpu.memory_space<vmem>>
        %parallel_loop3A_616 = tpu.memref_squeeze %parallel_loop3A_615 : memref<1x256x32xf32, #tpu.memory_space<vmem>> -> memref<256x32xf32, #tpu.memory_space<vmem>>
        %parallel_loop3A_617 = tpu.vector_load_idx %parallel_loop3A_616[%parallel_loop3A_577, %parallel_loop3A_611] : memref<256x32xf32, #tpu.memory_space<vmem>>[vector<16xi32>, vector<16xi32>], vector<16xf32>,
        %parallel_loop3A_618 = arith.constant 5 : i32
        %parallel_loop3A_619 = vector.broadcast %parallel_loop3A_618 : i32 to vector<16xi32>
        %parallel_loop3A_620 = arith.constant 1 : i32
        %parallel_loop3A_621 = arith.constant 0 : i32
        %parallel_loop3A_622 = arith.constant 0 : i32
        %parallel_loop3A_623 = tpu.memref_slice %arg6[%parallel_loop3A_620, %parallel_loop3A_621, %parallel_loop3A_622] : memref<4x256x32xf32, #tpu.memory_space<vmem>> -> memref<1x256x32xf32, #tpu.memory_space<vmem>>
        %parallel_loop3A_624 = tpu.memref_squeeze %parallel_loop3A_623 : memref<1x256x32xf32, #tpu.memory_space<vmem>> -> memref<256x32xf32, #tpu.memory_space<vmem>>
        %parallel_loop3A_625 = tpu.vector_load_idx %parallel_loop3A_624[%parallel_loop3A_577, %parallel_loop3A_619] : memref<256x32xf32, #tpu.memory_space<vmem>>[vector<16xi32>, vector<16xi32>], vector<16xf32>,
        %parallel_loop3A_626 = arith.constant 6 : i32
        %parallel_loop3A_627 = vector.broadcast %parallel_loop3A_626 : i32 to vector<16xi32>
        %parallel_loop3A_628 = arith.constant 1 : i32
        %parallel_loop3A_629 = arith.constant 0 : i32
        %parallel_loop3A_630 = arith.constant 0 : i32
        %parallel_loop3A_631 = tpu.memref_slice %arg6[%parallel_loop3A_628, %parallel_loop3A_629, %parallel_loop3A_630] : memref<4x256x32xf32, #tpu.memory_space<vmem>> -> memref<1x256x32xf32, #tpu.memory_space<vmem>>
        %parallel_loop3A_632 = tpu.memref_squeeze %parallel_loop3A_631 : memref<1x256x32xf32, #tpu.memory_space<vmem>> -> memref<256x32xf32, #tpu.memory_space<vmem>>
        %parallel_loop3A_633 = tpu.vector_load_idx %parallel_loop3A_632[%parallel_loop3A_577, %parallel_loop3A_627] : memref<256x32xf32, #tpu.memory_space<vmem>>[vector<16xi32>, vector<16xi32>], vector<16xf32>,
        %parallel_loop3A_634 = arith.constant 7 : i32
        %parallel_loop3A_635 = vector.broadcast %parallel_loop3A_634 : i32 to vector<16xi32>
        %parallel_loop3A_636 = arith.constant 1 : i32
        %parallel_loop3A_637 = arith.constant 0 : i32
        %parallel_loop3A_638 = arith.constant 0 : i32
        %parallel_loop3A_639 = tpu.memref_slice %arg6[%parallel_loop3A_636, %parallel_loop3A_637, %parallel_loop3A_638] : memref<4x256x32xf32, #tpu.memory_space<vmem>> -> memref<1x256x32xf32, #tpu.memory_space<vmem>>
        %parallel_loop3A_640 = tpu.memref_squeeze %parallel_loop3A_639 : memref<1x256x32xf32, #tpu.memory_space<vmem>> -> memref<256x32xf32, #tpu.memory_space<vmem>>
        %parallel_loop3A_641 = tpu.vector_load_idx %parallel_loop3A_640[%parallel_loop3A_577, %parallel_loop3A_635] : memref<256x32xf32, #tpu.memory_space<vmem>>[vector<16xi32>, vector<16xi32>], vector<16xf32>,
        %parallel_loop3A_642 = arith.constant 8 : i32
        %parallel_loop3A_643 = vector.broadcast %parallel_loop3A_642 : i32 to vector<16xi32>
        %parallel_loop3A_644 = arith.constant 1 : i32
        %parallel_loop3A_645 = arith.constant 0 : i32
        %parallel_loop3A_646 = arith.constant 0 : i32
        %parallel_loop3A_647 = tpu.memref_slice %arg6[%parallel_loop3A_644, %parallel_loop3A_645, %parallel_loop3A_646] : memref<4x256x32xf32, #tpu.memory_space<vmem>> -> memref<1x256x32xf32, #tpu.memory_space<vmem>>
        %parallel_loop3A_648 = tpu.memref_squeeze %parallel_loop3A_647 : memref<1x256x32xf32, #tpu.memory_space<vmem>> -> memref<256x32xf32, #tpu.memory_space<vmem>>
        %parallel_loop3A_649 = tpu.vector_load_idx %parallel_loop3A_648[%parallel_loop3A_577, %parallel_loop3A_643] : memref<256x32xf32, #tpu.memory_space<vmem>>[vector<16xi32>, vector<16xi32>], vector<16xf32>,
        %parallel_loop3A_650 = arith.constant 9 : i32
        %parallel_loop3A_651 = vector.broadcast %parallel_loop3A_650 : i32 to vector<16xi32>
        %parallel_loop3A_652 = arith.constant 1 : i32
        %parallel_loop3A_653 = arith.constant 0 : i32
        %parallel_loop3A_654 = arith.constant 0 : i32
        %parallel_loop3A_655 = tpu.memref_slice %arg6[%parallel_loop3A_652, %parallel_loop3A_653, %parallel_loop3A_654] : memref<4x256x32xf32, #tpu.memory_space<vmem>> -> memref<1x256x32xf32, #tpu.memory_space<vmem>>
        %parallel_loop3A_656 = tpu.memref_squeeze %parallel_loop3A_655 : memref<1x256x32xf32, #tpu.memory_space<vmem>> -> memref<256x32xf32, #tpu.memory_space<vmem>>
        %parallel_loop3A_657 = tpu.vector_load_idx %parallel_loop3A_656[%parallel_loop3A_577, %parallel_loop3A_651] : memref<256x32xf32, #tpu.memory_space<vmem>>[vector<16xi32>, vector<16xi32>], vector<16xf32>,
        %parallel_loop3A_658 = arith.constant 10 : i32
        %parallel_loop3A_659 = vector.broadcast %parallel_loop3A_658 : i32 to vector<16xi32>
        %parallel_loop3A_660 = arith.constant 1 : i32
        %parallel_loop3A_661 = arith.constant 0 : i32
        %parallel_loop3A_662 = arith.constant 0 : i32
        %parallel_loop3A_663 = tpu.memref_slice %arg6[%parallel_loop3A_660, %parallel_loop3A_661, %parallel_loop3A_662] : memref<4x256x32xf32, #tpu.memory_space<vmem>> -> memref<1x256x32xf32, #tpu.memory_space<vmem>>
        %parallel_loop3A_664 = tpu.memref_squeeze %parallel_loop3A_663 : memref<1x256x32xf32, #tpu.memory_space<vmem>> -> memref<256x32xf32, #tpu.memory_space<vmem>>
        %parallel_loop3A_665 = tpu.vector_load_idx %parallel_loop3A_664[%parallel_loop3A_577, %parallel_loop3A_659] : memref<256x32xf32, #tpu.memory_space<vmem>>[vector<16xi32>, vector<16xi32>], vector<16xf32>,
        %parallel_loop3A_666 = arith.constant 11 : i32
        %parallel_loop3A_667 = vector.broadcast %parallel_loop3A_666 : i32 to vector<16xi32>
        %parallel_loop3A_668 = arith.constant 1 : i32
        %parallel_loop3A_669 = arith.constant 0 : i32
        %parallel_loop3A_670 = arith.constant 0 : i32
        %parallel_loop3A_671 = tpu.memref_slice %arg6[%parallel_loop3A_668, %parallel_loop3A_669, %parallel_loop3A_670] : memref<4x256x32xf32, #tpu.memory_space<vmem>> -> memref<1x256x32xf32, #tpu.memory_space<vmem>>
        %parallel_loop3A_672 = tpu.memref_squeeze %parallel_loop3A_671 : memref<1x256x32xf32, #tpu.memory_space<vmem>> -> memref<256x32xf32, #tpu.memory_space<vmem>>
        %parallel_loop3A_673 = tpu.vector_load_idx %parallel_loop3A_672[%parallel_loop3A_577, %parallel_loop3A_667] : memref<256x32xf32, #tpu.memory_space<vmem>>[vector<16xi32>, vector<16xi32>], vector<16xf32>,
        %parallel_loop3A_674 = arith.constant 12 : i32
        %parallel_loop3A_675 = vector.broadcast %parallel_loop3A_674 : i32 to vector<16xi32>
        %parallel_loop3A_676 = arith.constant 1 : i32
        %parallel_loop3A_677 = arith.constant 0 : i32
        %parallel_loop3A_678 = arith.constant 0 : i32
        %parallel_loop3A_679 = tpu.memref_slice %arg6[%parallel_loop3A_676, %parallel_loop3A_677, %parallel_loop3A_678] : memref<4x256x32xf32, #tpu.memory_space<vmem>> -> memref<1x256x32xf32, #tpu.memory_space<vmem>>
        %parallel_loop3A_680 = tpu.memref_squeeze %parallel_loop3A_679 : memref<1x256x32xf32, #tpu.memory_space<vmem>> -> memref<256x32xf32, #tpu.memory_space<vmem>>
        %parallel_loop3A_681 = tpu.vector_load_idx %parallel_loop3A_680[%parallel_loop3A_577, %parallel_loop3A_675] : memref<256x32xf32, #tpu.memory_space<vmem>>[vector<16xi32>, vector<16xi32>], vector<16xf32>,
        %parallel_loop3A_682 = arith.constant 13 : i32
        %parallel_loop3A_683 = vector.broadcast %parallel_loop3A_682 : i32 to vector<16xi32>
        %parallel_loop3A_684 = arith.constant 1 : i32
        %parallel_loop3A_685 = arith.constant 0 : i32
        %parallel_loop3A_686 = arith.constant 0 : i32
        %parallel_loop3A_687 = tpu.memref_slice %arg6[%parallel_loop3A_684, %parallel_loop3A_685, %parallel_loop3A_686] : memref<4x256x32xf32, #tpu.memory_space<vmem>> -> memref<1x256x32xf32, #tpu.memory_space<vmem>>
        %parallel_loop3A_688 = tpu.memref_squeeze %parallel_loop3A_687 : memref<1x256x32xf32, #tpu.memory_space<vmem>> -> memref<256x32xf32, #tpu.memory_space<vmem>>
        %parallel_loop3A_689 = tpu.vector_load_idx %parallel_loop3A_688[%parallel_loop3A_577, %parallel_loop3A_683] : memref<256x32xf32, #tpu.memory_space<vmem>>[vector<16xi32>, vector<16xi32>], vector<16xf32>,
        %parallel_loop3A_690 = arith.constant 14 : i32
        %parallel_loop3A_691 = vector.broadcast %parallel_loop3A_690 : i32 to vector<16xi32>
        %parallel_loop3A_692 = arith.constant 1 : i32
        %parallel_loop3A_693 = arith.constant 0 : i32
        %parallel_loop3A_694 = arith.constant 0 : i32
        %parallel_loop3A_695 = tpu.memref_slice %arg6[%parallel_loop3A_692, %parallel_loop3A_693, %parallel_loop3A_694] : memref<4x256x32xf32, #tpu.memory_space<vmem>> -> memref<1x256x32xf32, #tpu.memory_space<vmem>>
        %parallel_loop3A_696 = tpu.memref_squeeze %parallel_loop3A_695 : memref<1x256x32xf32, #tpu.memory_space<vmem>> -> memref<256x32xf32, #tpu.memory_space<vmem>>
        %parallel_loop3A_697 = tpu.vector_load_idx %parallel_loop3A_696[%parallel_loop3A_577, %parallel_loop3A_691] : memref<256x32xf32, #tpu.memory_space<vmem>>[vector<16xi32>, vector<16xi32>], vector<16xf32>,
        %parallel_loop3A_698 = arith.constant 15 : i32
        %parallel_loop3A_699 = vector.broadcast %parallel_loop3A_698 : i32 to vector<16xi32>
        %parallel_loop3A_700 = arith.constant 1 : i32
        %parallel_loop3A_701 = arith.constant 0 : i32
        %parallel_loop3A_702 = arith.constant 0 : i32
        %parallel_loop3A_703 = tpu.memref_slice %arg6[%parallel_loop3A_700, %parallel_loop3A_701, %parallel_loop3A_702] : memref<4x256x32xf32, #tpu.memory_space<vmem>> -> memref<1x256x32xf32, #tpu.memory_space<vmem>>
        %parallel_loop3A_704 = tpu.memref_squeeze %parallel_loop3A_703 : memref<1x256x32xf32, #tpu.memory_space<vmem>> -> memref<256x32xf32, #tpu.memory_space<vmem>>
        %parallel_loop3A_705 = tpu.vector_load_idx %parallel_loop3A_704[%parallel_loop3A_577, %parallel_loop3A_699] : memref<256x32xf32, #tpu.memory_space<vmem>>[vector<16xi32>, vector<16xi32>], vector<16xf32>,
        %parallel_loop3A_706 = arith.constant 16 : i32
        %parallel_loop3A_707 = vector.broadcast %parallel_loop3A_706 : i32 to vector<16xi32>
        %parallel_loop3A_708 = arith.constant 1 : i32
        %parallel_loop3A_709 = arith.constant 0 : i32
        %parallel_loop3A_710 = arith.constant 0 : i32
        %parallel_loop3A_711 = tpu.memref_slice %arg6[%parallel_loop3A_708, %parallel_loop3A_709, %parallel_loop3A_710] : memref<4x256x32xf32, #tpu.memory_space<vmem>> -> memref<1x256x32xf32, #tpu.memory_space<vmem>>
        %parallel_loop3A_712 = tpu.memref_squeeze %parallel_loop3A_711 : memref<1x256x32xf32, #tpu.memory_space<vmem>> -> memref<256x32xf32, #tpu.memory_space<vmem>>
        %parallel_loop3A_713 = tpu.vector_load_idx %parallel_loop3A_712[%parallel_loop3A_577, %parallel_loop3A_707] : memref<256x32xf32, #tpu.memory_space<vmem>>[vector<16xi32>, vector<16xi32>], vector<16xf32>,
        %parallel_loop3A_714 = arith.constant 17 : i32
        %parallel_loop3A_715 = vector.broadcast %parallel_loop3A_714 : i32 to vector<16xi32>
        %parallel_loop3A_716 = arith.constant 1 : i32
        %parallel_loop3A_717 = arith.constant 0 : i32
        %parallel_loop3A_718 = arith.constant 0 : i32
        %parallel_loop3A_719 = tpu.memref_slice %arg6[%parallel_loop3A_716, %parallel_loop3A_717, %parallel_loop3A_718] : memref<4x256x32xf32, #tpu.memory_space<vmem>> -> memref<1x256x32xf32, #tpu.memory_space<vmem>>
        %parallel_loop3A_720 = tpu.memref_squeeze %parallel_loop3A_719 : memref<1x256x32xf32, #tpu.memory_space<vmem>> -> memref<256x32xf32, #tpu.memory_space<vmem>>
        %parallel_loop3A_721 = tpu.vector_load_idx %parallel_loop3A_720[%parallel_loop3A_577, %parallel_loop3A_715] : memref<256x32xf32, #tpu.memory_space<vmem>>[vector<16xi32>, vector<16xi32>], vector<16xf32>,
        %parallel_loop3A_722 = arith.constant 18 : i32
        %parallel_loop3A_723 = vector.broadcast %parallel_loop3A_722 : i32 to vector<16xi32>
        %parallel_loop3A_724 = arith.constant 1 : i32
        %parallel_loop3A_725 = arith.constant 0 : i32
        %parallel_loop3A_726 = arith.constant 0 : i32
        %parallel_loop3A_727 = tpu.memref_slice %arg6[%parallel_loop3A_724, %parallel_loop3A_725, %parallel_loop3A_726] : memref<4x256x32xf32, #tpu.memory_space<vmem>> -> memref<1x256x32xf32, #tpu.memory_space<vmem>>
        %parallel_loop3A_728 = tpu.memref_squeeze %parallel_loop3A_727 : memref<1x256x32xf32, #tpu.memory_space<vmem>> -> memref<256x32xf32, #tpu.memory_space<vmem>>
        %parallel_loop3A_729 = tpu.vector_load_idx %parallel_loop3A_728[%parallel_loop3A_577, %parallel_loop3A_723] : memref<256x32xf32, #tpu.memory_space<vmem>>[vector<16xi32>, vector<16xi32>], vector<16xf32>,
        %parallel_loop3A_730 = arith.constant 19 : i32
        %parallel_loop3A_731 = vector.broadcast %parallel_loop3A_730 : i32 to vector<16xi32>
        %parallel_loop3A_732 = arith.constant 1 : i32
        %parallel_loop3A_733 = arith.constant 0 : i32
        %parallel_loop3A_734 = arith.constant 0 : i32
        %parallel_loop3A_735 = tpu.memref_slice %arg6[%parallel_loop3A_732, %parallel_loop3A_733, %parallel_loop3A_734] : memref<4x256x32xf32, #tpu.memory_space<vmem>> -> memref<1x256x32xf32, #tpu.memory_space<vmem>>
        %parallel_loop3A_736 = tpu.memref_squeeze %parallel_loop3A_735 : memref<1x256x32xf32, #tpu.memory_space<vmem>> -> memref<256x32xf32, #tpu.memory_space<vmem>>
        %parallel_loop3A_737 = tpu.vector_load_idx %parallel_loop3A_736[%parallel_loop3A_577, %parallel_loop3A_731] : memref<256x32xf32, #tpu.memory_space<vmem>>[vector<16xi32>, vector<16xi32>], vector<16xf32>,
        %parallel_loop3A_738 = arith.constant 20 : i32
        %parallel_loop3A_739 = vector.broadcast %parallel_loop3A_738 : i32 to vector<16xi32>
        %parallel_loop3A_740 = arith.constant 1 : i32
        %parallel_loop3A_741 = arith.constant 0 : i32
        %parallel_loop3A_742 = arith.constant 0 : i32
        %parallel_loop3A_743 = tpu.memref_slice %arg6[%parallel_loop3A_740, %parallel_loop3A_741, %parallel_loop3A_742] : memref<4x256x32xf32, #tpu.memory_space<vmem>> -> memref<1x256x32xf32, #tpu.memory_space<vmem>>
        %parallel_loop3A_744 = tpu.memref_squeeze %parallel_loop3A_743 : memref<1x256x32xf32, #tpu.memory_space<vmem>> -> memref<256x32xf32, #tpu.memory_space<vmem>>
        %parallel_loop3A_745 = tpu.vector_load_idx %parallel_loop3A_744[%parallel_loop3A_577, %parallel_loop3A_739] : memref<256x32xf32, #tpu.memory_space<vmem>>[vector<16xi32>, vector<16xi32>], vector<16xf32>,
        %parallel_loop3A_746 = arith.constant 21 : i32
        %parallel_loop3A_747 = vector.broadcast %parallel_loop3A_746 : i32 to vector<16xi32>
        %parallel_loop3A_748 = arith.constant 1 : i32
        %parallel_loop3A_749 = arith.constant 0 : i32
        %parallel_loop3A_750 = arith.constant 0 : i32
        %parallel_loop3A_751 = tpu.memref_slice %arg6[%parallel_loop3A_748, %parallel_loop3A_749, %parallel_loop3A_750] : memref<4x256x32xf32, #tpu.memory_space<vmem>> -> memref<1x256x32xf32, #tpu.memory_space<vmem>>
        %parallel_loop3A_752 = tpu.memref_squeeze %parallel_loop3A_751 : memref<1x256x32xf32, #tpu.memory_space<vmem>> -> memref<256x32xf32, #tpu.memory_space<vmem>>
        %parallel_loop3A_753 = tpu.vector_load_idx %parallel_loop3A_752[%parallel_loop3A_577, %parallel_loop3A_747] : memref<256x32xf32, #tpu.memory_space<vmem>>[vector<16xi32>, vector<16xi32>], vector<16xf32>,
        %parallel_loop3A_754 = arith.constant 22 : i32
        %parallel_loop3A_755 = vector.broadcast %parallel_loop3A_754 : i32 to vector<16xi32>
        %parallel_loop3A_756 = arith.constant 1 : i32
        %parallel_loop3A_757 = arith.constant 0 : i32
        %parallel_loop3A_758 = arith.constant 0 : i32
        %parallel_loop3A_759 = tpu.memref_slice %arg6[%parallel_loop3A_756, %parallel_loop3A_757, %parallel_loop3A_758] : memref<4x256x32xf32, #tpu.memory_space<vmem>> -> memref<1x256x32xf32, #tpu.memory_space<vmem>>
        %parallel_loop3A_760 = tpu.memref_squeeze %parallel_loop3A_759 : memref<1x256x32xf32, #tpu.memory_space<vmem>> -> memref<256x32xf32, #tpu.memory_space<vmem>>
        %parallel_loop3A_761 = tpu.vector_load_idx %parallel_loop3A_760[%parallel_loop3A_577, %parallel_loop3A_755] : memref<256x32xf32, #tpu.memory_space<vmem>>[vector<16xi32>, vector<16xi32>], vector<16xf32>,
        %parallel_loop3A_762 = arith.constant 23 : i32
        %parallel_loop3A_763 = vector.broadcast %parallel_loop3A_762 : i32 to vector<16xi32>
        %parallel_loop3A_764 = arith.constant 1 : i32
        %parallel_loop3A_765 = arith.constant 0 : i32
        %parallel_loop3A_766 = arith.constant 0 : i32
        %parallel_loop3A_767 = tpu.memref_slice %arg6[%parallel_loop3A_764, %parallel_loop3A_765, %parallel_loop3A_766] : memref<4x256x32xf32, #tpu.memory_space<vmem>> -> memref<1x256x32xf32, #tpu.memory_space<vmem>>
        %parallel_loop3A_768 = tpu.memref_squeeze %parallel_loop3A_767 : memref<1x256x32xf32, #tpu.memory_space<vmem>> -> memref<256x32xf32, #tpu.memory_space<vmem>>
        %parallel_loop3A_769 = tpu.vector_load_idx %parallel_loop3A_768[%parallel_loop3A_577, %parallel_loop3A_763] : memref<256x32xf32, #tpu.memory_space<vmem>>[vector<16xi32>, vector<16xi32>], vector<16xf32>,
        %parallel_loop3A_770 = arith.constant 24 : i32
        %parallel_loop3A_771 = vector.broadcast %parallel_loop3A_770 : i32 to vector<16xi32>
        %parallel_loop3A_772 = arith.constant 1 : i32
        %parallel_loop3A_773 = arith.constant 0 : i32
        %parallel_loop3A_774 = arith.constant 0 : i32
        %parallel_loop3A_775 = tpu.memref_slice %arg6[%parallel_loop3A_772, %parallel_loop3A_773, %parallel_loop3A_774] : memref<4x256x32xf32, #tpu.memory_space<vmem>> -> memref<1x256x32xf32, #tpu.memory_space<vmem>>
        %parallel_loop3A_776 = tpu.memref_squeeze %parallel_loop3A_775 : memref<1x256x32xf32, #tpu.memory_space<vmem>> -> memref<256x32xf32, #tpu.memory_space<vmem>>
        %parallel_loop3A_777 = tpu.vector_load_idx %parallel_loop3A_776[%parallel_loop3A_577, %parallel_loop3A_771] : memref<256x32xf32, #tpu.memory_space<vmem>>[vector<16xi32>, vector<16xi32>], vector<16xf32>,
        %parallel_loop3A_778 = arith.constant 25 : i32
        %parallel_loop3A_779 = vector.broadcast %parallel_loop3A_778 : i32 to vector<16xi32>
        %parallel_loop3A_780 = arith.constant 1 : i32
        %parallel_loop3A_781 = arith.constant 0 : i32
        %parallel_loop3A_782 = arith.constant 0 : i32
        %parallel_loop3A_783 = tpu.memref_slice %arg6[%parallel_loop3A_780, %parallel_loop3A_781, %parallel_loop3A_782] : memref<4x256x32xf32, #tpu.memory_space<vmem>> -> memref<1x256x32xf32, #tpu.memory_space<vmem>>
        %parallel_loop3A_784 = tpu.memref_squeeze %parallel_loop3A_783 : memref<1x256x32xf32, #tpu.memory_space<vmem>> -> memref<256x32xf32, #tpu.memory_space<vmem>>
        %parallel_loop3A_785 = tpu.vector_load_idx %parallel_loop3A_784[%parallel_loop3A_577, %parallel_loop3A_779] : memref<256x32xf32, #tpu.memory_space<vmem>>[vector<16xi32>, vector<16xi32>], vector<16xf32>,
        %parallel_loop3A_786 = arith.constant 26 : i32
        %parallel_loop3A_787 = vector.broadcast %parallel_loop3A_786 : i32 to vector<16xi32>
        %parallel_loop3A_788 = arith.constant 1 : i32
        %parallel_loop3A_789 = arith.constant 0 : i32
        %parallel_loop3A_790 = arith.constant 0 : i32
        %parallel_loop3A_791 = tpu.memref_slice %arg6[%parallel_loop3A_788, %parallel_loop3A_789, %parallel_loop3A_790] : memref<4x256x32xf32, #tpu.memory_space<vmem>> -> memref<1x256x32xf32, #tpu.memory_space<vmem>>
        %parallel_loop3A_792 = tpu.memref_squeeze %parallel_loop3A_791 : memref<1x256x32xf32, #tpu.memory_space<vmem>> -> memref<256x32xf32, #tpu.memory_space<vmem>>
        %parallel_loop3A_793 = tpu.vector_load_idx %parallel_loop3A_792[%parallel_loop3A_577, %parallel_loop3A_787] : memref<256x32xf32, #tpu.memory_space<vmem>>[vector<16xi32>, vector<16xi32>], vector<16xf32>,
        %parallel_loop3A_794 = arith.constant 27 : i32
        %parallel_loop3A_795 = vector.broadcast %parallel_loop3A_794 : i32 to vector<16xi32>
        %parallel_loop3A_796 = arith.constant 1 : i32
        %parallel_loop3A_797 = arith.constant 0 : i32
        %parallel_loop3A_798 = arith.constant 0 : i32
        %parallel_loop3A_799 = tpu.memref_slice %arg6[%parallel_loop3A_796, %parallel_loop3A_797, %parallel_loop3A_798] : memref<4x256x32xf32, #tpu.memory_space<vmem>> -> memref<1x256x32xf32, #tpu.memory_space<vmem>>
        %parallel_loop3A_800 = tpu.memref_squeeze %parallel_loop3A_799 : memref<1x256x32xf32, #tpu.memory_space<vmem>> -> memref<256x32xf32, #tpu.memory_space<vmem>>
        %parallel_loop3A_801 = tpu.vector_load_idx %parallel_loop3A_800[%parallel_loop3A_577, %parallel_loop3A_795] : memref<256x32xf32, #tpu.memory_space<vmem>>[vector<16xi32>, vector<16xi32>], vector<16xf32>,
        %parallel_loop3A_802 = arith.constant 28 : i32
        %parallel_loop3A_803 = vector.broadcast %parallel_loop3A_802 : i32 to vector<16xi32>
        %parallel_loop3A_804 = arith.constant 1 : i32
        %parallel_loop3A_805 = arith.constant 0 : i32
        %parallel_loop3A_806 = arith.constant 0 : i32
        %parallel_loop3A_807 = tpu.memref_slice %arg6[%parallel_loop3A_804, %parallel_loop3A_805, %parallel_loop3A_806] : memref<4x256x32xf32, #tpu.memory_space<vmem>> -> memref<1x256x32xf32, #tpu.memory_space<vmem>>
        %parallel_loop3A_808 = tpu.memref_squeeze %parallel_loop3A_807 : memref<1x256x32xf32, #tpu.memory_space<vmem>> -> memref<256x32xf32, #tpu.memory_space<vmem>>
        %parallel_loop3A_809 = tpu.vector_load_idx %parallel_loop3A_808[%parallel_loop3A_577, %parallel_loop3A_803] : memref<256x32xf32, #tpu.memory_space<vmem>>[vector<16xi32>, vector<16xi32>], vector<16xf32>,
        %parallel_loop3A_810 = arith.constant 29 : i32
        %parallel_loop3A_811 = vector.broadcast %parallel_loop3A_810 : i32 to vector<16xi32>
        %parallel_loop3A_812 = arith.constant 1 : i32
        %parallel_loop3A_813 = arith.constant 0 : i32
        %parallel_loop3A_814 = arith.constant 0 : i32
        %parallel_loop3A_815 = tpu.memref_slice %arg6[%parallel_loop3A_812, %parallel_loop3A_813, %parallel_loop3A_814] : memref<4x256x32xf32, #tpu.memory_space<vmem>> -> memref<1x256x32xf32, #tpu.memory_space<vmem>>
        %parallel_loop3A_816 = tpu.memref_squeeze %parallel_loop3A_815 : memref<1x256x32xf32, #tpu.memory_space<vmem>> -> memref<256x32xf32, #tpu.memory_space<vmem>>
        %parallel_loop3A_817 = tpu.vector_load_idx %parallel_loop3A_816[%parallel_loop3A_577, %parallel_loop3A_811] : memref<256x32xf32, #tpu.memory_space<vmem>>[vector<16xi32>, vector<16xi32>], vector<16xf32>,
        %parallel_loop3A_818 = arith.constant 30 : i32
        %parallel_loop3A_819 = vector.broadcast %parallel_loop3A_818 : i32 to vector<16xi32>
        %parallel_loop3A_820 = arith.constant 1 : i32
        %parallel_loop3A_821 = arith.constant 0 : i32
        %parallel_loop3A_822 = arith.constant 0 : i32
        %parallel_loop3A_823 = tpu.memref_slice %arg6[%parallel_loop3A_820, %parallel_loop3A_821, %parallel_loop3A_822] : memref<4x256x32xf32, #tpu.memory_space<vmem>> -> memref<1x256x32xf32, #tpu.memory_space<vmem>>
        %parallel_loop3A_824 = tpu.memref_squeeze %parallel_loop3A_823 : memref<1x256x32xf32, #tpu.memory_space<vmem>> -> memref<256x32xf32, #tpu.memory_space<vmem>>
        %parallel_loop3A_825 = tpu.vector_load_idx %parallel_loop3A_824[%parallel_loop3A_577, %parallel_loop3A_819] : memref<256x32xf32, #tpu.memory_space<vmem>>[vector<16xi32>, vector<16xi32>], vector<16xf32>,
        %parallel_loop3A_826 = arith.constant 31 : i32
        %parallel_loop3A_827 = vector.broadcast %parallel_loop3A_826 : i32 to vector<16xi32>
        %parallel_loop3A_828 = arith.constant 1 : i32
        %parallel_loop3A_829 = arith.constant 0 : i32
        %parallel_loop3A_830 = arith.constant 0 : i32
        %parallel_loop3A_831 = tpu.memref_slice %arg6[%parallel_loop3A_828, %parallel_loop3A_829, %parallel_loop3A_830] : memref<4x256x32xf32, #tpu.memory_space<vmem>> -> memref<1x256x32xf32, #tpu.memory_space<vmem>>
        %parallel_loop3A_832 = tpu.memref_squeeze %parallel_loop3A_831 : memref<1x256x32xf32, #tpu.memory_space<vmem>> -> memref<256x32xf32, #tpu.memory_space<vmem>>
        %parallel_loop3A_833 = tpu.vector_load_idx %parallel_loop3A_832[%parallel_loop3A_577, %parallel_loop3A_827] : memref<256x32xf32, #tpu.memory_space<vmem>>[vector<16xi32>, vector<16xi32>], vector<16xf32>,
        %parallel_loop3A_834 = arith.constant 16 : i32
        %parallel_loop3A_835 = arith.muli %parallel_loop3A_572, %parallel_loop3A_834 : i32
        %parallel_loop3A_836 = arith.constant 1 : i32
        %parallel_loop3A_837 = arith.constant 0 : i32
        %parallel_loop3A_838 = arith.constant 0 : i32
        %parallel_loop3A_839 = arith.index_cast %parallel_loop3A_836 : i32 to index
        %parallel_loop3A_840 = arith.index_cast %parallel_loop3A_837 : i32 to index
        %parallel_loop3A_841 = arith.index_cast %parallel_loop3A_556 : i32 to index
        %parallel_loop3A_842 = arith.index_cast %parallel_loop3A_838 : i32 to index
        %parallel_loop3A_843 = arith.index_cast %parallel_loop3A_835 : i32 to index
        %parallel_loop3A_844 = tpu.vector_load %arg7[%parallel_loop3A_839, %parallel_loop3A_840, %parallel_loop3A_841, %parallel_loop3A_842, %parallel_loop3A_843] {strides = array<i32>} : memref<2x4x2x8x128xf32, #tpu.memory_space<vmem>>, vector<16xf32>,
        tpu.vector_store %arg7[%parallel_loop3A_839, %parallel_loop3A_840, %parallel_loop3A_841, %parallel_loop3A_842, %parallel_loop3A_843], %parallel_loop3A_585 {strides = array<i32>} : memref<2x4x2x8x128xf32, #tpu.memory_space<vmem>>, vector<16xf32>,
        %parallel_loop3A_845 = arith.constant 16 : i32
        %parallel_loop3A_846 = arith.muli %parallel_loop3A_572, %parallel_loop3A_845 : i32
        %parallel_loop3A_847 = arith.constant 1 : i32
        %parallel_loop3A_848 = arith.constant 0 : i32
        %parallel_loop3A_849 = arith.constant 1 : i32
        %parallel_loop3A_850 = arith.index_cast %parallel_loop3A_847 : i32 to index
        %parallel_loop3A_851 = arith.index_cast %parallel_loop3A_848 : i32 to index
        %parallel_loop3A_852 = arith.index_cast %parallel_loop3A_556 : i32 to index
        %parallel_loop3A_853 = arith.index_cast %parallel_loop3A_849 : i32 to index
        %parallel_loop3A_854 = arith.index_cast %parallel_loop3A_846 : i32 to index
        %parallel_loop3A_855 = tpu.vector_load %arg7[%parallel_loop3A_850, %parallel_loop3A_851, %parallel_loop3A_852, %parallel_loop3A_853, %parallel_loop3A_854] {strides = array<i32>} : memref<2x4x2x8x128xf32, #tpu.memory_space<vmem>>, vector<16xf32>,
        tpu.vector_store %arg7[%parallel_loop3A_850, %parallel_loop3A_851, %parallel_loop3A_852, %parallel_loop3A_853, %parallel_loop3A_854], %parallel_loop3A_593 {strides = array<i32>} : memref<2x4x2x8x128xf32, #tpu.memory_space<vmem>>, vector<16xf32>,
        %parallel_loop3A_856 = arith.constant 16 : i32
        %parallel_loop3A_857 = arith.muli %parallel_loop3A_572, %parallel_loop3A_856 : i32
        %parallel_loop3A_858 = arith.constant 1 : i32
        %parallel_loop3A_859 = arith.constant 0 : i32
        %parallel_loop3A_860 = arith.constant 2 : i32
        %parallel_loop3A_861 = arith.index_cast %parallel_loop3A_858 : i32 to index
        %parallel_loop3A_862 = arith.index_cast %parallel_loop3A_859 : i32 to index
        %parallel_loop3A_863 = arith.index_cast %parallel_loop3A_556 : i32 to index
        %parallel_loop3A_864 = arith.index_cast %parallel_loop3A_860 : i32 to index
        %parallel_loop3A_865 = arith.index_cast %parallel_loop3A_857 : i32 to index
        %parallel_loop3A_866 = tpu.vector_load %arg7[%parallel_loop3A_861, %parallel_loop3A_862, %parallel_loop3A_863, %parallel_loop3A_864, %parallel_loop3A_865] {strides = array<i32>} : memref<2x4x2x8x128xf32, #tpu.memory_space<vmem>>, vector<16xf32>,
        tpu.vector_store %arg7[%parallel_loop3A_861, %parallel_loop3A_862, %parallel_loop3A_863, %parallel_loop3A_864, %parallel_loop3A_865], %parallel_loop3A_601 {strides = array<i32>} : memref<2x4x2x8x128xf32, #tpu.memory_space<vmem>>, vector<16xf32>,
        %parallel_loop3A_867 = arith.constant 16 : i32
        %parallel_loop3A_868 = arith.muli %parallel_loop3A_572, %parallel_loop3A_867 : i32
        %parallel_loop3A_869 = arith.constant 1 : i32
        %parallel_loop3A_870 = arith.constant 0 : i32
        %parallel_loop3A_871 = arith.constant 3 : i32
        %parallel_loop3A_872 = arith.index_cast %parallel_loop3A_869 : i32 to index
        %parallel_loop3A_873 = arith.index_cast %parallel_loop3A_870 : i32 to index
        %parallel_loop3A_874 = arith.index_cast %parallel_loop3A_556 : i32 to index
        %parallel_loop3A_875 = arith.index_cast %parallel_loop3A_871 : i32 to index
        %parallel_loop3A_876 = arith.index_cast %parallel_loop3A_868 : i32 to index
        %parallel_loop3A_877 = tpu.vector_load %arg7[%parallel_loop3A_872, %parallel_loop3A_873, %parallel_loop3A_874, %parallel_loop3A_875, %parallel_loop3A_876] {strides = array<i32>} : memref<2x4x2x8x128xf32, #tpu.memory_space<vmem>>, vector<16xf32>,
        tpu.vector_store %arg7[%parallel_loop3A_872, %parallel_loop3A_873, %parallel_loop3A_874, %parallel_loop3A_875, %parallel_loop3A_876], %parallel_loop3A_609 {strides = array<i32>} : memref<2x4x2x8x128xf32, #tpu.memory_space<vmem>>, vector<16xf32>,
        %parallel_loop3A_878 = arith.constant 16 : i32
        %parallel_loop3A_879 = arith.muli %parallel_loop3A_572, %parallel_loop3A_878 : i32
        %parallel_loop3A_880 = arith.constant 1 : i32
        %parallel_loop3A_881 = arith.constant 0 : i32
        %parallel_loop3A_882 = arith.constant 4 : i32
        %parallel_loop3A_883 = arith.index_cast %parallel_loop3A_880 : i32 to index
        %parallel_loop3A_884 = arith.index_cast %parallel_loop3A_881 : i32 to index
        %parallel_loop3A_885 = arith.index_cast %parallel_loop3A_556 : i32 to index
        %parallel_loop3A_886 = arith.index_cast %parallel_loop3A_882 : i32 to index
        %parallel_loop3A_887 = arith.index_cast %parallel_loop3A_879 : i32 to index
        %parallel_loop3A_888 = tpu.vector_load %arg7[%parallel_loop3A_883, %parallel_loop3A_884, %parallel_loop3A_885, %parallel_loop3A_886, %parallel_loop3A_887] {strides = array<i32>} : memref<2x4x2x8x128xf32, #tpu.memory_space<vmem>>, vector<16xf32>,
        tpu.vector_store %arg7[%parallel_loop3A_883, %parallel_loop3A_884, %parallel_loop3A_885, %parallel_loop3A_886, %parallel_loop3A_887], %parallel_loop3A_617 {strides = array<i32>} : memref<2x4x2x8x128xf32, #tpu.memory_space<vmem>>, vector<16xf32>,
        %parallel_loop3A_889 = arith.constant 16 : i32
        %parallel_loop3A_890 = arith.muli %parallel_loop3A_572, %parallel_loop3A_889 : i32
        %parallel_loop3A_891 = arith.constant 1 : i32
        %parallel_loop3A_892 = arith.constant 0 : i32
        %parallel_loop3A_893 = arith.constant 5 : i32
        %parallel_loop3A_894 = arith.index_cast %parallel_loop3A_891 : i32 to index
        %parallel_loop3A_895 = arith.index_cast %parallel_loop3A_892 : i32 to index
        %parallel_loop3A_896 = arith.index_cast %parallel_loop3A_556 : i32 to index
        %parallel_loop3A_897 = arith.index_cast %parallel_loop3A_893 : i32 to index
        %parallel_loop3A_898 = arith.index_cast %parallel_loop3A_890 : i32 to index
        %parallel_loop3A_899 = tpu.vector_load %arg7[%parallel_loop3A_894, %parallel_loop3A_895, %parallel_loop3A_896, %parallel_loop3A_897, %parallel_loop3A_898] {strides = array<i32>} : memref<2x4x2x8x128xf32, #tpu.memory_space<vmem>>, vector<16xf32>,
        tpu.vector_store %arg7[%parallel_loop3A_894, %parallel_loop3A_895, %parallel_loop3A_896, %parallel_loop3A_897, %parallel_loop3A_898], %parallel_loop3A_625 {strides = array<i32>} : memref<2x4x2x8x128xf32, #tpu.memory_space<vmem>>, vector<16xf32>,
        %parallel_loop3A_900 = arith.constant 16 : i32
        %parallel_loop3A_901 = arith.muli %parallel_loop3A_572, %parallel_loop3A_900 : i32
        %parallel_loop3A_902 = arith.constant 1 : i32
        %parallel_loop3A_903 = arith.constant 0 : i32
        %parallel_loop3A_904 = arith.constant 6 : i32
        %parallel_loop3A_905 = arith.index_cast %parallel_loop3A_902 : i32 to index
        %parallel_loop3A_906 = arith.index_cast %parallel_loop3A_903 : i32 to index
        %parallel_loop3A_907 = arith.index_cast %parallel_loop3A_556 : i32 to index
        %parallel_loop3A_908 = arith.index_cast %parallel_loop3A_904 : i32 to index
        %parallel_loop3A_909 = arith.index_cast %parallel_loop3A_901 : i32 to index
        %parallel_loop3A_910 = tpu.vector_load %arg7[%parallel_loop3A_905, %parallel_loop3A_906, %parallel_loop3A_907, %parallel_loop3A_908, %parallel_loop3A_909] {strides = array<i32>} : memref<2x4x2x8x128xf32, #tpu.memory_space<vmem>>, vector<16xf32>,
        tpu.vector_store %arg7[%parallel_loop3A_905, %parallel_loop3A_906, %parallel_loop3A_907, %parallel_loop3A_908, %parallel_loop3A_909], %parallel_loop3A_633 {strides = array<i32>} : memref<2x4x2x8x128xf32, #tpu.memory_space<vmem>>, vector<16xf32>,
        %parallel_loop3A_911 = arith.constant 16 : i32
        %parallel_loop3A_912 = arith.muli %parallel_loop3A_572, %parallel_loop3A_911 : i32
        %parallel_loop3A_913 = arith.constant 1 : i32
        %parallel_loop3A_914 = arith.constant 0 : i32
        %parallel_loop3A_915 = arith.constant 7 : i32
        %parallel_loop3A_916 = arith.index_cast %parallel_loop3A_913 : i32 to index
        %parallel_loop3A_917 = arith.index_cast %parallel_loop3A_914 : i32 to index
        %parallel_loop3A_918 = arith.index_cast %parallel_loop3A_556 : i32 to index
        %parallel_loop3A_919 = arith.index_cast %parallel_loop3A_915 : i32 to index
        %parallel_loop3A_920 = arith.index_cast %parallel_loop3A_912 : i32 to index
        %parallel_loop3A_921 = tpu.vector_load %arg7[%parallel_loop3A_916, %parallel_loop3A_917, %parallel_loop3A_918, %parallel_loop3A_919, %parallel_loop3A_920] {strides = array<i32>} : memref<2x4x2x8x128xf32, #tpu.memory_space<vmem>>, vector<16xf32>,
        tpu.vector_store %arg7[%parallel_loop3A_916, %parallel_loop3A_917, %parallel_loop3A_918, %parallel_loop3A_919, %parallel_loop3A_920], %parallel_loop3A_641 {strides = array<i32>} : memref<2x4x2x8x128xf32, #tpu.memory_space<vmem>>, vector<16xf32>,
        %parallel_loop3A_922 = arith.constant 16 : i32
        %parallel_loop3A_923 = arith.muli %parallel_loop3A_572, %parallel_loop3A_922 : i32
        %parallel_loop3A_924 = arith.constant 1 : i32
        %parallel_loop3A_925 = arith.constant 1 : i32
        %parallel_loop3A_926 = arith.constant 0 : i32
        %parallel_loop3A_927 = arith.index_cast %parallel_loop3A_924 : i32 to index
        %parallel_loop3A_928 = arith.index_cast %parallel_loop3A_925 : i32 to index
        %parallel_loop3A_929 = arith.index_cast %parallel_loop3A_556 : i32 to index
        %parallel_loop3A_930 = arith.index_cast %parallel_loop3A_926 : i32 to index
        %parallel_loop3A_931 = arith.index_cast %parallel_loop3A_923 : i32 to index
        %parallel_loop3A_932 = tpu.vector_load %arg7[%parallel_loop3A_927, %parallel_loop3A_928, %parallel_loop3A_929, %parallel_loop3A_930, %parallel_loop3A_931] {strides = array<i32>} : memref<2x4x2x8x128xf32, #tpu.memory_space<vmem>>, vector<16xf32>,
        tpu.vector_store %arg7[%parallel_loop3A_927, %parallel_loop3A_928, %parallel_loop3A_929, %parallel_loop3A_930, %parallel_loop3A_931], %parallel_loop3A_649 {strides = array<i32>} : memref<2x4x2x8x128xf32, #tpu.memory_space<vmem>>, vector<16xf32>,
        %parallel_loop3A_933 = arith.constant 16 : i32
        %parallel_loop3A_934 = arith.muli %parallel_loop3A_572, %parallel_loop3A_933 : i32
        %parallel_loop3A_935 = arith.constant 1 : i32
        %parallel_loop3A_936 = arith.constant 1 : i32
        %parallel_loop3A_937 = arith.constant 1 : i32
        %parallel_loop3A_938 = arith.index_cast %parallel_loop3A_935 : i32 to index
        %parallel_loop3A_939 = arith.index_cast %parallel_loop3A_936 : i32 to index
        %parallel_loop3A_940 = arith.index_cast %parallel_loop3A_556 : i32 to index
        %parallel_loop3A_941 = arith.index_cast %parallel_loop3A_937 : i32 to index
        %parallel_loop3A_942 = arith.index_cast %parallel_loop3A_934 : i32 to index
        %parallel_loop3A_943 = tpu.vector_load %arg7[%parallel_loop3A_938, %parallel_loop3A_939, %parallel_loop3A_940, %parallel_loop3A_941, %parallel_loop3A_942] {strides = array<i32>} : memref<2x4x2x8x128xf32, #tpu.memory_space<vmem>>, vector<16xf32>,
        tpu.vector_store %arg7[%parallel_loop3A_938, %parallel_loop3A_939, %parallel_loop3A_940, %parallel_loop3A_941, %parallel_loop3A_942], %parallel_loop3A_657 {strides = array<i32>} : memref<2x4x2x8x128xf32, #tpu.memory_space<vmem>>, vector<16xf32>,
        %parallel_loop3A_944 = arith.constant 16 : i32
        %parallel_loop3A_945 = arith.muli %parallel_loop3A_572, %parallel_loop3A_944 : i32
        %parallel_loop3A_946 = arith.constant 1 : i32
        %parallel_loop3A_947 = arith.constant 1 : i32
        %parallel_loop3A_948 = arith.constant 2 : i32
        %parallel_loop3A_949 = arith.index_cast %parallel_loop3A_946 : i32 to index
        %parallel_loop3A_950 = arith.index_cast %parallel_loop3A_947 : i32 to index
        %parallel_loop3A_951 = arith.index_cast %parallel_loop3A_556 : i32 to index
        %parallel_loop3A_952 = arith.index_cast %parallel_loop3A_948 : i32 to index
        %parallel_loop3A_953 = arith.index_cast %parallel_loop3A_945 : i32 to index
        %parallel_loop3A_954 = tpu.vector_load %arg7[%parallel_loop3A_949, %parallel_loop3A_950, %parallel_loop3A_951, %parallel_loop3A_952, %parallel_loop3A_953] {strides = array<i32>} : memref<2x4x2x8x128xf32, #tpu.memory_space<vmem>>, vector<16xf32>,
        tpu.vector_store %arg7[%parallel_loop3A_949, %parallel_loop3A_950, %parallel_loop3A_951, %parallel_loop3A_952, %parallel_loop3A_953], %parallel_loop3A_665 {strides = array<i32>} : memref<2x4x2x8x128xf32, #tpu.memory_space<vmem>>, vector<16xf32>,
        %parallel_loop3A_955 = arith.constant 16 : i32
        %parallel_loop3A_956 = arith.muli %parallel_loop3A_572, %parallel_loop3A_955 : i32
        %parallel_loop3A_957 = arith.constant 1 : i32
        %parallel_loop3A_958 = arith.constant 1 : i32
        %parallel_loop3A_959 = arith.constant 3 : i32
        %parallel_loop3A_960 = arith.index_cast %parallel_loop3A_957 : i32 to index
        %parallel_loop3A_961 = arith.index_cast %parallel_loop3A_958 : i32 to index
        %parallel_loop3A_962 = arith.index_cast %parallel_loop3A_556 : i32 to index
        %parallel_loop3A_963 = arith.index_cast %parallel_loop3A_959 : i32 to index
        %parallel_loop3A_964 = arith.index_cast %parallel_loop3A_956 : i32 to index
        %parallel_loop3A_965 = tpu.vector_load %arg7[%parallel_loop3A_960, %parallel_loop3A_961, %parallel_loop3A_962, %parallel_loop3A_963, %parallel_loop3A_964] {strides = array<i32>} : memref<2x4x2x8x128xf32, #tpu.memory_space<vmem>>, vector<16xf32>,
        tpu.vector_store %arg7[%parallel_loop3A_960, %parallel_loop3A_961, %parallel_loop3A_962, %parallel_loop3A_963, %parallel_loop3A_964], %parallel_loop3A_673 {strides = array<i32>} : memref<2x4x2x8x128xf32, #tpu.memory_space<vmem>>, vector<16xf32>,
        %parallel_loop3A_966 = arith.constant 16 : i32
        %parallel_loop3A_967 = arith.muli %parallel_loop3A_572, %parallel_loop3A_966 : i32
        %parallel_loop3A_968 = arith.constant 1 : i32
        %parallel_loop3A_969 = arith.constant 1 : i32
        %parallel_loop3A_970 = arith.constant 4 : i32
        %parallel_loop3A_971 = arith.index_cast %parallel_loop3A_968 : i32 to index
        %parallel_loop3A_972 = arith.index_cast %parallel_loop3A_969 : i32 to index
        %parallel_loop3A_973 = arith.index_cast %parallel_loop3A_556 : i32 to index
        %parallel_loop3A_974 = arith.index_cast %parallel_loop3A_970 : i32 to index
        %parallel_loop3A_975 = arith.index_cast %parallel_loop3A_967 : i32 to index
        %parallel_loop3A_976 = tpu.vector_load %arg7[%parallel_loop3A_971, %parallel_loop3A_972, %parallel_loop3A_973, %parallel_loop3A_974, %parallel_loop3A_975] {strides = array<i32>} : memref<2x4x2x8x128xf32, #tpu.memory_space<vmem>>, vector<16xf32>,
        tpu.vector_store %arg7[%parallel_loop3A_971, %parallel_loop3A_972, %parallel_loop3A_973, %parallel_loop3A_974, %parallel_loop3A_975], %parallel_loop3A_681 {strides = array<i32>} : memref<2x4x2x8x128xf32, #tpu.memory_space<vmem>>, vector<16xf32>,
        %parallel_loop3A_977 = arith.constant 16 : i32
        %parallel_loop3A_978 = arith.muli %parallel_loop3A_572, %parallel_loop3A_977 : i32
        %parallel_loop3A_979 = arith.constant 1 : i32
        %parallel_loop3A_980 = arith.constant 1 : i32
        %parallel_loop3A_981 = arith.constant 5 : i32
        %parallel_loop3A_982 = arith.index_cast %parallel_loop3A_979 : i32 to index
        %parallel_loop3A_983 = arith.index_cast %parallel_loop3A_980 : i32 to index
        %parallel_loop3A_984 = arith.index_cast %parallel_loop3A_556 : i32 to index
        %parallel_loop3A_985 = arith.index_cast %parallel_loop3A_981 : i32 to index
        %parallel_loop3A_986 = arith.index_cast %parallel_loop3A_978 : i32 to index
        %parallel_loop3A_987 = tpu.vector_load %arg7[%parallel_loop3A_982, %parallel_loop3A_983, %parallel_loop3A_984, %parallel_loop3A_985, %parallel_loop3A_986] {strides = array<i32>} : memref<2x4x2x8x128xf32, #tpu.memory_space<vmem>>, vector<16xf32>,
        tpu.vector_store %arg7[%parallel_loop3A_982, %parallel_loop3A_983, %parallel_loop3A_984, %parallel_loop3A_985, %parallel_loop3A_986], %parallel_loop3A_689 {strides = array<i32>} : memref<2x4x2x8x128xf32, #tpu.memory_space<vmem>>, vector<16xf32>,
        %parallel_loop3A_988 = arith.constant 16 : i32
        %parallel_loop3A_989 = arith.muli %parallel_loop3A_572, %parallel_loop3A_988 : i32
        %parallel_loop3A_990 = arith.constant 1 : i32
        %parallel_loop3A_991 = arith.constant 1 : i32
        %parallel_loop3A_992 = arith.constant 6 : i32
        %parallel_loop3A_993 = arith.index_cast %parallel_loop3A_990 : i32 to index
        %parallel_loop3A_994 = arith.index_cast %parallel_loop3A_991 : i32 to index
        %parallel_loop3A_995 = arith.index_cast %parallel_loop3A_556 : i32 to index
        %parallel_loop3A_996 = arith.index_cast %parallel_loop3A_992 : i32 to index
        %parallel_loop3A_997 = arith.index_cast %parallel_loop3A_989 : i32 to index
        %parallel_loop3A_998 = tpu.vector_load %arg7[%parallel_loop3A_993, %parallel_loop3A_994, %parallel_loop3A_995, %parallel_loop3A_996, %parallel_loop3A_997] {strides = array<i32>} : memref<2x4x2x8x128xf32, #tpu.memory_space<vmem>>, vector<16xf32>,
        tpu.vector_store %arg7[%parallel_loop3A_993, %parallel_loop3A_994, %parallel_loop3A_995, %parallel_loop3A_996, %parallel_loop3A_997], %parallel_loop3A_697 {strides = array<i32>} : memref<2x4x2x8x128xf32, #tpu.memory_space<vmem>>, vector<16xf32>,
        %parallel_loop3A_999 = arith.constant 16 : i32
        %parallel_loop3A_1000 = arith.muli %parallel_loop3A_572, %parallel_loop3A_999 : i32
        %parallel_loop3A_1001 = arith.constant 1 : i32
        %parallel_loop3A_1002 = arith.constant 1 : i32
        %parallel_loop3A_1003 = arith.constant 7 : i32
        %parallel_loop3A_1004 = arith.index_cast %parallel_loop3A_1001 : i32 to index
        %parallel_loop3A_1005 = arith.index_cast %parallel_loop3A_1002 : i32 to index
        %parallel_loop3A_1006 = arith.index_cast %parallel_loop3A_556 : i32 to index
        %parallel_loop3A_1007 = arith.index_cast %parallel_loop3A_1003 : i32 to index
        %parallel_loop3A_1008 = arith.index_cast %parallel_loop3A_1000 : i32 to index
        %parallel_loop3A_1009 = tpu.vector_load %arg7[%parallel_loop3A_1004, %parallel_loop3A_1005, %parallel_loop3A_1006, %parallel_loop3A_1007, %parallel_loop3A_1008] {strides = array<i32>} : memref<2x4x2x8x128xf32, #tpu.memory_space<vmem>>, vector<16xf32>,
        tpu.vector_store %arg7[%parallel_loop3A_1004, %parallel_loop3A_1005, %parallel_loop3A_1006, %parallel_loop3A_1007, %parallel_loop3A_1008], %parallel_loop3A_705 {strides = array<i32>} : memref<2x4x2x8x128xf32, #tpu.memory_space<vmem>>, vector<16xf32>,
        %parallel_loop3A_1010 = arith.constant 16 : i32
        %parallel_loop3A_1011 = arith.muli %parallel_loop3A_572, %parallel_loop3A_1010 : i32
        %parallel_loop3A_1012 = arith.constant 1 : i32
        %parallel_loop3A_1013 = arith.constant 2 : i32
        %parallel_loop3A_1014 = arith.constant 0 : i32
        %parallel_loop3A_1015 = arith.index_cast %parallel_loop3A_1012 : i32 to index
        %parallel_loop3A_1016 = arith.index_cast %parallel_loop3A_1013 : i32 to index
        %parallel_loop3A_1017 = arith.index_cast %parallel_loop3A_556 : i32 to index
        %parallel_loop3A_1018 = arith.index_cast %parallel_loop3A_1014 : i32 to index
        %parallel_loop3A_1019 = arith.index_cast %parallel_loop3A_1011 : i32 to index
        %parallel_loop3A_1020 = tpu.vector_load %arg7[%parallel_loop3A_1015, %parallel_loop3A_1016, %parallel_loop3A_1017, %parallel_loop3A_1018, %parallel_loop3A_1019] {strides = array<i32>} : memref<2x4x2x8x128xf32, #tpu.memory_space<vmem>>, vector<16xf32>,
        tpu.vector_store %arg7[%parallel_loop3A_1015, %parallel_loop3A_1016, %parallel_loop3A_1017, %parallel_loop3A_1018, %parallel_loop3A_1019], %parallel_loop3A_713 {strides = array<i32>} : memref<2x4x2x8x128xf32, #tpu.memory_space<vmem>>, vector<16xf32>,
        %parallel_loop3A_1021 = arith.constant 16 : i32
        %parallel_loop3A_1022 = arith.muli %parallel_loop3A_572, %parallel_loop3A_1021 : i32
        %parallel_loop3A_1023 = arith.constant 1 : i32
        %parallel_loop3A_1024 = arith.constant 2 : i32
        %parallel_loop3A_1025 = arith.constant 1 : i32
        %parallel_loop3A_1026 = arith.index_cast %parallel_loop3A_1023 : i32 to index
        %parallel_loop3A_1027 = arith.index_cast %parallel_loop3A_1024 : i32 to index
        %parallel_loop3A_1028 = arith.index_cast %parallel_loop3A_556 : i32 to index
        %parallel_loop3A_1029 = arith.index_cast %parallel_loop3A_1025 : i32 to index
        %parallel_loop3A_1030 = arith.index_cast %parallel_loop3A_1022 : i32 to index
        %parallel_loop3A_1031 = tpu.vector_load %arg7[%parallel_loop3A_1026, %parallel_loop3A_1027, %parallel_loop3A_1028, %parallel_loop3A_1029, %parallel_loop3A_1030] {strides = array<i32>} : memref<2x4x2x8x128xf32, #tpu.memory_space<vmem>>, vector<16xf32>,
        tpu.vector_store %arg7[%parallel_loop3A_1026, %parallel_loop3A_1027, %parallel_loop3A_1028, %parallel_loop3A_1029, %parallel_loop3A_1030], %parallel_loop3A_721 {strides = array<i32>} : memref<2x4x2x8x128xf32, #tpu.memory_space<vmem>>, vector<16xf32>,
        %parallel_loop3A_1032 = arith.constant 16 : i32
        %parallel_loop3A_1033 = arith.muli %parallel_loop3A_572, %parallel_loop3A_1032 : i32
        %parallel_loop3A_1034 = arith.constant 1 : i32
        %parallel_loop3A_1035 = arith.constant 2 : i32
        %parallel_loop3A_1036 = arith.constant 2 : i32
        %parallel_loop3A_1037 = arith.index_cast %parallel_loop3A_1034 : i32 to index
        %parallel_loop3A_1038 = arith.index_cast %parallel_loop3A_1035 : i32 to index
        %parallel_loop3A_1039 = arith.index_cast %parallel_loop3A_556 : i32 to index
        %parallel_loop3A_1040 = arith.index_cast %parallel_loop3A_1036 : i32 to index
        %parallel_loop3A_1041 = arith.index_cast %parallel_loop3A_1033 : i32 to index
        %parallel_loop3A_1042 = tpu.vector_load %arg7[%parallel_loop3A_1037, %parallel_loop3A_1038, %parallel_loop3A_1039, %parallel_loop3A_1040, %parallel_loop3A_1041] {strides = array<i32>} : memref<2x4x2x8x128xf32, #tpu.memory_space<vmem>>, vector<16xf32>,
        tpu.vector_store %arg7[%parallel_loop3A_1037, %parallel_loop3A_1038, %parallel_loop3A_1039, %parallel_loop3A_1040, %parallel_loop3A_1041], %parallel_loop3A_729 {strides = array<i32>} : memref<2x4x2x8x128xf32, #tpu.memory_space<vmem>>, vector<16xf32>,
        %parallel_loop3A_1043 = arith.constant 16 : i32
        %parallel_loop3A_1044 = arith.muli %parallel_loop3A_572, %parallel_loop3A_1043 : i32
        %parallel_loop3A_1045 = arith.constant 1 : i32
        %parallel_loop3A_1046 = arith.constant 2 : i32
        %parallel_loop3A_1047 = arith.constant 3 : i32
        %parallel_loop3A_1048 = arith.index_cast %parallel_loop3A_1045 : i32 to index
        %parallel_loop3A_1049 = arith.index_cast %parallel_loop3A_1046 : i32 to index
        %parallel_loop3A_1050 = arith.index_cast %parallel_loop3A_556 : i32 to index
        %parallel_loop3A_1051 = arith.index_cast %parallel_loop3A_1047 : i32 to index
        %parallel_loop3A_1052 = arith.index_cast %parallel_loop3A_1044 : i32 to index
        %parallel_loop3A_1053 = tpu.vector_load %arg7[%parallel_loop3A_1048, %parallel_loop3A_1049, %parallel_loop3A_1050, %parallel_loop3A_1051, %parallel_loop3A_1052] {strides = array<i32>} : memref<2x4x2x8x128xf32, #tpu.memory_space<vmem>>, vector<16xf32>,
        tpu.vector_store %arg7[%parallel_loop3A_1048, %parallel_loop3A_1049, %parallel_loop3A_1050, %parallel_loop3A_1051, %parallel_loop3A_1052], %parallel_loop3A_737 {strides = array<i32>} : memref<2x4x2x8x128xf32, #tpu.memory_space<vmem>>, vector<16xf32>,
        %parallel_loop3A_1054 = arith.constant 16 : i32
        %parallel_loop3A_1055 = arith.muli %parallel_loop3A_572, %parallel_loop3A_1054 : i32
        %parallel_loop3A_1056 = arith.constant 1 : i32
        %parallel_loop3A_1057 = arith.constant 2 : i32
        %parallel_loop3A_1058 = arith.constant 4 : i32
        %parallel_loop3A_1059 = arith.index_cast %parallel_loop3A_1056 : i32 to index
        %parallel_loop3A_1060 = arith.index_cast %parallel_loop3A_1057 : i32 to index
        %parallel_loop3A_1061 = arith.index_cast %parallel_loop3A_556 : i32 to index
        %parallel_loop3A_1062 = arith.index_cast %parallel_loop3A_1058 : i32 to index
        %parallel_loop3A_1063 = arith.index_cast %parallel_loop3A_1055 : i32 to index
        %parallel_loop3A_1064 = tpu.vector_load %arg7[%parallel_loop3A_1059, %parallel_loop3A_1060, %parallel_loop3A_1061, %parallel_loop3A_1062, %parallel_loop3A_1063] {strides = array<i32>} : memref<2x4x2x8x128xf32, #tpu.memory_space<vmem>>, vector<16xf32>,
        tpu.vector_store %arg7[%parallel_loop3A_1059, %parallel_loop3A_1060, %parallel_loop3A_1061, %parallel_loop3A_1062, %parallel_loop3A_1063], %parallel_loop3A_745 {strides = array<i32>} : memref<2x4x2x8x128xf32, #tpu.memory_space<vmem>>, vector<16xf32>,
        %parallel_loop3A_1065 = arith.constant 16 : i32
        %parallel_loop3A_1066 = arith.muli %parallel_loop3A_572, %parallel_loop3A_1065 : i32
        %parallel_loop3A_1067 = arith.constant 1 : i32
        %parallel_loop3A_1068 = arith.constant 2 : i32
        %parallel_loop3A_1069 = arith.constant 5 : i32
        %parallel_loop3A_1070 = arith.index_cast %parallel_loop3A_1067 : i32 to index
        %parallel_loop3A_1071 = arith.index_cast %parallel_loop3A_1068 : i32 to index
        %parallel_loop3A_1072 = arith.index_cast %parallel_loop3A_556 : i32 to index
        %parallel_loop3A_1073 = arith.index_cast %parallel_loop3A_1069 : i32 to index
        %parallel_loop3A_1074 = arith.index_cast %parallel_loop3A_1066 : i32 to index
        %parallel_loop3A_1075 = tpu.vector_load %arg7[%parallel_loop3A_1070, %parallel_loop3A_1071, %parallel_loop3A_1072, %parallel_loop3A_1073, %parallel_loop3A_1074] {strides = array<i32>} : memref<2x4x2x8x128xf32, #tpu.memory_space<vmem>>, vector<16xf32>,
        tpu.vector_store %arg7[%parallel_loop3A_1070, %parallel_loop3A_1071, %parallel_loop3A_1072, %parallel_loop3A_1073, %parallel_loop3A_1074], %parallel_loop3A_753 {strides = array<i32>} : memref<2x4x2x8x128xf32, #tpu.memory_space<vmem>>, vector<16xf32>,
        %parallel_loop3A_1076 = arith.constant 16 : i32
        %parallel_loop3A_1077 = arith.muli %parallel_loop3A_572, %parallel_loop3A_1076 : i32
        %parallel_loop3A_1078 = arith.constant 1 : i32
        %parallel_loop3A_1079 = arith.constant 2 : i32
        %parallel_loop3A_1080 = arith.constant 6 : i32
        %parallel_loop3A_1081 = arith.index_cast %parallel_loop3A_1078 : i32 to index
        %parallel_loop3A_1082 = arith.index_cast %parallel_loop3A_1079 : i32 to index
        %parallel_loop3A_1083 = arith.index_cast %parallel_loop3A_556 : i32 to index
        %parallel_loop3A_1084 = arith.index_cast %parallel_loop3A_1080 : i32 to index
        %parallel_loop3A_1085 = arith.index_cast %parallel_loop3A_1077 : i32 to index
        %parallel_loop3A_1086 = tpu.vector_load %arg7[%parallel_loop3A_1081, %parallel_loop3A_1082, %parallel_loop3A_1083, %parallel_loop3A_1084, %parallel_loop3A_1085] {strides = array<i32>} : memref<2x4x2x8x128xf32, #tpu.memory_space<vmem>>, vector<16xf32>,
        tpu.vector_store %arg7[%parallel_loop3A_1081, %parallel_loop3A_1082, %parallel_loop3A_1083, %parallel_loop3A_1084, %parallel_loop3A_1085], %parallel_loop3A_761 {strides = array<i32>} : memref<2x4x2x8x128xf32, #tpu.memory_space<vmem>>, vector<16xf32>,
        %parallel_loop3A_1087 = arith.constant 16 : i32
        %parallel_loop3A_1088 = arith.muli %parallel_loop3A_572, %parallel_loop3A_1087 : i32
        %parallel_loop3A_1089 = arith.constant 1 : i32
        %parallel_loop3A_1090 = arith.constant 2 : i32
        %parallel_loop3A_1091 = arith.constant 7 : i32
        %parallel_loop3A_1092 = arith.index_cast %parallel_loop3A_1089 : i32 to index
        %parallel_loop3A_1093 = arith.index_cast %parallel_loop3A_1090 : i32 to index
        %parallel_loop3A_1094 = arith.index_cast %parallel_loop3A_556 : i32 to index
        %parallel_loop3A_1095 = arith.index_cast %parallel_loop3A_1091 : i32 to index
        %parallel_loop3A_1096 = arith.index_cast %parallel_loop3A_1088 : i32 to index
        %parallel_loop3A_1097 = tpu.vector_load %arg7[%parallel_loop3A_1092, %parallel_loop3A_1093, %parallel_loop3A_1094, %parallel_loop3A_1095, %parallel_loop3A_1096] {strides = array<i32>} : memref<2x4x2x8x128xf32, #tpu.memory_space<vmem>>, vector<16xf32>,
        tpu.vector_store %arg7[%parallel_loop3A_1092, %parallel_loop3A_1093, %parallel_loop3A_1094, %parallel_loop3A_1095, %parallel_loop3A_1096], %parallel_loop3A_769 {strides = array<i32>} : memref<2x4x2x8x128xf32, #tpu.memory_space<vmem>>, vector<16xf32>,
        %parallel_loop3A_1098 = arith.constant 16 : i32
        %parallel_loop3A_1099 = arith.muli %parallel_loop3A_572, %parallel_loop3A_1098 : i32
        %parallel_loop3A_1100 = arith.constant 1 : i32
        %parallel_loop3A_1101 = arith.constant 3 : i32
        %parallel_loop3A_1102 = arith.constant 0 : i32
        %parallel_loop3A_1103 = arith.index_cast %parallel_loop3A_1100 : i32 to index
        %parallel_loop3A_1104 = arith.index_cast %parallel_loop3A_1101 : i32 to index
        %parallel_loop3A_1105 = arith.index_cast %parallel_loop3A_556 : i32 to index
        %parallel_loop3A_1106 = arith.index_cast %parallel_loop3A_1102 : i32 to index
        %parallel_loop3A_1107 = arith.index_cast %parallel_loop3A_1099 : i32 to index
        %parallel_loop3A_1108 = tpu.vector_load %arg7[%parallel_loop3A_1103, %parallel_loop3A_1104, %parallel_loop3A_1105, %parallel_loop3A_1106, %parallel_loop3A_1107] {strides = array<i32>} : memref<2x4x2x8x128xf32, #tpu.memory_space<vmem>>, vector<16xf32>,
        tpu.vector_store %arg7[%parallel_loop3A_1103, %parallel_loop3A_1104, %parallel_loop3A_1105, %parallel_loop3A_1106, %parallel_loop3A_1107], %parallel_loop3A_777 {strides = array<i32>} : memref<2x4x2x8x128xf32, #tpu.memory_space<vmem>>, vector<16xf32>,
        %parallel_loop3A_1109 = arith.constant 16 : i32
        %parallel_loop3A_1110 = arith.muli %parallel_loop3A_572, %parallel_loop3A_1109 : i32
        %parallel_loop3A_1111 = arith.constant 1 : i32
        %parallel_loop3A_1112 = arith.constant 3 : i32
        %parallel_loop3A_1113 = arith.constant 1 : i32
        %parallel_loop3A_1114 = arith.index_cast %parallel_loop3A_1111 : i32 to index
        %parallel_loop3A_1115 = arith.index_cast %parallel_loop3A_1112 : i32 to index
        %parallel_loop3A_1116 = arith.index_cast %parallel_loop3A_556 : i32 to index
        %parallel_loop3A_1117 = arith.index_cast %parallel_loop3A_1113 : i32 to index
        %parallel_loop3A_1118 = arith.index_cast %parallel_loop3A_1110 : i32 to index
        %parallel_loop3A_1119 = tpu.vector_load %arg7[%parallel_loop3A_1114, %parallel_loop3A_1115, %parallel_loop3A_1116, %parallel_loop3A_1117, %parallel_loop3A_1118] {strides = array<i32>} : memref<2x4x2x8x128xf32, #tpu.memory_space<vmem>>, vector<16xf32>,
        tpu.vector_store %arg7[%parallel_loop3A_1114, %parallel_loop3A_1115, %parallel_loop3A_1116, %parallel_loop3A_1117, %parallel_loop3A_1118], %parallel_loop3A_785 {strides = array<i32>} : memref<2x4x2x8x128xf32, #tpu.memory_space<vmem>>, vector<16xf32>,
        %parallel_loop3A_1120 = arith.constant 16 : i32
        %parallel_loop3A_1121 = arith.muli %parallel_loop3A_572, %parallel_loop3A_1120 : i32
        %parallel_loop3A_1122 = arith.constant 1 : i32
        %parallel_loop3A_1123 = arith.constant 3 : i32
        %parallel_loop3A_1124 = arith.constant 2 : i32
        %parallel_loop3A_1125 = arith.index_cast %parallel_loop3A_1122 : i32 to index
        %parallel_loop3A_1126 = arith.index_cast %parallel_loop3A_1123 : i32 to index
        %parallel_loop3A_1127 = arith.index_cast %parallel_loop3A_556 : i32 to index
        %parallel_loop3A_1128 = arith.index_cast %parallel_loop3A_1124 : i32 to index
        %parallel_loop3A_1129 = arith.index_cast %parallel_loop3A_1121 : i32 to index
        %parallel_loop3A_1130 = tpu.vector_load %arg7[%parallel_loop3A_1125, %parallel_loop3A_1126, %parallel_loop3A_1127, %parallel_loop3A_1128, %parallel_loop3A_1129] {strides = array<i32>} : memref<2x4x2x8x128xf32, #tpu.memory_space<vmem>>, vector<16xf32>,
        tpu.vector_store %arg7[%parallel_loop3A_1125, %parallel_loop3A_1126, %parallel_loop3A_1127, %parallel_loop3A_1128, %parallel_loop3A_1129], %parallel_loop3A_793 {strides = array<i32>} : memref<2x4x2x8x128xf32, #tpu.memory_space<vmem>>, vector<16xf32>,
        %parallel_loop3A_1131 = arith.constant 16 : i32
        %parallel_loop3A_1132 = arith.muli %parallel_loop3A_572, %parallel_loop3A_1131 : i32
        %parallel_loop3A_1133 = arith.constant 1 : i32
        %parallel_loop3A_1134 = arith.constant 3 : i32
        %parallel_loop3A_1135 = arith.constant 3 : i32
        %parallel_loop3A_1136 = arith.index_cast %parallel_loop3A_1133 : i32 to index
        %parallel_loop3A_1137 = arith.index_cast %parallel_loop3A_1134 : i32 to index
        %parallel_loop3A_1138 = arith.index_cast %parallel_loop3A_556 : i32 to index
        %parallel_loop3A_1139 = arith.index_cast %parallel_loop3A_1135 : i32 to index
        %parallel_loop3A_1140 = arith.index_cast %parallel_loop3A_1132 : i32 to index
        %parallel_loop3A_1141 = tpu.vector_load %arg7[%parallel_loop3A_1136, %parallel_loop3A_1137, %parallel_loop3A_1138, %parallel_loop3A_1139, %parallel_loop3A_1140] {strides = array<i32>} : memref<2x4x2x8x128xf32, #tpu.memory_space<vmem>>, vector<16xf32>,
        tpu.vector_store %arg7[%parallel_loop3A_1136, %parallel_loop3A_1137, %parallel_loop3A_1138, %parallel_loop3A_1139, %parallel_loop3A_1140], %parallel_loop3A_801 {strides = array<i32>} : memref<2x4x2x8x128xf32, #tpu.memory_space<vmem>>, vector<16xf32>,
        %parallel_loop3A_1142 = arith.constant 16 : i32
        %parallel_loop3A_1143 = arith.muli %parallel_loop3A_572, %parallel_loop3A_1142 : i32
        %parallel_loop3A_1144 = arith.constant 1 : i32
        %parallel_loop3A_1145 = arith.constant 3 : i32
        %parallel_loop3A_1146 = arith.constant 4 : i32
        %parallel_loop3A_1147 = arith.index_cast %parallel_loop3A_1144 : i32 to index
        %parallel_loop3A_1148 = arith.index_cast %parallel_loop3A_1145 : i32 to index
        %parallel_loop3A_1149 = arith.index_cast %parallel_loop3A_556 : i32 to index
        %parallel_loop3A_1150 = arith.index_cast %parallel_loop3A_1146 : i32 to index
        %parallel_loop3A_1151 = arith.index_cast %parallel_loop3A_1143 : i32 to index
        %parallel_loop3A_1152 = tpu.vector_load %arg7[%parallel_loop3A_1147, %parallel_loop3A_1148, %parallel_loop3A_1149, %parallel_loop3A_1150, %parallel_loop3A_1151] {strides = array<i32>} : memref<2x4x2x8x128xf32, #tpu.memory_space<vmem>>, vector<16xf32>,
        tpu.vector_store %arg7[%parallel_loop3A_1147, %parallel_loop3A_1148, %parallel_loop3A_1149, %parallel_loop3A_1150, %parallel_loop3A_1151], %parallel_loop3A_809 {strides = array<i32>} : memref<2x4x2x8x128xf32, #tpu.memory_space<vmem>>, vector<16xf32>,
        %parallel_loop3A_1153 = arith.constant 16 : i32
        %parallel_loop3A_1154 = arith.muli %parallel_loop3A_572, %parallel_loop3A_1153 : i32
        %parallel_loop3A_1155 = arith.constant 1 : i32
        %parallel_loop3A_1156 = arith.constant 3 : i32
        %parallel_loop3A_1157 = arith.constant 5 : i32
        %parallel_loop3A_1158 = arith.index_cast %parallel_loop3A_1155 : i32 to index
        %parallel_loop3A_1159 = arith.index_cast %parallel_loop3A_1156 : i32 to index
        %parallel_loop3A_1160 = arith.index_cast %parallel_loop3A_556 : i32 to index
        %parallel_loop3A_1161 = arith.index_cast %parallel_loop3A_1157 : i32 to index
        %parallel_loop3A_1162 = arith.index_cast %parallel_loop3A_1154 : i32 to index
        %parallel_loop3A_1163 = tpu.vector_load %arg7[%parallel_loop3A_1158, %parallel_loop3A_1159, %parallel_loop3A_1160, %parallel_loop3A_1161, %parallel_loop3A_1162] {strides = array<i32>} : memref<2x4x2x8x128xf32, #tpu.memory_space<vmem>>, vector<16xf32>,
        tpu.vector_store %arg7[%parallel_loop3A_1158, %parallel_loop3A_1159, %parallel_loop3A_1160, %parallel_loop3A_1161, %parallel_loop3A_1162], %parallel_loop3A_817 {strides = array<i32>} : memref<2x4x2x8x128xf32, #tpu.memory_space<vmem>>, vector<16xf32>,
        %parallel_loop3A_1164 = arith.constant 16 : i32
        %parallel_loop3A_1165 = arith.muli %parallel_loop3A_572, %parallel_loop3A_1164 : i32
        %parallel_loop3A_1166 = arith.constant 1 : i32
        %parallel_loop3A_1167 = arith.constant 3 : i32
        %parallel_loop3A_1168 = arith.constant 6 : i32
        %parallel_loop3A_1169 = arith.index_cast %parallel_loop3A_1166 : i32 to index
        %parallel_loop3A_1170 = arith.index_cast %parallel_loop3A_1167 : i32 to index
        %parallel_loop3A_1171 = arith.index_cast %parallel_loop3A_556 : i32 to index
        %parallel_loop3A_1172 = arith.index_cast %parallel_loop3A_1168 : i32 to index
        %parallel_loop3A_1173 = arith.index_cast %parallel_loop3A_1165 : i32 to index
        %parallel_loop3A_1174 = tpu.vector_load %arg7[%parallel_loop3A_1169, %parallel_loop3A_1170, %parallel_loop3A_1171, %parallel_loop3A_1172, %parallel_loop3A_1173] {strides = array<i32>} : memref<2x4x2x8x128xf32, #tpu.memory_space<vmem>>, vector<16xf32>,
        tpu.vector_store %arg7[%parallel_loop3A_1169, %parallel_loop3A_1170, %parallel_loop3A_1171, %parallel_loop3A_1172, %parallel_loop3A_1173], %parallel_loop3A_825 {strides = array<i32>} : memref<2x4x2x8x128xf32, #tpu.memory_space<vmem>>, vector<16xf32>,
        %parallel_loop3A_1175 = arith.constant 16 : i32
        %parallel_loop3A_1176 = arith.muli %parallel_loop3A_572, %parallel_loop3A_1175 : i32
        %parallel_loop3A_1177 = arith.constant 1 : i32
        %parallel_loop3A_1178 = arith.constant 3 : i32
        %parallel_loop3A_1179 = arith.constant 7 : i32
        %parallel_loop3A_1180 = arith.index_cast %parallel_loop3A_1177 : i32 to index
        %parallel_loop3A_1181 = arith.index_cast %parallel_loop3A_1178 : i32 to index
        %parallel_loop3A_1182 = arith.index_cast %parallel_loop3A_556 : i32 to index
        %parallel_loop3A_1183 = arith.index_cast %parallel_loop3A_1179 : i32 to index
        %parallel_loop3A_1184 = arith.index_cast %parallel_loop3A_1176 : i32 to index
        %parallel_loop3A_1185 = tpu.vector_load %arg7[%parallel_loop3A_1180, %parallel_loop3A_1181, %parallel_loop3A_1182, %parallel_loop3A_1183, %parallel_loop3A_1184] {strides = array<i32>} : memref<2x4x2x8x128xf32, #tpu.memory_space<vmem>>, vector<16xf32>,
        tpu.vector_store %arg7[%parallel_loop3A_1180, %parallel_loop3A_1181, %parallel_loop3A_1182, %parallel_loop3A_1183, %parallel_loop3A_1184], %parallel_loop3A_833 {strides = array<i32>} : memref<2x4x2x8x128xf32, #tpu.memory_space<vmem>>, vector<16xf32>,
      } {sc.loop_unroll_factor = 1 : i64, sc.parallel_access}
      %add3A_270 = arith.addi %mul3A_4, %add3A_239 : i32
      %jit3A_271 = arith.constant 64 : i32
      %div3A_272 = arith.divsi %add3A_270, %jit3A_271 : i32
      %sign3A_273 = arith.constant 0 : i32
      %sign3A_274 = arith.cmpi sgt, %add3A_270, %sign3A_273 : i32
      %sign3A_275 = arith.extui %sign3A_274 : i1 to i32
      %sign3A_276 = arith.constant 0 : i32
      %sign3A_277 = arith.cmpi slt, %add3A_270, %sign3A_276 : i32
      %sign3A_278 = arith.extui %sign3A_277 : i1 to i32
      %sign3A_279 = arith.subi %sign3A_275, %sign3A_278 : i32
      %sign3A_280 = arith.constant 0 : i32
      %sign3A_281 = arith.cmpi sgt, %jit3A_271, %sign3A_280 : i32
      %sign3A_282 = arith.extui %sign3A_281 : i1 to i32
      %sign3A_283 = arith.constant 0 : i32
      %sign3A_284 = arith.cmpi slt, %jit3A_271, %sign3A_283 : i32
      %sign3A_285 = arith.extui %sign3A_284 : i1 to i32
      %sign3A_286 = arith.subi %sign3A_282, %sign3A_285 : i32
      %ne3A_287 = arith.cmpi ne, %sign3A_279, %sign3A_286 : i32
      %rem3A_288 = arith.remsi %add3A_270, %jit3A_271 : i32
      %ne3A_289 = arith.constant 0 : i32
      %ne3A_290 = arith.cmpi ne, %rem3A_288, %ne3A_289 : i32
      %and3A_291 = arith.andi %ne3A_287, %ne3A_290 : i1
      %sub3A_292 = arith.constant 1 : i32
      %sub3A_293 = arith.subi %div3A_272, %sub3A_292 : i32
      %select_n3A_294 = arith.select %and3A_291, %sub3A_293, %div3A_272 : i32
      %jit3A_295 = arith.constant 64 : i32
      %eq3A_296 = arith.constant 0 : i32
      %eq3A_297 = arith.cmpi eq, %jit3A_295, %eq3A_296 : i32
      %jit3A_298 = arith.constant 1 : i32
      %select_n3A_299 = arith.select %eq3A_297, %jit3A_298, %jit3A_295 : i32
      %rem3A_300 = arith.remsi %add3A_270, %select_n3A_299 : i32
      %ne3A_301 = arith.constant 0 : i32
      %ne3A_302 = arith.cmpi ne, %rem3A_300, %ne3A_301 : i32
      %lt3A_303 = arith.constant 0 : i32
      %lt3A_304 = arith.cmpi slt, %rem3A_300, %lt3A_303 : i32
      %lt3A_305 = arith.constant 0 : i32
      %lt3A_306 = arith.cmpi slt, %select_n3A_299, %lt3A_305 : i32
      %ne3A_307 = arith.xori %lt3A_304, %lt3A_306 : i1
      %and3A_308 = arith.andi %ne3A_307, %ne3A_302 : i1
      %add3A_309 = arith.addi %rem3A_300, %select_n3A_299 : i32
      %select_n3A_310 = arith.select %and3A_308, %add3A_309, %rem3A_300 : i32
      %mul3A_311 = arith.constant 2 : i32
      %mul3A_312 = arith.muli %select_n3A_310, %mul3A_311 : i32
      %dma_start3A_313 = arith.constant 1 : i32
      %dma_start3A_314 = arith.constant 0 : i32
      %dma_start3A_315 = arith.constant 0 : i32
      %dma_start3A_316 = arith.constant 0 : i32
      %dma_start3A_317 = arith.constant 0 : i32
      %dma_start3A_318 = tpu.memref_slice %arg7[%dma_start3A_313, %dma_start3A_314, %dma_start3A_315, %dma_start3A_316, %dma_start3A_317] : memref<2x4x2x8x128xf32, #tpu.memory_space<vmem>> -> memref<1x4x2x8x128xf32, #tpu.memory_space<vmem>>
      %dma_start3A_319 = tpu.memref_squeeze %dma_start3A_318 : memref<1x4x2x8x128xf32, #tpu.memory_space<vmem>> -> memref<4x2x8x128xf32, #tpu.memory_space<vmem>>
      %dma_start3A_320 = arith.constant 0 : i32
      %dma_start3A_321 = arith.constant 0 : i32
      %dma_start3A_322 = arith.constant 0 : i32
      %dma_start3A_323 = tpu.memref_slice %arg4[%select_n3A_294, %dma_start3A_320, %mul3A_312, %dma_start3A_321, %dma_start3A_322] : memref<50x4x128x8x128xf32, #tpu.memory_space<hbm>> -> memref<1x4x2x8x128xf32, #tpu.memory_space<hbm>>
      %dma_start3A_324 = tpu.memref_squeeze %dma_start3A_323 : memref<1x4x2x8x128xf32, #tpu.memory_space<hbm>> -> memref<4x2x8x128xf32, #tpu.memory_space<hbm>>
      %dma_start3A_325 = arith.constant 0 : i32
      %dma_start3A_326 = arith.constant 0 : i32
      %dma_start3A_327 = arith.constant 0 : i32
      %dma_start3A_328 = tpu.memref_slice %arg4[%select_n3A_294, %dma_start3A_325, %mul3A_312, %dma_start3A_326, %dma_start3A_327] : memref<50x4x128x8x128xf32, #tpu.memory_space<hbm>> -> memref<1x4x2x8x128xf32, #tpu.memory_space<hbm>>
      %dma_start3A_329 = tpu.memref_squeeze %dma_start3A_328 : memref<1x4x2x8x128xf32, #tpu.memory_space<hbm>> -> memref<4x2x8x128xf32, #tpu.memory_space<hbm>>
      %dma_start3A_330 = arith.constant 0 : i32
      %dma_start3A_331 = arith.constant 0 : i32
      %dma_start3A_332 = arith.constant 0 : i32
      %dma_start3A_333 = arith.constant 0 : i32
      %dma_start3A_334 = tpu.memref_slice %arg7[%dma_start3A_313, %dma_start3A_330, %dma_start3A_331, %dma_start3A_332, %dma_start3A_333] : memref<2x4x2x8x128xf32, #tpu.memory_space<vmem>> -> memref<1x4x2x8x128xf32, #tpu.memory_space<vmem>>
      %dma_start3A_335 = tpu.memref_squeeze %dma_start3A_334 : memref<1x4x2x8x128xf32, #tpu.memory_space<vmem>> -> memref<4x2x8x128xf32, #tpu.memory_space<vmem>>
      tpu.enqueue_dma source(%dma_start3A_335 : memref<4x2x8x128xf32, #tpu.memory_space<vmem>>) target(%dma_start3A_329 : memref<4x2x8x128xf32, #tpu.memory_space<hbm>>) target_semaphore(%arg9 : memref<!tpu.dma_semaphore, #tpu.memory_space<semaphore_mem>>)
      %add3A_336 = arith.constant 2 : i32
      %add3A_337 = arith.addi %add3A_153, %add3A_336 : i32
      %dma_wait3A_338 = arith.constant 2 : i32
      %dma_wait3A_339 = arith.constant 0 : i32
      %dma_wait3A_340 = arith.constant 0 : i32
      %dma_wait3A_341 = tpu.memref_slice %arg6[%dma_wait3A_338, %dma_wait3A_339, %dma_wait3A_340] : memref<4x256x32xf32, #tpu.memory_space<vmem>> -> memref<1x256x32xf32, #tpu.memory_space<vmem>>
      %dma_wait3A_342 = tpu.memref_squeeze %dma_wait3A_341 : memref<1x256x32xf32, #tpu.memory_space<vmem>> -> memref<256x32xf32, #tpu.memory_space<vmem>>
      %dma_wait3A_343 = arith.constant 0 : i32
      %dma_wait3A_344 = arith.constant 0 : i32
      %dma_wait3A_345 = tpu.memref_slice %arg3[%dma_wait3A_343, %dma_wait3A_344] : memref<1000000x32xf32, #tpu.memory_space<hbm>> -> memref<256x32xf32, #tpu.memory_space<hbm>>
      %dma_wait3A_346 = arith.constant 0 : i32
      %dma_wait3A_347 = arith.constant 0 : i32
      %dma_wait3A_348 = tpu.memref_slice %arg6[%dma_wait3A_338, %dma_wait3A_346, %dma_wait3A_347] : memref<4x256x32xf32, #tpu.memory_space<vmem>> -> memref<1x256x32xf32, #tpu.memory_space<vmem>>
      %dma_wait3A_349 = tpu.memref_squeeze %dma_wait3A_348 : memref<1x256x32xf32, #tpu.memory_space<vmem>> -> memref<256x32xf32, #tpu.memory_space<vmem>>
      %dma_wait3A_350 = arith.constant 0 : i32
      %dma_wait3A_351 = arith.constant 0 : i32
      %dma_wait3A_352 = tpu.memref_slice %arg3[%dma_wait3A_350, %dma_wait3A_351] : memref<1000000x32xf32, #tpu.memory_space<hbm>> -> memref<256x32xf32, #tpu.memory_space<hbm>>
      tpu.wait_dma2 semaphore(%arg8 : memref<!tpu.dma_semaphore, #tpu.memory_space<semaphore_mem>>) src(%dma_wait3A_352 : memref<256x32xf32, #tpu.memory_space<hbm>>) dst(%dma_wait3A_349 : memref<256x32xf32, #tpu.memory_space<vmem>>)
      %add3A_353 = arith.constant 3 : i32
      %add3A_354 = arith.addi %add3A_337, %add3A_353 : i32
      %lt3A_355 = arith.constant 100 : i32
      %lt3A_356 = arith.cmpi slt, %add3A_354, %lt3A_355 : i32
      %convert_element_type3A_357 = arith.extui %lt3A_356 : i1 to i32
      %cond3A_358 = arith.constant 0 : i32
      %cond3A_359 = arith.cmpi ne, %convert_element_type3A_357, %cond3A_358 : i32
      scf.if %cond3A_359 {
        %add3A_532 = arith.constant 3 : i32
        %add3A_533 = arith.addi %add3A_337, %add3A_532 : i32
        %mul3A_534 = arith.constant 2 : i32
        %mul3A_535 = arith.muli %add3A_533, %mul3A_534 : i32
        %add3A_536 = arith.constant 0 : i32
        %add3A_537 = arith.addi %mul3A_535, %add3A_536 : i32
        %dma_start3A_538 = arith.constant 1 : i32
        %dma_start3A_539 = arith.constant 0 : i32
        %dma_start3A_540 = arith.constant 0 : i32
        %dma_start3A_541 = tpu.memref_slice %arg6[%dma_start3A_538, %dma_start3A_539, %dma_start3A_540] : memref<4x256x32xf32, #tpu.memory_space<vmem>> -> memref<1x256x32xf32, #tpu.memory_space<vmem>>
        %dma_start3A_542 = tpu.memref_squeeze %dma_start3A_541 : memref<1x256x32xf32, #tpu.memory_space<vmem>> -> memref<256x32xf32, #tpu.memory_space<vmem>>
        %dma_start3A_543 = arith.constant 0 : i32
        %dma_start3A_544 = arith.constant 0 : i32
        %dma_start3A_545 = tpu.memref_slice %dma_start3A_542[%dma_start3A_543, %dma_start3A_544] : memref<256x32xf32, #tpu.memory_space<vmem>> -> memref<128x32xf32, #tpu.memory_space<vmem>>
        %dma_start3A_546 = arith.constant 0 : i32
        %dma_start3A_547 = tpu.memref_slice %arg5[%add3A_537, %dma_start3A_546] : memref<200x128xi32, #tpu.memory_space<vmem>> -> memref<1x128xi32, #tpu.memory_space<vmem>>
        %dma_start3A_548 = tpu.memref_squeeze %dma_start3A_547 : memref<1x128xi32, #tpu.memory_space<vmem>> -> memref<128xi32, #tpu.memory_space<vmem>>
        %dma_start3A_549 = arith.constant 0 : i32
        %dma_start3A_550 = arith.constant 0 : i32
        %dma_start3A_551 = tpu.memref_slice %arg3[%dma_start3A_549, %dma_start3A_550] : memref<1000000x32xf32, #tpu.memory_space<hbm>> -> memref<1000000x32xf32, #tpu.memory_space<hbm>>
        tpu.enqueue_indirect_dma source(%dma_start3A_551 : memref<1000000x32xf32, #tpu.memory_space<hbm>>) target(%dma_start3A_545 : memref<128x32xf32, #tpu.memory_space<vmem>>) offsets(%dma_start3A_548 : memref<128xi32, #tpu.memory_space<vmem>>) semaphore(%arg8 : memref<!tpu.dma_semaphore, #tpu.memory_space<semaphore_mem>>)
        %mul3A_552 = arith.constant 2 : i32
        %mul3A_553 = arith.muli %add3A_533, %mul3A_552 : i32
        %add3A_554 = arith.constant 1 : i32
        %add3A_555 = arith.addi %mul3A_553, %add3A_554 : i32
        %dma_start3A_556 = arith.constant 1 : i32
        %dma_start3A_557 = arith.constant 0 : i32
        %dma_start3A_558 = arith.constant 0 : i32
        %dma_start3A_559 = tpu.memref_slice %arg6[%dma_start3A_556, %dma_start3A_557, %dma_start3A_558] : memref<4x256x32xf32, #tpu.memory_space<vmem>> -> memref<1x256x32xf32, #tpu.memory_space<vmem>>
        %dma_start3A_560 = tpu.memref_squeeze %dma_start3A_559 : memref<1x256x32xf32, #tpu.memory_space<vmem>> -> memref<256x32xf32, #tpu.memory_space<vmem>>
        %dma_start3A_561 = arith.constant 128 : i32
        %dma_start3A_562 = arith.constant 0 : i32
        %dma_start3A_563 = tpu.memref_slice %dma_start3A_560[%dma_start3A_561, %dma_start3A_562] : memref<256x32xf32, #tpu.memory_space<vmem>> -> memref<128x32xf32, #tpu.memory_space<vmem>>
        %dma_start3A_564 = arith.constant 0 : i32
        %dma_start3A_565 = tpu.memref_slice %arg5[%add3A_555, %dma_start3A_564] : memref<200x128xi32, #tpu.memory_space<vmem>> -> memref<1x128xi32, #tpu.memory_space<vmem>>
        %dma_start3A_566 = tpu.memref_squeeze %dma_start3A_565 : memref<1x128xi32, #tpu.memory_space<vmem>> -> memref<128xi32, #tpu.memory_space<vmem>>
        %dma_start3A_567 = arith.constant 0 : i32
        %dma_start3A_568 = arith.constant 0 : i32
        %dma_start3A_569 = tpu.memref_slice %arg3[%dma_start3A_567, %dma_start3A_568] : memref<1000000x32xf32, #tpu.memory_space<hbm>> -> memref<1000000x32xf32, #tpu.memory_space<hbm>>
        tpu.enqueue_indirect_dma source(%dma_start3A_569 : memref<1000000x32xf32, #tpu.memory_space<hbm>>) target(%dma_start3A_563 : memref<128x32xf32, #tpu.memory_space<vmem>>) offsets(%dma_start3A_566 : memref<128xi32, #tpu.memory_space<vmem>>) semaphore(%arg8 : memref<!tpu.dma_semaphore, #tpu.memory_space<semaphore_mem>>)
      } else {
      }
      %ge3A_360 = arith.constant 2 : i32
      %ge3A_361 = arith.cmpi sge, %add3A_337, %ge3A_360 : i32
      %convert_element_type3A_362 = arith.extui %ge3A_361 : i1 to i32
      %cond3A_363 = arith.constant 0 : i32
      %cond3A_364 = arith.cmpi ne, %convert_element_type3A_362, %cond3A_363 : i32
      scf.if %cond3A_364 {
        %dma_wait3A_532 = arith.constant 0 : i32
        %dma_wait3A_533 = arith.constant 0 : i32
        %dma_wait3A_534 = arith.constant 0 : i32
        %dma_wait3A_535 = arith.constant 0 : i32
        %dma_wait3A_536 = arith.constant 0 : i32
        %dma_wait3A_537 = arith.constant 0 : i32
        %dma_wait3A_538 = tpu.memref_slice %arg7[%dma_wait3A_533, %dma_wait3A_534, %dma_wait3A_535, %dma_wait3A_536, %dma_wait3A_537] : memref<2x4x2x8x128xf32, #tpu.memory_space<vmem>> -> memref<1x4x2x8x128xf32, #tpu.memory_space<vmem>>
        %dma_wait3A_539 = tpu.memref_squeeze %dma_wait3A_538 : memref<1x4x2x8x128xf32, #tpu.memory_space<vmem>> -> memref<4x2x8x128xf32, #tpu.memory_space<vmem>>
        %dma_wait3A_540 = arith.constant 0 : i32
        %dma_wait3A_541 = arith.constant 0 : i32
        %dma_wait3A_542 = arith.constant 0 : i32
        %dma_wait3A_543 = arith.constant 0 : i32
        %dma_wait3A_544 = tpu.memref_slice %arg4[%dma_wait3A_532, %dma_wait3A_540, %dma_wait3A_541, %dma_wait3A_542, %dma_wait3A_543] : memref<50x4x128x8x128xf32, #tpu.memory_space<hbm>> -> memref<1x4x2x8x128xf32, #tpu.memory_space<hbm>>
        %dma_wait3A_545 = tpu.memref_squeeze %dma_wait3A_544 : memref<1x4x2x8x128xf32, #tpu.memory_space<hbm>> -> memref<4x2x8x128xf32, #tpu.memory_space<hbm>>
        %dma_wait3A_546 = arith.constant 0 : i32
        %dma_wait3A_547 = arith.constant 0 : i32
        %dma_wait3A_548 = arith.constant 0 : i32
        %dma_wait3A_549 = arith.constant 0 : i32
        %dma_wait3A_550 = tpu.memref_slice %arg7[%dma_wait3A_533, %dma_wait3A_546, %dma_wait3A_547, %dma_wait3A_548, %dma_wait3A_549] : memref<2x4x2x8x128xf32, #tpu.memory_space<vmem>> -> memref<1x4x2x8x128xf32, #tpu.memory_space<vmem>>
        %dma_wait3A_551 = tpu.memref_squeeze %dma_wait3A_550 : memref<1x4x2x8x128xf32, #tpu.memory_space<vmem>> -> memref<4x2x8x128xf32, #tpu.memory_space<vmem>>
        %dma_wait3A_552 = arith.constant 0 : i32
        %dma_wait3A_553 = arith.constant 0 : i32
        %dma_wait3A_554 = arith.constant 0 : i32
        %dma_wait3A_555 = arith.constant 0 : i32
        %dma_wait3A_556 = tpu.memref_slice %arg4[%dma_wait3A_532, %dma_wait3A_552, %dma_wait3A_553, %dma_wait3A_554, %dma_wait3A_555] : memref<50x4x128x8x128xf32, #tpu.memory_space<hbm>> -> memref<1x4x2x8x128xf32, #tpu.memory_space<hbm>>
        %dma_wait3A_557 = tpu.memref_squeeze %dma_wait3A_556 : memref<1x4x2x8x128xf32, #tpu.memory_space<hbm>> -> memref<4x2x8x128xf32, #tpu.memory_space<hbm>>
        tpu.wait_dma2 semaphore(%arg9 : memref<!tpu.dma_semaphore, #tpu.memory_space<semaphore_mem>>) src(%dma_wait3A_557 : memref<4x2x8x128xf32, #tpu.memory_space<hbm>>) dst(%dma_wait3A_551 : memref<4x2x8x128xf32, #tpu.memory_space<vmem>>)
      } else {
      }
      %parallel_loop3A_365 = arith.constant 0 : i32
      %parallel_loop3A_366 = arith.constant 16 : i32
      %parallel_loop3A_367 = arith.constant 1 : i32
      scf.for %parallel_loop3A_532 = %parallel_loop3A_365 to %parallel_loop3A_366 step %parallel_loop3A_367  : i32 {
        %parallel_loop3A_533 = arith.constant 8 : i32
        %parallel_loop3A_534 = arith.divsi %parallel_loop3A_532, %parallel_loop3A_533 : i32
        %parallel_loop3A_535 = arith.constant 0 : i32
        %parallel_loop3A_536 = arith.cmpi sgt, %parallel_loop3A_532, %parallel_loop3A_535 : i32
        %parallel_loop3A_537 = arith.extui %parallel_loop3A_536 : i1 to i32
        %parallel_loop3A_538 = arith.constant 0 : i32
        %parallel_loop3A_539 = arith.cmpi slt, %parallel_loop3A_532, %parallel_loop3A_538 : i32
        %parallel_loop3A_540 = arith.extui %parallel_loop3A_539 : i1 to i32
        %parallel_loop3A_541 = arith.subi %parallel_loop3A_537, %parallel_loop3A_540 : i32
        %parallel_loop3A_542 = arith.constant 0 : i32
        %parallel_loop3A_543 = arith.cmpi sgt, %parallel_loop3A_533, %parallel_loop3A_542 : i32
        %parallel_loop3A_544 = arith.extui %parallel_loop3A_543 : i1 to i32
        %parallel_loop3A_545 = arith.constant 0 : i32
        %parallel_loop3A_546 = arith.cmpi slt, %parallel_loop3A_533, %parallel_loop3A_545 : i32
        %parallel_loop3A_547 = arith.extui %parallel_loop3A_546 : i1 to i32
        %parallel_loop3A_548 = arith.subi %parallel_loop3A_544, %parallel_loop3A_547 : i32
        %parallel_loop3A_549 = arith.cmpi ne, %parallel_loop3A_541, %parallel_loop3A_548 : i32
        %parallel_loop3A_550 = arith.remsi %parallel_loop3A_532, %parallel_loop3A_533 : i32
        %parallel_loop3A_551 = arith.constant 0 : i32
        %parallel_loop3A_552 = arith.cmpi ne, %parallel_loop3A_550, %parallel_loop3A_551 : i32
        %parallel_loop3A_553 = arith.andi %parallel_loop3A_549, %parallel_loop3A_552 : i1
        %parallel_loop3A_554 = arith.constant 1 : i32
        %parallel_loop3A_555 = arith.subi %parallel_loop3A_534, %parallel_loop3A_554 : i32
        %parallel_loop3A_556 = arith.select %parallel_loop3A_553, %parallel_loop3A_555, %parallel_loop3A_534 : i32
        %parallel_loop3A_557 = arith.constant 8 : i32
        %parallel_loop3A_558 = arith.constant 0 : i32
        %parallel_loop3A_559 = arith.cmpi eq, %parallel_loop3A_557, %parallel_loop3A_558 : i32
        %parallel_loop3A_560 = arith.constant 1 : i32
        %parallel_loop3A_561 = arith.select %parallel_loop3A_559, %parallel_loop3A_560, %parallel_loop3A_557 : i32
        %parallel_loop3A_562 = arith.remsi %parallel_loop3A_532, %parallel_loop3A_561 : i32
        %parallel_loop3A_563 = arith.constant 0 : i32
        %parallel_loop3A_564 = arith.cmpi ne, %parallel_loop3A_562, %parallel_loop3A_563 : i32
        %parallel_loop3A_565 = arith.constant 0 : i32
        %parallel_loop3A_566 = arith.cmpi slt, %parallel_loop3A_562, %parallel_loop3A_565 : i32
        %parallel_loop3A_567 = arith.constant 0 : i32
        %parallel_loop3A_568 = arith.cmpi slt, %parallel_loop3A_561, %parallel_loop3A_567 : i32
        %parallel_loop3A_569 = arith.xori %parallel_loop3A_566, %parallel_loop3A_568 : i1
        %parallel_loop3A_570 = arith.andi %parallel_loop3A_569, %parallel_loop3A_564 : i1
        %parallel_loop3A_571 = arith.addi %parallel_loop3A_562, %parallel_loop3A_561 : i32
        %parallel_loop3A_572 = arith.select %parallel_loop3A_570, %parallel_loop3A_571, %parallel_loop3A_562 : i32
        %parallel_loop3A_573 = tpu.iota {dimensions = array<i32: 0>} : vector<16xi32>
        %parallel_loop3A_574 = arith.constant 16 : i32
        %parallel_loop3A_575 = arith.muli %parallel_loop3A_532, %parallel_loop3A_574 : i32
        %parallel_loop3A_576 = vector.broadcast %parallel_loop3A_575 : i32 to vector<16xi32>
        %parallel_loop3A_577 = arith.addi %parallel_loop3A_573, %parallel_loop3A_576 : vector<16xi32>
        %parallel_loop3A_578 = arith.constant 0 : i32
        %parallel_loop3A_579 = vector.broadcast %parallel_loop3A_578 : i32 to vector<16xi32>
        %parallel_loop3A_580 = arith.constant 2 : i32
        %parallel_loop3A_581 = arith.constant 0 : i32
        %parallel_loop3A_582 = arith.constant 0 : i32
        %parallel_loop3A_583 = tpu.memref_slice %arg6[%parallel_loop3A_580, %parallel_loop3A_581, %parallel_loop3A_582] : memref<4x256x32xf32, #tpu.memory_space<vmem>> -> memref<1x256x32xf32, #tpu.memory_space<vmem>>
        %parallel_loop3A_584 = tpu.memref_squeeze %parallel_loop3A_583 : memref<1x256x32xf32, #tpu.memory_space<vmem>> -> memref<256x32xf32, #tpu.memory_space<vmem>>
        %parallel_loop3A_585 = tpu.vector_load_idx %parallel_loop3A_584[%parallel_loop3A_577, %parallel_loop3A_579] : memref<256x32xf32, #tpu.memory_space<vmem>>[vector<16xi32>, vector<16xi32>], vector<16xf32>,
        %parallel_loop3A_586 = arith.constant 1 : i32
        %parallel_loop3A_587 = vector.broadcast %parallel_loop3A_586 : i32 to vector<16xi32>
        %parallel_loop3A_588 = arith.constant 2 : i32
        %parallel_loop3A_589 = arith.constant 0 : i32
        %parallel_loop3A_590 = arith.constant 0 : i32
        %parallel_loop3A_591 = tpu.memref_slice %arg6[%parallel_loop3A_588, %parallel_loop3A_589, %parallel_loop3A_590] : memref<4x256x32xf32, #tpu.memory_space<vmem>> -> memref<1x256x32xf32, #tpu.memory_space<vmem>>
        %parallel_loop3A_592 = tpu.memref_squeeze %parallel_loop3A_591 : memref<1x256x32xf32, #tpu.memory_space<vmem>> -> memref<256x32xf32, #tpu.memory_space<vmem>>
        %parallel_loop3A_593 = tpu.vector_load_idx %parallel_loop3A_592[%parallel_loop3A_577, %parallel_loop3A_587] : memref<256x32xf32, #tpu.memory_space<vmem>>[vector<16xi32>, vector<16xi32>], vector<16xf32>,
        %parallel_loop3A_594 = arith.constant 2 : i32
        %parallel_loop3A_595 = vector.broadcast %parallel_loop3A_594 : i32 to vector<16xi32>
        %parallel_loop3A_596 = arith.constant 2 : i32
        %parallel_loop3A_597 = arith.constant 0 : i32
        %parallel_loop3A_598 = arith.constant 0 : i32
        %parallel_loop3A_599 = tpu.memref_slice %arg6[%parallel_loop3A_596, %parallel_loop3A_597, %parallel_loop3A_598] : memref<4x256x32xf32, #tpu.memory_space<vmem>> -> memref<1x256x32xf32, #tpu.memory_space<vmem>>
        %parallel_loop3A_600 = tpu.memref_squeeze %parallel_loop3A_599 : memref<1x256x32xf32, #tpu.memory_space<vmem>> -> memref<256x32xf32, #tpu.memory_space<vmem>>
        %parallel_loop3A_601 = tpu.vector_load_idx %parallel_loop3A_600[%parallel_loop3A_577, %parallel_loop3A_595] : memref<256x32xf32, #tpu.memory_space<vmem>>[vector<16xi32>, vector<16xi32>], vector<16xf32>,
        %parallel_loop3A_602 = arith.constant 3 : i32
        %parallel_loop3A_603 = vector.broadcast %parallel_loop3A_602 : i32 to vector<16xi32>
        %parallel_loop3A_604 = arith.constant 2 : i32
        %parallel_loop3A_605 = arith.constant 0 : i32
        %parallel_loop3A_606 = arith.constant 0 : i32
        %parallel_loop3A_607 = tpu.memref_slice %arg6[%parallel_loop3A_604, %parallel_loop3A_605, %parallel_loop3A_606] : memref<4x256x32xf32, #tpu.memory_space<vmem>> -> memref<1x256x32xf32, #tpu.memory_space<vmem>>
        %parallel_loop3A_608 = tpu.memref_squeeze %parallel_loop3A_607 : memref<1x256x32xf32, #tpu.memory_space<vmem>> -> memref<256x32xf32, #tpu.memory_space<vmem>>
        %parallel_loop3A_609 = tpu.vector_load_idx %parallel_loop3A_608[%parallel_loop3A_577, %parallel_loop3A_603] : memref<256x32xf32, #tpu.memory_space<vmem>>[vector<16xi32>, vector<16xi32>], vector<16xf32>,
        %parallel_loop3A_610 = arith.constant 4 : i32
        %parallel_loop3A_611 = vector.broadcast %parallel_loop3A_610 : i32 to vector<16xi32>
        %parallel_loop3A_612 = arith.constant 2 : i32
        %parallel_loop3A_613 = arith.constant 0 : i32
        %parallel_loop3A_614 = arith.constant 0 : i32
        %parallel_loop3A_615 = tpu.memref_slice %arg6[%parallel_loop3A_612, %parallel_loop3A_613, %parallel_loop3A_614] : memref<4x256x32xf32, #tpu.memory_space<vmem>> -> memref<1x256x32xf32, #tpu.memory_space<vmem>>
        %parallel_loop3A_616 = tpu.memref_squeeze %parallel_loop3A_615 : memref<1x256x32xf32, #tpu.memory_space<vmem>> -> memref<256x32xf32, #tpu.memory_space<vmem>>
        %parallel_loop3A_617 = tpu.vector_load_idx %parallel_loop3A_616[%parallel_loop3A_577, %parallel_loop3A_611] : memref<256x32xf32, #tpu.memory_space<vmem>>[vector<16xi32>, vector<16xi32>], vector<16xf32>,
        %parallel_loop3A_618 = arith.constant 5 : i32
        %parallel_loop3A_619 = vector.broadcast %parallel_loop3A_618 : i32 to vector<16xi32>
        %parallel_loop3A_620 = arith.constant 2 : i32
        %parallel_loop3A_621 = arith.constant 0 : i32
        %parallel_loop3A_622 = arith.constant 0 : i32
        %parallel_loop3A_623 = tpu.memref_slice %arg6[%parallel_loop3A_620, %parallel_loop3A_621, %parallel_loop3A_622] : memref<4x256x32xf32, #tpu.memory_space<vmem>> -> memref<1x256x32xf32, #tpu.memory_space<vmem>>
        %parallel_loop3A_624 = tpu.memref_squeeze %parallel_loop3A_623 : memref<1x256x32xf32, #tpu.memory_space<vmem>> -> memref<256x32xf32, #tpu.memory_space<vmem>>
        %parallel_loop3A_625 = tpu.vector_load_idx %parallel_loop3A_624[%parallel_loop3A_577, %parallel_loop3A_619] : memref<256x32xf32, #tpu.memory_space<vmem>>[vector<16xi32>, vector<16xi32>], vector<16xf32>,
        %parallel_loop3A_626 = arith.constant 6 : i32
        %parallel_loop3A_627 = vector.broadcast %parallel_loop3A_626 : i32 to vector<16xi32>
        %parallel_loop3A_628 = arith.constant 2 : i32
        %parallel_loop3A_629 = arith.constant 0 : i32
        %parallel_loop3A_630 = arith.constant 0 : i32
        %parallel_loop3A_631 = tpu.memref_slice %arg6[%parallel_loop3A_628, %parallel_loop3A_629, %parallel_loop3A_630] : memref<4x256x32xf32, #tpu.memory_space<vmem>> -> memref<1x256x32xf32, #tpu.memory_space<vmem>>
        %parallel_loop3A_632 = tpu.memref_squeeze %parallel_loop3A_631 : memref<1x256x32xf32, #tpu.memory_space<vmem>> -> memref<256x32xf32, #tpu.memory_space<vmem>>
        %parallel_loop3A_633 = tpu.vector_load_idx %parallel_loop3A_632[%parallel_loop3A_577, %parallel_loop3A_627] : memref<256x32xf32, #tpu.memory_space<vmem>>[vector<16xi32>, vector<16xi32>], vector<16xf32>,
        %parallel_loop3A_634 = arith.constant 7 : i32
        %parallel_loop3A_635 = vector.broadcast %parallel_loop3A_634 : i32 to vector<16xi32>
        %parallel_loop3A_636 = arith.constant 2 : i32
        %parallel_loop3A_637 = arith.constant 0 : i32
        %parallel_loop3A_638 = arith.constant 0 : i32
        %parallel_loop3A_639 = tpu.memref_slice %arg6[%parallel_loop3A_636, %parallel_loop3A_637, %parallel_loop3A_638] : memref<4x256x32xf32, #tpu.memory_space<vmem>> -> memref<1x256x32xf32, #tpu.memory_space<vmem>>
        %parallel_loop3A_640 = tpu.memref_squeeze %parallel_loop3A_639 : memref<1x256x32xf32, #tpu.memory_space<vmem>> -> memref<256x32xf32, #tpu.memory_space<vmem>>
        %parallel_loop3A_641 = tpu.vector_load_idx %parallel_loop3A_640[%parallel_loop3A_577, %parallel_loop3A_635] : memref<256x32xf32, #tpu.memory_space<vmem>>[vector<16xi32>, vector<16xi32>], vector<16xf32>,
        %parallel_loop3A_642 = arith.constant 8 : i32
        %parallel_loop3A_643 = vector.broadcast %parallel_loop3A_642 : i32 to vector<16xi32>
        %parallel_loop3A_644 = arith.constant 2 : i32
        %parallel_loop3A_645 = arith.constant 0 : i32
        %parallel_loop3A_646 = arith.constant 0 : i32
        %parallel_loop3A_647 = tpu.memref_slice %arg6[%parallel_loop3A_644, %parallel_loop3A_645, %parallel_loop3A_646] : memref<4x256x32xf32, #tpu.memory_space<vmem>> -> memref<1x256x32xf32, #tpu.memory_space<vmem>>
        %parallel_loop3A_648 = tpu.memref_squeeze %parallel_loop3A_647 : memref<1x256x32xf32, #tpu.memory_space<vmem>> -> memref<256x32xf32, #tpu.memory_space<vmem>>
        %parallel_loop3A_649 = tpu.vector_load_idx %parallel_loop3A_648[%parallel_loop3A_577, %parallel_loop3A_643] : memref<256x32xf32, #tpu.memory_space<vmem>>[vector<16xi32>, vector<16xi32>], vector<16xf32>,
        %parallel_loop3A_650 = arith.constant 9 : i32
        %parallel_loop3A_651 = vector.broadcast %parallel_loop3A_650 : i32 to vector<16xi32>
        %parallel_loop3A_652 = arith.constant 2 : i32
        %parallel_loop3A_653 = arith.constant 0 : i32
        %parallel_loop3A_654 = arith.constant 0 : i32
        %parallel_loop3A_655 = tpu.memref_slice %arg6[%parallel_loop3A_652, %parallel_loop3A_653, %parallel_loop3A_654] : memref<4x256x32xf32, #tpu.memory_space<vmem>> -> memref<1x256x32xf32, #tpu.memory_space<vmem>>
        %parallel_loop3A_656 = tpu.memref_squeeze %parallel_loop3A_655 : memref<1x256x32xf32, #tpu.memory_space<vmem>> -> memref<256x32xf32, #tpu.memory_space<vmem>>
        %parallel_loop3A_657 = tpu.vector_load_idx %parallel_loop3A_656[%parallel_loop3A_577, %parallel_loop3A_651] : memref<256x32xf32, #tpu.memory_space<vmem>>[vector<16xi32>, vector<16xi32>], vector<16xf32>,
        %parallel_loop3A_658 = arith.constant 10 : i32
        %parallel_loop3A_659 = vector.broadcast %parallel_loop3A_658 : i32 to vector<16xi32>
        %parallel_loop3A_660 = arith.constant 2 : i32
        %parallel_loop3A_661 = arith.constant 0 : i32
        %parallel_loop3A_662 = arith.constant 0 : i32
        %parallel_loop3A_663 = tpu.memref_slice %arg6[%parallel_loop3A_660, %parallel_loop3A_661, %parallel_loop3A_662] : memref<4x256x32xf32, #tpu.memory_space<vmem>> -> memref<1x256x32xf32, #tpu.memory_space<vmem>>
        %parallel_loop3A_664 = tpu.memref_squeeze %parallel_loop3A_663 : memref<1x256x32xf32, #tpu.memory_space<vmem>> -> memref<256x32xf32, #tpu.memory_space<vmem>>
        %parallel_loop3A_665 = tpu.vector_load_idx %parallel_loop3A_664[%parallel_loop3A_577, %parallel_loop3A_659] : memref<256x32xf32, #tpu.memory_space<vmem>>[vector<16xi32>, vector<16xi32>], vector<16xf32>,
        %parallel_loop3A_666 = arith.constant 11 : i32
        %parallel_loop3A_667 = vector.broadcast %parallel_loop3A_666 : i32 to vector<16xi32>
        %parallel_loop3A_668 = arith.constant 2 : i32
        %parallel_loop3A_669 = arith.constant 0 : i32
        %parallel_loop3A_670 = arith.constant 0 : i32
        %parallel_loop3A_671 = tpu.memref_slice %arg6[%parallel_loop3A_668, %parallel_loop3A_669, %parallel_loop3A_670] : memref<4x256x32xf32, #tpu.memory_space<vmem>> -> memref<1x256x32xf32, #tpu.memory_space<vmem>>
        %parallel_loop3A_672 = tpu.memref_squeeze %parallel_loop3A_671 : memref<1x256x32xf32, #tpu.memory_space<vmem>> -> memref<256x32xf32, #tpu.memory_space<vmem>>
        %parallel_loop3A_673 = tpu.vector_load_idx %parallel_loop3A_672[%parallel_loop3A_577, %parallel_loop3A_667] : memref<256x32xf32, #tpu.memory_space<vmem>>[vector<16xi32>, vector<16xi32>], vector<16xf32>,
        %parallel_loop3A_674 = arith.constant 12 : i32
        %parallel_loop3A_675 = vector.broadcast %parallel_loop3A_674 : i32 to vector<16xi32>
        %parallel_loop3A_676 = arith.constant 2 : i32
        %parallel_loop3A_677 = arith.constant 0 : i32
        %parallel_loop3A_678 = arith.constant 0 : i32
        %parallel_loop3A_679 = tpu.memref_slice %arg6[%parallel_loop3A_676, %parallel_loop3A_677, %parallel_loop3A_678] : memref<4x256x32xf32, #tpu.memory_space<vmem>> -> memref<1x256x32xf32, #tpu.memory_space<vmem>>
        %parallel_loop3A_680 = tpu.memref_squeeze %parallel_loop3A_679 : memref<1x256x32xf32, #tpu.memory_space<vmem>> -> memref<256x32xf32, #tpu.memory_space<vmem>>
        %parallel_loop3A_681 = tpu.vector_load_idx %parallel_loop3A_680[%parallel_loop3A_577, %parallel_loop3A_675] : memref<256x32xf32, #tpu.memory_space<vmem>>[vector<16xi32>, vector<16xi32>], vector<16xf32>,
        %parallel_loop3A_682 = arith.constant 13 : i32
        %parallel_loop3A_683 = vector.broadcast %parallel_loop3A_682 : i32 to vector<16xi32>
        %parallel_loop3A_684 = arith.constant 2 : i32
        %parallel_loop3A_685 = arith.constant 0 : i32
        %parallel_loop3A_686 = arith.constant 0 : i32
        %parallel_loop3A_687 = tpu.memref_slice %arg6[%parallel_loop3A_684, %parallel_loop3A_685, %parallel_loop3A_686] : memref<4x256x32xf32, #tpu.memory_space<vmem>> -> memref<1x256x32xf32, #tpu.memory_space<vmem>>
        %parallel_loop3A_688 = tpu.memref_squeeze %parallel_loop3A_687 : memref<1x256x32xf32, #tpu.memory_space<vmem>> -> memref<256x32xf32, #tpu.memory_space<vmem>>
        %parallel_loop3A_689 = tpu.vector_load_idx %parallel_loop3A_688[%parallel_loop3A_577, %parallel_loop3A_683] : memref<256x32xf32, #tpu.memory_space<vmem>>[vector<16xi32>, vector<16xi32>], vector<16xf32>,
        %parallel_loop3A_690 = arith.constant 14 : i32
        %parallel_loop3A_691 = vector.broadcast %parallel_loop3A_690 : i32 to vector<16xi32>
        %parallel_loop3A_692 = arith.constant 2 : i32
        %parallel_loop3A_693 = arith.constant 0 : i32
        %parallel_loop3A_694 = arith.constant 0 : i32
        %parallel_loop3A_695 = tpu.memref_slice %arg6[%parallel_loop3A_692, %parallel_loop3A_693, %parallel_loop3A_694] : memref<4x256x32xf32, #tpu.memory_space<vmem>> -> memref<1x256x32xf32, #tpu.memory_space<vmem>>
        %parallel_loop3A_696 = tpu.memref_squeeze %parallel_loop3A_695 : memref<1x256x32xf32, #tpu.memory_space<vmem>> -> memref<256x32xf32, #tpu.memory_space<vmem>>
        %parallel_loop3A_697 = tpu.vector_load_idx %parallel_loop3A_696[%parallel_loop3A_577, %parallel_loop3A_691] : memref<256x32xf32, #tpu.memory_space<vmem>>[vector<16xi32>, vector<16xi32>], vector<16xf32>,
        %parallel_loop3A_698 = arith.constant 15 : i32
        %parallel_loop3A_699 = vector.broadcast %parallel_loop3A_698 : i32 to vector<16xi32>
        %parallel_loop3A_700 = arith.constant 2 : i32
        %parallel_loop3A_701 = arith.constant 0 : i32
        %parallel_loop3A_702 = arith.constant 0 : i32
        %parallel_loop3A_703 = tpu.memref_slice %arg6[%parallel_loop3A_700, %parallel_loop3A_701, %parallel_loop3A_702] : memref<4x256x32xf32, #tpu.memory_space<vmem>> -> memref<1x256x32xf32, #tpu.memory_space<vmem>>
        %parallel_loop3A_704 = tpu.memref_squeeze %parallel_loop3A_703 : memref<1x256x32xf32, #tpu.memory_space<vmem>> -> memref<256x32xf32, #tpu.memory_space<vmem>>
        %parallel_loop3A_705 = tpu.vector_load_idx %parallel_loop3A_704[%parallel_loop3A_577, %parallel_loop3A_699] : memref<256x32xf32, #tpu.memory_space<vmem>>[vector<16xi32>, vector<16xi32>], vector<16xf32>,
        %parallel_loop3A_706 = arith.constant 16 : i32
        %parallel_loop3A_707 = vector.broadcast %parallel_loop3A_706 : i32 to vector<16xi32>
        %parallel_loop3A_708 = arith.constant 2 : i32
        %parallel_loop3A_709 = arith.constant 0 : i32
        %parallel_loop3A_710 = arith.constant 0 : i32
        %parallel_loop3A_711 = tpu.memref_slice %arg6[%parallel_loop3A_708, %parallel_loop3A_709, %parallel_loop3A_710] : memref<4x256x32xf32, #tpu.memory_space<vmem>> -> memref<1x256x32xf32, #tpu.memory_space<vmem>>
        %parallel_loop3A_712 = tpu.memref_squeeze %parallel_loop3A_711 : memref<1x256x32xf32, #tpu.memory_space<vmem>> -> memref<256x32xf32, #tpu.memory_space<vmem>>
        %parallel_loop3A_713 = tpu.vector_load_idx %parallel_loop3A_712[%parallel_loop3A_577, %parallel_loop3A_707] : memref<256x32xf32, #tpu.memory_space<vmem>>[vector<16xi32>, vector<16xi32>], vector<16xf32>,
        %parallel_loop3A_714 = arith.constant 17 : i32
        %parallel_loop3A_715 = vector.broadcast %parallel_loop3A_714 : i32 to vector<16xi32>
        %parallel_loop3A_716 = arith.constant 2 : i32
        %parallel_loop3A_717 = arith.constant 0 : i32
        %parallel_loop3A_718 = arith.constant 0 : i32
        %parallel_loop3A_719 = tpu.memref_slice %arg6[%parallel_loop3A_716, %parallel_loop3A_717, %parallel_loop3A_718] : memref<4x256x32xf32, #tpu.memory_space<vmem>> -> memref<1x256x32xf32, #tpu.memory_space<vmem>>
        %parallel_loop3A_720 = tpu.memref_squeeze %parallel_loop3A_719 : memref<1x256x32xf32, #tpu.memory_space<vmem>> -> memref<256x32xf32, #tpu.memory_space<vmem>>
        %parallel_loop3A_721 = tpu.vector_load_idx %parallel_loop3A_720[%parallel_loop3A_577, %parallel_loop3A_715] : memref<256x32xf32, #tpu.memory_space<vmem>>[vector<16xi32>, vector<16xi32>], vector<16xf32>,
        %parallel_loop3A_722 = arith.constant 18 : i32
        %parallel_loop3A_723 = vector.broadcast %parallel_loop3A_722 : i32 to vector<16xi32>
        %parallel_loop3A_724 = arith.constant 2 : i32
        %parallel_loop3A_725 = arith.constant 0 : i32
        %parallel_loop3A_726 = arith.constant 0 : i32
        %parallel_loop3A_727 = tpu.memref_slice %arg6[%parallel_loop3A_724, %parallel_loop3A_725, %parallel_loop3A_726] : memref<4x256x32xf32, #tpu.memory_space<vmem>> -> memref<1x256x32xf32, #tpu.memory_space<vmem>>
        %parallel_loop3A_728 = tpu.memref_squeeze %parallel_loop3A_727 : memref<1x256x32xf32, #tpu.memory_space<vmem>> -> memref<256x32xf32, #tpu.memory_space<vmem>>
        %parallel_loop3A_729 = tpu.vector_load_idx %parallel_loop3A_728[%parallel_loop3A_577, %parallel_loop3A_723] : memref<256x32xf32, #tpu.memory_space<vmem>>[vector<16xi32>, vector<16xi32>], vector<16xf32>,
        %parallel_loop3A_730 = arith.constant 19 : i32
        %parallel_loop3A_731 = vector.broadcast %parallel_loop3A_730 : i32 to vector<16xi32>
        %parallel_loop3A_732 = arith.constant 2 : i32
        %parallel_loop3A_733 = arith.constant 0 : i32
        %parallel_loop3A_734 = arith.constant 0 : i32
        %parallel_loop3A_735 = tpu.memref_slice %arg6[%parallel_loop3A_732, %parallel_loop3A_733, %parallel_loop3A_734] : memref<4x256x32xf32, #tpu.memory_space<vmem>> -> memref<1x256x32xf32, #tpu.memory_space<vmem>>
        %parallel_loop3A_736 = tpu.memref_squeeze %parallel_loop3A_735 : memref<1x256x32xf32, #tpu.memory_space<vmem>> -> memref<256x32xf32, #tpu.memory_space<vmem>>
        %parallel_loop3A_737 = tpu.vector_load_idx %parallel_loop3A_736[%parallel_loop3A_577, %parallel_loop3A_731] : memref<256x32xf32, #tpu.memory_space<vmem>>[vector<16xi32>, vector<16xi32>], vector<16xf32>,
        %parallel_loop3A_738 = arith.constant 20 : i32
        %parallel_loop3A_739 = vector.broadcast %parallel_loop3A_738 : i32 to vector<16xi32>
        %parallel_loop3A_740 = arith.constant 2 : i32
        %parallel_loop3A_741 = arith.constant 0 : i32
        %parallel_loop3A_742 = arith.constant 0 : i32
        %parallel_loop3A_743 = tpu.memref_slice %arg6[%parallel_loop3A_740, %parallel_loop3A_741, %parallel_loop3A_742] : memref<4x256x32xf32, #tpu.memory_space<vmem>> -> memref<1x256x32xf32, #tpu.memory_space<vmem>>
        %parallel_loop3A_744 = tpu.memref_squeeze %parallel_loop3A_743 : memref<1x256x32xf32, #tpu.memory_space<vmem>> -> memref<256x32xf32, #tpu.memory_space<vmem>>
        %parallel_loop3A_745 = tpu.vector_load_idx %parallel_loop3A_744[%parallel_loop3A_577, %parallel_loop3A_739] : memref<256x32xf32, #tpu.memory_space<vmem>>[vector<16xi32>, vector<16xi32>], vector<16xf32>,
        %parallel_loop3A_746 = arith.constant 21 : i32
        %parallel_loop3A_747 = vector.broadcast %parallel_loop3A_746 : i32 to vector<16xi32>
        %parallel_loop3A_748 = arith.constant 2 : i32
        %parallel_loop3A_749 = arith.constant 0 : i32
        %parallel_loop3A_750 = arith.constant 0 : i32
        %parallel_loop3A_751 = tpu.memref_slice %arg6[%parallel_loop3A_748, %parallel_loop3A_749, %parallel_loop3A_750] : memref<4x256x32xf32, #tpu.memory_space<vmem>> -> memref<1x256x32xf32, #tpu.memory_space<vmem>>
        %parallel_loop3A_752 = tpu.memref_squeeze %parallel_loop3A_751 : memref<1x256x32xf32, #tpu.memory_space<vmem>> -> memref<256x32xf32, #tpu.memory_space<vmem>>
        %parallel_loop3A_753 = tpu.vector_load_idx %parallel_loop3A_752[%parallel_loop3A_577, %parallel_loop3A_747] : memref<256x32xf32, #tpu.memory_space<vmem>>[vector<16xi32>, vector<16xi32>], vector<16xf32>,
        %parallel_loop3A_754 = arith.constant 22 : i32
        %parallel_loop3A_755 = vector.broadcast %parallel_loop3A_754 : i32 to vector<16xi32>
        %parallel_loop3A_756 = arith.constant 2 : i32
        %parallel_loop3A_757 = arith.constant 0 : i32
        %parallel_loop3A_758 = arith.constant 0 : i32
        %parallel_loop3A_759 = tpu.memref_slice %arg6[%parallel_loop3A_756, %parallel_loop3A_757, %parallel_loop3A_758] : memref<4x256x32xf32, #tpu.memory_space<vmem>> -> memref<1x256x32xf32, #tpu.memory_space<vmem>>
        %parallel_loop3A_760 = tpu.memref_squeeze %parallel_loop3A_759 : memref<1x256x32xf32, #tpu.memory_space<vmem>> -> memref<256x32xf32, #tpu.memory_space<vmem>>
        %parallel_loop3A_761 = tpu.vector_load_idx %parallel_loop3A_760[%parallel_loop3A_577, %parallel_loop3A_755] : memref<256x32xf32, #tpu.memory_space<vmem>>[vector<16xi32>, vector<16xi32>], vector<16xf32>,
        %parallel_loop3A_762 = arith.constant 23 : i32
        %parallel_loop3A_763 = vector.broadcast %parallel_loop3A_762 : i32 to vector<16xi32>
        %parallel_loop3A_764 = arith.constant 2 : i32
        %parallel_loop3A_765 = arith.constant 0 : i32
        %parallel_loop3A_766 = arith.constant 0 : i32
        %parallel_loop3A_767 = tpu.memref_slice %arg6[%parallel_loop3A_764, %parallel_loop3A_765, %parallel_loop3A_766] : memref<4x256x32xf32, #tpu.memory_space<vmem>> -> memref<1x256x32xf32, #tpu.memory_space<vmem>>
        %parallel_loop3A_768 = tpu.memref_squeeze %parallel_loop3A_767 : memref<1x256x32xf32, #tpu.memory_space<vmem>> -> memref<256x32xf32, #tpu.memory_space<vmem>>
        %parallel_loop3A_769 = tpu.vector_load_idx %parallel_loop3A_768[%parallel_loop3A_577, %parallel_loop3A_763] : memref<256x32xf32, #tpu.memory_space<vmem>>[vector<16xi32>, vector<16xi32>], vector<16xf32>,
        %parallel_loop3A_770 = arith.constant 24 : i32
        %parallel_loop3A_771 = vector.broadcast %parallel_loop3A_770 : i32 to vector<16xi32>
        %parallel_loop3A_772 = arith.constant 2 : i32
        %parallel_loop3A_773 = arith.constant 0 : i32
        %parallel_loop3A_774 = arith.constant 0 : i32
        %parallel_loop3A_775 = tpu.memref_slice %arg6[%parallel_loop3A_772, %parallel_loop3A_773, %parallel_loop3A_774] : memref<4x256x32xf32, #tpu.memory_space<vmem>> -> memref<1x256x32xf32, #tpu.memory_space<vmem>>
        %parallel_loop3A_776 = tpu.memref_squeeze %parallel_loop3A_775 : memref<1x256x32xf32, #tpu.memory_space<vmem>> -> memref<256x32xf32, #tpu.memory_space<vmem>>
        %parallel_loop3A_777 = tpu.vector_load_idx %parallel_loop3A_776[%parallel_loop3A_577, %parallel_loop3A_771] : memref<256x32xf32, #tpu.memory_space<vmem>>[vector<16xi32>, vector<16xi32>], vector<16xf32>,
        %parallel_loop3A_778 = arith.constant 25 : i32
        %parallel_loop3A_779 = vector.broadcast %parallel_loop3A_778 : i32 to vector<16xi32>
        %parallel_loop3A_780 = arith.constant 2 : i32
        %parallel_loop3A_781 = arith.constant 0 : i32
        %parallel_loop3A_782 = arith.constant 0 : i32
        %parallel_loop3A_783 = tpu.memref_slice %arg6[%parallel_loop3A_780, %parallel_loop3A_781, %parallel_loop3A_782] : memref<4x256x32xf32, #tpu.memory_space<vmem>> -> memref<1x256x32xf32, #tpu.memory_space<vmem>>
        %parallel_loop3A_784 = tpu.memref_squeeze %parallel_loop3A_783 : memref<1x256x32xf32, #tpu.memory_space<vmem>> -> memref<256x32xf32, #tpu.memory_space<vmem>>
        %parallel_loop3A_785 = tpu.vector_load_idx %parallel_loop3A_784[%parallel_loop3A_577, %parallel_loop3A_779] : memref<256x32xf32, #tpu.memory_space<vmem>>[vector<16xi32>, vector<16xi32>], vector<16xf32>,
        %parallel_loop3A_786 = arith.constant 26 : i32
        %parallel_loop3A_787 = vector.broadcast %parallel_loop3A_786 : i32 to vector<16xi32>
        %parallel_loop3A_788 = arith.constant 2 : i32
        %parallel_loop3A_789 = arith.constant 0 : i32
        %parallel_loop3A_790 = arith.constant 0 : i32
        %parallel_loop3A_791 = tpu.memref_slice %arg6[%parallel_loop3A_788, %parallel_loop3A_789, %parallel_loop3A_790] : memref<4x256x32xf32, #tpu.memory_space<vmem>> -> memref<1x256x32xf32, #tpu.memory_space<vmem>>
        %parallel_loop3A_792 = tpu.memref_squeeze %parallel_loop3A_791 : memref<1x256x32xf32, #tpu.memory_space<vmem>> -> memref<256x32xf32, #tpu.memory_space<vmem>>
        %parallel_loop3A_793 = tpu.vector_load_idx %parallel_loop3A_792[%parallel_loop3A_577, %parallel_loop3A_787] : memref<256x32xf32, #tpu.memory_space<vmem>>[vector<16xi32>, vector<16xi32>], vector<16xf32>,
        %parallel_loop3A_794 = arith.constant 27 : i32
        %parallel_loop3A_795 = vector.broadcast %parallel_loop3A_794 : i32 to vector<16xi32>
        %parallel_loop3A_796 = arith.constant 2 : i32
        %parallel_loop3A_797 = arith.constant 0 : i32
        %parallel_loop3A_798 = arith.constant 0 : i32
        %parallel_loop3A_799 = tpu.memref_slice %arg6[%parallel_loop3A_796, %parallel_loop3A_797, %parallel_loop3A_798] : memref<4x256x32xf32, #tpu.memory_space<vmem>> -> memref<1x256x32xf32, #tpu.memory_space<vmem>>
        %parallel_loop3A_800 = tpu.memref_squeeze %parallel_loop3A_799 : memref<1x256x32xf32, #tpu.memory_space<vmem>> -> memref<256x32xf32, #tpu.memory_space<vmem>>
        %parallel_loop3A_801 = tpu.vector_load_idx %parallel_loop3A_800[%parallel_loop3A_577, %parallel_loop3A_795] : memref<256x32xf32, #tpu.memory_space<vmem>>[vector<16xi32>, vector<16xi32>], vector<16xf32>,
        %parallel_loop3A_802 = arith.constant 28 : i32
        %parallel_loop3A_803 = vector.broadcast %parallel_loop3A_802 : i32 to vector<16xi32>
        %parallel_loop3A_804 = arith.constant 2 : i32
        %parallel_loop3A_805 = arith.constant 0 : i32
        %parallel_loop3A_806 = arith.constant 0 : i32
        %parallel_loop3A_807 = tpu.memref_slice %arg6[%parallel_loop3A_804, %parallel_loop3A_805, %parallel_loop3A_806] : memref<4x256x32xf32, #tpu.memory_space<vmem>> -> memref<1x256x32xf32, #tpu.memory_space<vmem>>
        %parallel_loop3A_808 = tpu.memref_squeeze %parallel_loop3A_807 : memref<1x256x32xf32, #tpu.memory_space<vmem>> -> memref<256x32xf32, #tpu.memory_space<vmem>>
        %parallel_loop3A_809 = tpu.vector_load_idx %parallel_loop3A_808[%parallel_loop3A_577, %parallel_loop3A_803] : memref<256x32xf32, #tpu.memory_space<vmem>>[vector<16xi32>, vector<16xi32>], vector<16xf32>,
        %parallel_loop3A_810 = arith.constant 29 : i32
        %parallel_loop3A_811 = vector.broadcast %parallel_loop3A_810 : i32 to vector<16xi32>
        %parallel_loop3A_812 = arith.constant 2 : i32
        %parallel_loop3A_813 = arith.constant 0 : i32
        %parallel_loop3A_814 = arith.constant 0 : i32
        %parallel_loop3A_815 = tpu.memref_slice %arg6[%parallel_loop3A_812, %parallel_loop3A_813, %parallel_loop3A_814] : memref<4x256x32xf32, #tpu.memory_space<vmem>> -> memref<1x256x32xf32, #tpu.memory_space<vmem>>
        %parallel_loop3A_816 = tpu.memref_squeeze %parallel_loop3A_815 : memref<1x256x32xf32, #tpu.memory_space<vmem>> -> memref<256x32xf32, #tpu.memory_space<vmem>>
        %parallel_loop3A_817 = tpu.vector_load_idx %parallel_loop3A_816[%parallel_loop3A_577, %parallel_loop3A_811] : memref<256x32xf32, #tpu.memory_space<vmem>>[vector<16xi32>, vector<16xi32>], vector<16xf32>,
        %parallel_loop3A_818 = arith.constant 30 : i32
        %parallel_loop3A_819 = vector.broadcast %parallel_loop3A_818 : i32 to vector<16xi32>
        %parallel_loop3A_820 = arith.constant 2 : i32
        %parallel_loop3A_821 = arith.constant 0 : i32
        %parallel_loop3A_822 = arith.constant 0 : i32
        %parallel_loop3A_823 = tpu.memref_slice %arg6[%parallel_loop3A_820, %parallel_loop3A_821, %parallel_loop3A_822] : memref<4x256x32xf32, #tpu.memory_space<vmem>> -> memref<1x256x32xf32, #tpu.memory_space<vmem>>
        %parallel_loop3A_824 = tpu.memref_squeeze %parallel_loop3A_823 : memref<1x256x32xf32, #tpu.memory_space<vmem>> -> memref<256x32xf32, #tpu.memory_space<vmem>>
        %parallel_loop3A_825 = tpu.vector_load_idx %parallel_loop3A_824[%parallel_loop3A_577, %parallel_loop3A_819] : memref<256x32xf32, #tpu.memory_space<vmem>>[vector<16xi32>, vector<16xi32>], vector<16xf32>,
        %parallel_loop3A_826 = arith.constant 31 : i32
        %parallel_loop3A_827 = vector.broadcast %parallel_loop3A_826 : i32 to vector<16xi32>
        %parallel_loop3A_828 = arith.constant 2 : i32
        %parallel_loop3A_829 = arith.constant 0 : i32
        %parallel_loop3A_830 = arith.constant 0 : i32
        %parallel_loop3A_831 = tpu.memref_slice %arg6[%parallel_loop3A_828, %parallel_loop3A_829, %parallel_loop3A_830] : memref<4x256x32xf32, #tpu.memory_space<vmem>> -> memref<1x256x32xf32, #tpu.memory_space<vmem>>
        %parallel_loop3A_832 = tpu.memref_squeeze %parallel_loop3A_831 : memref<1x256x32xf32, #tpu.memory_space<vmem>> -> memref<256x32xf32, #tpu.memory_space<vmem>>
        %parallel_loop3A_833 = tpu.vector_load_idx %parallel_loop3A_832[%parallel_loop3A_577, %parallel_loop3A_827] : memref<256x32xf32, #tpu.memory_space<vmem>>[vector<16xi32>, vector<16xi32>], vector<16xf32>,
        %parallel_loop3A_834 = arith.constant 16 : i32
        %parallel_loop3A_835 = arith.muli %parallel_loop3A_572, %parallel_loop3A_834 : i32
        %parallel_loop3A_836 = arith.constant 0 : i32
        %parallel_loop3A_837 = arith.constant 0 : i32
        %parallel_loop3A_838 = arith.constant 0 : i32
        %parallel_loop3A_839 = arith.index_cast %parallel_loop3A_836 : i32 to index
        %parallel_loop3A_840 = arith.index_cast %parallel_loop3A_837 : i32 to index
        %parallel_loop3A_841 = arith.index_cast %parallel_loop3A_556 : i32 to index
        %parallel_loop3A_842 = arith.index_cast %parallel_loop3A_838 : i32 to index
        %parallel_loop3A_843 = arith.index_cast %parallel_loop3A_835 : i32 to index
        %parallel_loop3A_844 = tpu.vector_load %arg7[%parallel_loop3A_839, %parallel_loop3A_840, %parallel_loop3A_841, %parallel_loop3A_842, %parallel_loop3A_843] {strides = array<i32>} : memref<2x4x2x8x128xf32, #tpu.memory_space<vmem>>, vector<16xf32>,
        tpu.vector_store %arg7[%parallel_loop3A_839, %parallel_loop3A_840, %parallel_loop3A_841, %parallel_loop3A_842, %parallel_loop3A_843], %parallel_loop3A_585 {strides = array<i32>} : memref<2x4x2x8x128xf32, #tpu.memory_space<vmem>>, vector<16xf32>,
        %parallel_loop3A_845 = arith.constant 16 : i32
        %parallel_loop3A_846 = arith.muli %parallel_loop3A_572, %parallel_loop3A_845 : i32
        %parallel_loop3A_847 = arith.constant 0 : i32
        %parallel_loop3A_848 = arith.constant 0 : i32
        %parallel_loop3A_849 = arith.constant 1 : i32
        %parallel_loop3A_850 = arith.index_cast %parallel_loop3A_847 : i32 to index
        %parallel_loop3A_851 = arith.index_cast %parallel_loop3A_848 : i32 to index
        %parallel_loop3A_852 = arith.index_cast %parallel_loop3A_556 : i32 to index
        %parallel_loop3A_853 = arith.index_cast %parallel_loop3A_849 : i32 to index
        %parallel_loop3A_854 = arith.index_cast %parallel_loop3A_846 : i32 to index
        %parallel_loop3A_855 = tpu.vector_load %arg7[%parallel_loop3A_850, %parallel_loop3A_851, %parallel_loop3A_852, %parallel_loop3A_853, %parallel_loop3A_854] {strides = array<i32>} : memref<2x4x2x8x128xf32, #tpu.memory_space<vmem>>, vector<16xf32>,
        tpu.vector_store %arg7[%parallel_loop3A_850, %parallel_loop3A_851, %parallel_loop3A_852, %parallel_loop3A_853, %parallel_loop3A_854], %parallel_loop3A_593 {strides = array<i32>} : memref<2x4x2x8x128xf32, #tpu.memory_space<vmem>>, vector<16xf32>,
        %parallel_loop3A_856 = arith.constant 16 : i32
        %parallel_loop3A_857 = arith.muli %parallel_loop3A_572, %parallel_loop3A_856 : i32
        %parallel_loop3A_858 = arith.constant 0 : i32
        %parallel_loop3A_859 = arith.constant 0 : i32
        %parallel_loop3A_860 = arith.constant 2 : i32
        %parallel_loop3A_861 = arith.index_cast %parallel_loop3A_858 : i32 to index
        %parallel_loop3A_862 = arith.index_cast %parallel_loop3A_859 : i32 to index
        %parallel_loop3A_863 = arith.index_cast %parallel_loop3A_556 : i32 to index
        %parallel_loop3A_864 = arith.index_cast %parallel_loop3A_860 : i32 to index
        %parallel_loop3A_865 = arith.index_cast %parallel_loop3A_857 : i32 to index
        %parallel_loop3A_866 = tpu.vector_load %arg7[%parallel_loop3A_861, %parallel_loop3A_862, %parallel_loop3A_863, %parallel_loop3A_864, %parallel_loop3A_865] {strides = array<i32>} : memref<2x4x2x8x128xf32, #tpu.memory_space<vmem>>, vector<16xf32>,
        tpu.vector_store %arg7[%parallel_loop3A_861, %parallel_loop3A_862, %parallel_loop3A_863, %parallel_loop3A_864, %parallel_loop3A_865], %parallel_loop3A_601 {strides = array<i32>} : memref<2x4x2x8x128xf32, #tpu.memory_space<vmem>>, vector<16xf32>,
        %parallel_loop3A_867 = arith.constant 16 : i32
        %parallel_loop3A_868 = arith.muli %parallel_loop3A_572, %parallel_loop3A_867 : i32
        %parallel_loop3A_869 = arith.constant 0 : i32
        %parallel_loop3A_870 = arith.constant 0 : i32
        %parallel_loop3A_871 = arith.constant 3 : i32
        %parallel_loop3A_872 = arith.index_cast %parallel_loop3A_869 : i32 to index
        %parallel_loop3A_873 = arith.index_cast %parallel_loop3A_870 : i32 to index
        %parallel_loop3A_874 = arith.index_cast %parallel_loop3A_556 : i32 to index
        %parallel_loop3A_875 = arith.index_cast %parallel_loop3A_871 : i32 to index
        %parallel_loop3A_876 = arith.index_cast %parallel_loop3A_868 : i32 to index
        %parallel_loop3A_877 = tpu.vector_load %arg7[%parallel_loop3A_872, %parallel_loop3A_873, %parallel_loop3A_874, %parallel_loop3A_875, %parallel_loop3A_876] {strides = array<i32>} : memref<2x4x2x8x128xf32, #tpu.memory_space<vmem>>, vector<16xf32>,
        tpu.vector_store %arg7[%parallel_loop3A_872, %parallel_loop3A_873, %parallel_loop3A_874, %parallel_loop3A_875, %parallel_loop3A_876], %parallel_loop3A_609 {strides = array<i32>} : memref<2x4x2x8x128xf32, #tpu.memory_space<vmem>>, vector<16xf32>,
        %parallel_loop3A_878 = arith.constant 16 : i32
        %parallel_loop3A_879 = arith.muli %parallel_loop3A_572, %parallel_loop3A_878 : i32
        %parallel_loop3A_880 = arith.constant 0 : i32
        %parallel_loop3A_881 = arith.constant 0 : i32
        %parallel_loop3A_882 = arith.constant 4 : i32
        %parallel_loop3A_883 = arith.index_cast %parallel_loop3A_880 : i32 to index
        %parallel_loop3A_884 = arith.index_cast %parallel_loop3A_881 : i32 to index
        %parallel_loop3A_885 = arith.index_cast %parallel_loop3A_556 : i32 to index
        %parallel_loop3A_886 = arith.index_cast %parallel_loop3A_882 : i32 to index
        %parallel_loop3A_887 = arith.index_cast %parallel_loop3A_879 : i32 to index
        %parallel_loop3A_888 = tpu.vector_load %arg7[%parallel_loop3A_883, %parallel_loop3A_884, %parallel_loop3A_885, %parallel_loop3A_886, %parallel_loop3A_887] {strides = array<i32>} : memref<2x4x2x8x128xf32, #tpu.memory_space<vmem>>, vector<16xf32>,
        tpu.vector_store %arg7[%parallel_loop3A_883, %parallel_loop3A_884, %parallel_loop3A_885, %parallel_loop3A_886, %parallel_loop3A_887], %parallel_loop3A_617 {strides = array<i32>} : memref<2x4x2x8x128xf32, #tpu.memory_space<vmem>>, vector<16xf32>,
        %parallel_loop3A_889 = arith.constant 16 : i32
        %parallel_loop3A_890 = arith.muli %parallel_loop3A_572, %parallel_loop3A_889 : i32
        %parallel_loop3A_891 = arith.constant 0 : i32
        %parallel_loop3A_892 = arith.constant 0 : i32
        %parallel_loop3A_893 = arith.constant 5 : i32
        %parallel_loop3A_894 = arith.index_cast %parallel_loop3A_891 : i32 to index
        %parallel_loop3A_895 = arith.index_cast %parallel_loop3A_892 : i32 to index
        %parallel_loop3A_896 = arith.index_cast %parallel_loop3A_556 : i32 to index
        %parallel_loop3A_897 = arith.index_cast %parallel_loop3A_893 : i32 to index
        %parallel_loop3A_898 = arith.index_cast %parallel_loop3A_890 : i32 to index
        %parallel_loop3A_899 = tpu.vector_load %arg7[%parallel_loop3A_894, %parallel_loop3A_895, %parallel_loop3A_896, %parallel_loop3A_897, %parallel_loop3A_898] {strides = array<i32>} : memref<2x4x2x8x128xf32, #tpu.memory_space<vmem>>, vector<16xf32>,
        tpu.vector_store %arg7[%parallel_loop3A_894, %parallel_loop3A_895, %parallel_loop3A_896, %parallel_loop3A_897, %parallel_loop3A_898], %parallel_loop3A_625 {strides = array<i32>} : memref<2x4x2x8x128xf32, #tpu.memory_space<vmem>>, vector<16xf32>,
        %parallel_loop3A_900 = arith.constant 16 : i32
        %parallel_loop3A_901 = arith.muli %parallel_loop3A_572, %parallel_loop3A_900 : i32
        %parallel_loop3A_902 = arith.constant 0 : i32
        %parallel_loop3A_903 = arith.constant 0 : i32
        %parallel_loop3A_904 = arith.constant 6 : i32
        %parallel_loop3A_905 = arith.index_cast %parallel_loop3A_902 : i32 to index
        %parallel_loop3A_906 = arith.index_cast %parallel_loop3A_903 : i32 to index
        %parallel_loop3A_907 = arith.index_cast %parallel_loop3A_556 : i32 to index
        %parallel_loop3A_908 = arith.index_cast %parallel_loop3A_904 : i32 to index
        %parallel_loop3A_909 = arith.index_cast %parallel_loop3A_901 : i32 to index
        %parallel_loop3A_910 = tpu.vector_load %arg7[%parallel_loop3A_905, %parallel_loop3A_906, %parallel_loop3A_907, %parallel_loop3A_908, %parallel_loop3A_909] {strides = array<i32>} : memref<2x4x2x8x128xf32, #tpu.memory_space<vmem>>, vector<16xf32>,
        tpu.vector_store %arg7[%parallel_loop3A_905, %parallel_loop3A_906, %parallel_loop3A_907, %parallel_loop3A_908, %parallel_loop3A_909], %parallel_loop3A_633 {strides = array<i32>} : memref<2x4x2x8x128xf32, #tpu.memory_space<vmem>>, vector<16xf32>,
        %parallel_loop3A_911 = arith.constant 16 : i32
        %parallel_loop3A_912 = arith.muli %parallel_loop3A_572, %parallel_loop3A_911 : i32
        %parallel_loop3A_913 = arith.constant 0 : i32
        %parallel_loop3A_914 = arith.constant 0 : i32
        %parallel_loop3A_915 = arith.constant 7 : i32
        %parallel_loop3A_916 = arith.index_cast %parallel_loop3A_913 : i32 to index
        %parallel_loop3A_917 = arith.index_cast %parallel_loop3A_914 : i32 to index
        %parallel_loop3A_918 = arith.index_cast %parallel_loop3A_556 : i32 to index
        %parallel_loop3A_919 = arith.index_cast %parallel_loop3A_915 : i32 to index
        %parallel_loop3A_920 = arith.index_cast %parallel_loop3A_912 : i32 to index
        %parallel_loop3A_921 = tpu.vector_load %arg7[%parallel_loop3A_916, %parallel_loop3A_917, %parallel_loop3A_918, %parallel_loop3A_919, %parallel_loop3A_920] {strides = array<i32>} : memref<2x4x2x8x128xf32, #tpu.memory_space<vmem>>, vector<16xf32>,
        tpu.vector_store %arg7[%parallel_loop3A_916, %parallel_loop3A_917, %parallel_loop3A_918, %parallel_loop3A_919, %parallel_loop3A_920], %parallel_loop3A_641 {strides = array<i32>} : memref<2x4x2x8x128xf32, #tpu.memory_space<vmem>>, vector<16xf32>,
        %parallel_loop3A_922 = arith.constant 16 : i32
        %parallel_loop3A_923 = arith.muli %parallel_loop3A_572, %parallel_loop3A_922 : i32
        %parallel_loop3A_924 = arith.constant 0 : i32
        %parallel_loop3A_925 = arith.constant 1 : i32
        %parallel_loop3A_926 = arith.constant 0 : i32
        %parallel_loop3A_927 = arith.index_cast %parallel_loop3A_924 : i32 to index
        %parallel_loop3A_928 = arith.index_cast %parallel_loop3A_925 : i32 to index
        %parallel_loop3A_929 = arith.index_cast %parallel_loop3A_556 : i32 to index
        %parallel_loop3A_930 = arith.index_cast %parallel_loop3A_926 : i32 to index
        %parallel_loop3A_931 = arith.index_cast %parallel_loop3A_923 : i32 to index
        %parallel_loop3A_932 = tpu.vector_load %arg7[%parallel_loop3A_927, %parallel_loop3A_928, %parallel_loop3A_929, %parallel_loop3A_930, %parallel_loop3A_931] {strides = array<i32>} : memref<2x4x2x8x128xf32, #tpu.memory_space<vmem>>, vector<16xf32>,
        tpu.vector_store %arg7[%parallel_loop3A_927, %parallel_loop3A_928, %parallel_loop3A_929, %parallel_loop3A_930, %parallel_loop3A_931], %parallel_loop3A_649 {strides = array<i32>} : memref<2x4x2x8x128xf32, #tpu.memory_space<vmem>>, vector<16xf32>,
        %parallel_loop3A_933 = arith.constant 16 : i32
        %parallel_loop3A_934 = arith.muli %parallel_loop3A_572, %parallel_loop3A_933 : i32
        %parallel_loop3A_935 = arith.constant 0 : i32
        %parallel_loop3A_936 = arith.constant 1 : i32
        %parallel_loop3A_937 = arith.constant 1 : i32
        %parallel_loop3A_938 = arith.index_cast %parallel_loop3A_935 : i32 to index
        %parallel_loop3A_939 = arith.index_cast %parallel_loop3A_936 : i32 to index
        %parallel_loop3A_940 = arith.index_cast %parallel_loop3A_556 : i32 to index
        %parallel_loop3A_941 = arith.index_cast %parallel_loop3A_937 : i32 to index
        %parallel_loop3A_942 = arith.index_cast %parallel_loop3A_934 : i32 to index
        %parallel_loop3A_943 = tpu.vector_load %arg7[%parallel_loop3A_938, %parallel_loop3A_939, %parallel_loop3A_940, %parallel_loop3A_941, %parallel_loop3A_942] {strides = array<i32>} : memref<2x4x2x8x128xf32, #tpu.memory_space<vmem>>, vector<16xf32>,
        tpu.vector_store %arg7[%parallel_loop3A_938, %parallel_loop3A_939, %parallel_loop3A_940, %parallel_loop3A_941, %parallel_loop3A_942], %parallel_loop3A_657 {strides = array<i32>} : memref<2x4x2x8x128xf32, #tpu.memory_space<vmem>>, vector<16xf32>,
        %parallel_loop3A_944 = arith.constant 16 : i32
        %parallel_loop3A_945 = arith.muli %parallel_loop3A_572, %parallel_loop3A_944 : i32
        %parallel_loop3A_946 = arith.constant 0 : i32
        %parallel_loop3A_947 = arith.constant 1 : i32
        %parallel_loop3A_948 = arith.constant 2 : i32
        %parallel_loop3A_949 = arith.index_cast %parallel_loop3A_946 : i32 to index
        %parallel_loop3A_950 = arith.index_cast %parallel_loop3A_947 : i32 to index
        %parallel_loop3A_951 = arith.index_cast %parallel_loop3A_556 : i32 to index
        %parallel_loop3A_952 = arith.index_cast %parallel_loop3A_948 : i32 to index
        %parallel_loop3A_953 = arith.index_cast %parallel_loop3A_945 : i32 to index
        %parallel_loop3A_954 = tpu.vector_load %arg7[%parallel_loop3A_949, %parallel_loop3A_950, %parallel_loop3A_951, %parallel_loop3A_952, %parallel_loop3A_953] {strides = array<i32>} : memref<2x4x2x8x128xf32, #tpu.memory_space<vmem>>, vector<16xf32>,
        tpu.vector_store %arg7[%parallel_loop3A_949, %parallel_loop3A_950, %parallel_loop3A_951, %parallel_loop3A_952, %parallel_loop3A_953], %parallel_loop3A_665 {strides = array<i32>} : memref<2x4x2x8x128xf32, #tpu.memory_space<vmem>>, vector<16xf32>,
        %parallel_loop3A_955 = arith.constant 16 : i32
        %parallel_loop3A_956 = arith.muli %parallel_loop3A_572, %parallel_loop3A_955 : i32
        %parallel_loop3A_957 = arith.constant 0 : i32
        %parallel_loop3A_958 = arith.constant 1 : i32
        %parallel_loop3A_959 = arith.constant 3 : i32
        %parallel_loop3A_960 = arith.index_cast %parallel_loop3A_957 : i32 to index
        %parallel_loop3A_961 = arith.index_cast %parallel_loop3A_958 : i32 to index
        %parallel_loop3A_962 = arith.index_cast %parallel_loop3A_556 : i32 to index
        %parallel_loop3A_963 = arith.index_cast %parallel_loop3A_959 : i32 to index
        %parallel_loop3A_964 = arith.index_cast %parallel_loop3A_956 : i32 to index
        %parallel_loop3A_965 = tpu.vector_load %arg7[%parallel_loop3A_960, %parallel_loop3A_961, %parallel_loop3A_962, %parallel_loop3A_963, %parallel_loop3A_964] {strides = array<i32>} : memref<2x4x2x8x128xf32, #tpu.memory_space<vmem>>, vector<16xf32>,
        tpu.vector_store %arg7[%parallel_loop3A_960, %parallel_loop3A_961, %parallel_loop3A_962, %parallel_loop3A_963, %parallel_loop3A_964], %parallel_loop3A_673 {strides = array<i32>} : memref<2x4x2x8x128xf32, #tpu.memory_space<vmem>>, vector<16xf32>,
        %parallel_loop3A_966 = arith.constant 16 : i32
        %parallel_loop3A_967 = arith.muli %parallel_loop3A_572, %parallel_loop3A_966 : i32
        %parallel_loop3A_968 = arith.constant 0 : i32
        %parallel_loop3A_969 = arith.constant 1 : i32
        %parallel_loop3A_970 = arith.constant 4 : i32
        %parallel_loop3A_971 = arith.index_cast %parallel_loop3A_968 : i32 to index
        %parallel_loop3A_972 = arith.index_cast %parallel_loop3A_969 : i32 to index
        %parallel_loop3A_973 = arith.index_cast %parallel_loop3A_556 : i32 to index
        %parallel_loop3A_974 = arith.index_cast %parallel_loop3A_970 : i32 to index
        %parallel_loop3A_975 = arith.index_cast %parallel_loop3A_967 : i32 to index
        %parallel_loop3A_976 = tpu.vector_load %arg7[%parallel_loop3A_971, %parallel_loop3A_972, %parallel_loop3A_973, %parallel_loop3A_974, %parallel_loop3A_975] {strides = array<i32>} : memref<2x4x2x8x128xf32, #tpu.memory_space<vmem>>, vector<16xf32>,
        tpu.vector_store %arg7[%parallel_loop3A_971, %parallel_loop3A_972, %parallel_loop3A_973, %parallel_loop3A_974, %parallel_loop3A_975], %parallel_loop3A_681 {strides = array<i32>} : memref<2x4x2x8x128xf32, #tpu.memory_space<vmem>>, vector<16xf32>,
        %parallel_loop3A_977 = arith.constant 16 : i32
        %parallel_loop3A_978 = arith.muli %parallel_loop3A_572, %parallel_loop3A_977 : i32
        %parallel_loop3A_979 = arith.constant 0 : i32
        %parallel_loop3A_980 = arith.constant 1 : i32
        %parallel_loop3A_981 = arith.constant 5 : i32
        %parallel_loop3A_982 = arith.index_cast %parallel_loop3A_979 : i32 to index
        %parallel_loop3A_983 = arith.index_cast %parallel_loop3A_980 : i32 to index
        %parallel_loop3A_984 = arith.index_cast %parallel_loop3A_556 : i32 to index
        %parallel_loop3A_985 = arith.index_cast %parallel_loop3A_981 : i32 to index
        %parallel_loop3A_986 = arith.index_cast %parallel_loop3A_978 : i32 to index
        %parallel_loop3A_987 = tpu.vector_load %arg7[%parallel_loop3A_982, %parallel_loop3A_983, %parallel_loop3A_984, %parallel_loop3A_985, %parallel_loop3A_986] {strides = array<i32>} : memref<2x4x2x8x128xf32, #tpu.memory_space<vmem>>, vector<16xf32>,
        tpu.vector_store %arg7[%parallel_loop3A_982, %parallel_loop3A_983, %parallel_loop3A_984, %parallel_loop3A_985, %parallel_loop3A_986], %parallel_loop3A_689 {strides = array<i32>} : memref<2x4x2x8x128xf32, #tpu.memory_space<vmem>>, vector<16xf32>,
        %parallel_loop3A_988 = arith.constant 16 : i32
        %parallel_loop3A_989 = arith.muli %parallel_loop3A_572, %parallel_loop3A_988 : i32
        %parallel_loop3A_990 = arith.constant 0 : i32
        %parallel_loop3A_991 = arith.constant 1 : i32
        %parallel_loop3A_992 = arith.constant 6 : i32
        %parallel_loop3A_993 = arith.index_cast %parallel_loop3A_990 : i32 to index
        %parallel_loop3A_994 = arith.index_cast %parallel_loop3A_991 : i32 to index
        %parallel_loop3A_995 = arith.index_cast %parallel_loop3A_556 : i32 to index
        %parallel_loop3A_996 = arith.index_cast %parallel_loop3A_992 : i32 to index
        %parallel_loop3A_997 = arith.index_cast %parallel_loop3A_989 : i32 to index
        %parallel_loop3A_998 = tpu.vector_load %arg7[%parallel_loop3A_993, %parallel_loop3A_994, %parallel_loop3A_995, %parallel_loop3A_996, %parallel_loop3A_997] {strides = array<i32>} : memref<2x4x2x8x128xf32, #tpu.memory_space<vmem>>, vector<16xf32>,
        tpu.vector_store %arg7[%parallel_loop3A_993, %parallel_loop3A_994, %parallel_loop3A_995, %parallel_loop3A_996, %parallel_loop3A_997], %parallel_loop3A_697 {strides = array<i32>} : memref<2x4x2x8x128xf32, #tpu.memory_space<vmem>>, vector<16xf32>,
        %parallel_loop3A_999 = arith.constant 16 : i32
        %parallel_loop3A_1000 = arith.muli %parallel_loop3A_572, %parallel_loop3A_999 : i32
        %parallel_loop3A_1001 = arith.constant 0 : i32
        %parallel_loop3A_1002 = arith.constant 1 : i32
        %parallel_loop3A_1003 = arith.constant 7 : i32
        %parallel_loop3A_1004 = arith.index_cast %parallel_loop3A_1001 : i32 to index
        %parallel_loop3A_1005 = arith.index_cast %parallel_loop3A_1002 : i32 to index
        %parallel_loop3A_1006 = arith.index_cast %parallel_loop3A_556 : i32 to index
        %parallel_loop3A_1007 = arith.index_cast %parallel_loop3A_1003 : i32 to index
        %parallel_loop3A_1008 = arith.index_cast %parallel_loop3A_1000 : i32 to index
        %parallel_loop3A_1009 = tpu.vector_load %arg7[%parallel_loop3A_1004, %parallel_loop3A_1005, %parallel_loop3A_1006, %parallel_loop3A_1007, %parallel_loop3A_1008] {strides = array<i32>} : memref<2x4x2x8x128xf32, #tpu.memory_space<vmem>>, vector<16xf32>,
        tpu.vector_store %arg7[%parallel_loop3A_1004, %parallel_loop3A_1005, %parallel_loop3A_1006, %parallel_loop3A_1007, %parallel_loop3A_1008], %parallel_loop3A_705 {strides = array<i32>} : memref<2x4x2x8x128xf32, #tpu.memory_space<vmem>>, vector<16xf32>,
        %parallel_loop3A_1010 = arith.constant 16 : i32
        %parallel_loop3A_1011 = arith.muli %parallel_loop3A_572, %parallel_loop3A_1010 : i32
        %parallel_loop3A_1012 = arith.constant 0 : i32
        %parallel_loop3A_1013 = arith.constant 2 : i32
        %parallel_loop3A_1014 = arith.constant 0 : i32
        %parallel_loop3A_1015 = arith.index_cast %parallel_loop3A_1012 : i32 to index
        %parallel_loop3A_1016 = arith.index_cast %parallel_loop3A_1013 : i32 to index
        %parallel_loop3A_1017 = arith.index_cast %parallel_loop3A_556 : i32 to index
        %parallel_loop3A_1018 = arith.index_cast %parallel_loop3A_1014 : i32 to index
        %parallel_loop3A_1019 = arith.index_cast %parallel_loop3A_1011 : i32 to index
        %parallel_loop3A_1020 = tpu.vector_load %arg7[%parallel_loop3A_1015, %parallel_loop3A_1016, %parallel_loop3A_1017, %parallel_loop3A_1018, %parallel_loop3A_1019] {strides = array<i32>} : memref<2x4x2x8x128xf32, #tpu.memory_space<vmem>>, vector<16xf32>,
        tpu.vector_store %arg7[%parallel_loop3A_1015, %parallel_loop3A_1016, %parallel_loop3A_1017, %parallel_loop3A_1018, %parallel_loop3A_1019], %parallel_loop3A_713 {strides = array<i32>} : memref<2x4x2x8x128xf32, #tpu.memory_space<vmem>>, vector<16xf32>,
        %parallel_loop3A_1021 = arith.constant 16 : i32
        %parallel_loop3A_1022 = arith.muli %parallel_loop3A_572, %parallel_loop3A_1021 : i32
        %parallel_loop3A_1023 = arith.constant 0 : i32
        %parallel_loop3A_1024 = arith.constant 2 : i32
        %parallel_loop3A_1025 = arith.constant 1 : i32
        %parallel_loop3A_1026 = arith.index_cast %parallel_loop3A_1023 : i32 to index
        %parallel_loop3A_1027 = arith.index_cast %parallel_loop3A_1024 : i32 to index
        %parallel_loop3A_1028 = arith.index_cast %parallel_loop3A_556 : i32 to index
        %parallel_loop3A_1029 = arith.index_cast %parallel_loop3A_1025 : i32 to index
        %parallel_loop3A_1030 = arith.index_cast %parallel_loop3A_1022 : i32 to index
        %parallel_loop3A_1031 = tpu.vector_load %arg7[%parallel_loop3A_1026, %parallel_loop3A_1027, %parallel_loop3A_1028, %parallel_loop3A_1029, %parallel_loop3A_1030] {strides = array<i32>} : memref<2x4x2x8x128xf32, #tpu.memory_space<vmem>>, vector<16xf32>,
        tpu.vector_store %arg7[%parallel_loop3A_1026, %parallel_loop3A_1027, %parallel_loop3A_1028, %parallel_loop3A_1029, %parallel_loop3A_1030], %parallel_loop3A_721 {strides = array<i32>} : memref<2x4x2x8x128xf32, #tpu.memory_space<vmem>>, vector<16xf32>,
        %parallel_loop3A_1032 = arith.constant 16 : i32
        %parallel_loop3A_1033 = arith.muli %parallel_loop3A_572, %parallel_loop3A_1032 : i32
        %parallel_loop3A_1034 = arith.constant 0 : i32
        %parallel_loop3A_1035 = arith.constant 2 : i32
        %parallel_loop3A_1036 = arith.constant 2 : i32
        %parallel_loop3A_1037 = arith.index_cast %parallel_loop3A_1034 : i32 to index
        %parallel_loop3A_1038 = arith.index_cast %parallel_loop3A_1035 : i32 to index
        %parallel_loop3A_1039 = arith.index_cast %parallel_loop3A_556 : i32 to index
        %parallel_loop3A_1040 = arith.index_cast %parallel_loop3A_1036 : i32 to index
        %parallel_loop3A_1041 = arith.index_cast %parallel_loop3A_1033 : i32 to index
        %parallel_loop3A_1042 = tpu.vector_load %arg7[%parallel_loop3A_1037, %parallel_loop3A_1038, %parallel_loop3A_1039, %parallel_loop3A_1040, %parallel_loop3A_1041] {strides = array<i32>} : memref<2x4x2x8x128xf32, #tpu.memory_space<vmem>>, vector<16xf32>,
        tpu.vector_store %arg7[%parallel_loop3A_1037, %parallel_loop3A_1038, %parallel_loop3A_1039, %parallel_loop3A_1040, %parallel_loop3A_1041], %parallel_loop3A_729 {strides = array<i32>} : memref<2x4x2x8x128xf32, #tpu.memory_space<vmem>>, vector<16xf32>,
        %parallel_loop3A_1043 = arith.constant 16 : i32
        %parallel_loop3A_1044 = arith.muli %parallel_loop3A_572, %parallel_loop3A_1043 : i32
        %parallel_loop3A_1045 = arith.constant 0 : i32
        %parallel_loop3A_1046 = arith.constant 2 : i32
        %parallel_loop3A_1047 = arith.constant 3 : i32
        %parallel_loop3A_1048 = arith.index_cast %parallel_loop3A_1045 : i32 to index
        %parallel_loop3A_1049 = arith.index_cast %parallel_loop3A_1046 : i32 to index
        %parallel_loop3A_1050 = arith.index_cast %parallel_loop3A_556 : i32 to index
        %parallel_loop3A_1051 = arith.index_cast %parallel_loop3A_1047 : i32 to index
        %parallel_loop3A_1052 = arith.index_cast %parallel_loop3A_1044 : i32 to index
        %parallel_loop3A_1053 = tpu.vector_load %arg7[%parallel_loop3A_1048, %parallel_loop3A_1049, %parallel_loop3A_1050, %parallel_loop3A_1051, %parallel_loop3A_1052] {strides = array<i32>} : memref<2x4x2x8x128xf32, #tpu.memory_space<vmem>>, vector<16xf32>,
        tpu.vector_store %arg7[%parallel_loop3A_1048, %parallel_loop3A_1049, %parallel_loop3A_1050, %parallel_loop3A_1051, %parallel_loop3A_1052], %parallel_loop3A_737 {strides = array<i32>} : memref<2x4x2x8x128xf32, #tpu.memory_space<vmem>>, vector<16xf32>,
        %parallel_loop3A_1054 = arith.constant 16 : i32
        %parallel_loop3A_1055 = arith.muli %parallel_loop3A_572, %parallel_loop3A_1054 : i32
        %parallel_loop3A_1056 = arith.constant 0 : i32
        %parallel_loop3A_1057 = arith.constant 2 : i32
        %parallel_loop3A_1058 = arith.constant 4 : i32
        %parallel_loop3A_1059 = arith.index_cast %parallel_loop3A_1056 : i32 to index
        %parallel_loop3A_1060 = arith.index_cast %parallel_loop3A_1057 : i32 to index
        %parallel_loop3A_1061 = arith.index_cast %parallel_loop3A_556 : i32 to index
        %parallel_loop3A_1062 = arith.index_cast %parallel_loop3A_1058 : i32 to index
        %parallel_loop3A_1063 = arith.index_cast %parallel_loop3A_1055 : i32 to index
        %parallel_loop3A_1064 = tpu.vector_load %arg7[%parallel_loop3A_1059, %parallel_loop3A_1060, %parallel_loop3A_1061, %parallel_loop3A_1062, %parallel_loop3A_1063] {strides = array<i32>} : memref<2x4x2x8x128xf32, #tpu.memory_space<vmem>>, vector<16xf32>,
        tpu.vector_store %arg7[%parallel_loop3A_1059, %parallel_loop3A_1060, %parallel_loop3A_1061, %parallel_loop3A_1062, %parallel_loop3A_1063], %parallel_loop3A_745 {strides = array<i32>} : memref<2x4x2x8x128xf32, #tpu.memory_space<vmem>>, vector<16xf32>,
        %parallel_loop3A_1065 = arith.constant 16 : i32
        %parallel_loop3A_1066 = arith.muli %parallel_loop3A_572, %parallel_loop3A_1065 : i32
        %parallel_loop3A_1067 = arith.constant 0 : i32
        %parallel_loop3A_1068 = arith.constant 2 : i32
        %parallel_loop3A_1069 = arith.constant 5 : i32
        %parallel_loop3A_1070 = arith.index_cast %parallel_loop3A_1067 : i32 to index
        %parallel_loop3A_1071 = arith.index_cast %parallel_loop3A_1068 : i32 to index
        %parallel_loop3A_1072 = arith.index_cast %parallel_loop3A_556 : i32 to index
        %parallel_loop3A_1073 = arith.index_cast %parallel_loop3A_1069 : i32 to index
        %parallel_loop3A_1074 = arith.index_cast %parallel_loop3A_1066 : i32 to index
        %parallel_loop3A_1075 = tpu.vector_load %arg7[%parallel_loop3A_1070, %parallel_loop3A_1071, %parallel_loop3A_1072, %parallel_loop3A_1073, %parallel_loop3A_1074] {strides = array<i32>} : memref<2x4x2x8x128xf32, #tpu.memory_space<vmem>>, vector<16xf32>,
        tpu.vector_store %arg7[%parallel_loop3A_1070, %parallel_loop3A_1071, %parallel_loop3A_1072, %parallel_loop3A_1073, %parallel_loop3A_1074], %parallel_loop3A_753 {strides = array<i32>} : memref<2x4x2x8x128xf32, #tpu.memory_space<vmem>>, vector<16xf32>,
        %parallel_loop3A_1076 = arith.constant 16 : i32
        %parallel_loop3A_1077 = arith.muli %parallel_loop3A_572, %parallel_loop3A_1076 : i32
        %parallel_loop3A_1078 = arith.constant 0 : i32
        %parallel_loop3A_1079 = arith.constant 2 : i32
        %parallel_loop3A_1080 = arith.constant 6 : i32
        %parallel_loop3A_1081 = arith.index_cast %parallel_loop3A_1078 : i32 to index
        %parallel_loop3A_1082 = arith.index_cast %parallel_loop3A_1079 : i32 to index
        %parallel_loop3A_1083 = arith.index_cast %parallel_loop3A_556 : i32 to index
        %parallel_loop3A_1084 = arith.index_cast %parallel_loop3A_1080 : i32 to index
        %parallel_loop3A_1085 = arith.index_cast %parallel_loop3A_1077 : i32 to index
        %parallel_loop3A_1086 = tpu.vector_load %arg7[%parallel_loop3A_1081, %parallel_loop3A_1082, %parallel_loop3A_1083, %parallel_loop3A_1084, %parallel_loop3A_1085] {strides = array<i32>} : memref<2x4x2x8x128xf32, #tpu.memory_space<vmem>>, vector<16xf32>,
        tpu.vector_store %arg7[%parallel_loop3A_1081, %parallel_loop3A_1082, %parallel_loop3A_1083, %parallel_loop3A_1084, %parallel_loop3A_1085], %parallel_loop3A_761 {strides = array<i32>} : memref<2x4x2x8x128xf32, #tpu.memory_space<vmem>>, vector<16xf32>,
        %parallel_loop3A_1087 = arith.constant 16 : i32
        %parallel_loop3A_1088 = arith.muli %parallel_loop3A_572, %parallel_loop3A_1087 : i32
        %parallel_loop3A_1089 = arith.constant 0 : i32
        %parallel_loop3A_1090 = arith.constant 2 : i32
        %parallel_loop3A_1091 = arith.constant 7 : i32
        %parallel_loop3A_1092 = arith.index_cast %parallel_loop3A_1089 : i32 to index
        %parallel_loop3A_1093 = arith.index_cast %parallel_loop3A_1090 : i32 to index
        %parallel_loop3A_1094 = arith.index_cast %parallel_loop3A_556 : i32 to index
        %parallel_loop3A_1095 = arith.index_cast %parallel_loop3A_1091 : i32 to index
        %parallel_loop3A_1096 = arith.index_cast %parallel_loop3A_1088 : i32 to index
        %parallel_loop3A_1097 = tpu.vector_load %arg7[%parallel_loop3A_1092, %parallel_loop3A_1093, %parallel_loop3A_1094, %parallel_loop3A_1095, %parallel_loop3A_1096] {strides = array<i32>} : memref<2x4x2x8x128xf32, #tpu.memory_space<vmem>>, vector<16xf32>,
        tpu.vector_store %arg7[%parallel_loop3A_1092, %parallel_loop3A_1093, %parallel_loop3A_1094, %parallel_loop3A_1095, %parallel_loop3A_1096], %parallel_loop3A_769 {strides = array<i32>} : memref<2x4x2x8x128xf32, #tpu.memory_space<vmem>>, vector<16xf32>,
        %parallel_loop3A_1098 = arith.constant 16 : i32
        %parallel_loop3A_1099 = arith.muli %parallel_loop3A_572, %parallel_loop3A_1098 : i32
        %parallel_loop3A_1100 = arith.constant 0 : i32
        %parallel_loop3A_1101 = arith.constant 3 : i32
        %parallel_loop3A_1102 = arith.constant 0 : i32
        %parallel_loop3A_1103 = arith.index_cast %parallel_loop3A_1100 : i32 to index
        %parallel_loop3A_1104 = arith.index_cast %parallel_loop3A_1101 : i32 to index
        %parallel_loop3A_1105 = arith.index_cast %parallel_loop3A_556 : i32 to index
        %parallel_loop3A_1106 = arith.index_cast %parallel_loop3A_1102 : i32 to index
        %parallel_loop3A_1107 = arith.index_cast %parallel_loop3A_1099 : i32 to index
        %parallel_loop3A_1108 = tpu.vector_load %arg7[%parallel_loop3A_1103, %parallel_loop3A_1104, %parallel_loop3A_1105, %parallel_loop3A_1106, %parallel_loop3A_1107] {strides = array<i32>} : memref<2x4x2x8x128xf32, #tpu.memory_space<vmem>>, vector<16xf32>,
        tpu.vector_store %arg7[%parallel_loop3A_1103, %parallel_loop3A_1104, %parallel_loop3A_1105, %parallel_loop3A_1106, %parallel_loop3A_1107], %parallel_loop3A_777 {strides = array<i32>} : memref<2x4x2x8x128xf32, #tpu.memory_space<vmem>>, vector<16xf32>,
        %parallel_loop3A_1109 = arith.constant 16 : i32
        %parallel_loop3A_1110 = arith.muli %parallel_loop3A_572, %parallel_loop3A_1109 : i32
        %parallel_loop3A_1111 = arith.constant 0 : i32
        %parallel_loop3A_1112 = arith.constant 3 : i32
        %parallel_loop3A_1113 = arith.constant 1 : i32
        %parallel_loop3A_1114 = arith.index_cast %parallel_loop3A_1111 : i32 to index
        %parallel_loop3A_1115 = arith.index_cast %parallel_loop3A_1112 : i32 to index
        %parallel_loop3A_1116 = arith.index_cast %parallel_loop3A_556 : i32 to index
        %parallel_loop3A_1117 = arith.index_cast %parallel_loop3A_1113 : i32 to index
        %parallel_loop3A_1118 = arith.index_cast %parallel_loop3A_1110 : i32 to index
        %parallel_loop3A_1119 = tpu.vector_load %arg7[%parallel_loop3A_1114, %parallel_loop3A_1115, %parallel_loop3A_1116, %parallel_loop3A_1117, %parallel_loop3A_1118] {strides = array<i32>} : memref<2x4x2x8x128xf32, #tpu.memory_space<vmem>>, vector<16xf32>,
        tpu.vector_store %arg7[%parallel_loop3A_1114, %parallel_loop3A_1115, %parallel_loop3A_1116, %parallel_loop3A_1117, %parallel_loop3A_1118], %parallel_loop3A_785 {strides = array<i32>} : memref<2x4x2x8x128xf32, #tpu.memory_space<vmem>>, vector<16xf32>,
        %parallel_loop3A_1120 = arith.constant 16 : i32
        %parallel_loop3A_1121 = arith.muli %parallel_loop3A_572, %parallel_loop3A_1120 : i32
        %parallel_loop3A_1122 = arith.constant 0 : i32
        %parallel_loop3A_1123 = arith.constant 3 : i32
        %parallel_loop3A_1124 = arith.constant 2 : i32
        %parallel_loop3A_1125 = arith.index_cast %parallel_loop3A_1122 : i32 to index
        %parallel_loop3A_1126 = arith.index_cast %parallel_loop3A_1123 : i32 to index
        %parallel_loop3A_1127 = arith.index_cast %parallel_loop3A_556 : i32 to index
        %parallel_loop3A_1128 = arith.index_cast %parallel_loop3A_1124 : i32 to index
        %parallel_loop3A_1129 = arith.index_cast %parallel_loop3A_1121 : i32 to index
        %parallel_loop3A_1130 = tpu.vector_load %arg7[%parallel_loop3A_1125, %parallel_loop3A_1126, %parallel_loop3A_1127, %parallel_loop3A_1128, %parallel_loop3A_1129] {strides = array<i32>} : memref<2x4x2x8x128xf32, #tpu.memory_space<vmem>>, vector<16xf32>,
        tpu.vector_store %arg7[%parallel_loop3A_1125, %parallel_loop3A_1126, %parallel_loop3A_1127, %parallel_loop3A_1128, %parallel_loop3A_1129], %parallel_loop3A_793 {strides = array<i32>} : memref<2x4x2x8x128xf32, #tpu.memory_space<vmem>>, vector<16xf32>,
        %parallel_loop3A_1131 = arith.constant 16 : i32
        %parallel_loop3A_1132 = arith.muli %parallel_loop3A_572, %parallel_loop3A_1131 : i32
        %parallel_loop3A_1133 = arith.constant 0 : i32
        %parallel_loop3A_1134 = arith.constant 3 : i32
        %parallel_loop3A_1135 = arith.constant 3 : i32
        %parallel_loop3A_1136 = arith.index_cast %parallel_loop3A_1133 : i32 to index
        %parallel_loop3A_1137 = arith.index_cast %parallel_loop3A_1134 : i32 to index
        %parallel_loop3A_1138 = arith.index_cast %parallel_loop3A_556 : i32 to index
        %parallel_loop3A_1139 = arith.index_cast %parallel_loop3A_1135 : i32 to index
        %parallel_loop3A_1140 = arith.index_cast %parallel_loop3A_1132 : i32 to index
        %parallel_loop3A_1141 = tpu.vector_load %arg7[%parallel_loop3A_1136, %parallel_loop3A_1137, %parallel_loop3A_1138, %parallel_loop3A_1139, %parallel_loop3A_1140] {strides = array<i32>} : memref<2x4x2x8x128xf32, #tpu.memory_space<vmem>>, vector<16xf32>,
        tpu.vector_store %arg7[%parallel_loop3A_1136, %parallel_loop3A_1137, %parallel_loop3A_1138, %parallel_loop3A_1139, %parallel_loop3A_1140], %parallel_loop3A_801 {strides = array<i32>} : memref<2x4x2x8x128xf32, #tpu.memory_space<vmem>>, vector<16xf32>,
        %parallel_loop3A_1142 = arith.constant 16 : i32
        %parallel_loop3A_1143 = arith.muli %parallel_loop3A_572, %parallel_loop3A_1142 : i32
        %parallel_loop3A_1144 = arith.constant 0 : i32
        %parallel_loop3A_1145 = arith.constant 3 : i32
        %parallel_loop3A_1146 = arith.constant 4 : i32
        %parallel_loop3A_1147 = arith.index_cast %parallel_loop3A_1144 : i32 to index
        %parallel_loop3A_1148 = arith.index_cast %parallel_loop3A_1145 : i32 to index
        %parallel_loop3A_1149 = arith.index_cast %parallel_loop3A_556 : i32 to index
        %parallel_loop3A_1150 = arith.index_cast %parallel_loop3A_1146 : i32 to index
        %parallel_loop3A_1151 = arith.index_cast %parallel_loop3A_1143 : i32 to index
        %parallel_loop3A_1152 = tpu.vector_load %arg7[%parallel_loop3A_1147, %parallel_loop3A_1148, %parallel_loop3A_1149, %parallel_loop3A_1150, %parallel_loop3A_1151] {strides = array<i32>} : memref<2x4x2x8x128xf32, #tpu.memory_space<vmem>>, vector<16xf32>,
        tpu.vector_store %arg7[%parallel_loop3A_1147, %parallel_loop3A_1148, %parallel_loop3A_1149, %parallel_loop3A_1150, %parallel_loop3A_1151], %parallel_loop3A_809 {strides = array<i32>} : memref<2x4x2x8x128xf32, #tpu.memory_space<vmem>>, vector<16xf32>,
        %parallel_loop3A_1153 = arith.constant 16 : i32
        %parallel_loop3A_1154 = arith.muli %parallel_loop3A_572, %parallel_loop3A_1153 : i32
        %parallel_loop3A_1155 = arith.constant 0 : i32
        %parallel_loop3A_1156 = arith.constant 3 : i32
        %parallel_loop3A_1157 = arith.constant 5 : i32
        %parallel_loop3A_1158 = arith.index_cast %parallel_loop3A_1155 : i32 to index
        %parallel_loop3A_1159 = arith.index_cast %parallel_loop3A_1156 : i32 to index
        %parallel_loop3A_1160 = arith.index_cast %parallel_loop3A_556 : i32 to index
        %parallel_loop3A_1161 = arith.index_cast %parallel_loop3A_1157 : i32 to index
        %parallel_loop3A_1162 = arith.index_cast %parallel_loop3A_1154 : i32 to index
        %parallel_loop3A_1163 = tpu.vector_load %arg7[%parallel_loop3A_1158, %parallel_loop3A_1159, %parallel_loop3A_1160, %parallel_loop3A_1161, %parallel_loop3A_1162] {strides = array<i32>} : memref<2x4x2x8x128xf32, #tpu.memory_space<vmem>>, vector<16xf32>,
        tpu.vector_store %arg7[%parallel_loop3A_1158, %parallel_loop3A_1159, %parallel_loop3A_1160, %parallel_loop3A_1161, %parallel_loop3A_1162], %parallel_loop3A_817 {strides = array<i32>} : memref<2x4x2x8x128xf32, #tpu.memory_space<vmem>>, vector<16xf32>,
        %parallel_loop3A_1164 = arith.constant 16 : i32
        %parallel_loop3A_1165 = arith.muli %parallel_loop3A_572, %parallel_loop3A_1164 : i32
        %parallel_loop3A_1166 = arith.constant 0 : i32
        %parallel_loop3A_1167 = arith.constant 3 : i32
        %parallel_loop3A_1168 = arith.constant 6 : i32
        %parallel_loop3A_1169 = arith.index_cast %parallel_loop3A_1166 : i32 to index
        %parallel_loop3A_1170 = arith.index_cast %parallel_loop3A_1167 : i32 to index
        %parallel_loop3A_1171 = arith.index_cast %parallel_loop3A_556 : i32 to index
        %parallel_loop3A_1172 = arith.index_cast %parallel_loop3A_1168 : i32 to index
        %parallel_loop3A_1173 = arith.index_cast %parallel_loop3A_1165 : i32 to index
        %parallel_loop3A_1174 = tpu.vector_load %arg7[%parallel_loop3A_1169, %parallel_loop3A_1170, %parallel_loop3A_1171, %parallel_loop3A_1172, %parallel_loop3A_1173] {strides = array<i32>} : memref<2x4x2x8x128xf32, #tpu.memory_space<vmem>>, vector<16xf32>,
        tpu.vector_store %arg7[%parallel_loop3A_1169, %parallel_loop3A_1170, %parallel_loop3A_1171, %parallel_loop3A_1172, %parallel_loop3A_1173], %parallel_loop3A_825 {strides = array<i32>} : memref<2x4x2x8x128xf32, #tpu.memory_space<vmem>>, vector<16xf32>,
        %parallel_loop3A_1175 = arith.constant 16 : i32
        %parallel_loop3A_1176 = arith.muli %parallel_loop3A_572, %parallel_loop3A_1175 : i32
        %parallel_loop3A_1177 = arith.constant 0 : i32
        %parallel_loop3A_1178 = arith.constant 3 : i32
        %parallel_loop3A_1179 = arith.constant 7 : i32
        %parallel_loop3A_1180 = arith.index_cast %parallel_loop3A_1177 : i32 to index
        %parallel_loop3A_1181 = arith.index_cast %parallel_loop3A_1178 : i32 to index
        %parallel_loop3A_1182 = arith.index_cast %parallel_loop3A_556 : i32 to index
        %parallel_loop3A_1183 = arith.index_cast %parallel_loop3A_1179 : i32 to index
        %parallel_loop3A_1184 = arith.index_cast %parallel_loop3A_1176 : i32 to index
        %parallel_loop3A_1185 = tpu.vector_load %arg7[%parallel_loop3A_1180, %parallel_loop3A_1181, %parallel_loop3A_1182, %parallel_loop3A_1183, %parallel_loop3A_1184] {strides = array<i32>} : memref<2x4x2x8x128xf32, #tpu.memory_space<vmem>>, vector<16xf32>,
        tpu.vector_store %arg7[%parallel_loop3A_1180, %parallel_loop3A_1181, %parallel_loop3A_1182, %parallel_loop3A_1183, %parallel_loop3A_1184], %parallel_loop3A_833 {strides = array<i32>} : memref<2x4x2x8x128xf32, #tpu.memory_space<vmem>>, vector<16xf32>,
      } {sc.loop_unroll_factor = 1 : i64, sc.parallel_access}
      %add3A_368 = arith.addi %mul3A_4, %add3A_337 : i32
      %jit3A_369 = arith.constant 64 : i32
      %div3A_370 = arith.divsi %add3A_368, %jit3A_369 : i32
      %sign3A_371 = arith.constant 0 : i32
      %sign3A_372 = arith.cmpi sgt, %add3A_368, %sign3A_371 : i32
      %sign3A_373 = arith.extui %sign3A_372 : i1 to i32
      %sign3A_374 = arith.constant 0 : i32
      %sign3A_375 = arith.cmpi slt, %add3A_368, %sign3A_374 : i32
      %sign3A_376 = arith.extui %sign3A_375 : i1 to i32
      %sign3A_377 = arith.subi %sign3A_373, %sign3A_376 : i32
      %sign3A_378 = arith.constant 0 : i32
      %sign3A_379 = arith.cmpi sgt, %jit3A_369, %sign3A_378 : i32
      %sign3A_380 = arith.extui %sign3A_379 : i1 to i32
      %sign3A_381 = arith.constant 0 : i32
      %sign3A_382 = arith.cmpi slt, %jit3A_369, %sign3A_381 : i32
      %sign3A_383 = arith.extui %sign3A_382 : i1 to i32
      %sign3A_384 = arith.subi %sign3A_380, %sign3A_383 : i32
      %ne3A_385 = arith.cmpi ne, %sign3A_377, %sign3A_384 : i32
      %rem3A_386 = arith.remsi %add3A_368, %jit3A_369 : i32
      %ne3A_387 = arith.constant 0 : i32
      %ne3A_388 = arith.cmpi ne, %rem3A_386, %ne3A_387 : i32
      %and3A_389 = arith.andi %ne3A_385, %ne3A_388 : i1
      %sub3A_390 = arith.constant 1 : i32
      %sub3A_391 = arith.subi %div3A_370, %sub3A_390 : i32
      %select_n3A_392 = arith.select %and3A_389, %sub3A_391, %div3A_370 : i32
      %jit3A_393 = arith.constant 64 : i32
      %eq3A_394 = arith.constant 0 : i32
      %eq3A_395 = arith.cmpi eq, %jit3A_393, %eq3A_394 : i32
      %jit3A_396 = arith.constant 1 : i32
      %select_n3A_397 = arith.select %eq3A_395, %jit3A_396, %jit3A_393 : i32
      %rem3A_398 = arith.remsi %add3A_368, %select_n3A_397 : i32
      %ne3A_399 = arith.constant 0 : i32
      %ne3A_400 = arith.cmpi ne, %rem3A_398, %ne3A_399 : i32
      %lt3A_401 = arith.constant 0 : i32
      %lt3A_402 = arith.cmpi slt, %rem3A_398, %lt3A_401 : i32
      %lt3A_403 = arith.constant 0 : i32
      %lt3A_404 = arith.cmpi slt, %select_n3A_397, %lt3A_403 : i32
      %ne3A_405 = arith.xori %lt3A_402, %lt3A_404 : i1
      %and3A_406 = arith.andi %ne3A_405, %ne3A_400 : i1
      %add3A_407 = arith.addi %rem3A_398, %select_n3A_397 : i32
      %select_n3A_408 = arith.select %and3A_406, %add3A_407, %rem3A_398 : i32
      %mul3A_409 = arith.constant 2 : i32
      %mul3A_410 = arith.muli %select_n3A_408, %mul3A_409 : i32
      %dma_start3A_411 = arith.constant 0 : i32
      %dma_start3A_412 = arith.constant 0 : i32
      %dma_start3A_413 = arith.constant 0 : i32
      %dma_start3A_414 = arith.constant 0 : i32
      %dma_start3A_415 = arith.constant 0 : i32
      %dma_start3A_416 = tpu.memref_slice %arg7[%dma_start3A_411, %dma_start3A_412, %dma_start3A_413, %dma_start3A_414, %dma_start3A_415] : memref<2x4x2x8x128xf32, #tpu.memory_space<vmem>> -> memref<1x4x2x8x128xf32, #tpu.memory_space<vmem>>
      %dma_start3A_417 = tpu.memref_squeeze %dma_start3A_416 : memref<1x4x2x8x128xf32, #tpu.memory_space<vmem>> -> memref<4x2x8x128xf32, #tpu.memory_space<vmem>>
      %dma_start3A_418 = arith.constant 0 : i32
      %dma_start3A_419 = arith.constant 0 : i32
      %dma_start3A_420 = arith.constant 0 : i32
      %dma_start3A_421 = tpu.memref_slice %arg4[%select_n3A_392, %dma_start3A_418, %mul3A_410, %dma_start3A_419, %dma_start3A_420] : memref<50x4x128x8x128xf32, #tpu.memory_space<hbm>> -> memref<1x4x2x8x128xf32, #tpu.memory_space<hbm>>
      %dma_start3A_422 = tpu.memref_squeeze %dma_start3A_421 : memref<1x4x2x8x128xf32, #tpu.memory_space<hbm>> -> memref<4x2x8x128xf32, #tpu.memory_space<hbm>>
      %dma_start3A_423 = arith.constant 0 : i32
      %dma_start3A_424 = arith.constant 0 : i32
      %dma_start3A_425 = arith.constant 0 : i32
      %dma_start3A_426 = tpu.memref_slice %arg4[%select_n3A_392, %dma_start3A_423, %mul3A_410, %dma_start3A_424, %dma_start3A_425] : memref<50x4x128x8x128xf32, #tpu.memory_space<hbm>> -> memref<1x4x2x8x128xf32, #tpu.memory_space<hbm>>
      %dma_start3A_427 = tpu.memref_squeeze %dma_start3A_426 : memref<1x4x2x8x128xf32, #tpu.memory_space<hbm>> -> memref<4x2x8x128xf32, #tpu.memory_space<hbm>>
      %dma_start3A_428 = arith.constant 0 : i32
      %dma_start3A_429 = arith.constant 0 : i32
      %dma_start3A_430 = arith.constant 0 : i32
      %dma_start3A_431 = arith.constant 0 : i32
      %dma_start3A_432 = tpu.memref_slice %arg7[%dma_start3A_411, %dma_start3A_428, %dma_start3A_429, %dma_start3A_430, %dma_start3A_431] : memref<2x4x2x8x128xf32, #tpu.memory_space<vmem>> -> memref<1x4x2x8x128xf32, #tpu.memory_space<vmem>>
      %dma_start3A_433 = tpu.memref_squeeze %dma_start3A_432 : memref<1x4x2x8x128xf32, #tpu.memory_space<vmem>> -> memref<4x2x8x128xf32, #tpu.memory_space<vmem>>
      tpu.enqueue_dma source(%dma_start3A_433 : memref<4x2x8x128xf32, #tpu.memory_space<vmem>>) target(%dma_start3A_427 : memref<4x2x8x128xf32, #tpu.memory_space<hbm>>) target_semaphore(%arg9 : memref<!tpu.dma_semaphore, #tpu.memory_space<semaphore_mem>>)
      %add3A_434 = arith.constant 3 : i32
      %add3A_435 = arith.addi %add3A_153, %add3A_434 : i32
      %dma_wait3A_436 = arith.constant 3 : i32
      %dma_wait3A_437 = arith.constant 0 : i32
      %dma_wait3A_438 = arith.constant 0 : i32
      %dma_wait3A_439 = tpu.memref_slice %arg6[%dma_wait3A_436, %dma_wait3A_437, %dma_wait3A_438] : memref<4x256x32xf32, #tpu.memory_space<vmem>> -> memref<1x256x32xf32, #tpu.memory_space<vmem>>
      %dma_wait3A_440 = tpu.memref_squeeze %dma_wait3A_439 : memref<1x256x32xf32, #tpu.memory_space<vmem>> -> memref<256x32xf32, #tpu.memory_space<vmem>>
      %dma_wait3A_441 = arith.constant 0 : i32
      %dma_wait3A_442 = arith.constant 0 : i32
      %dma_wait3A_443 = tpu.memref_slice %arg3[%dma_wait3A_441, %dma_wait3A_442] : memref<1000000x32xf32, #tpu.memory_space<hbm>> -> memref<256x32xf32, #tpu.memory_space<hbm>>
      %dma_wait3A_444 = arith.constant 0 : i32
      %dma_wait3A_445 = arith.constant 0 : i32
      %dma_wait3A_446 = tpu.memref_slice %arg6[%dma_wait3A_436, %dma_wait3A_444, %dma_wait3A_445] : memref<4x256x32xf32, #tpu.memory_space<vmem>> -> memref<1x256x32xf32, #tpu.memory_space<vmem>>
      %dma_wait3A_447 = tpu.memref_squeeze %dma_wait3A_446 : memref<1x256x32xf32, #tpu.memory_space<vmem>> -> memref<256x32xf32, #tpu.memory_space<vmem>>
      %dma_wait3A_448 = arith.constant 0 : i32
      %dma_wait3A_449 = arith.constant 0 : i32
      %dma_wait3A_450 = tpu.memref_slice %arg3[%dma_wait3A_448, %dma_wait3A_449] : memref<1000000x32xf32, #tpu.memory_space<hbm>> -> memref<256x32xf32, #tpu.memory_space<hbm>>
      tpu.wait_dma2 semaphore(%arg8 : memref<!tpu.dma_semaphore, #tpu.memory_space<semaphore_mem>>) src(%dma_wait3A_450 : memref<256x32xf32, #tpu.memory_space<hbm>>) dst(%dma_wait3A_447 : memref<256x32xf32, #tpu.memory_space<vmem>>)
      %add3A_451 = arith.constant 3 : i32
      %add3A_452 = arith.addi %add3A_435, %add3A_451 : i32
      %lt3A_453 = arith.constant 100 : i32
      %lt3A_454 = arith.cmpi slt, %add3A_452, %lt3A_453 : i32
      %convert_element_type3A_455 = arith.extui %lt3A_454 : i1 to i32
      %cond3A_456 = arith.constant 0 : i32
      %cond3A_457 = arith.cmpi ne, %convert_element_type3A_455, %cond3A_456 : i32
      scf.if %cond3A_457 {
        %add3A_532 = arith.constant 3 : i32
        %add3A_533 = arith.addi %add3A_435, %add3A_532 : i32
        %mul3A_534 = arith.constant 2 : i32
        %mul3A_535 = arith.muli %add3A_533, %mul3A_534 : i32
        %add3A_536 = arith.constant 0 : i32
        %add3A_537 = arith.addi %mul3A_535, %add3A_536 : i32
        %dma_start3A_538 = arith.constant 2 : i32
        %dma_start3A_539 = arith.constant 0 : i32
        %dma_start3A_540 = arith.constant 0 : i32
        %dma_start3A_541 = tpu.memref_slice %arg6[%dma_start3A_538, %dma_start3A_539, %dma_start3A_540] : memref<4x256x32xf32, #tpu.memory_space<vmem>> -> memref<1x256x32xf32, #tpu.memory_space<vmem>>
        %dma_start3A_542 = tpu.memref_squeeze %dma_start3A_541 : memref<1x256x32xf32, #tpu.memory_space<vmem>> -> memref<256x32xf32, #tpu.memory_space<vmem>>
        %dma_start3A_543 = arith.constant 0 : i32
        %dma_start3A_544 = arith.constant 0 : i32
        %dma_start3A_545 = tpu.memref_slice %dma_start3A_542[%dma_start3A_543, %dma_start3A_544] : memref<256x32xf32, #tpu.memory_space<vmem>> -> memref<128x32xf32, #tpu.memory_space<vmem>>
        %dma_start3A_546 = arith.constant 0 : i32
        %dma_start3A_547 = tpu.memref_slice %arg5[%add3A_537, %dma_start3A_546] : memref<200x128xi32, #tpu.memory_space<vmem>> -> memref<1x128xi32, #tpu.memory_space<vmem>>
        %dma_start3A_548 = tpu.memref_squeeze %dma_start3A_547 : memref<1x128xi32, #tpu.memory_space<vmem>> -> memref<128xi32, #tpu.memory_space<vmem>>
        %dma_start3A_549 = arith.constant 0 : i32
        %dma_start3A_550 = arith.constant 0 : i32
        %dma_start3A_551 = tpu.memref_slice %arg3[%dma_start3A_549, %dma_start3A_550] : memref<1000000x32xf32, #tpu.memory_space<hbm>> -> memref<1000000x32xf32, #tpu.memory_space<hbm>>
        tpu.enqueue_indirect_dma source(%dma_start3A_551 : memref<1000000x32xf32, #tpu.memory_space<hbm>>) target(%dma_start3A_545 : memref<128x32xf32, #tpu.memory_space<vmem>>) offsets(%dma_start3A_548 : memref<128xi32, #tpu.memory_space<vmem>>) semaphore(%arg8 : memref<!tpu.dma_semaphore, #tpu.memory_space<semaphore_mem>>)
        %mul3A_552 = arith.constant 2 : i32
        %mul3A_553 = arith.muli %add3A_533, %mul3A_552 : i32
        %add3A_554 = arith.constant 1 : i32
        %add3A_555 = arith.addi %mul3A_553, %add3A_554 : i32
        %dma_start3A_556 = arith.constant 2 : i32
        %dma_start3A_557 = arith.constant 0 : i32
        %dma_start3A_558 = arith.constant 0 : i32
        %dma_start3A_559 = tpu.memref_slice %arg6[%dma_start3A_556, %dma_start3A_557, %dma_start3A_558] : memref<4x256x32xf32, #tpu.memory_space<vmem>> -> memref<1x256x32xf32, #tpu.memory_space<vmem>>
        %dma_start3A_560 = tpu.memref_squeeze %dma_start3A_559 : memref<1x256x32xf32, #tpu.memory_space<vmem>> -> memref<256x32xf32, #tpu.memory_space<vmem>>
        %dma_start3A_561 = arith.constant 128 : i32
        %dma_start3A_562 = arith.constant 0 : i32
        %dma_start3A_563 = tpu.memref_slice %dma_start3A_560[%dma_start3A_561, %dma_start3A_562] : memref<256x32xf32, #tpu.memory_space<vmem>> -> memref<128x32xf32, #tpu.memory_space<vmem>>
        %dma_start3A_564 = arith.constant 0 : i32
        %dma_start3A_565 = tpu.memref_slice %arg5[%add3A_555, %dma_start3A_564] : memref<200x128xi32, #tpu.memory_space<vmem>> -> memref<1x128xi32, #tpu.memory_space<vmem>>
        %dma_start3A_566 = tpu.memref_squeeze %dma_start3A_565 : memref<1x128xi32, #tpu.memory_space<vmem>> -> memref<128xi32, #tpu.memory_space<vmem>>
        %dma_start3A_567 = arith.constant 0 : i32
        %dma_start3A_568 = arith.constant 0 : i32
        %dma_start3A_569 = tpu.memref_slice %arg3[%dma_start3A_567, %dma_start3A_568] : memref<1000000x32xf32, #tpu.memory_space<hbm>> -> memref<1000000x32xf32, #tpu.memory_space<hbm>>
        tpu.enqueue_indirect_dma source(%dma_start3A_569 : memref<1000000x32xf32, #tpu.memory_space<hbm>>) target(%dma_start3A_563 : memref<128x32xf32, #tpu.memory_space<vmem>>) offsets(%dma_start3A_566 : memref<128xi32, #tpu.memory_space<vmem>>) semaphore(%arg8 : memref<!tpu.dma_semaphore, #tpu.memory_space<semaphore_mem>>)
      } else {
      }
      %ge3A_458 = arith.constant 2 : i32
      %ge3A_459 = arith.cmpi sge, %add3A_435, %ge3A_458 : i32
      %convert_element_type3A_460 = arith.extui %ge3A_459 : i1 to i32
      %cond3A_461 = arith.constant 0 : i32
      %cond3A_462 = arith.cmpi ne, %convert_element_type3A_460, %cond3A_461 : i32
      scf.if %cond3A_462 {
        %dma_wait3A_532 = arith.constant 0 : i32
        %dma_wait3A_533 = arith.constant 1 : i32
        %dma_wait3A_534 = arith.constant 0 : i32
        %dma_wait3A_535 = arith.constant 0 : i32
        %dma_wait3A_536 = arith.constant 0 : i32
        %dma_wait3A_537 = arith.constant 0 : i32
        %dma_wait3A_538 = tpu.memref_slice %arg7[%dma_wait3A_533, %dma_wait3A_534, %dma_wait3A_535, %dma_wait3A_536, %dma_wait3A_537] : memref<2x4x2x8x128xf32, #tpu.memory_space<vmem>> -> memref<1x4x2x8x128xf32, #tpu.memory_space<vmem>>
        %dma_wait3A_539 = tpu.memref_squeeze %dma_wait3A_538 : memref<1x4x2x8x128xf32, #tpu.memory_space<vmem>> -> memref<4x2x8x128xf32, #tpu.memory_space<vmem>>
        %dma_wait3A_540 = arith.constant 0 : i32
        %dma_wait3A_541 = arith.constant 0 : i32
        %dma_wait3A_542 = arith.constant 0 : i32
        %dma_wait3A_543 = arith.constant 0 : i32
        %dma_wait3A_544 = tpu.memref_slice %arg4[%dma_wait3A_532, %dma_wait3A_540, %dma_wait3A_541, %dma_wait3A_542, %dma_wait3A_543] : memref<50x4x128x8x128xf32, #tpu.memory_space<hbm>> -> memref<1x4x2x8x128xf32, #tpu.memory_space<hbm>>
        %dma_wait3A_545 = tpu.memref_squeeze %dma_wait3A_544 : memref<1x4x2x8x128xf32, #tpu.memory_space<hbm>> -> memref<4x2x8x128xf32, #tpu.memory_space<hbm>>
        %dma_wait3A_546 = arith.constant 0 : i32
        %dma_wait3A_547 = arith.constant 0 : i32
        %dma_wait3A_548 = arith.constant 0 : i32
        %dma_wait3A_549 = arith.constant 0 : i32
        %dma_wait3A_550 = tpu.memref_slice %arg7[%dma_wait3A_533, %dma_wait3A_546, %dma_wait3A_547, %dma_wait3A_548, %dma_wait3A_549] : memref<2x4x2x8x128xf32, #tpu.memory_space<vmem>> -> memref<1x4x2x8x128xf32, #tpu.memory_space<vmem>>
        %dma_wait3A_551 = tpu.memref_squeeze %dma_wait3A_550 : memref<1x4x2x8x128xf32, #tpu.memory_space<vmem>> -> memref<4x2x8x128xf32, #tpu.memory_space<vmem>>
        %dma_wait3A_552 = arith.constant 0 : i32
        %dma_wait3A_553 = arith.constant 0 : i32
        %dma_wait3A_554 = arith.constant 0 : i32
        %dma_wait3A_555 = arith.constant 0 : i32
        %dma_wait3A_556 = tpu.memref_slice %arg4[%dma_wait3A_532, %dma_wait3A_552, %dma_wait3A_553, %dma_wait3A_554, %dma_wait3A_555] : memref<50x4x128x8x128xf32, #tpu.memory_space<hbm>> -> memref<1x4x2x8x128xf32, #tpu.memory_space<hbm>>
        %dma_wait3A_557 = tpu.memref_squeeze %dma_wait3A_556 : memref<1x4x2x8x128xf32, #tpu.memory_space<hbm>> -> memref<4x2x8x128xf32, #tpu.memory_space<hbm>>
        tpu.wait_dma2 semaphore(%arg9 : memref<!tpu.dma_semaphore, #tpu.memory_space<semaphore_mem>>) src(%dma_wait3A_557 : memref<4x2x8x128xf32, #tpu.memory_space<hbm>>) dst(%dma_wait3A_551 : memref<4x2x8x128xf32, #tpu.memory_space<vmem>>)
      } else {
      }
      %parallel_loop3A_463 = arith.constant 0 : i32
      %parallel_loop3A_464 = arith.constant 16 : i32
      %parallel_loop3A_465 = arith.constant 1 : i32
      scf.for %parallel_loop3A_532 = %parallel_loop3A_463 to %parallel_loop3A_464 step %parallel_loop3A_465  : i32 {
        %parallel_loop3A_533 = arith.constant 8 : i32
        %parallel_loop3A_534 = arith.divsi %parallel_loop3A_532, %parallel_loop3A_533 : i32
        %parallel_loop3A_535 = arith.constant 0 : i32
        %parallel_loop3A_536 = arith.cmpi sgt, %parallel_loop3A_532, %parallel_loop3A_535 : i32
        %parallel_loop3A_537 = arith.extui %parallel_loop3A_536 : i1 to i32
        %parallel_loop3A_538 = arith.constant 0 : i32
        %parallel_loop3A_539 = arith.cmpi slt, %parallel_loop3A_532, %parallel_loop3A_538 : i32
        %parallel_loop3A_540 = arith.extui %parallel_loop3A_539 : i1 to i32
        %parallel_loop3A_541 = arith.subi %parallel_loop3A_537, %parallel_loop3A_540 : i32
        %parallel_loop3A_542 = arith.constant 0 : i32
        %parallel_loop3A_543 = arith.cmpi sgt, %parallel_loop3A_533, %parallel_loop3A_542 : i32
        %parallel_loop3A_544 = arith.extui %parallel_loop3A_543 : i1 to i32
        %parallel_loop3A_545 = arith.constant 0 : i32
        %parallel_loop3A_546 = arith.cmpi slt, %parallel_loop3A_533, %parallel_loop3A_545 : i32
        %parallel_loop3A_547 = arith.extui %parallel_loop3A_546 : i1 to i32
        %parallel_loop3A_548 = arith.subi %parallel_loop3A_544, %parallel_loop3A_547 : i32
        %parallel_loop3A_549 = arith.cmpi ne, %parallel_loop3A_541, %parallel_loop3A_548 : i32
        %parallel_loop3A_550 = arith.remsi %parallel_loop3A_532, %parallel_loop3A_533 : i32
        %parallel_loop3A_551 = arith.constant 0 : i32
        %parallel_loop3A_552 = arith.cmpi ne, %parallel_loop3A_550, %parallel_loop3A_551 : i32
        %parallel_loop3A_553 = arith.andi %parallel_loop3A_549, %parallel_loop3A_552 : i1
        %parallel_loop3A_554 = arith.constant 1 : i32
        %parallel_loop3A_555 = arith.subi %parallel_loop3A_534, %parallel_loop3A_554 : i32
        %parallel_loop3A_556 = arith.select %parallel_loop3A_553, %parallel_loop3A_555, %parallel_loop3A_534 : i32
        %parallel_loop3A_557 = arith.constant 8 : i32
        %parallel_loop3A_558 = arith.constant 0 : i32
        %parallel_loop3A_559 = arith.cmpi eq, %parallel_loop3A_557, %parallel_loop3A_558 : i32
        %parallel_loop3A_560 = arith.constant 1 : i32
        %parallel_loop3A_561 = arith.select %parallel_loop3A_559, %parallel_loop3A_560, %parallel_loop3A_557 : i32
        %parallel_loop3A_562 = arith.remsi %parallel_loop3A_532, %parallel_loop3A_561 : i32
        %parallel_loop3A_563 = arith.constant 0 : i32
        %parallel_loop3A_564 = arith.cmpi ne, %parallel_loop3A_562, %parallel_loop3A_563 : i32
        %parallel_loop3A_565 = arith.constant 0 : i32
        %parallel_loop3A_566 = arith.cmpi slt, %parallel_loop3A_562, %parallel_loop3A_565 : i32
        %parallel_loop3A_567 = arith.constant 0 : i32
        %parallel_loop3A_568 = arith.cmpi slt, %parallel_loop3A_561, %parallel_loop3A_567 : i32
        %parallel_loop3A_569 = arith.xori %parallel_loop3A_566, %parallel_loop3A_568 : i1
        %parallel_loop3A_570 = arith.andi %parallel_loop3A_569, %parallel_loop3A_564 : i1
        %parallel_loop3A_571 = arith.addi %parallel_loop3A_562, %parallel_loop3A_561 : i32
        %parallel_loop3A_572 = arith.select %parallel_loop3A_570, %parallel_loop3A_571, %parallel_loop3A_562 : i32
        %parallel_loop3A_573 = tpu.iota {dimensions = array<i32: 0>} : vector<16xi32>
        %parallel_loop3A_574 = arith.constant 16 : i32
        %parallel_loop3A_575 = arith.muli %parallel_loop3A_532, %parallel_loop3A_574 : i32
        %parallel_loop3A_576 = vector.broadcast %parallel_loop3A_575 : i32 to vector<16xi32>
        %parallel_loop3A_577 = arith.addi %parallel_loop3A_573, %parallel_loop3A_576 : vector<16xi32>
        %parallel_loop3A_578 = arith.constant 0 : i32
        %parallel_loop3A_579 = vector.broadcast %parallel_loop3A_578 : i32 to vector<16xi32>
        %parallel_loop3A_580 = arith.constant 3 : i32
        %parallel_loop3A_581 = arith.constant 0 : i32
        %parallel_loop3A_582 = arith.constant 0 : i32
        %parallel_loop3A_583 = tpu.memref_slice %arg6[%parallel_loop3A_580, %parallel_loop3A_581, %parallel_loop3A_582] : memref<4x256x32xf32, #tpu.memory_space<vmem>> -> memref<1x256x32xf32, #tpu.memory_space<vmem>>
        %parallel_loop3A_584 = tpu.memref_squeeze %parallel_loop3A_583 : memref<1x256x32xf32, #tpu.memory_space<vmem>> -> memref<256x32xf32, #tpu.memory_space<vmem>>
        %parallel_loop3A_585 = tpu.vector_load_idx %parallel_loop3A_584[%parallel_loop3A_577, %parallel_loop3A_579] : memref<256x32xf32, #tpu.memory_space<vmem>>[vector<16xi32>, vector<16xi32>], vector<16xf32>,
        %parallel_loop3A_586 = arith.constant 1 : i32
        %parallel_loop3A_587 = vector.broadcast %parallel_loop3A_586 : i32 to vector<16xi32>
        %parallel_loop3A_588 = arith.constant 3 : i32
        %parallel_loop3A_589 = arith.constant 0 : i32
        %parallel_loop3A_590 = arith.constant 0 : i32
        %parallel_loop3A_591 = tpu.memref_slice %arg6[%parallel_loop3A_588, %parallel_loop3A_589, %parallel_loop3A_590] : memref<4x256x32xf32, #tpu.memory_space<vmem>> -> memref<1x256x32xf32, #tpu.memory_space<vmem>>
        %parallel_loop3A_592 = tpu.memref_squeeze %parallel_loop3A_591 : memref<1x256x32xf32, #tpu.memory_space<vmem>> -> memref<256x32xf32, #tpu.memory_space<vmem>>
        %parallel_loop3A_593 = tpu.vector_load_idx %parallel_loop3A_592[%parallel_loop3A_577, %parallel_loop3A_587] : memref<256x32xf32, #tpu.memory_space<vmem>>[vector<16xi32>, vector<16xi32>], vector<16xf32>,
        %parallel_loop3A_594 = arith.constant 2 : i32
        %parallel_loop3A_595 = vector.broadcast %parallel_loop3A_594 : i32 to vector<16xi32>
        %parallel_loop3A_596 = arith.constant 3 : i32
        %parallel_loop3A_597 = arith.constant 0 : i32
        %parallel_loop3A_598 = arith.constant 0 : i32
        %parallel_loop3A_599 = tpu.memref_slice %arg6[%parallel_loop3A_596, %parallel_loop3A_597, %parallel_loop3A_598] : memref<4x256x32xf32, #tpu.memory_space<vmem>> -> memref<1x256x32xf32, #tpu.memory_space<vmem>>
        %parallel_loop3A_600 = tpu.memref_squeeze %parallel_loop3A_599 : memref<1x256x32xf32, #tpu.memory_space<vmem>> -> memref<256x32xf32, #tpu.memory_space<vmem>>
        %parallel_loop3A_601 = tpu.vector_load_idx %parallel_loop3A_600[%parallel_loop3A_577, %parallel_loop3A_595] : memref<256x32xf32, #tpu.memory_space<vmem>>[vector<16xi32>, vector<16xi32>], vector<16xf32>,
        %parallel_loop3A_602 = arith.constant 3 : i32
        %parallel_loop3A_603 = vector.broadcast %parallel_loop3A_602 : i32 to vector<16xi32>
        %parallel_loop3A_604 = arith.constant 3 : i32
        %parallel_loop3A_605 = arith.constant 0 : i32
        %parallel_loop3A_606 = arith.constant 0 : i32
        %parallel_loop3A_607 = tpu.memref_slice %arg6[%parallel_loop3A_604, %parallel_loop3A_605, %parallel_loop3A_606] : memref<4x256x32xf32, #tpu.memory_space<vmem>> -> memref<1x256x32xf32, #tpu.memory_space<vmem>>
        %parallel_loop3A_608 = tpu.memref_squeeze %parallel_loop3A_607 : memref<1x256x32xf32, #tpu.memory_space<vmem>> -> memref<256x32xf32, #tpu.memory_space<vmem>>
        %parallel_loop3A_609 = tpu.vector_load_idx %parallel_loop3A_608[%parallel_loop3A_577, %parallel_loop3A_603] : memref<256x32xf32, #tpu.memory_space<vmem>>[vector<16xi32>, vector<16xi32>], vector<16xf32>,
        %parallel_loop3A_610 = arith.constant 4 : i32
        %parallel_loop3A_611 = vector.broadcast %parallel_loop3A_610 : i32 to vector<16xi32>
        %parallel_loop3A_612 = arith.constant 3 : i32
        %parallel_loop3A_613 = arith.constant 0 : i32
        %parallel_loop3A_614 = arith.constant 0 : i32
        %parallel_loop3A_615 = tpu.memref_slice %arg6[%parallel_loop3A_612, %parallel_loop3A_613, %parallel_loop3A_614] : memref<4x256x32xf32, #tpu.memory_space<vmem>> -> memref<1x256x32xf32, #tpu.memory_space<vmem>>
        %parallel_loop3A_616 = tpu.memref_squeeze %parallel_loop3A_615 : memref<1x256x32xf32, #tpu.memory_space<vmem>> -> memref<256x32xf32, #tpu.memory_space<vmem>>
        %parallel_loop3A_617 = tpu.vector_load_idx %parallel_loop3A_616[%parallel_loop3A_577, %parallel_loop3A_611] : memref<256x32xf32, #tpu.memory_space<vmem>>[vector<16xi32>, vector<16xi32>], vector<16xf32>,
        %parallel_loop3A_618 = arith.constant 5 : i32
        %parallel_loop3A_619 = vector.broadcast %parallel_loop3A_618 : i32 to vector<16xi32>
        %parallel_loop3A_620 = arith.constant 3 : i32
        %parallel_loop3A_621 = arith.constant 0 : i32
        %parallel_loop3A_622 = arith.constant 0 : i32
        %parallel_loop3A_623 = tpu.memref_slice %arg6[%parallel_loop3A_620, %parallel_loop3A_621, %parallel_loop3A_622] : memref<4x256x32xf32, #tpu.memory_space<vmem>> -> memref<1x256x32xf32, #tpu.memory_space<vmem>>
        %parallel_loop3A_624 = tpu.memref_squeeze %parallel_loop3A_623 : memref<1x256x32xf32, #tpu.memory_space<vmem>> -> memref<256x32xf32, #tpu.memory_space<vmem>>
        %parallel_loop3A_625 = tpu.vector_load_idx %parallel_loop3A_624[%parallel_loop3A_577, %parallel_loop3A_619] : memref<256x32xf32, #tpu.memory_space<vmem>>[vector<16xi32>, vector<16xi32>], vector<16xf32>,
        %parallel_loop3A_626 = arith.constant 6 : i32
        %parallel_loop3A_627 = vector.broadcast %parallel_loop3A_626 : i32 to vector<16xi32>
        %parallel_loop3A_628 = arith.constant 3 : i32
        %parallel_loop3A_629 = arith.constant 0 : i32
        %parallel_loop3A_630 = arith.constant 0 : i32
        %parallel_loop3A_631 = tpu.memref_slice %arg6[%parallel_loop3A_628, %parallel_loop3A_629, %parallel_loop3A_630] : memref<4x256x32xf32, #tpu.memory_space<vmem>> -> memref<1x256x32xf32, #tpu.memory_space<vmem>>
        %parallel_loop3A_632 = tpu.memref_squeeze %parallel_loop3A_631 : memref<1x256x32xf32, #tpu.memory_space<vmem>> -> memref<256x32xf32, #tpu.memory_space<vmem>>
        %parallel_loop3A_633 = tpu.vector_load_idx %parallel_loop3A_632[%parallel_loop3A_577, %parallel_loop3A_627] : memref<256x32xf32, #tpu.memory_space<vmem>>[vector<16xi32>, vector<16xi32>], vector<16xf32>,
        %parallel_loop3A_634 = arith.constant 7 : i32
        %parallel_loop3A_635 = vector.broadcast %parallel_loop3A_634 : i32 to vector<16xi32>
        %parallel_loop3A_636 = arith.constant 3 : i32
        %parallel_loop3A_637 = arith.constant 0 : i32
        %parallel_loop3A_638 = arith.constant 0 : i32
        %parallel_loop3A_639 = tpu.memref_slice %arg6[%parallel_loop3A_636, %parallel_loop3A_637, %parallel_loop3A_638] : memref<4x256x32xf32, #tpu.memory_space<vmem>> -> memref<1x256x32xf32, #tpu.memory_space<vmem>>
        %parallel_loop3A_640 = tpu.memref_squeeze %parallel_loop3A_639 : memref<1x256x32xf32, #tpu.memory_space<vmem>> -> memref<256x32xf32, #tpu.memory_space<vmem>>
        %parallel_loop3A_641 = tpu.vector_load_idx %parallel_loop3A_640[%parallel_loop3A_577, %parallel_loop3A_635] : memref<256x32xf32, #tpu.memory_space<vmem>>[vector<16xi32>, vector<16xi32>], vector<16xf32>,
        %parallel_loop3A_642 = arith.constant 8 : i32
        %parallel_loop3A_643 = vector.broadcast %parallel_loop3A_642 : i32 to vector<16xi32>
        %parallel_loop3A_644 = arith.constant 3 : i32
        %parallel_loop3A_645 = arith.constant 0 : i32
        %parallel_loop3A_646 = arith.constant 0 : i32
        %parallel_loop3A_647 = tpu.memref_slice %arg6[%parallel_loop3A_644, %parallel_loop3A_645, %parallel_loop3A_646] : memref<4x256x32xf32, #tpu.memory_space<vmem>> -> memref<1x256x32xf32, #tpu.memory_space<vmem>>
        %parallel_loop3A_648 = tpu.memref_squeeze %parallel_loop3A_647 : memref<1x256x32xf32, #tpu.memory_space<vmem>> -> memref<256x32xf32, #tpu.memory_space<vmem>>
        %parallel_loop3A_649 = tpu.vector_load_idx %parallel_loop3A_648[%parallel_loop3A_577, %parallel_loop3A_643] : memref<256x32xf32, #tpu.memory_space<vmem>>[vector<16xi32>, vector<16xi32>], vector<16xf32>,
        %parallel_loop3A_650 = arith.constant 9 : i32
        %parallel_loop3A_651 = vector.broadcast %parallel_loop3A_650 : i32 to vector<16xi32>
        %parallel_loop3A_652 = arith.constant 3 : i32
        %parallel_loop3A_653 = arith.constant 0 : i32
        %parallel_loop3A_654 = arith.constant 0 : i32
        %parallel_loop3A_655 = tpu.memref_slice %arg6[%parallel_loop3A_652, %parallel_loop3A_653, %parallel_loop3A_654] : memref<4x256x32xf32, #tpu.memory_space<vmem>> -> memref<1x256x32xf32, #tpu.memory_space<vmem>>
        %parallel_loop3A_656 = tpu.memref_squeeze %parallel_loop3A_655 : memref<1x256x32xf32, #tpu.memory_space<vmem>> -> memref<256x32xf32, #tpu.memory_space<vmem>>
        %parallel_loop3A_657 = tpu.vector_load_idx %parallel_loop3A_656[%parallel_loop3A_577, %parallel_loop3A_651] : memref<256x32xf32, #tpu.memory_space<vmem>>[vector<16xi32>, vector<16xi32>], vector<16xf32>,
        %parallel_loop3A_658 = arith.constant 10 : i32
        %parallel_loop3A_659 = vector.broadcast %parallel_loop3A_658 : i32 to vector<16xi32>
        %parallel_loop3A_660 = arith.constant 3 : i32
        %parallel_loop3A_661 = arith.constant 0 : i32
        %parallel_loop3A_662 = arith.constant 0 : i32
        %parallel_loop3A_663 = tpu.memref_slice %arg6[%parallel_loop3A_660, %parallel_loop3A_661, %parallel_loop3A_662] : memref<4x256x32xf32, #tpu.memory_space<vmem>> -> memref<1x256x32xf32, #tpu.memory_space<vmem>>
        %parallel_loop3A_664 = tpu.memref_squeeze %parallel_loop3A_663 : memref<1x256x32xf32, #tpu.memory_space<vmem>> -> memref<256x32xf32, #tpu.memory_space<vmem>>
        %parallel_loop3A_665 = tpu.vector_load_idx %parallel_loop3A_664[%parallel_loop3A_577, %parallel_loop3A_659] : memref<256x32xf32, #tpu.memory_space<vmem>>[vector<16xi32>, vector<16xi32>], vector<16xf32>,
        %parallel_loop3A_666 = arith.constant 11 : i32
        %parallel_loop3A_667 = vector.broadcast %parallel_loop3A_666 : i32 to vector<16xi32>
        %parallel_loop3A_668 = arith.constant 3 : i32
        %parallel_loop3A_669 = arith.constant 0 : i32
        %parallel_loop3A_670 = arith.constant 0 : i32
        %parallel_loop3A_671 = tpu.memref_slice %arg6[%parallel_loop3A_668, %parallel_loop3A_669, %parallel_loop3A_670] : memref<4x256x32xf32, #tpu.memory_space<vmem>> -> memref<1x256x32xf32, #tpu.memory_space<vmem>>
        %parallel_loop3A_672 = tpu.memref_squeeze %parallel_loop3A_671 : memref<1x256x32xf32, #tpu.memory_space<vmem>> -> memref<256x32xf32, #tpu.memory_space<vmem>>
        %parallel_loop3A_673 = tpu.vector_load_idx %parallel_loop3A_672[%parallel_loop3A_577, %parallel_loop3A_667] : memref<256x32xf32, #tpu.memory_space<vmem>>[vector<16xi32>, vector<16xi32>], vector<16xf32>,
        %parallel_loop3A_674 = arith.constant 12 : i32
        %parallel_loop3A_675 = vector.broadcast %parallel_loop3A_674 : i32 to vector<16xi32>
        %parallel_loop3A_676 = arith.constant 3 : i32
        %parallel_loop3A_677 = arith.constant 0 : i32
        %parallel_loop3A_678 = arith.constant 0 : i32
        %parallel_loop3A_679 = tpu.memref_slice %arg6[%parallel_loop3A_676, %parallel_loop3A_677, %parallel_loop3A_678] : memref<4x256x32xf32, #tpu.memory_space<vmem>> -> memref<1x256x32xf32, #tpu.memory_space<vmem>>
        %parallel_loop3A_680 = tpu.memref_squeeze %parallel_loop3A_679 : memref<1x256x32xf32, #tpu.memory_space<vmem>> -> memref<256x32xf32, #tpu.memory_space<vmem>>
        %parallel_loop3A_681 = tpu.vector_load_idx %parallel_loop3A_680[%parallel_loop3A_577, %parallel_loop3A_675] : memref<256x32xf32, #tpu.memory_space<vmem>>[vector<16xi32>, vector<16xi32>], vector<16xf32>,
        %parallel_loop3A_682 = arith.constant 13 : i32
        %parallel_loop3A_683 = vector.broadcast %parallel_loop3A_682 : i32 to vector<16xi32>
        %parallel_loop3A_684 = arith.constant 3 : i32
        %parallel_loop3A_685 = arith.constant 0 : i32
        %parallel_loop3A_686 = arith.constant 0 : i32
        %parallel_loop3A_687 = tpu.memref_slice %arg6[%parallel_loop3A_684, %parallel_loop3A_685, %parallel_loop3A_686] : memref<4x256x32xf32, #tpu.memory_space<vmem>> -> memref<1x256x32xf32, #tpu.memory_space<vmem>>
        %parallel_loop3A_688 = tpu.memref_squeeze %parallel_loop3A_687 : memref<1x256x32xf32, #tpu.memory_space<vmem>> -> memref<256x32xf32, #tpu.memory_space<vmem>>
        %parallel_loop3A_689 = tpu.vector_load_idx %parallel_loop3A_688[%parallel_loop3A_577, %parallel_loop3A_683] : memref<256x32xf32, #tpu.memory_space<vmem>>[vector<16xi32>, vector<16xi32>], vector<16xf32>,
        %parallel_loop3A_690 = arith.constant 14 : i32
        %parallel_loop3A_691 = vector.broadcast %parallel_loop3A_690 : i32 to vector<16xi32>
        %parallel_loop3A_692 = arith.constant 3 : i32
        %parallel_loop3A_693 = arith.constant 0 : i32
        %parallel_loop3A_694 = arith.constant 0 : i32
        %parallel_loop3A_695 = tpu.memref_slice %arg6[%parallel_loop3A_692, %parallel_loop3A_693, %parallel_loop3A_694] : memref<4x256x32xf32, #tpu.memory_space<vmem>> -> memref<1x256x32xf32, #tpu.memory_space<vmem>>
        %parallel_loop3A_696 = tpu.memref_squeeze %parallel_loop3A_695 : memref<1x256x32xf32, #tpu.memory_space<vmem>> -> memref<256x32xf32, #tpu.memory_space<vmem>>
        %parallel_loop3A_697 = tpu.vector_load_idx %parallel_loop3A_696[%parallel_loop3A_577, %parallel_loop3A_691] : memref<256x32xf32, #tpu.memory_space<vmem>>[vector<16xi32>, vector<16xi32>], vector<16xf32>,
        %parallel_loop3A_698 = arith.constant 15 : i32
        %parallel_loop3A_699 = vector.broadcast %parallel_loop3A_698 : i32 to vector<16xi32>
        %parallel_loop3A_700 = arith.constant 3 : i32
        %parallel_loop3A_701 = arith.constant 0 : i32
        %parallel_loop3A_702 = arith.constant 0 : i32
        %parallel_loop3A_703 = tpu.memref_slice %arg6[%parallel_loop3A_700, %parallel_loop3A_701, %parallel_loop3A_702] : memref<4x256x32xf32, #tpu.memory_space<vmem>> -> memref<1x256x32xf32, #tpu.memory_space<vmem>>
        %parallel_loop3A_704 = tpu.memref_squeeze %parallel_loop3A_703 : memref<1x256x32xf32, #tpu.memory_space<vmem>> -> memref<256x32xf32, #tpu.memory_space<vmem>>
        %parallel_loop3A_705 = tpu.vector_load_idx %parallel_loop3A_704[%parallel_loop3A_577, %parallel_loop3A_699] : memref<256x32xf32, #tpu.memory_space<vmem>>[vector<16xi32>, vector<16xi32>], vector<16xf32>,
        %parallel_loop3A_706 = arith.constant 16 : i32
        %parallel_loop3A_707 = vector.broadcast %parallel_loop3A_706 : i32 to vector<16xi32>
        %parallel_loop3A_708 = arith.constant 3 : i32
        %parallel_loop3A_709 = arith.constant 0 : i32
        %parallel_loop3A_710 = arith.constant 0 : i32
        %parallel_loop3A_711 = tpu.memref_slice %arg6[%parallel_loop3A_708, %parallel_loop3A_709, %parallel_loop3A_710] : memref<4x256x32xf32, #tpu.memory_space<vmem>> -> memref<1x256x32xf32, #tpu.memory_space<vmem>>
        %parallel_loop3A_712 = tpu.memref_squeeze %parallel_loop3A_711 : memref<1x256x32xf32, #tpu.memory_space<vmem>> -> memref<256x32xf32, #tpu.memory_space<vmem>>
        %parallel_loop3A_713 = tpu.vector_load_idx %parallel_loop3A_712[%parallel_loop3A_577, %parallel_loop3A_707] : memref<256x32xf32, #tpu.memory_space<vmem>>[vector<16xi32>, vector<16xi32>], vector<16xf32>,
        %parallel_loop3A_714 = arith.constant 17 : i32
        %parallel_loop3A_715 = vector.broadcast %parallel_loop3A_714 : i32 to vector<16xi32>
        %parallel_loop3A_716 = arith.constant 3 : i32
        %parallel_loop3A_717 = arith.constant 0 : i32
        %parallel_loop3A_718 = arith.constant 0 : i32
        %parallel_loop3A_719 = tpu.memref_slice %arg6[%parallel_loop3A_716, %parallel_loop3A_717, %parallel_loop3A_718] : memref<4x256x32xf32, #tpu.memory_space<vmem>> -> memref<1x256x32xf32, #tpu.memory_space<vmem>>
        %parallel_loop3A_720 = tpu.memref_squeeze %parallel_loop3A_719 : memref<1x256x32xf32, #tpu.memory_space<vmem>> -> memref<256x32xf32, #tpu.memory_space<vmem>>
        %parallel_loop3A_721 = tpu.vector_load_idx %parallel_loop3A_720[%parallel_loop3A_577, %parallel_loop3A_715] : memref<256x32xf32, #tpu.memory_space<vmem>>[vector<16xi32>, vector<16xi32>], vector<16xf32>,
        %parallel_loop3A_722 = arith.constant 18 : i32
        %parallel_loop3A_723 = vector.broadcast %parallel_loop3A_722 : i32 to vector<16xi32>
        %parallel_loop3A_724 = arith.constant 3 : i32
        %parallel_loop3A_725 = arith.constant 0 : i32
        %parallel_loop3A_726 = arith.constant 0 : i32
        %parallel_loop3A_727 = tpu.memref_slice %arg6[%parallel_loop3A_724, %parallel_loop3A_725, %parallel_loop3A_726] : memref<4x256x32xf32, #tpu.memory_space<vmem>> -> memref<1x256x32xf32, #tpu.memory_space<vmem>>
        %parallel_loop3A_728 = tpu.memref_squeeze %parallel_loop3A_727 : memref<1x256x32xf32, #tpu.memory_space<vmem>> -> memref<256x32xf32, #tpu.memory_space<vmem>>
        %parallel_loop3A_729 = tpu.vector_load_idx %parallel_loop3A_728[%parallel_loop3A_577, %parallel_loop3A_723] : memref<256x32xf32, #tpu.memory_space<vmem>>[vector<16xi32>, vector<16xi32>], vector<16xf32>,
        %parallel_loop3A_730 = arith.constant 19 : i32
        %parallel_loop3A_731 = vector.broadcast %parallel_loop3A_730 : i32 to vector<16xi32>
        %parallel_loop3A_732 = arith.constant 3 : i32
        %parallel_loop3A_733 = arith.constant 0 : i32
        %parallel_loop3A_734 = arith.constant 0 : i32
        %parallel_loop3A_735 = tpu.memref_slice %arg6[%parallel_loop3A_732, %parallel_loop3A_733, %parallel_loop3A_734] : memref<4x256x32xf32, #tpu.memory_space<vmem>> -> memref<1x256x32xf32, #tpu.memory_space<vmem>>
        %parallel_loop3A_736 = tpu.memref_squeeze %parallel_loop3A_735 : memref<1x256x32xf32, #tpu.memory_space<vmem>> -> memref<256x32xf32, #tpu.memory_space<vmem>>
        %parallel_loop3A_737 = tpu.vector_load_idx %parallel_loop3A_736[%parallel_loop3A_577, %parallel_loop3A_731] : memref<256x32xf32, #tpu.memory_space<vmem>>[vector<16xi32>, vector<16xi32>], vector<16xf32>,
        %parallel_loop3A_738 = arith.constant 20 : i32
        %parallel_loop3A_739 = vector.broadcast %parallel_loop3A_738 : i32 to vector<16xi32>
        %parallel_loop3A_740 = arith.constant 3 : i32
        %parallel_loop3A_741 = arith.constant 0 : i32
        %parallel_loop3A_742 = arith.constant 0 : i32
        %parallel_loop3A_743 = tpu.memref_slice %arg6[%parallel_loop3A_740, %parallel_loop3A_741, %parallel_loop3A_742] : memref<4x256x32xf32, #tpu.memory_space<vmem>> -> memref<1x256x32xf32, #tpu.memory_space<vmem>>
        %parallel_loop3A_744 = tpu.memref_squeeze %parallel_loop3A_743 : memref<1x256x32xf32, #tpu.memory_space<vmem>> -> memref<256x32xf32, #tpu.memory_space<vmem>>
        %parallel_loop3A_745 = tpu.vector_load_idx %parallel_loop3A_744[%parallel_loop3A_577, %parallel_loop3A_739] : memref<256x32xf32, #tpu.memory_space<vmem>>[vector<16xi32>, vector<16xi32>], vector<16xf32>,
        %parallel_loop3A_746 = arith.constant 21 : i32
        %parallel_loop3A_747 = vector.broadcast %parallel_loop3A_746 : i32 to vector<16xi32>
        %parallel_loop3A_748 = arith.constant 3 : i32
        %parallel_loop3A_749 = arith.constant 0 : i32
        %parallel_loop3A_750 = arith.constant 0 : i32
        %parallel_loop3A_751 = tpu.memref_slice %arg6[%parallel_loop3A_748, %parallel_loop3A_749, %parallel_loop3A_750] : memref<4x256x32xf32, #tpu.memory_space<vmem>> -> memref<1x256x32xf32, #tpu.memory_space<vmem>>
        %parallel_loop3A_752 = tpu.memref_squeeze %parallel_loop3A_751 : memref<1x256x32xf32, #tpu.memory_space<vmem>> -> memref<256x32xf32, #tpu.memory_space<vmem>>
        %parallel_loop3A_753 = tpu.vector_load_idx %parallel_loop3A_752[%parallel_loop3A_577, %parallel_loop3A_747] : memref<256x32xf32, #tpu.memory_space<vmem>>[vector<16xi32>, vector<16xi32>], vector<16xf32>,
        %parallel_loop3A_754 = arith.constant 22 : i32
        %parallel_loop3A_755 = vector.broadcast %parallel_loop3A_754 : i32 to vector<16xi32>
        %parallel_loop3A_756 = arith.constant 3 : i32
        %parallel_loop3A_757 = arith.constant 0 : i32
        %parallel_loop3A_758 = arith.constant 0 : i32
        %parallel_loop3A_759 = tpu.memref_slice %arg6[%parallel_loop3A_756, %parallel_loop3A_757, %parallel_loop3A_758] : memref<4x256x32xf32, #tpu.memory_space<vmem>> -> memref<1x256x32xf32, #tpu.memory_space<vmem>>
        %parallel_loop3A_760 = tpu.memref_squeeze %parallel_loop3A_759 : memref<1x256x32xf32, #tpu.memory_space<vmem>> -> memref<256x32xf32, #tpu.memory_space<vmem>>
        %parallel_loop3A_761 = tpu.vector_load_idx %parallel_loop3A_760[%parallel_loop3A_577, %parallel_loop3A_755] : memref<256x32xf32, #tpu.memory_space<vmem>>[vector<16xi32>, vector<16xi32>], vector<16xf32>,
        %parallel_loop3A_762 = arith.constant 23 : i32
        %parallel_loop3A_763 = vector.broadcast %parallel_loop3A_762 : i32 to vector<16xi32>
        %parallel_loop3A_764 = arith.constant 3 : i32
        %parallel_loop3A_765 = arith.constant 0 : i32
        %parallel_loop3A_766 = arith.constant 0 : i32
        %parallel_loop3A_767 = tpu.memref_slice %arg6[%parallel_loop3A_764, %parallel_loop3A_765, %parallel_loop3A_766] : memref<4x256x32xf32, #tpu.memory_space<vmem>> -> memref<1x256x32xf32, #tpu.memory_space<vmem>>
        %parallel_loop3A_768 = tpu.memref_squeeze %parallel_loop3A_767 : memref<1x256x32xf32, #tpu.memory_space<vmem>> -> memref<256x32xf32, #tpu.memory_space<vmem>>
        %parallel_loop3A_769 = tpu.vector_load_idx %parallel_loop3A_768[%parallel_loop3A_577, %parallel_loop3A_763] : memref<256x32xf32, #tpu.memory_space<vmem>>[vector<16xi32>, vector<16xi32>], vector<16xf32>,
        %parallel_loop3A_770 = arith.constant 24 : i32
        %parallel_loop3A_771 = vector.broadcast %parallel_loop3A_770 : i32 to vector<16xi32>
        %parallel_loop3A_772 = arith.constant 3 : i32
        %parallel_loop3A_773 = arith.constant 0 : i32
        %parallel_loop3A_774 = arith.constant 0 : i32
        %parallel_loop3A_775 = tpu.memref_slice %arg6[%parallel_loop3A_772, %parallel_loop3A_773, %parallel_loop3A_774] : memref<4x256x32xf32, #tpu.memory_space<vmem>> -> memref<1x256x32xf32, #tpu.memory_space<vmem>>
        %parallel_loop3A_776 = tpu.memref_squeeze %parallel_loop3A_775 : memref<1x256x32xf32, #tpu.memory_space<vmem>> -> memref<256x32xf32, #tpu.memory_space<vmem>>
        %parallel_loop3A_777 = tpu.vector_load_idx %parallel_loop3A_776[%parallel_loop3A_577, %parallel_loop3A_771] : memref<256x32xf32, #tpu.memory_space<vmem>>[vector<16xi32>, vector<16xi32>], vector<16xf32>,
        %parallel_loop3A_778 = arith.constant 25 : i32
        %parallel_loop3A_779 = vector.broadcast %parallel_loop3A_778 : i32 to vector<16xi32>
        %parallel_loop3A_780 = arith.constant 3 : i32
        %parallel_loop3A_781 = arith.constant 0 : i32
        %parallel_loop3A_782 = arith.constant 0 : i32
        %parallel_loop3A_783 = tpu.memref_slice %arg6[%parallel_loop3A_780, %parallel_loop3A_781, %parallel_loop3A_782] : memref<4x256x32xf32, #tpu.memory_space<vmem>> -> memref<1x256x32xf32, #tpu.memory_space<vmem>>
        %parallel_loop3A_784 = tpu.memref_squeeze %parallel_loop3A_783 : memref<1x256x32xf32, #tpu.memory_space<vmem>> -> memref<256x32xf32, #tpu.memory_space<vmem>>
        %parallel_loop3A_785 = tpu.vector_load_idx %parallel_loop3A_784[%parallel_loop3A_577, %parallel_loop3A_779] : memref<256x32xf32, #tpu.memory_space<vmem>>[vector<16xi32>, vector<16xi32>], vector<16xf32>,
        %parallel_loop3A_786 = arith.constant 26 : i32
        %parallel_loop3A_787 = vector.broadcast %parallel_loop3A_786 : i32 to vector<16xi32>
        %parallel_loop3A_788 = arith.constant 3 : i32
        %parallel_loop3A_789 = arith.constant 0 : i32
        %parallel_loop3A_790 = arith.constant 0 : i32
        %parallel_loop3A_791 = tpu.memref_slice %arg6[%parallel_loop3A_788, %parallel_loop3A_789, %parallel_loop3A_790] : memref<4x256x32xf32, #tpu.memory_space<vmem>> -> memref<1x256x32xf32, #tpu.memory_space<vmem>>
        %parallel_loop3A_792 = tpu.memref_squeeze %parallel_loop3A_791 : memref<1x256x32xf32, #tpu.memory_space<vmem>> -> memref<256x32xf32, #tpu.memory_space<vmem>>
        %parallel_loop3A_793 = tpu.vector_load_idx %parallel_loop3A_792[%parallel_loop3A_577, %parallel_loop3A_787] : memref<256x32xf32, #tpu.memory_space<vmem>>[vector<16xi32>, vector<16xi32>], vector<16xf32>,
        %parallel_loop3A_794 = arith.constant 27 : i32
        %parallel_loop3A_795 = vector.broadcast %parallel_loop3A_794 : i32 to vector<16xi32>
        %parallel_loop3A_796 = arith.constant 3 : i32
        %parallel_loop3A_797 = arith.constant 0 : i32
        %parallel_loop3A_798 = arith.constant 0 : i32
        %parallel_loop3A_799 = tpu.memref_slice %arg6[%parallel_loop3A_796, %parallel_loop3A_797, %parallel_loop3A_798] : memref<4x256x32xf32, #tpu.memory_space<vmem>> -> memref<1x256x32xf32, #tpu.memory_space<vmem>>
        %parallel_loop3A_800 = tpu.memref_squeeze %parallel_loop3A_799 : memref<1x256x32xf32, #tpu.memory_space<vmem>> -> memref<256x32xf32, #tpu.memory_space<vmem>>
        %parallel_loop3A_801 = tpu.vector_load_idx %parallel_loop3A_800[%parallel_loop3A_577, %parallel_loop3A_795] : memref<256x32xf32, #tpu.memory_space<vmem>>[vector<16xi32>, vector<16xi32>], vector<16xf32>,
        %parallel_loop3A_802 = arith.constant 28 : i32
        %parallel_loop3A_803 = vector.broadcast %parallel_loop3A_802 : i32 to vector<16xi32>
        %parallel_loop3A_804 = arith.constant 3 : i32
        %parallel_loop3A_805 = arith.constant 0 : i32
        %parallel_loop3A_806 = arith.constant 0 : i32
        %parallel_loop3A_807 = tpu.memref_slice %arg6[%parallel_loop3A_804, %parallel_loop3A_805, %parallel_loop3A_806] : memref<4x256x32xf32, #tpu.memory_space<vmem>> -> memref<1x256x32xf32, #tpu.memory_space<vmem>>
        %parallel_loop3A_808 = tpu.memref_squeeze %parallel_loop3A_807 : memref<1x256x32xf32, #tpu.memory_space<vmem>> -> memref<256x32xf32, #tpu.memory_space<vmem>>
        %parallel_loop3A_809 = tpu.vector_load_idx %parallel_loop3A_808[%parallel_loop3A_577, %parallel_loop3A_803] : memref<256x32xf32, #tpu.memory_space<vmem>>[vector<16xi32>, vector<16xi32>], vector<16xf32>,
        %parallel_loop3A_810 = arith.constant 29 : i32
        %parallel_loop3A_811 = vector.broadcast %parallel_loop3A_810 : i32 to vector<16xi32>
        %parallel_loop3A_812 = arith.constant 3 : i32
        %parallel_loop3A_813 = arith.constant 0 : i32
        %parallel_loop3A_814 = arith.constant 0 : i32
        %parallel_loop3A_815 = tpu.memref_slice %arg6[%parallel_loop3A_812, %parallel_loop3A_813, %parallel_loop3A_814] : memref<4x256x32xf32, #tpu.memory_space<vmem>> -> memref<1x256x32xf32, #tpu.memory_space<vmem>>
        %parallel_loop3A_816 = tpu.memref_squeeze %parallel_loop3A_815 : memref<1x256x32xf32, #tpu.memory_space<vmem>> -> memref<256x32xf32, #tpu.memory_space<vmem>>
        %parallel_loop3A_817 = tpu.vector_load_idx %parallel_loop3A_816[%parallel_loop3A_577, %parallel_loop3A_811] : memref<256x32xf32, #tpu.memory_space<vmem>>[vector<16xi32>, vector<16xi32>], vector<16xf32>,
        %parallel_loop3A_818 = arith.constant 30 : i32
        %parallel_loop3A_819 = vector.broadcast %parallel_loop3A_818 : i32 to vector<16xi32>
        %parallel_loop3A_820 = arith.constant 3 : i32
        %parallel_loop3A_821 = arith.constant 0 : i32
        %parallel_loop3A_822 = arith.constant 0 : i32
        %parallel_loop3A_823 = tpu.memref_slice %arg6[%parallel_loop3A_820, %parallel_loop3A_821, %parallel_loop3A_822] : memref<4x256x32xf32, #tpu.memory_space<vmem>> -> memref<1x256x32xf32, #tpu.memory_space<vmem>>
        %parallel_loop3A_824 = tpu.memref_squeeze %parallel_loop3A_823 : memref<1x256x32xf32, #tpu.memory_space<vmem>> -> memref<256x32xf32, #tpu.memory_space<vmem>>
        %parallel_loop3A_825 = tpu.vector_load_idx %parallel_loop3A_824[%parallel_loop3A_577, %parallel_loop3A_819] : memref<256x32xf32, #tpu.memory_space<vmem>>[vector<16xi32>, vector<16xi32>], vector<16xf32>,
        %parallel_loop3A_826 = arith.constant 31 : i32
        %parallel_loop3A_827 = vector.broadcast %parallel_loop3A_826 : i32 to vector<16xi32>
        %parallel_loop3A_828 = arith.constant 3 : i32
        %parallel_loop3A_829 = arith.constant 0 : i32
        %parallel_loop3A_830 = arith.constant 0 : i32
        %parallel_loop3A_831 = tpu.memref_slice %arg6[%parallel_loop3A_828, %parallel_loop3A_829, %parallel_loop3A_830] : memref<4x256x32xf32, #tpu.memory_space<vmem>> -> memref<1x256x32xf32, #tpu.memory_space<vmem>>
        %parallel_loop3A_832 = tpu.memref_squeeze %parallel_loop3A_831 : memref<1x256x32xf32, #tpu.memory_space<vmem>> -> memref<256x32xf32, #tpu.memory_space<vmem>>
        %parallel_loop3A_833 = tpu.vector_load_idx %parallel_loop3A_832[%parallel_loop3A_577, %parallel_loop3A_827] : memref<256x32xf32, #tpu.memory_space<vmem>>[vector<16xi32>, vector<16xi32>], vector<16xf32>,
        %parallel_loop3A_834 = arith.constant 16 : i32
        %parallel_loop3A_835 = arith.muli %parallel_loop3A_572, %parallel_loop3A_834 : i32
        %parallel_loop3A_836 = arith.constant 1 : i32
        %parallel_loop3A_837 = arith.constant 0 : i32
        %parallel_loop3A_838 = arith.constant 0 : i32
        %parallel_loop3A_839 = arith.index_cast %parallel_loop3A_836 : i32 to index
        %parallel_loop3A_840 = arith.index_cast %parallel_loop3A_837 : i32 to index
        %parallel_loop3A_841 = arith.index_cast %parallel_loop3A_556 : i32 to index
        %parallel_loop3A_842 = arith.index_cast %parallel_loop3A_838 : i32 to index
        %parallel_loop3A_843 = arith.index_cast %parallel_loop3A_835 : i32 to index
        %parallel_loop3A_844 = tpu.vector_load %arg7[%parallel_loop3A_839, %parallel_loop3A_840, %parallel_loop3A_841, %parallel_loop3A_842, %parallel_loop3A_843] {strides = array<i32>} : memref<2x4x2x8x128xf32, #tpu.memory_space<vmem>>, vector<16xf32>,
        tpu.vector_store %arg7[%parallel_loop3A_839, %parallel_loop3A_840, %parallel_loop3A_841, %parallel_loop3A_842, %parallel_loop3A_843], %parallel_loop3A_585 {strides = array<i32>} : memref<2x4x2x8x128xf32, #tpu.memory_space<vmem>>, vector<16xf32>,
        %parallel_loop3A_845 = arith.constant 16 : i32
        %parallel_loop3A_846 = arith.muli %parallel_loop3A_572, %parallel_loop3A_845 : i32
        %parallel_loop3A_847 = arith.constant 1 : i32
        %parallel_loop3A_848 = arith.constant 0 : i32
        %parallel_loop3A_849 = arith.constant 1 : i32
        %parallel_loop3A_850 = arith.index_cast %parallel_loop3A_847 : i32 to index
        %parallel_loop3A_851 = arith.index_cast %parallel_loop3A_848 : i32 to index
        %parallel_loop3A_852 = arith.index_cast %parallel_loop3A_556 : i32 to index
        %parallel_loop3A_853 = arith.index_cast %parallel_loop3A_849 : i32 to index
        %parallel_loop3A_854 = arith.index_cast %parallel_loop3A_846 : i32 to index
        %parallel_loop3A_855 = tpu.vector_load %arg7[%parallel_loop3A_850, %parallel_loop3A_851, %parallel_loop3A_852, %parallel_loop3A_853, %parallel_loop3A_854] {strides = array<i32>} : memref<2x4x2x8x128xf32, #tpu.memory_space<vmem>>, vector<16xf32>,
        tpu.vector_store %arg7[%parallel_loop3A_850, %parallel_loop3A_851, %parallel_loop3A_852, %parallel_loop3A_853, %parallel_loop3A_854], %parallel_loop3A_593 {strides = array<i32>} : memref<2x4x2x8x128xf32, #tpu.memory_space<vmem>>, vector<16xf32>,
        %parallel_loop3A_856 = arith.constant 16 : i32
        %parallel_loop3A_857 = arith.muli %parallel_loop3A_572, %parallel_loop3A_856 : i32
        %parallel_loop3A_858 = arith.constant 1 : i32
        %parallel_loop3A_859 = arith.constant 0 : i32
        %parallel_loop3A_860 = arith.constant 2 : i32
        %parallel_loop3A_861 = arith.index_cast %parallel_loop3A_858 : i32 to index
        %parallel_loop3A_862 = arith.index_cast %parallel_loop3A_859 : i32 to index
        %parallel_loop3A_863 = arith.index_cast %parallel_loop3A_556 : i32 to index
        %parallel_loop3A_864 = arith.index_cast %parallel_loop3A_860 : i32 to index
        %parallel_loop3A_865 = arith.index_cast %parallel_loop3A_857 : i32 to index
        %parallel_loop3A_866 = tpu.vector_load %arg7[%parallel_loop3A_861, %parallel_loop3A_862, %parallel_loop3A_863, %parallel_loop3A_864, %parallel_loop3A_865] {strides = array<i32>} : memref<2x4x2x8x128xf32, #tpu.memory_space<vmem>>, vector<16xf32>,
        tpu.vector_store %arg7[%parallel_loop3A_861, %parallel_loop3A_862, %parallel_loop3A_863, %parallel_loop3A_864, %parallel_loop3A_865], %parallel_loop3A_601 {strides = array<i32>} : memref<2x4x2x8x128xf32, #tpu.memory_space<vmem>>, vector<16xf32>,
        %parallel_loop3A_867 = arith.constant 16 : i32
        %parallel_loop3A_868 = arith.muli %parallel_loop3A_572, %parallel_loop3A_867 : i32
        %parallel_loop3A_869 = arith.constant 1 : i32
        %parallel_loop3A_870 = arith.constant 0 : i32
        %parallel_loop3A_871 = arith.constant 3 : i32
        %parallel_loop3A_872 = arith.index_cast %parallel_loop3A_869 : i32 to index
        %parallel_loop3A_873 = arith.index_cast %parallel_loop3A_870 : i32 to index
        %parallel_loop3A_874 = arith.index_cast %parallel_loop3A_556 : i32 to index
        %parallel_loop3A_875 = arith.index_cast %parallel_loop3A_871 : i32 to index
        %parallel_loop3A_876 = arith.index_cast %parallel_loop3A_868 : i32 to index
        %parallel_loop3A_877 = tpu.vector_load %arg7[%parallel_loop3A_872, %parallel_loop3A_873, %parallel_loop3A_874, %parallel_loop3A_875, %parallel_loop3A_876] {strides = array<i32>} : memref<2x4x2x8x128xf32, #tpu.memory_space<vmem>>, vector<16xf32>,
        tpu.vector_store %arg7[%parallel_loop3A_872, %parallel_loop3A_873, %parallel_loop3A_874, %parallel_loop3A_875, %parallel_loop3A_876], %parallel_loop3A_609 {strides = array<i32>} : memref<2x4x2x8x128xf32, #tpu.memory_space<vmem>>, vector<16xf32>,
        %parallel_loop3A_878 = arith.constant 16 : i32
        %parallel_loop3A_879 = arith.muli %parallel_loop3A_572, %parallel_loop3A_878 : i32
        %parallel_loop3A_880 = arith.constant 1 : i32
        %parallel_loop3A_881 = arith.constant 0 : i32
        %parallel_loop3A_882 = arith.constant 4 : i32
        %parallel_loop3A_883 = arith.index_cast %parallel_loop3A_880 : i32 to index
        %parallel_loop3A_884 = arith.index_cast %parallel_loop3A_881 : i32 to index
        %parallel_loop3A_885 = arith.index_cast %parallel_loop3A_556 : i32 to index
        %parallel_loop3A_886 = arith.index_cast %parallel_loop3A_882 : i32 to index
        %parallel_loop3A_887 = arith.index_cast %parallel_loop3A_879 : i32 to index
        %parallel_loop3A_888 = tpu.vector_load %arg7[%parallel_loop3A_883, %parallel_loop3A_884, %parallel_loop3A_885, %parallel_loop3A_886, %parallel_loop3A_887] {strides = array<i32>} : memref<2x4x2x8x128xf32, #tpu.memory_space<vmem>>, vector<16xf32>,
        tpu.vector_store %arg7[%parallel_loop3A_883, %parallel_loop3A_884, %parallel_loop3A_885, %parallel_loop3A_886, %parallel_loop3A_887], %parallel_loop3A_617 {strides = array<i32>} : memref<2x4x2x8x128xf32, #tpu.memory_space<vmem>>, vector<16xf32>,
        %parallel_loop3A_889 = arith.constant 16 : i32
        %parallel_loop3A_890 = arith.muli %parallel_loop3A_572, %parallel_loop3A_889 : i32
        %parallel_loop3A_891 = arith.constant 1 : i32
        %parallel_loop3A_892 = arith.constant 0 : i32
        %parallel_loop3A_893 = arith.constant 5 : i32
        %parallel_loop3A_894 = arith.index_cast %parallel_loop3A_891 : i32 to index
        %parallel_loop3A_895 = arith.index_cast %parallel_loop3A_892 : i32 to index
        %parallel_loop3A_896 = arith.index_cast %parallel_loop3A_556 : i32 to index
        %parallel_loop3A_897 = arith.index_cast %parallel_loop3A_893 : i32 to index
        %parallel_loop3A_898 = arith.index_cast %parallel_loop3A_890 : i32 to index
        %parallel_loop3A_899 = tpu.vector_load %arg7[%parallel_loop3A_894, %parallel_loop3A_895, %parallel_loop3A_896, %parallel_loop3A_897, %parallel_loop3A_898] {strides = array<i32>} : memref<2x4x2x8x128xf32, #tpu.memory_space<vmem>>, vector<16xf32>,
        tpu.vector_store %arg7[%parallel_loop3A_894, %parallel_loop3A_895, %parallel_loop3A_896, %parallel_loop3A_897, %parallel_loop3A_898], %parallel_loop3A_625 {strides = array<i32>} : memref<2x4x2x8x128xf32, #tpu.memory_space<vmem>>, vector<16xf32>,
        %parallel_loop3A_900 = arith.constant 16 : i32
        %parallel_loop3A_901 = arith.muli %parallel_loop3A_572, %parallel_loop3A_900 : i32
        %parallel_loop3A_902 = arith.constant 1 : i32
        %parallel_loop3A_903 = arith.constant 0 : i32
        %parallel_loop3A_904 = arith.constant 6 : i32
        %parallel_loop3A_905 = arith.index_cast %parallel_loop3A_902 : i32 to index
        %parallel_loop3A_906 = arith.index_cast %parallel_loop3A_903 : i32 to index
        %parallel_loop3A_907 = arith.index_cast %parallel_loop3A_556 : i32 to index
        %parallel_loop3A_908 = arith.index_cast %parallel_loop3A_904 : i32 to index
        %parallel_loop3A_909 = arith.index_cast %parallel_loop3A_901 : i32 to index
        %parallel_loop3A_910 = tpu.vector_load %arg7[%parallel_loop3A_905, %parallel_loop3A_906, %parallel_loop3A_907, %parallel_loop3A_908, %parallel_loop3A_909] {strides = array<i32>} : memref<2x4x2x8x128xf32, #tpu.memory_space<vmem>>, vector<16xf32>,
        tpu.vector_store %arg7[%parallel_loop3A_905, %parallel_loop3A_906, %parallel_loop3A_907, %parallel_loop3A_908, %parallel_loop3A_909], %parallel_loop3A_633 {strides = array<i32>} : memref<2x4x2x8x128xf32, #tpu.memory_space<vmem>>, vector<16xf32>,
        %parallel_loop3A_911 = arith.constant 16 : i32
        %parallel_loop3A_912 = arith.muli %parallel_loop3A_572, %parallel_loop3A_911 : i32
        %parallel_loop3A_913 = arith.constant 1 : i32
        %parallel_loop3A_914 = arith.constant 0 : i32
        %parallel_loop3A_915 = arith.constant 7 : i32
        %parallel_loop3A_916 = arith.index_cast %parallel_loop3A_913 : i32 to index
        %parallel_loop3A_917 = arith.index_cast %parallel_loop3A_914 : i32 to index
        %parallel_loop3A_918 = arith.index_cast %parallel_loop3A_556 : i32 to index
        %parallel_loop3A_919 = arith.index_cast %parallel_loop3A_915 : i32 to index
        %parallel_loop3A_920 = arith.index_cast %parallel_loop3A_912 : i32 to index
        %parallel_loop3A_921 = tpu.vector_load %arg7[%parallel_loop3A_916, %parallel_loop3A_917, %parallel_loop3A_918, %parallel_loop3A_919, %parallel_loop3A_920] {strides = array<i32>} : memref<2x4x2x8x128xf32, #tpu.memory_space<vmem>>, vector<16xf32>,
        tpu.vector_store %arg7[%parallel_loop3A_916, %parallel_loop3A_917, %parallel_loop3A_918, %parallel_loop3A_919, %parallel_loop3A_920], %parallel_loop3A_641 {strides = array<i32>} : memref<2x4x2x8x128xf32, #tpu.memory_space<vmem>>, vector<16xf32>,
        %parallel_loop3A_922 = arith.constant 16 : i32
        %parallel_loop3A_923 = arith.muli %parallel_loop3A_572, %parallel_loop3A_922 : i32
        %parallel_loop3A_924 = arith.constant 1 : i32
        %parallel_loop3A_925 = arith.constant 1 : i32
        %parallel_loop3A_926 = arith.constant 0 : i32
        %parallel_loop3A_927 = arith.index_cast %parallel_loop3A_924 : i32 to index
        %parallel_loop3A_928 = arith.index_cast %parallel_loop3A_925 : i32 to index
        %parallel_loop3A_929 = arith.index_cast %parallel_loop3A_556 : i32 to index
        %parallel_loop3A_930 = arith.index_cast %parallel_loop3A_926 : i32 to index
        %parallel_loop3A_931 = arith.index_cast %parallel_loop3A_923 : i32 to index
        %parallel_loop3A_932 = tpu.vector_load %arg7[%parallel_loop3A_927, %parallel_loop3A_928, %parallel_loop3A_929, %parallel_loop3A_930, %parallel_loop3A_931] {strides = array<i32>} : memref<2x4x2x8x128xf32, #tpu.memory_space<vmem>>, vector<16xf32>,
        tpu.vector_store %arg7[%parallel_loop3A_927, %parallel_loop3A_928, %parallel_loop3A_929, %parallel_loop3A_930, %parallel_loop3A_931], %parallel_loop3A_649 {strides = array<i32>} : memref<2x4x2x8x128xf32, #tpu.memory_space<vmem>>, vector<16xf32>,
        %parallel_loop3A_933 = arith.constant 16 : i32
        %parallel_loop3A_934 = arith.muli %parallel_loop3A_572, %parallel_loop3A_933 : i32
        %parallel_loop3A_935 = arith.constant 1 : i32
        %parallel_loop3A_936 = arith.constant 1 : i32
        %parallel_loop3A_937 = arith.constant 1 : i32
        %parallel_loop3A_938 = arith.index_cast %parallel_loop3A_935 : i32 to index
        %parallel_loop3A_939 = arith.index_cast %parallel_loop3A_936 : i32 to index
        %parallel_loop3A_940 = arith.index_cast %parallel_loop3A_556 : i32 to index
        %parallel_loop3A_941 = arith.index_cast %parallel_loop3A_937 : i32 to index
        %parallel_loop3A_942 = arith.index_cast %parallel_loop3A_934 : i32 to index
        %parallel_loop3A_943 = tpu.vector_load %arg7[%parallel_loop3A_938, %parallel_loop3A_939, %parallel_loop3A_940, %parallel_loop3A_941, %parallel_loop3A_942] {strides = array<i32>} : memref<2x4x2x8x128xf32, #tpu.memory_space<vmem>>, vector<16xf32>,
        tpu.vector_store %arg7[%parallel_loop3A_938, %parallel_loop3A_939, %parallel_loop3A_940, %parallel_loop3A_941, %parallel_loop3A_942], %parallel_loop3A_657 {strides = array<i32>} : memref<2x4x2x8x128xf32, #tpu.memory_space<vmem>>, vector<16xf32>,
        %parallel_loop3A_944 = arith.constant 16 : i32
        %parallel_loop3A_945 = arith.muli %parallel_loop3A_572, %parallel_loop3A_944 : i32
        %parallel_loop3A_946 = arith.constant 1 : i32
        %parallel_loop3A_947 = arith.constant 1 : i32
        %parallel_loop3A_948 = arith.constant 2 : i32
        %parallel_loop3A_949 = arith.index_cast %parallel_loop3A_946 : i32 to index
        %parallel_loop3A_950 = arith.index_cast %parallel_loop3A_947 : i32 to index
        %parallel_loop3A_951 = arith.index_cast %parallel_loop3A_556 : i32 to index
        %parallel_loop3A_952 = arith.index_cast %parallel_loop3A_948 : i32 to index
        %parallel_loop3A_953 = arith.index_cast %parallel_loop3A_945 : i32 to index
        %parallel_loop3A_954 = tpu.vector_load %arg7[%parallel_loop3A_949, %parallel_loop3A_950, %parallel_loop3A_951, %parallel_loop3A_952, %parallel_loop3A_953] {strides = array<i32>} : memref<2x4x2x8x128xf32, #tpu.memory_space<vmem>>, vector<16xf32>,
        tpu.vector_store %arg7[%parallel_loop3A_949, %parallel_loop3A_950, %parallel_loop3A_951, %parallel_loop3A_952, %parallel_loop3A_953], %parallel_loop3A_665 {strides = array<i32>} : memref<2x4x2x8x128xf32, #tpu.memory_space<vmem>>, vector<16xf32>,
        %parallel_loop3A_955 = arith.constant 16 : i32
        %parallel_loop3A_956 = arith.muli %parallel_loop3A_572, %parallel_loop3A_955 : i32
        %parallel_loop3A_957 = arith.constant 1 : i32
        %parallel_loop3A_958 = arith.constant 1 : i32
        %parallel_loop3A_959 = arith.constant 3 : i32
        %parallel_loop3A_960 = arith.index_cast %parallel_loop3A_957 : i32 to index
        %parallel_loop3A_961 = arith.index_cast %parallel_loop3A_958 : i32 to index
        %parallel_loop3A_962 = arith.index_cast %parallel_loop3A_556 : i32 to index
        %parallel_loop3A_963 = arith.index_cast %parallel_loop3A_959 : i32 to index
        %parallel_loop3A_964 = arith.index_cast %parallel_loop3A_956 : i32 to index
        %parallel_loop3A_965 = tpu.vector_load %arg7[%parallel_loop3A_960, %parallel_loop3A_961, %parallel_loop3A_962, %parallel_loop3A_963, %parallel_loop3A_964] {strides = array<i32>} : memref<2x4x2x8x128xf32, #tpu.memory_space<vmem>>, vector<16xf32>,
        tpu.vector_store %arg7[%parallel_loop3A_960, %parallel_loop3A_961, %parallel_loop3A_962, %parallel_loop3A_963, %parallel_loop3A_964], %parallel_loop3A_673 {strides = array<i32>} : memref<2x4x2x8x128xf32, #tpu.memory_space<vmem>>, vector<16xf32>,
        %parallel_loop3A_966 = arith.constant 16 : i32
        %parallel_loop3A_967 = arith.muli %parallel_loop3A_572, %parallel_loop3A_966 : i32
        %parallel_loop3A_968 = arith.constant 1 : i32
        %parallel_loop3A_969 = arith.constant 1 : i32
        %parallel_loop3A_970 = arith.constant 4 : i32
        %parallel_loop3A_971 = arith.index_cast %parallel_loop3A_968 : i32 to index
        %parallel_loop3A_972 = arith.index_cast %parallel_loop3A_969 : i32 to index
        %parallel_loop3A_973 = arith.index_cast %parallel_loop3A_556 : i32 to index
        %parallel_loop3A_974 = arith.index_cast %parallel_loop3A_970 : i32 to index
        %parallel_loop3A_975 = arith.index_cast %parallel_loop3A_967 : i32 to index
        %parallel_loop3A_976 = tpu.vector_load %arg7[%parallel_loop3A_971, %parallel_loop3A_972, %parallel_loop3A_973, %parallel_loop3A_974, %parallel_loop3A_975] {strides = array<i32>} : memref<2x4x2x8x128xf32, #tpu.memory_space<vmem>>, vector<16xf32>,
        tpu.vector_store %arg7[%parallel_loop3A_971, %parallel_loop3A_972, %parallel_loop3A_973, %parallel_loop3A_974, %parallel_loop3A_975], %parallel_loop3A_681 {strides = array<i32>} : memref<2x4x2x8x128xf32, #tpu.memory_space<vmem>>, vector<16xf32>,
        %parallel_loop3A_977 = arith.constant 16 : i32
        %parallel_loop3A_978 = arith.muli %parallel_loop3A_572, %parallel_loop3A_977 : i32
        %parallel_loop3A_979 = arith.constant 1 : i32
        %parallel_loop3A_980 = arith.constant 1 : i32
        %parallel_loop3A_981 = arith.constant 5 : i32
        %parallel_loop3A_982 = arith.index_cast %parallel_loop3A_979 : i32 to index
        %parallel_loop3A_983 = arith.index_cast %parallel_loop3A_980 : i32 to index
        %parallel_loop3A_984 = arith.index_cast %parallel_loop3A_556 : i32 to index
        %parallel_loop3A_985 = arith.index_cast %parallel_loop3A_981 : i32 to index
        %parallel_loop3A_986 = arith.index_cast %parallel_loop3A_978 : i32 to index
        %parallel_loop3A_987 = tpu.vector_load %arg7[%parallel_loop3A_982, %parallel_loop3A_983, %parallel_loop3A_984, %parallel_loop3A_985, %parallel_loop3A_986] {strides = array<i32>} : memref<2x4x2x8x128xf32, #tpu.memory_space<vmem>>, vector<16xf32>,
        tpu.vector_store %arg7[%parallel_loop3A_982, %parallel_loop3A_983, %parallel_loop3A_984, %parallel_loop3A_985, %parallel_loop3A_986], %parallel_loop3A_689 {strides = array<i32>} : memref<2x4x2x8x128xf32, #tpu.memory_space<vmem>>, vector<16xf32>,
        %parallel_loop3A_988 = arith.constant 16 : i32
        %parallel_loop3A_989 = arith.muli %parallel_loop3A_572, %parallel_loop3A_988 : i32
        %parallel_loop3A_990 = arith.constant 1 : i32
        %parallel_loop3A_991 = arith.constant 1 : i32
        %parallel_loop3A_992 = arith.constant 6 : i32
        %parallel_loop3A_993 = arith.index_cast %parallel_loop3A_990 : i32 to index
        %parallel_loop3A_994 = arith.index_cast %parallel_loop3A_991 : i32 to index
        %parallel_loop3A_995 = arith.index_cast %parallel_loop3A_556 : i32 to index
        %parallel_loop3A_996 = arith.index_cast %parallel_loop3A_992 : i32 to index
        %parallel_loop3A_997 = arith.index_cast %parallel_loop3A_989 : i32 to index
        %parallel_loop3A_998 = tpu.vector_load %arg7[%parallel_loop3A_993, %parallel_loop3A_994, %parallel_loop3A_995, %parallel_loop3A_996, %parallel_loop3A_997] {strides = array<i32>} : memref<2x4x2x8x128xf32, #tpu.memory_space<vmem>>, vector<16xf32>,
        tpu.vector_store %arg7[%parallel_loop3A_993, %parallel_loop3A_994, %parallel_loop3A_995, %parallel_loop3A_996, %parallel_loop3A_997], %parallel_loop3A_697 {strides = array<i32>} : memref<2x4x2x8x128xf32, #tpu.memory_space<vmem>>, vector<16xf32>,
        %parallel_loop3A_999 = arith.constant 16 : i32
        %parallel_loop3A_1000 = arith.muli %parallel_loop3A_572, %parallel_loop3A_999 : i32
        %parallel_loop3A_1001 = arith.constant 1 : i32
        %parallel_loop3A_1002 = arith.constant 1 : i32
        %parallel_loop3A_1003 = arith.constant 7 : i32
        %parallel_loop3A_1004 = arith.index_cast %parallel_loop3A_1001 : i32 to index
        %parallel_loop3A_1005 = arith.index_cast %parallel_loop3A_1002 : i32 to index
        %parallel_loop3A_1006 = arith.index_cast %parallel_loop3A_556 : i32 to index
        %parallel_loop3A_1007 = arith.index_cast %parallel_loop3A_1003 : i32 to index
        %parallel_loop3A_1008 = arith.index_cast %parallel_loop3A_1000 : i32 to index
        %parallel_loop3A_1009 = tpu.vector_load %arg7[%parallel_loop3A_1004, %parallel_loop3A_1005, %parallel_loop3A_1006, %parallel_loop3A_1007, %parallel_loop3A_1008] {strides = array<i32>} : memref<2x4x2x8x128xf32, #tpu.memory_space<vmem>>, vector<16xf32>,
        tpu.vector_store %arg7[%parallel_loop3A_1004, %parallel_loop3A_1005, %parallel_loop3A_1006, %parallel_loop3A_1007, %parallel_loop3A_1008], %parallel_loop3A_705 {strides = array<i32>} : memref<2x4x2x8x128xf32, #tpu.memory_space<vmem>>, vector<16xf32>,
        %parallel_loop3A_1010 = arith.constant 16 : i32
        %parallel_loop3A_1011 = arith.muli %parallel_loop3A_572, %parallel_loop3A_1010 : i32
        %parallel_loop3A_1012 = arith.constant 1 : i32
        %parallel_loop3A_1013 = arith.constant 2 : i32
        %parallel_loop3A_1014 = arith.constant 0 : i32
        %parallel_loop3A_1015 = arith.index_cast %parallel_loop3A_1012 : i32 to index
        %parallel_loop3A_1016 = arith.index_cast %parallel_loop3A_1013 : i32 to index
        %parallel_loop3A_1017 = arith.index_cast %parallel_loop3A_556 : i32 to index
        %parallel_loop3A_1018 = arith.index_cast %parallel_loop3A_1014 : i32 to index
        %parallel_loop3A_1019 = arith.index_cast %parallel_loop3A_1011 : i32 to index
        %parallel_loop3A_1020 = tpu.vector_load %arg7[%parallel_loop3A_1015, %parallel_loop3A_1016, %parallel_loop3A_1017, %parallel_loop3A_1018, %parallel_loop3A_1019] {strides = array<i32>} : memref<2x4x2x8x128xf32, #tpu.memory_space<vmem>>, vector<16xf32>,
        tpu.vector_store %arg7[%parallel_loop3A_1015, %parallel_loop3A_1016, %parallel_loop3A_1017, %parallel_loop3A_1018, %parallel_loop3A_1019], %parallel_loop3A_713 {strides = array<i32>} : memref<2x4x2x8x128xf32, #tpu.memory_space<vmem>>, vector<16xf32>,
        %parallel_loop3A_1021 = arith.constant 16 : i32
        %parallel_loop3A_1022 = arith.muli %parallel_loop3A_572, %parallel_loop3A_1021 : i32
        %parallel_loop3A_1023 = arith.constant 1 : i32
        %parallel_loop3A_1024 = arith.constant 2 : i32
        %parallel_loop3A_1025 = arith.constant 1 : i32
        %parallel_loop3A_1026 = arith.index_cast %parallel_loop3A_1023 : i32 to index
        %parallel_loop3A_1027 = arith.index_cast %parallel_loop3A_1024 : i32 to index
        %parallel_loop3A_1028 = arith.index_cast %parallel_loop3A_556 : i32 to index
        %parallel_loop3A_1029 = arith.index_cast %parallel_loop3A_1025 : i32 to index
        %parallel_loop3A_1030 = arith.index_cast %parallel_loop3A_1022 : i32 to index
        %parallel_loop3A_1031 = tpu.vector_load %arg7[%parallel_loop3A_1026, %parallel_loop3A_1027, %parallel_loop3A_1028, %parallel_loop3A_1029, %parallel_loop3A_1030] {strides = array<i32>} : memref<2x4x2x8x128xf32, #tpu.memory_space<vmem>>, vector<16xf32>,
        tpu.vector_store %arg7[%parallel_loop3A_1026, %parallel_loop3A_1027, %parallel_loop3A_1028, %parallel_loop3A_1029, %parallel_loop3A_1030], %parallel_loop3A_721 {strides = array<i32>} : memref<2x4x2x8x128xf32, #tpu.memory_space<vmem>>, vector<16xf32>,
        %parallel_loop3A_1032 = arith.constant 16 : i32
        %parallel_loop3A_1033 = arith.muli %parallel_loop3A_572, %parallel_loop3A_1032 : i32
        %parallel_loop3A_1034 = arith.constant 1 : i32
        %parallel_loop3A_1035 = arith.constant 2 : i32
        %parallel_loop3A_1036 = arith.constant 2 : i32
        %parallel_loop3A_1037 = arith.index_cast %parallel_loop3A_1034 : i32 to index
        %parallel_loop3A_1038 = arith.index_cast %parallel_loop3A_1035 : i32 to index
        %parallel_loop3A_1039 = arith.index_cast %parallel_loop3A_556 : i32 to index
        %parallel_loop3A_1040 = arith.index_cast %parallel_loop3A_1036 : i32 to index
        %parallel_loop3A_1041 = arith.index_cast %parallel_loop3A_1033 : i32 to index
        %parallel_loop3A_1042 = tpu.vector_load %arg7[%parallel_loop3A_1037, %parallel_loop3A_1038, %parallel_loop3A_1039, %parallel_loop3A_1040, %parallel_loop3A_1041] {strides = array<i32>} : memref<2x4x2x8x128xf32, #tpu.memory_space<vmem>>, vector<16xf32>,
        tpu.vector_store %arg7[%parallel_loop3A_1037, %parallel_loop3A_1038, %parallel_loop3A_1039, %parallel_loop3A_1040, %parallel_loop3A_1041], %parallel_loop3A_729 {strides = array<i32>} : memref<2x4x2x8x128xf32, #tpu.memory_space<vmem>>, vector<16xf32>,
        %parallel_loop3A_1043 = arith.constant 16 : i32
        %parallel_loop3A_1044 = arith.muli %parallel_loop3A_572, %parallel_loop3A_1043 : i32
        %parallel_loop3A_1045 = arith.constant 1 : i32
        %parallel_loop3A_1046 = arith.constant 2 : i32
        %parallel_loop3A_1047 = arith.constant 3 : i32
        %parallel_loop3A_1048 = arith.index_cast %parallel_loop3A_1045 : i32 to index
        %parallel_loop3A_1049 = arith.index_cast %parallel_loop3A_1046 : i32 to index
        %parallel_loop3A_1050 = arith.index_cast %parallel_loop3A_556 : i32 to index
        %parallel_loop3A_1051 = arith.index_cast %parallel_loop3A_1047 : i32 to index
        %parallel_loop3A_1052 = arith.index_cast %parallel_loop3A_1044 : i32 to index
        %parallel_loop3A_1053 = tpu.vector_load %arg7[%parallel_loop3A_1048, %parallel_loop3A_1049, %parallel_loop3A_1050, %parallel_loop3A_1051, %parallel_loop3A_1052] {strides = array<i32>} : memref<2x4x2x8x128xf32, #tpu.memory_space<vmem>>, vector<16xf32>,
        tpu.vector_store %arg7[%parallel_loop3A_1048, %parallel_loop3A_1049, %parallel_loop3A_1050, %parallel_loop3A_1051, %parallel_loop3A_1052], %parallel_loop3A_737 {strides = array<i32>} : memref<2x4x2x8x128xf32, #tpu.memory_space<vmem>>, vector<16xf32>,
        %parallel_loop3A_1054 = arith.constant 16 : i32
        %parallel_loop3A_1055 = arith.muli %parallel_loop3A_572, %parallel_loop3A_1054 : i32
        %parallel_loop3A_1056 = arith.constant 1 : i32
        %parallel_loop3A_1057 = arith.constant 2 : i32
        %parallel_loop3A_1058 = arith.constant 4 : i32
        %parallel_loop3A_1059 = arith.index_cast %parallel_loop3A_1056 : i32 to index
        %parallel_loop3A_1060 = arith.index_cast %parallel_loop3A_1057 : i32 to index
        %parallel_loop3A_1061 = arith.index_cast %parallel_loop3A_556 : i32 to index
        %parallel_loop3A_1062 = arith.index_cast %parallel_loop3A_1058 : i32 to index
        %parallel_loop3A_1063 = arith.index_cast %parallel_loop3A_1055 : i32 to index
        %parallel_loop3A_1064 = tpu.vector_load %arg7[%parallel_loop3A_1059, %parallel_loop3A_1060, %parallel_loop3A_1061, %parallel_loop3A_1062, %parallel_loop3A_1063] {strides = array<i32>} : memref<2x4x2x8x128xf32, #tpu.memory_space<vmem>>, vector<16xf32>,
        tpu.vector_store %arg7[%parallel_loop3A_1059, %parallel_loop3A_1060, %parallel_loop3A_1061, %parallel_loop3A_1062, %parallel_loop3A_1063], %parallel_loop3A_745 {strides = array<i32>} : memref<2x4x2x8x128xf32, #tpu.memory_space<vmem>>, vector<16xf32>,
        %parallel_loop3A_1065 = arith.constant 16 : i32
        %parallel_loop3A_1066 = arith.muli %parallel_loop3A_572, %parallel_loop3A_1065 : i32
        %parallel_loop3A_1067 = arith.constant 1 : i32
        %parallel_loop3A_1068 = arith.constant 2 : i32
        %parallel_loop3A_1069 = arith.constant 5 : i32
        %parallel_loop3A_1070 = arith.index_cast %parallel_loop3A_1067 : i32 to index
        %parallel_loop3A_1071 = arith.index_cast %parallel_loop3A_1068 : i32 to index
        %parallel_loop3A_1072 = arith.index_cast %parallel_loop3A_556 : i32 to index
        %parallel_loop3A_1073 = arith.index_cast %parallel_loop3A_1069 : i32 to index
        %parallel_loop3A_1074 = arith.index_cast %parallel_loop3A_1066 : i32 to index
        %parallel_loop3A_1075 = tpu.vector_load %arg7[%parallel_loop3A_1070, %parallel_loop3A_1071, %parallel_loop3A_1072, %parallel_loop3A_1073, %parallel_loop3A_1074] {strides = array<i32>} : memref<2x4x2x8x128xf32, #tpu.memory_space<vmem>>, vector<16xf32>,
        tpu.vector_store %arg7[%parallel_loop3A_1070, %parallel_loop3A_1071, %parallel_loop3A_1072, %parallel_loop3A_1073, %parallel_loop3A_1074], %parallel_loop3A_753 {strides = array<i32>} : memref<2x4x2x8x128xf32, #tpu.memory_space<vmem>>, vector<16xf32>,
        %parallel_loop3A_1076 = arith.constant 16 : i32
        %parallel_loop3A_1077 = arith.muli %parallel_loop3A_572, %parallel_loop3A_1076 : i32
        %parallel_loop3A_1078 = arith.constant 1 : i32
        %parallel_loop3A_1079 = arith.constant 2 : i32
        %parallel_loop3A_1080 = arith.constant 6 : i32
        %parallel_loop3A_1081 = arith.index_cast %parallel_loop3A_1078 : i32 to index
        %parallel_loop3A_1082 = arith.index_cast %parallel_loop3A_1079 : i32 to index
        %parallel_loop3A_1083 = arith.index_cast %parallel_loop3A_556 : i32 to index
        %parallel_loop3A_1084 = arith.index_cast %parallel_loop3A_1080 : i32 to index
        %parallel_loop3A_1085 = arith.index_cast %parallel_loop3A_1077 : i32 to index
        %parallel_loop3A_1086 = tpu.vector_load %arg7[%parallel_loop3A_1081, %parallel_loop3A_1082, %parallel_loop3A_1083, %parallel_loop3A_1084, %parallel_loop3A_1085] {strides = array<i32>} : memref<2x4x2x8x128xf32, #tpu.memory_space<vmem>>, vector<16xf32>,
        tpu.vector_store %arg7[%parallel_loop3A_1081, %parallel_loop3A_1082, %parallel_loop3A_1083, %parallel_loop3A_1084, %parallel_loop3A_1085], %parallel_loop3A_761 {strides = array<i32>} : memref<2x4x2x8x128xf32, #tpu.memory_space<vmem>>, vector<16xf32>,
        %parallel_loop3A_1087 = arith.constant 16 : i32
        %parallel_loop3A_1088 = arith.muli %parallel_loop3A_572, %parallel_loop3A_1087 : i32
        %parallel_loop3A_1089 = arith.constant 1 : i32
        %parallel_loop3A_1090 = arith.constant 2 : i32
        %parallel_loop3A_1091 = arith.constant 7 : i32
        %parallel_loop3A_1092 = arith.index_cast %parallel_loop3A_1089 : i32 to index
        %parallel_loop3A_1093 = arith.index_cast %parallel_loop3A_1090 : i32 to index
        %parallel_loop3A_1094 = arith.index_cast %parallel_loop3A_556 : i32 to index
        %parallel_loop3A_1095 = arith.index_cast %parallel_loop3A_1091 : i32 to index
        %parallel_loop3A_1096 = arith.index_cast %parallel_loop3A_1088 : i32 to index
        %parallel_loop3A_1097 = tpu.vector_load %arg7[%parallel_loop3A_1092, %parallel_loop3A_1093, %parallel_loop3A_1094, %parallel_loop3A_1095, %parallel_loop3A_1096] {strides = array<i32>} : memref<2x4x2x8x128xf32, #tpu.memory_space<vmem>>, vector<16xf32>,
        tpu.vector_store %arg7[%parallel_loop3A_1092, %parallel_loop3A_1093, %parallel_loop3A_1094, %parallel_loop3A_1095, %parallel_loop3A_1096], %parallel_loop3A_769 {strides = array<i32>} : memref<2x4x2x8x128xf32, #tpu.memory_space<vmem>>, vector<16xf32>,
        %parallel_loop3A_1098 = arith.constant 16 : i32
        %parallel_loop3A_1099 = arith.muli %parallel_loop3A_572, %parallel_loop3A_1098 : i32
        %parallel_loop3A_1100 = arith.constant 1 : i32
        %parallel_loop3A_1101 = arith.constant 3 : i32
        %parallel_loop3A_1102 = arith.constant 0 : i32
        %parallel_loop3A_1103 = arith.index_cast %parallel_loop3A_1100 : i32 to index
        %parallel_loop3A_1104 = arith.index_cast %parallel_loop3A_1101 : i32 to index
        %parallel_loop3A_1105 = arith.index_cast %parallel_loop3A_556 : i32 to index
        %parallel_loop3A_1106 = arith.index_cast %parallel_loop3A_1102 : i32 to index
        %parallel_loop3A_1107 = arith.index_cast %parallel_loop3A_1099 : i32 to index
        %parallel_loop3A_1108 = tpu.vector_load %arg7[%parallel_loop3A_1103, %parallel_loop3A_1104, %parallel_loop3A_1105, %parallel_loop3A_1106, %parallel_loop3A_1107] {strides = array<i32>} : memref<2x4x2x8x128xf32, #tpu.memory_space<vmem>>, vector<16xf32>,
        tpu.vector_store %arg7[%parallel_loop3A_1103, %parallel_loop3A_1104, %parallel_loop3A_1105, %parallel_loop3A_1106, %parallel_loop3A_1107], %parallel_loop3A_777 {strides = array<i32>} : memref<2x4x2x8x128xf32, #tpu.memory_space<vmem>>, vector<16xf32>,
        %parallel_loop3A_1109 = arith.constant 16 : i32
        %parallel_loop3A_1110 = arith.muli %parallel_loop3A_572, %parallel_loop3A_1109 : i32
        %parallel_loop3A_1111 = arith.constant 1 : i32
        %parallel_loop3A_1112 = arith.constant 3 : i32
        %parallel_loop3A_1113 = arith.constant 1 : i32
        %parallel_loop3A_1114 = arith.index_cast %parallel_loop3A_1111 : i32 to index
        %parallel_loop3A_1115 = arith.index_cast %parallel_loop3A_1112 : i32 to index
        %parallel_loop3A_1116 = arith.index_cast %parallel_loop3A_556 : i32 to index
        %parallel_loop3A_1117 = arith.index_cast %parallel_loop3A_1113 : i32 to index
        %parallel_loop3A_1118 = arith.index_cast %parallel_loop3A_1110 : i32 to index
        %parallel_loop3A_1119 = tpu.vector_load %arg7[%parallel_loop3A_1114, %parallel_loop3A_1115, %parallel_loop3A_1116, %parallel_loop3A_1117, %parallel_loop3A_1118] {strides = array<i32>} : memref<2x4x2x8x128xf32, #tpu.memory_space<vmem>>, vector<16xf32>,
        tpu.vector_store %arg7[%parallel_loop3A_1114, %parallel_loop3A_1115, %parallel_loop3A_1116, %parallel_loop3A_1117, %parallel_loop3A_1118], %parallel_loop3A_785 {strides = array<i32>} : memref<2x4x2x8x128xf32, #tpu.memory_space<vmem>>, vector<16xf32>,
        %parallel_loop3A_1120 = arith.constant 16 : i32
        %parallel_loop3A_1121 = arith.muli %parallel_loop3A_572, %parallel_loop3A_1120 : i32
        %parallel_loop3A_1122 = arith.constant 1 : i32
        %parallel_loop3A_1123 = arith.constant 3 : i32
        %parallel_loop3A_1124 = arith.constant 2 : i32
        %parallel_loop3A_1125 = arith.index_cast %parallel_loop3A_1122 : i32 to index
        %parallel_loop3A_1126 = arith.index_cast %parallel_loop3A_1123 : i32 to index
        %parallel_loop3A_1127 = arith.index_cast %parallel_loop3A_556 : i32 to index
        %parallel_loop3A_1128 = arith.index_cast %parallel_loop3A_1124 : i32 to index
        %parallel_loop3A_1129 = arith.index_cast %parallel_loop3A_1121 : i32 to index
        %parallel_loop3A_1130 = tpu.vector_load %arg7[%parallel_loop3A_1125, %parallel_loop3A_1126, %parallel_loop3A_1127, %parallel_loop3A_1128, %parallel_loop3A_1129] {strides = array<i32>} : memref<2x4x2x8x128xf32, #tpu.memory_space<vmem>>, vector<16xf32>,
        tpu.vector_store %arg7[%parallel_loop3A_1125, %parallel_loop3A_1126, %parallel_loop3A_1127, %parallel_loop3A_1128, %parallel_loop3A_1129], %parallel_loop3A_793 {strides = array<i32>} : memref<2x4x2x8x128xf32, #tpu.memory_space<vmem>>, vector<16xf32>,
        %parallel_loop3A_1131 = arith.constant 16 : i32
        %parallel_loop3A_1132 = arith.muli %parallel_loop3A_572, %parallel_loop3A_1131 : i32
        %parallel_loop3A_1133 = arith.constant 1 : i32
        %parallel_loop3A_1134 = arith.constant 3 : i32
        %parallel_loop3A_1135 = arith.constant 3 : i32
        %parallel_loop3A_1136 = arith.index_cast %parallel_loop3A_1133 : i32 to index
        %parallel_loop3A_1137 = arith.index_cast %parallel_loop3A_1134 : i32 to index
        %parallel_loop3A_1138 = arith.index_cast %parallel_loop3A_556 : i32 to index
        %parallel_loop3A_1139 = arith.index_cast %parallel_loop3A_1135 : i32 to index
        %parallel_loop3A_1140 = arith.index_cast %parallel_loop3A_1132 : i32 to index
        %parallel_loop3A_1141 = tpu.vector_load %arg7[%parallel_loop3A_1136, %parallel_loop3A_1137, %parallel_loop3A_1138, %parallel_loop3A_1139, %parallel_loop3A_1140] {strides = array<i32>} : memref<2x4x2x8x128xf32, #tpu.memory_space<vmem>>, vector<16xf32>,
        tpu.vector_store %arg7[%parallel_loop3A_1136, %parallel_loop3A_1137, %parallel_loop3A_1138, %parallel_loop3A_1139, %parallel_loop3A_1140], %parallel_loop3A_801 {strides = array<i32>} : memref<2x4x2x8x128xf32, #tpu.memory_space<vmem>>, vector<16xf32>,
        %parallel_loop3A_1142 = arith.constant 16 : i32
        %parallel_loop3A_1143 = arith.muli %parallel_loop3A_572, %parallel_loop3A_1142 : i32
        %parallel_loop3A_1144 = arith.constant 1 : i32
        %parallel_loop3A_1145 = arith.constant 3 : i32
        %parallel_loop3A_1146 = arith.constant 4 : i32
        %parallel_loop3A_1147 = arith.index_cast %parallel_loop3A_1144 : i32 to index
        %parallel_loop3A_1148 = arith.index_cast %parallel_loop3A_1145 : i32 to index
        %parallel_loop3A_1149 = arith.index_cast %parallel_loop3A_556 : i32 to index
        %parallel_loop3A_1150 = arith.index_cast %parallel_loop3A_1146 : i32 to index
        %parallel_loop3A_1151 = arith.index_cast %parallel_loop3A_1143 : i32 to index
        %parallel_loop3A_1152 = tpu.vector_load %arg7[%parallel_loop3A_1147, %parallel_loop3A_1148, %parallel_loop3A_1149, %parallel_loop3A_1150, %parallel_loop3A_1151] {strides = array<i32>} : memref<2x4x2x8x128xf32, #tpu.memory_space<vmem>>, vector<16xf32>,
        tpu.vector_store %arg7[%parallel_loop3A_1147, %parallel_loop3A_1148, %parallel_loop3A_1149, %parallel_loop3A_1150, %parallel_loop3A_1151], %parallel_loop3A_809 {strides = array<i32>} : memref<2x4x2x8x128xf32, #tpu.memory_space<vmem>>, vector<16xf32>,
        %parallel_loop3A_1153 = arith.constant 16 : i32
        %parallel_loop3A_1154 = arith.muli %parallel_loop3A_572, %parallel_loop3A_1153 : i32
        %parallel_loop3A_1155 = arith.constant 1 : i32
        %parallel_loop3A_1156 = arith.constant 3 : i32
        %parallel_loop3A_1157 = arith.constant 5 : i32
        %parallel_loop3A_1158 = arith.index_cast %parallel_loop3A_1155 : i32 to index
        %parallel_loop3A_1159 = arith.index_cast %parallel_loop3A_1156 : i32 to index
        %parallel_loop3A_1160 = arith.index_cast %parallel_loop3A_556 : i32 to index
        %parallel_loop3A_1161 = arith.index_cast %parallel_loop3A_1157 : i32 to index
        %parallel_loop3A_1162 = arith.index_cast %parallel_loop3A_1154 : i32 to index
        %parallel_loop3A_1163 = tpu.vector_load %arg7[%parallel_loop3A_1158, %parallel_loop3A_1159, %parallel_loop3A_1160, %parallel_loop3A_1161, %parallel_loop3A_1162] {strides = array<i32>} : memref<2x4x2x8x128xf32, #tpu.memory_space<vmem>>, vector<16xf32>,
        tpu.vector_store %arg7[%parallel_loop3A_1158, %parallel_loop3A_1159, %parallel_loop3A_1160, %parallel_loop3A_1161, %parallel_loop3A_1162], %parallel_loop3A_817 {strides = array<i32>} : memref<2x4x2x8x128xf32, #tpu.memory_space<vmem>>, vector<16xf32>,
        %parallel_loop3A_1164 = arith.constant 16 : i32
        %parallel_loop3A_1165 = arith.muli %parallel_loop3A_572, %parallel_loop3A_1164 : i32
        %parallel_loop3A_1166 = arith.constant 1 : i32
        %parallel_loop3A_1167 = arith.constant 3 : i32
        %parallel_loop3A_1168 = arith.constant 6 : i32
        %parallel_loop3A_1169 = arith.index_cast %parallel_loop3A_1166 : i32 to index
        %parallel_loop3A_1170 = arith.index_cast %parallel_loop3A_1167 : i32 to index
        %parallel_loop3A_1171 = arith.index_cast %parallel_loop3A_556 : i32 to index
        %parallel_loop3A_1172 = arith.index_cast %parallel_loop3A_1168 : i32 to index
        %parallel_loop3A_1173 = arith.index_cast %parallel_loop3A_1165 : i32 to index
        %parallel_loop3A_1174 = tpu.vector_load %arg7[%parallel_loop3A_1169, %parallel_loop3A_1170, %parallel_loop3A_1171, %parallel_loop3A_1172, %parallel_loop3A_1173] {strides = array<i32>} : memref<2x4x2x8x128xf32, #tpu.memory_space<vmem>>, vector<16xf32>,
        tpu.vector_store %arg7[%parallel_loop3A_1169, %parallel_loop3A_1170, %parallel_loop3A_1171, %parallel_loop3A_1172, %parallel_loop3A_1173], %parallel_loop3A_825 {strides = array<i32>} : memref<2x4x2x8x128xf32, #tpu.memory_space<vmem>>, vector<16xf32>,
        %parallel_loop3A_1175 = arith.constant 16 : i32
        %parallel_loop3A_1176 = arith.muli %parallel_loop3A_572, %parallel_loop3A_1175 : i32
        %parallel_loop3A_1177 = arith.constant 1 : i32
        %parallel_loop3A_1178 = arith.constant 3 : i32
        %parallel_loop3A_1179 = arith.constant 7 : i32
        %parallel_loop3A_1180 = arith.index_cast %parallel_loop3A_1177 : i32 to index
        %parallel_loop3A_1181 = arith.index_cast %parallel_loop3A_1178 : i32 to index
        %parallel_loop3A_1182 = arith.index_cast %parallel_loop3A_556 : i32 to index
        %parallel_loop3A_1183 = arith.index_cast %parallel_loop3A_1179 : i32 to index
        %parallel_loop3A_1184 = arith.index_cast %parallel_loop3A_1176 : i32 to index
        %parallel_loop3A_1185 = tpu.vector_load %arg7[%parallel_loop3A_1180, %parallel_loop3A_1181, %parallel_loop3A_1182, %parallel_loop3A_1183, %parallel_loop3A_1184] {strides = array<i32>} : memref<2x4x2x8x128xf32, #tpu.memory_space<vmem>>, vector<16xf32>,
        tpu.vector_store %arg7[%parallel_loop3A_1180, %parallel_loop3A_1181, %parallel_loop3A_1182, %parallel_loop3A_1183, %parallel_loop3A_1184], %parallel_loop3A_833 {strides = array<i32>} : memref<2x4x2x8x128xf32, #tpu.memory_space<vmem>>, vector<16xf32>,
      } {sc.loop_unroll_factor = 1 : i64, sc.parallel_access}
      %add3A_466 = arith.addi %mul3A_4, %add3A_435 : i32
      %jit3A_467 = arith.constant 64 : i32
      %div3A_468 = arith.divsi %add3A_466, %jit3A_467 : i32
      %sign3A_469 = arith.constant 0 : i32
      %sign3A_470 = arith.cmpi sgt, %add3A_466, %sign3A_469 : i32
      %sign3A_471 = arith.extui %sign3A_470 : i1 to i32
      %sign3A_472 = arith.constant 0 : i32
      %sign3A_473 = arith.cmpi slt, %add3A_466, %sign3A_472 : i32
      %sign3A_474 = arith.extui %sign3A_473 : i1 to i32
      %sign3A_475 = arith.subi %sign3A_471, %sign3A_474 : i32
      %sign3A_476 = arith.constant 0 : i32
      %sign3A_477 = arith.cmpi sgt, %jit3A_467, %sign3A_476 : i32
      %sign3A_478 = arith.extui %sign3A_477 : i1 to i32
      %sign3A_479 = arith.constant 0 : i32
      %sign3A_480 = arith.cmpi slt, %jit3A_467, %sign3A_479 : i32
      %sign3A_481 = arith.extui %sign3A_480 : i1 to i32
      %sign3A_482 = arith.subi %sign3A_478, %sign3A_481 : i32
      %ne3A_483 = arith.cmpi ne, %sign3A_475, %sign3A_482 : i32
      %rem3A_484 = arith.remsi %add3A_466, %jit3A_467 : i32
      %ne3A_485 = arith.constant 0 : i32
      %ne3A_486 = arith.cmpi ne, %rem3A_484, %ne3A_485 : i32
      %and3A_487 = arith.andi %ne3A_483, %ne3A_486 : i1
      %sub3A_488 = arith.constant 1 : i32
      %sub3A_489 = arith.subi %div3A_468, %sub3A_488 : i32
      %select_n3A_490 = arith.select %and3A_487, %sub3A_489, %div3A_468 : i32
      %jit3A_491 = arith.constant 64 : i32
      %eq3A_492 = arith.constant 0 : i32
      %eq3A_493 = arith.cmpi eq, %jit3A_491, %eq3A_492 : i32
      %jit3A_494 = arith.constant 1 : i32
      %select_n3A_495 = arith.select %eq3A_493, %jit3A_494, %jit3A_491 : i32
      %rem3A_496 = arith.remsi %add3A_466, %select_n3A_495 : i32
      %ne3A_497 = arith.constant 0 : i32
      %ne3A_498 = arith.cmpi ne, %rem3A_496, %ne3A_497 : i32
      %lt3A_499 = arith.constant 0 : i32
      %lt3A_500 = arith.cmpi slt, %rem3A_496, %lt3A_499 : i32
      %lt3A_501 = arith.constant 0 : i32
      %lt3A_502 = arith.cmpi slt, %select_n3A_495, %lt3A_501 : i32
      %ne3A_503 = arith.xori %lt3A_500, %lt3A_502 : i1
      %and3A_504 = arith.andi %ne3A_503, %ne3A_498 : i1
      %add3A_505 = arith.addi %rem3A_496, %select_n3A_495 : i32
      %select_n3A_506 = arith.select %and3A_504, %add3A_505, %rem3A_496 : i32
      %mul3A_507 = arith.constant 2 : i32
      %mul3A_508 = arith.muli %select_n3A_506, %mul3A_507 : i32
      %dma_start3A_509 = arith.constant 1 : i32
      %dma_start3A_510 = arith.constant 0 : i32
      %dma_start3A_511 = arith.constant 0 : i32
      %dma_start3A_512 = arith.constant 0 : i32
      %dma_start3A_513 = arith.constant 0 : i32
      %dma_start3A_514 = tpu.memref_slice %arg7[%dma_start3A_509, %dma_start3A_510, %dma_start3A_511, %dma_start3A_512, %dma_start3A_513] : memref<2x4x2x8x128xf32, #tpu.memory_space<vmem>> -> memref<1x4x2x8x128xf32, #tpu.memory_space<vmem>>
      %dma_start3A_515 = tpu.memref_squeeze %dma_start3A_514 : memref<1x4x2x8x128xf32, #tpu.memory_space<vmem>> -> memref<4x2x8x128xf32, #tpu.memory_space<vmem>>
      %dma_start3A_516 = arith.constant 0 : i32
      %dma_start3A_517 = arith.constant 0 : i32
      %dma_start3A_518 = arith.constant 0 : i32
      %dma_start3A_519 = tpu.memref_slice %arg4[%select_n3A_490, %dma_start3A_516, %mul3A_508, %dma_start3A_517, %dma_start3A_518] : memref<50x4x128x8x128xf32, #tpu.memory_space<hbm>> -> memref<1x4x2x8x128xf32, #tpu.memory_space<hbm>>
      %dma_start3A_520 = tpu.memref_squeeze %dma_start3A_519 : memref<1x4x2x8x128xf32, #tpu.memory_space<hbm>> -> memref<4x2x8x128xf32, #tpu.memory_space<hbm>>
      %dma_start3A_521 = arith.constant 0 : i32
      %dma_start3A_522 = arith.constant 0 : i32
      %dma_start3A_523 = arith.constant 0 : i32
      %dma_start3A_524 = tpu.memref_slice %arg4[%select_n3A_490, %dma_start3A_521, %mul3A_508, %dma_start3A_522, %dma_start3A_523] : memref<50x4x128x8x128xf32, #tpu.memory_space<hbm>> -> memref<1x4x2x8x128xf32, #tpu.memory_space<hbm>>
      %dma_start3A_525 = tpu.memref_squeeze %dma_start3A_524 : memref<1x4x2x8x128xf32, #tpu.memory_space<hbm>> -> memref<4x2x8x128xf32, #tpu.memory_space<hbm>>
      %dma_start3A_526 = arith.constant 0 : i32
      %dma_start3A_527 = arith.constant 0 : i32
      %dma_start3A_528 = arith.constant 0 : i32
      %dma_start3A_529 = arith.constant 0 : i32
      %dma_start3A_530 = tpu.memref_slice %arg7[%dma_start3A_509, %dma_start3A_526, %dma_start3A_527, %dma_start3A_528, %dma_start3A_529] : memref<2x4x2x8x128xf32, #tpu.memory_space<vmem>> -> memref<1x4x2x8x128xf32, #tpu.memory_space<vmem>>
      %dma_start3A_531 = tpu.memref_squeeze %dma_start3A_530 : memref<1x4x2x8x128xf32, #tpu.memory_space<vmem>> -> memref<4x2x8x128xf32, #tpu.memory_space<vmem>>
      tpu.enqueue_dma source(%dma_start3A_531 : memref<4x2x8x128xf32, #tpu.memory_space<vmem>>) target(%dma_start3A_525 : memref<4x2x8x128xf32, #tpu.memory_space<hbm>>) target_semaphore(%arg9 : memref<!tpu.dma_semaphore, #tpu.memory_space<semaphore_mem>>)
    }
    %scan3A_97 = arith.constant 25 : i32
    %dma_wait3A = arith.constant 0 : i32
    %dma_wait3A_98 = arith.constant 0 : i32
    %dma_wait3A_99 = arith.constant 0 : i32
    %dma_wait3A_100 = arith.constant 0 : i32
    %dma_wait3A_101 = arith.constant 0 : i32
    %dma_wait3A_102 = arith.constant 0 : i32
    %dma_wait3A_103 = tpu.memref_slice %arg7[%dma_wait3A_98, %dma_wait3A_99, %dma_wait3A_100, %dma_wait3A_101, %dma_wait3A_102] : memref<2x4x2x8x128xf32, #tpu.memory_space<vmem>> -> memref<1x4x2x8x128xf32, #tpu.memory_space<vmem>>
    %dma_wait3A_104 = tpu.memref_squeeze %dma_wait3A_103 : memref<1x4x2x8x128xf32, #tpu.memory_space<vmem>> -> memref<4x2x8x128xf32, #tpu.memory_space<vmem>>
    %dma_wait3A_105 = arith.constant 0 : i32
    %dma_wait3A_106 = arith.constant 0 : i32
    %dma_wait3A_107 = arith.constant 0 : i32
    %dma_wait3A_108 = arith.constant 0 : i32
    %dma_wait3A_109 = tpu.memref_slice %arg4[%dma_wait3A, %dma_wait3A_105, %dma_wait3A_106, %dma_wait3A_107, %dma_wait3A_108] : memref<50x4x128x8x128xf32, #tpu.memory_space<hbm>> -> memref<1x4x2x8x128xf32, #tpu.memory_space<hbm>>
    %dma_wait3A_110 = tpu.memref_squeeze %dma_wait3A_109 : memref<1x4x2x8x128xf32, #tpu.memory_space<hbm>> -> memref<4x2x8x128xf32, #tpu.memory_space<hbm>>
    %dma_wait3A_111 = arith.constant 0 : i32
    %dma_wait3A_112 = arith.constant 0 : i32
    %dma_wait3A_113 = arith.constant 0 : i32
    %dma_wait3A_114 = arith.constant 0 : i32
    %dma_wait3A_115 = tpu.memref_slice %arg7[%dma_wait3A_98, %dma_wait3A_111, %dma_wait3A_112, %dma_wait3A_113, %dma_wait3A_114] : memref<2x4x2x8x128xf32, #tpu.memory_space<vmem>> -> memref<1x4x2x8x128xf32, #tpu.memory_space<vmem>>
    %dma_wait3A_116 = tpu.memref_squeeze %dma_wait3A_115 : memref<1x4x2x8x128xf32, #tpu.memory_space<vmem>> -> memref<4x2x8x128xf32, #tpu.memory_space<vmem>>
    %dma_wait3A_117 = arith.constant 0 : i32
    %dma_wait3A_118 = arith.constant 0 : i32
    %dma_wait3A_119 = arith.constant 0 : i32
    %dma_wait3A_120 = arith.constant 0 : i32
    %dma_wait3A_121 = tpu.memref_slice %arg4[%dma_wait3A, %dma_wait3A_117, %dma_wait3A_118, %dma_wait3A_119, %dma_wait3A_120] : memref<50x4x128x8x128xf32, #tpu.memory_space<hbm>> -> memref<1x4x2x8x128xf32, #tpu.memory_space<hbm>>
    %dma_wait3A_122 = tpu.memref_squeeze %dma_wait3A_121 : memref<1x4x2x8x128xf32, #tpu.memory_space<hbm>> -> memref<4x2x8x128xf32, #tpu.memory_space<hbm>>
    tpu.wait_dma2 semaphore(%arg9 : memref<!tpu.dma_semaphore, #tpu.memory_space<semaphore_mem>>) src(%dma_wait3A_122 : memref<4x2x8x128xf32, #tpu.memory_space<hbm>>) dst(%dma_wait3A_116 : memref<4x2x8x128xf32, #tpu.memory_space<vmem>>)
    %dma_wait3A_123 = arith.constant 0 : i32
    %dma_wait3A_124 = arith.constant 1 : i32
    %dma_wait3A_125 = arith.constant 0 : i32
    %dma_wait3A_126 = arith.constant 0 : i32
    %dma_wait3A_127 = arith.constant 0 : i32
    %dma_wait3A_128 = arith.constant 0 : i32
    %dma_wait3A_129 = tpu.memref_slice %arg7[%dma_wait3A_124, %dma_wait3A_125, %dma_wait3A_126, %dma_wait3A_127, %dma_wait3A_128] : memref<2x4x2x8x128xf32, #tpu.memory_space<vmem>> -> memref<1x4x2x8x128xf32, #tpu.memory_space<vmem>>
    %dma_wait3A_130 = tpu.memref_squeeze %dma_wait3A_129 : memref<1x4x2x8x128xf32, #tpu.memory_space<vmem>> -> memref<4x2x8x128xf32, #tpu.memory_space<vmem>>
    %dma_wait3A_131 = arith.constant 0 : i32
    %dma_wait3A_132 = arith.constant 0 : i32
    %dma_wait3A_133 = arith.constant 0 : i32
    %dma_wait3A_134 = arith.constant 0 : i32
    %dma_wait3A_135 = tpu.memref_slice %arg4[%dma_wait3A_123, %dma_wait3A_131, %dma_wait3A_132, %dma_wait3A_133, %dma_wait3A_134] : memref<50x4x128x8x128xf32, #tpu.memory_space<hbm>> -> memref<1x4x2x8x128xf32, #tpu.memory_space<hbm>>
    %dma_wait3A_136 = tpu.memref_squeeze %dma_wait3A_135 : memref<1x4x2x8x128xf32, #tpu.memory_space<hbm>> -> memref<4x2x8x128xf32, #tpu.memory_space<hbm>>
    %dma_wait3A_137 = arith.constant 0 : i32
    %dma_wait3A_138 = arith.constant 0 : i32
    %dma_wait3A_139 = arith.constant 0 : i32
    %dma_wait3A_140 = arith.constant 0 : i32
    %dma_wait3A_141 = tpu.memref_slice %arg7[%dma_wait3A_124, %dma_wait3A_137, %dma_wait3A_138, %dma_wait3A_139, %dma_wait3A_140] : memref<2x4x2x8x128xf32, #tpu.memory_space<vmem>> -> memref<1x4x2x8x128xf32, #tpu.memory_space<vmem>>
    %dma_wait3A_142 = tpu.memref_squeeze %dma_wait3A_141 : memref<1x4x2x8x128xf32, #tpu.memory_space<vmem>> -> memref<4x2x8x128xf32, #tpu.memory_space<vmem>>
    %dma_wait3A_143 = arith.constant 0 : i32
    %dma_wait3A_144 = arith.constant 0 : i32
    %dma_wait3A_145 = arith.constant 0 : i32
    %dma_wait3A_146 = arith.constant 0 : i32
    %dma_wait3A_147 = tpu.memref_slice %arg4[%dma_wait3A_123, %dma_wait3A_143, %dma_wait3A_144, %dma_wait3A_145, %dma_wait3A_146] : memref<50x4x128x8x128xf32, #tpu.memory_space<hbm>> -> memref<1x4x2x8x128xf32, #tpu.memory_space<hbm>>
    %dma_wait3A_148 = tpu.memref_squeeze %dma_wait3A_147 : memref<1x4x2x8x128xf32, #tpu.memory_space<hbm>> -> memref<4x2x8x128xf32, #tpu.memory_space<hbm>>
    tpu.wait_dma2 semaphore(%arg9 : memref<!tpu.dma_semaphore, #tpu.memory_space<semaphore_mem>>) src(%dma_wait3A_148 : memref<4x2x8x128xf32, #tpu.memory_space<hbm>>) dst(%dma_wait3A_142 : memref<4x2x8x128xf32, #tpu.memory_space<vmem>>)
    return
  }
}

</mosaic_0001>

<sc_bundles>
// kernel: kernel.3.cloned.1.call-start
scs
__scs_entry_jumppad:
0x0: {  	(pc) =	sbr.rel $0x88, $3  }
0x1: {  	(tag) =	ssettag $0x0;
	lr =	simm.s32 $0x1  }
0x2: {  	[smem:$0x3F9F] =	sst lr;
	_ =	strace $0xD0000000  }
0x3: {  	_ = 	snop  }
0x4: {  	_ = 	snop  }
0x5: {  	_ = 	snop  }
0x6: {  	_ = 	snop  }
0x7: {  	_ = 	snop  }
__scs_overlays_trampoline_lowered:
0x8: {  	[smem:$0x3FAE] =	sst s0  }
0x9: {  	[smem:$0x3FAF] =	sst s1  }
0xa: {  	[smem:$0x3FB0] =	sst s2  }
0xb: {  	[smem:$0x3FB1] =	sst s3  }
0xc: {  	[smem:$0x3FB2] =	sst s4  }
0xd: {  	[smem:$0x3FB3] =	sst s5  }
0xe: {  	[smem:$0x3FB4] =	sst s6  }
0xf: {  	[smem:$0x3FB5] =	sst s7  }
0x10: {  	[smem:$0x3FB6] =	sst s8  }
0x11: {  	[smem:$0x3FB7] =	sst s9;
	s0 =	simm.s32 @!p0 $0x0  }
0x12: {  	s1 =	sld [smem:$0x3F9D];
	s0 =	simm.s32 @p0 $0x1  }
0x13: {  	[smem:$0x3FB8] =	sst s0;
	s0 =	simm.s32 @!p1 $0x0  }
0x14: {  	s2 =	sld [smem:$0x3F9C];
	s0 =	simm.s32 @p1 $0x1  }
0x15: {  	[smem:$0x3FB9] =	sst s0;
	s0 =	simm.s32 @!p2 $0x0  }
0x16: {  	s3 =	sld [smem:$0x3FDB];
	s0 =	simm.s32 @p2 $0x1  }
0x17: {  	s4 =	simm.s32 $0x1BF5;
	[smem:$0x3FBB] =	sst s0  }
0x18: {  	s0 =	sld [smem:$0x3F9E];
	_ =	swait.ge [sflag:s4], $0x0  }
0x19: {  	s7 =	sld [smem:$0x3F9F]  }
0x1a: {  	s8 =	sadd.s32 $0xFFFFE003, lr  }
0x1b: {  	s9 =	sadd.s32 $0xFFFFFEF7, lr;
	s5 =	simm.s32 $0xFFFFFFFF;
	p2 =	slt.u32 s8, $0xFFFFF086  }
0x1c: {  	p1 =	slt.u32 s9, $0xF7A;
	s5 =	simm.s32 @!p2 $0x0  }
0x1d: {  	s5 =	simm.s32 @p1 $0x1;
	p0 =	seq.s32 s7, s2  }
0x1e: {  	s7 =	smul.u32 @!p0 $0xF7A, s2;
	p2 =	seq.s32 @!p0 s5, $0x0  }
0x1f: {  	s9 =	smul.u32 $0xF7A, s1;
	s8 =	simm.s32 @!p0 $0x1BF5;
	p2 =	por !p2, p0  }
0x20: {  	[sflag:s8] =	ssyncset.s32 @!p0 $0xFFFFF086;
	s6 =	sadd.s32 @!p0 s3, s7;
	s7 =	simm.s32 @!p0 $0x108  }
0x21: {  	s3 =	sadd.s32 s3, s9;
	s6 =	sadd.s32 @!p0 $0x88, s6;
	s7 =	simm.s32 @p2 $0x1082  }
0x22: {  	[simem:s7], [sflag:s8] =	dma.local @!p0 [hbm:s6], $0xF7A  }
0x23: {  	s9 =	sor.u32 $0xD0000000, s2;
	s6 =	simm.s32 $0x108;
	_ =	swait.ge @!p0 [sflag:s8], $0x0  }
0x24: {  	s3 =	sadd.s32 $0x88, s3;
	s6 =	simm.s32 @!p1 $0x1082;
	[sflag:s4] =	ssyncset.s32 $0xFFFFF086  }
0x25: {  	[simem:s6], [sflag:s4] =	dma.local [hbm:s3], $0xF7A  }
0x26: {  	[smem:$0x3F9F] =	sst s1;
	(tag) =	ssettag s2;
	_ =	strace s9  }
0x27: {  	s1 =	sld [smem:$0x3FAF]  }
0x28: {  	s2 =	sld [smem:$0x3FB0]  }
0x29: {  	s4 =	sld [smem:$0x3FB2]  }
0x2a: {  	p0 =	seq.s32 s5, $0x0;
	s5 =	sld [smem:$0x3FB3]  }
0x2b: {  	s6 =	sld [smem:$0x3FB4]  }
0x2c: {  	s7 =	sld [smem:$0x3FB5]  }
0x2d: {  	s3 =	simm.s32 $0x108;
	s8 =	sld [smem:$0x3FB6]  }
0x2e: {  	s3 =	simm.s32 @!p0 $0x1082;
	s9 =	sld [smem:$0x3FB7]  }
0x2f: {  	lr =	sadd.s32 s0, s3;
	s0 =	sld [smem:$0x3FAE]  }
0x30: {  	s3 =	sld [smem:$0x3FB1]  }
0x31: {  	[smem:$0x3FBA] =	sst s10  }
0x32: {  	s10 =	sld [smem:$0x3FB8];
	_ =	sdelay $0x3  }
0x33: {  	p0 =	seq.s32 s10, $0x1;
	s10 =	sld [smem:$0x3FBA];
	_ =	sdelay $0x3  }
0x34: {  	[smem:$0x3FBA] =	sst s10  }
0x35: {  	s10 =	sld [smem:$0x3FB9];
	_ =	sdelay $0x3  }
0x36: {  	p1 =	seq.s32 s10, $0x1;
	s10 =	sld [smem:$0x3FBA];
	_ =	sdelay $0x3  }
0x37: {  	[smem:$0x3FBA] =	sst s10  }
0x38: {  	s10 =	sld [smem:$0x3FBB]  }
0x39: {  	_ = 	snop;
	(pc) =	sbr.ind lr, $3  }
0x3a: {  	_ = 	snop  }
0x3b: {  	_ = 	snop  }
0x3c: {  	p2 =	seq.s32 s10, $0x1;
	s10 =	sld [smem:$0x3FBA]  }
0x3d: {  	_ =	shalt  }
0x3e: {  	_ =	shalt  }
0x3f: {  	_ =	shalt  }
0x40: {  	_ =	shalt  }
0x41: {  	_ =	shalt  }
0x42: {  	_ =	shalt  }
0x43: {  	_ =	shalt  }
0x44: {  	_ =	shalt  }
0x45: {  	_ =	shalt  }
0x46: {  	_ =	shalt  }
0x47: {  	_ =	shalt  }
0x48: {  	_ =	shalt  }
0x49: {  	_ =	shalt  }
0x4a: {  	_ =	shalt  }
0x4b: {  	_ =	shalt  }
0x4c: {  	_ =	shalt  }
0x4d: {  	_ =	shalt  }
0x4e: {  	_ =	shalt  }
0x4f: {  	_ =	shalt  }
0x50: {  	_ =	shalt  }
0x51: {  	_ =	shalt  }
0x52: {  	_ =	shalt  }
0x53: {  	_ =	shalt  }
0x54: {  	_ =	shalt  }
0x55: {  	_ =	shalt  }
0x56: {  	_ =	shalt  }
0x57: {  	_ =	shalt  }
0x58: {  	_ =	shalt  }
0x59: {  	_ =	shalt  }
0x5a: {  	_ =	shalt  }
0x5b: {  	_ =	shalt  }
0x5c: {  	_ =	shalt  }
0x5d: {  	_ =	shalt  }
0x5e: {  	_ =	shalt  }
0x5f: {  	_ =	shalt  }
0x60: {  	_ =	shalt  }
0x61: {  	_ =	shalt  }
0x62: {  	_ =	shalt  }
0x63: {  	_ =	shalt  }
0x64: {  	_ =	shalt  }
0x65: {  	_ =	shalt  }
0x66: {  	_ =	shalt  }
0x67: {  	_ =	shalt  }
0x68: {  	_ =	shalt  }
0x69: {  	_ =	shalt  }
0x6a: {  	_ =	shalt  }
0x6b: {  	_ =	shalt  }
0x6c: {  	_ =	shalt  }
0x6d: {  	_ =	shalt  }
0x6e: {  	_ =	shalt  }
0x6f: {  	_ =	shalt  }
0x70: {  	_ =	shalt  }
0x71: {  	_ =	shalt  }
0x72: {  	_ =	shalt  }
0x73: {  	_ =	shalt  }
0x74: {  	_ =	shalt  }
0x75: {  	_ =	shalt  }
0x76: {  	_ =	shalt  }
0x77: {  	_ =	shalt  }
0x78: {  	_ =	shalt  }
0x79: {  	_ =	shalt  }
0x7a: {  	_ =	shalt  }
0x7b: {  	_ =	shalt  }
0x7c: {  	_ =	shalt  }
0x7d: {  	_ =	shalt  }
0x7e: {  	_ =	shalt  }
0x7f: {  	_ =	shalt  }
0x80: {  	_ =	shalt  }
0x81: {  	_ =	shalt  }
0x82: {  	_ =	shalt  }
0x83: {  	_ =	shalt  }
0x84: {  	_ =	shalt  }
0x85: {  	_ =	shalt  }
0x86: {  	_ =	shalt  }
0x87: {  	_ =	shalt  }
.Lfunc_end0:
.L_simem_size_0:
called_computation_lowered:
.L_overlay_start_0:
0x88: {  	s2 =	sld [smem:$0x3FD9]  }
0x89: {  	s3 =	sld [smem:$0x3FFE];
	_ =	sdelay $0x1  }
0x8a: {  	s1 =	srdreg.scid  }
0x8b: {  	s0 =	sand.u32 $0x1, s1  }
0x8c: {  	s17 =	sshll.u32 s0, $0xA;
	s2 =	sadd.s32 s3, s2  }
0x8d: {  	s2 =	sadd.s32 s2, s17  }
0x8e: {  	[smem:$0x3FC6] =	sst s2  }
0x8f: {  	_ = 	snop  }
0x90: {  	s2 =	sld [smem:$0x3FD0];
	(tm) =	ssettm $0x1  }
0x91: {  	s18 =	sld [smem:$0x3FFB];
	_ =	sdelay $0x3  }
0x92: {  	_ =	strace s18  }
0x93: {  	s3 =	sld [smem:$0x3FFC];
	_ =	sdelay $0x3  }
0x94: {  	_ =	strace s3  }
0x95: {  	s3 =	sld [smem:$0x3FFD];
	_ =	sdelay $0x3  }
0x96: {  	_ =	strace s3  }
0x97: {  	_ =	strace $0x8FFFFFFF  }
0x98: {  	s19 =	sld [smem:$0x3FDB];
	_ =	sdelay $0x1  }
0x99: {  	s4 =	simm.s32 $_scs_section_size  }
0x9a: {  	s5 =	simm.s32 $_size__tile_overlayer_lowered;
	s6 =	simm.s32 $_tile_overlayer_lowered  }
0x9b: {  	s22 =	simm.s32 $0x1BFF;
	s21 =	sshll.u32 s6, $0x1;
	s3 =	sadd.s32 s4, s19  }
0x9c: {  	s7 =	simm.s32 $0x0;
	s20 =	sshll.u32 s5, $0x1;
	s5 =	sadd.s32 s21, s3  }
0x9d: {  	[timem:s7], [sflag:s22] =	dma.local [hbm:s5], s20  }
0x9e: {  	_ =	swait.ge [sflag:s22], s20  }
0x9f: {  	s4 =	ssub.s32 $0x0, s20;
	[sflag:s22] =	ssyncset.done $0x0  }
0xa0: {  	[sflag:s22] =	ssyncadd.s32 s4;
	_ =	sdelay $0x1  }
0xa1: {  	s23 =	simm.s32 $0x1B8B  }
0xa2: {  	_ =	swait.ge [sflag:s23], $0x1  }
0xa3: {  	[sflag:s23] =	ssyncset.done $0x0  }
0xa4: {  	s25 =	simm.s32 $0x1B8E;
	s24 =	sld [smem:$0x3FFE];
	[sflag:s23] =	ssyncadd.s32 $0xFFFFFFFF  }
0xa5: {  	s26 =	simm.s32 $execute0_lowered;
	[smem:$0x3FD2] =	sst s25  }
0xa6: {  	s5 =	sshll.u32 s26, $0x1;
	_ =	strace $0x80000046;
	[dreg:$0x1] =	wrdreg $0xFFFFFFFF  }
0xa7: {  	s28 =	simm.s32 $_size_execute0_lowered;
	s3 =	sadd.s32 s3, s5;
	[dreg:$0x0] =	wrdreg $0x0  }
0xa8: {  	s5 =	sshll.u32 s28, $0x1;
	[dreg:$0x2] =	wrdreg s3  }
0xa9: {  	[dreg:$0x3] =	wrdreg s5  }
0xaa: {  	[dreg:$0x4] =	wrdreg $0xC0  }
0xab: {  	_ =	task [dreg:s7], $0x5FFFF  }
0xac: {  	[dreg:$0x1] =	wrdreg $0xFFFFFFFF  }
0xad: {  	[dreg:$0x0] =	wrdreg $0x60  }
0xae: {  	[dreg:$0x2] =	wrdreg s24  }
0xaf: {  	[dreg:$0x3] =	wrdreg s2  }
0xb0: {  	[dreg:$0x4] =	wrdreg $0x9  }
0xb1: {  	_ =	task.clear_ibuf [dreg:s7], $0x5FFFF;
	_ =	strace $0x90000046  }
0xb2: {  	s29 =	simm.s32 $0x9;
	_ =	strace $0x80000048  }
0xb3: {  	_ =	swait.ge [sflag:s29], $0x1  }
0xb4: {  	[sflag:s29] =	ssyncadd.s32 $0xFFFFFFFF  }
0xb5: {  	_ =	strace $0x90000048  }
0xb6: {  	_ =	sfence  }
0xb7: {  	s30 =	sld [smem:$0x0];
	_ =	sdelay $0x2  }
0xb8: {  	s31 =	sshll.u32 s1, $0xD;
	s1 =	sshrl.u32 s1, $0x2  }
0xb9: {  	s3 =	sand.u32 $0x4000, s31;
	s1 =	sadd.s32 s1, s30  }
0xba: {  	s0 =	sor.u32 s3, s0;
	s1 =	sshll.u32 s1, $0x11  }
0xbb: {  	s0 =	sor.u32 s1, s0  }
0xbc: {  	s0 =	sadd.s32 $0x8F2B, s0  }
0xbd: {  	[sflag:s0] =	ssyncadd.remote.s32 $0x1  }
0xbe: {  	_ =	sfence.sel $0xFFFF  }
0xbf: {  	[dreg:$0x0] =	wrdreg $0xFFFFFFFF;
	(pc) =	sbr.abs _section_cstart, $3  }
0xc0: {  	[dreg:$0x1] =	wrdreg $0xFFFFFFFF  }
0xc1: {  	_ =	task.clear_ibuf [dreg:s7], $0x2FFFF;
	_ =	strace $0x9FFFFFFF  }
0xc2: {  	(tm) =	ssettm $0x7FFFFFFF  }
0xc3: {  	_ =	shalt  }
tec
execute0_lowered:
.L_overlay_start_1:
0x0: {  	(tag) =	ssettag $0x1  }
0x1: {  	s0 =	rddreg [dreg:$0x0]  }
0x2: {  	s1 =	srdreg.scid;
	s3 =	stileid.u32  }
0x3: {  	s2 =	rddreg [dreg:$0x1];
	s8 =	simm.s32 $0x3;
	s9 =	simm.s32 $0x80  }
0x4: {  	s10 =	simm.s32 $0x6400;
	s13 =	simm.s32 $0x8400;
	s17 =	simm.s32 $0xA400  }
0x5: {  	s20 =	simm.s32 $0x1;
	s21 =	simm.s32 $0xC400;
	s22 =	simm.s32 $0xD400  }
0x6: {  	s23 =	simm.s32 $0x800;
	s24 =	simm.s32 $0x20000;
	s25 =	simm.s32 $0xE400  }
0x7: {  	s26 =	simm.s32 $0x10400;
	s1 =	sand.u32 $0x1, s1;
	s4 =	sshll.u32 s3, $0x1  }
0x8: {  	s28 =	simm.s32 $0x2;
	s3 =	simm.s32 $0x0;
	s6 =	sor.u32 s1, s4  }
0x9: {  	[smem:$0x7FF] =	sst s3;
	s1 =	ssub.s32 $0x2, s1;
	s4 =	smul.u32 $0xC80, s6  }
0xa: {  	s29 =	simm.s32 $0x0;
	_ =	strace $0x80000047;
	s5 =	sshrl.u32 s1, $0x1  }
0xb: {  	v0 =	vlaneseq.u32;
	s6 =	smul.u32 $0x64, s6;
	s31 =	ssub.s32 s1, s5;
	s7 =	sadd.s32 s4, s0  }
0xc: {  	v0 =	vmul.u32 $0x20, v0;
	s4 =	sadd.s32 $0xF42A00, s0;
	s5 =	sadd.s32 $0x600, s7;
	s7 =	smax.u32 s31, $0x1  }
.LBB2_1:
0xd: {  	[tilespmem:s3], [sflag:$0x3] =	stream.linear.gather [hbm4b:s5+s3], $0x6400, $0x38;
	[tilespmem:$0x12400] =	vst v63  }
0xe: {  	_ =	swait.ge [sflag:s8], $0x6400  }
0xf: {  	[sflag:s8] =	ssyncset.done $0x0  }
0x10: {  	[sflag:s8] =	ssyncadd.s32 $0xFFFF9C00  }
0x11: {  	[tilespmem:s10], [sflag:$0x1] =	stream.indirect.gather [hbm4b:s4+s9], $0x20, s3, s9, $0xb8;
	[tilespmem:$0x12400] =	vst v63  }
0x12: {  	s0 =	simm.s32 $0x7400  }
0x13: {  	[tilespmem:s0], [sflag:$0x1] =	stream.indirect.gather [hbm4b:s4+s9], $0x20, s9, s9, $0xb8;
	[tilespmem:$0x12400] =	vst v63  }
0x14: {  	s15 =	simm.s32 $0x100  }
0x15: {  	[tilespmem:s13], [sflag:$0x1] =	stream.indirect.gather [hbm4b:s4+s9], $0x20, s15, s9, $0xb8;
	[tilespmem:$0x12400] =	vst v63  }
0x16: {  	s16 =	simm.s32 $0x180;
	s1 =	simm.s32 $0x9400  }
0x17: {  	[tilespmem:s1], [sflag:$0x1] =	stream.indirect.gather [hbm4b:s4+s9], $0x20, s16, s9, $0xb8;
	[tilespmem:$0x12400] =	vst v63  }
0x18: {  	s18 =	simm.s32 $0x200  }
0x19: {  	[tilespmem:s17], [sflag:$0x1] =	stream.indirect.gather [hbm4b:s4+s9], $0x20, s18, s9, $0xb8;
	[tilespmem:$0x12400] =	vst v63  }
0x1a: {  	s19 =	simm.s32 $0x280;
	s31 =	simm.s32 $0xB400;
	s30 =	simm.s32 $0x0  }
0x1b: {  	[tilespmem:s31], [sflag:$0x1] =	stream.indirect.gather [hbm4b:s4+s9], $0x20, s19, s9, $0xb8;
	[tilespmem:$0x12400] =	vst v63  }
.LBB2_2:
0x1c: {  	_ =	swait.ge [sflag:s20], $0x2000;
	s31 =	sshllo.u32 s30, $0x2  }
0x1d: {  	[sflag:s20] =	ssyncset.done $0x0;
	s0 =	sshll.u32 s31, $0x8  }
0x1e: {  	s18 =	simm.s32 $0x0;
	[sflag:s20] =	ssyncadd.s32 $0xFFFFE000;
	s1 =	sand.u32 $0x3FFFFF00, s0  }
0x1f: {  	v1 =	vmov s18;
	[tilespmem:s21], [sflag:$0x1] =	stream.indirect.gather [hbm4b:s4+s9], $0x20, s1, s9, $0xb8;
	[tilespmem:$0x12400] =	vst v63  }
0x20: {  	p0 =	seq.s32 s30, $0x0;
	v1 =	vshll.u32 v1, $0x5;
	s1 =	sor.u32 $0x80, s1  }
0x21: {  	v2 =	vor.u32 v0, v1;
	[tilespmem:s22], [sflag:$0x1] =	stream.indirect.gather [hbm4b:s4+s9], $0x20, s1, s9, $0xb8;
	[tilespmem:$0x12400] =	vst v63  }
0x22: {  	v3 =	vor.u32 $0x1, v2;
	s1 =	simm.s32 @!p0 $0x2  }
0x23: {  	v4 =	vor.u32 $0x2, v2;
	_ =	swait.ge @!p0 [sflag:s1], $0x2000  }
0x24: {  	v5 =	vor.u32 $0x3, v2;
	[sflag:s1] =	ssyncset.done @!p0 $0x0  }
0x25: {  	v6 =	vor.u32 $0x4, v2;
	[sflag:s1] =	ssyncadd.s32 @!p0 $0xFFFFE000  }
0x26: {  	v7 =	vor.u32 $0x5, v2;
	v1 =	vld.idx.msk [tilespmem:v2+s10+$0x0], $0xffff  }
0x27: {  	v13 =	vor.u32 $0x1F, v2;
	v8 =	vld.idx.msk [tilespmem:v3+s10+$0x0], $0xffff  }
0x28: {  	v3 =	vor.u32 $0x6, v2;
	v11 =	vld.idx.msk [tilespmem:v4+s10+$0x0], $0xffff  }
0x29: {  	v4 =	vor.u32 $0x7, v2;
	v14 =	vld.idx.msk [tilespmem:v5+s10+$0x0], $0xffff  }
0x2a: {  	v5 =	vor.u32 $0x8, v2;
	v17 =	vld.idx.msk [tilespmem:v6+s10+$0x0], $0xffff  }
0x2b: {  	v6 =	vor.u32 $0x9, v2;
	v18 =	vld.idx.msk [tilespmem:v7+s10+$0x0], $0xffff  }
0x2c: {  	v7 =	vor.u32 $0xA, v2;
	v34 =	vld.idx.msk [tilespmem:v13+s10+$0x0], $0xffff  }
0x2d: {  	v21 =	vld.idx.msk [tilespmem:v3+s10+$0x0], $0xffff;
	v3 =	vor.u32 $0xB, v2  }
0x2e: {  	v22 =	vld.idx.msk [tilespmem:v4+s10+$0x0], $0xffff;
	v4 =	vor.u32 $0xC, v2  }
0x2f: {  	v23 =	vld.idx.msk [tilespmem:v5+s10+$0x0], $0xffff;
	v5 =	vor.u32 $0xD, v2  }
0x30: {  	v24 =	vld.idx.msk [tilespmem:v6+s10+$0x0], $0xffff;
	v6 =	vor.u32 $0xE, v2  }
0x31: {  	v25 =	vld.idx.msk [tilespmem:v7+s10+$0x0], $0xffff;
	v7 =	vor.u32 $0xF, v2  }
0x32: {  	v26 =	vld.idx.msk [tilespmem:v3+s10+$0x0], $0xffff;
	v3 =	vor.u32 $0x10, v2  }
0x33: {  	v27 =	vld.idx.msk [tilespmem:v4+s10+$0x0], $0xffff;
	v4 =	vor.u32 $0x11, v2  }
0x34: {  	v28 =	vld.idx.msk [tilespmem:v5+s10+$0x0], $0xffff;
	v5 =	vor.u32 $0x12, v2  }
0x35: {  	v29 =	vld.idx.msk [tilespmem:v6+s10+$0x0], $0xffff;
	v6 =	vor.u32 $0x13, v2  }
0x36: {  	v30 =	vld.idx.msk [tilespmem:v7+s10+$0x0], $0xffff;
	v7 =	vor.u32 $0x14, v2  }
0x37: {  	v31 =	vld.idx.msk [tilespmem:v3+s10+$0x0], $0xffff;
	v3 =	vor.u32 $0x15, v2  }
0x38: {  	v32 =	vld.idx.msk [tilespmem:v4+s10+$0x0], $0xffff;
	v4 =	vor.u32 $0x16, v2  }
0x39: {  	v12 =	vor.u32 $0x17, v2;
	v33 =	vld.idx.msk [tilespmem:v5+s10+$0x0], $0xffff  }
0x3a: {  	v10 =	vld.idx.msk [tilespmem:v6+s10+$0x0], $0xffff;
	v6 =	vor.u32 $0x18, v2  }
0x3b: {  	v15 =	vor.u32 $0x19, v2;
	v9 =	vld.idx.msk [tilespmem:v7+s10+$0x0], $0xffff  }
0x3c: {  	v16 =	vor.u32 $0x1A, v2;
	v7 =	vld.idx.msk [tilespmem:v3+s10+$0x0], $0xffff  }
0x3d: {  	v19 =	vor.u32 $0x1C, v2;
	v5 =	vld.idx.msk [tilespmem:v4+s10+$0x0], $0xffff  }
0x3e: {  	s11 =	simm.s32 $0x10;
	v20 =	vor.u32 $0x1D, v2;
	v4 =	vld.idx.msk [tilespmem:v12+s10+$0x0], $0xffff  }
0x3f: {  	v12 =	vor.u32 $0x1B, v2;
	v3 =	vld.idx.msk [tilespmem:v6+s10+$0x0], $0xffff;
	v6 =	vmov s11  }
0x40: {  	v15 =	vld.idx.msk [tilespmem:v15+s10+$0x0], $0xffff;
	v2 =	vor.u32 $0x1E, v2;
	v6 =	vshll.u32 v6, $0x5  }
0x41: {  	v16 =	vld.idx.msk [tilespmem:v16+s10+$0x0], $0xffff;
	v6 =	vor.u32 v0, v6  }
0x42: {  	v13 =	vld.idx.msk [tilespmem:v19+s10+$0x0], $0xffff;
	v35 =	vor.u32 $0x1, v6  }
0x43: {  	s19 =	sand.u32 $0x70, s18;
	s0 =	sand.u32 $0x400, s18;
	v19 =	vld.idx.msk [tilespmem:v20+s10+$0x0], $0xffff;
	v36 =	vor.u32 $0x2, v6  }
0x44: {  	s1 =	sor.u32 s19, s0;
	v37 =	vor.u32 $0x3, v6;
	v12 =	vld.idx.msk [tilespmem:v12+s10+$0x0], $0xffff  }
0x45: {  	v38 =	vor.u32 $0x4, v6;
	v20 =	vld.idx.msk [tilespmem:v2+s10+$0x0], $0xffff;
	[tilespmem:s1+$0xFF80] =	vst v34  }
0x46: {  	v52 =	vor.u32 $0x5, v6;
	[tilespmem:s1+$0xE480] =	vst v8;
	v2 =	vld.idx.msk [tilespmem:v6+s10+$0x0], $0xffff  }
0x47: {  	v53 =	vor.u32 $0x6, v6;
	[tilespmem:s1+$0xE500] =	vst v11;
	v8 =	vld.idx.msk [tilespmem:v35+s10+$0x0], $0xffff  }
0x48: {  	v54 =	vor.u32 $0x7, v6;
	[tilespmem:s1+$0xE580] =	vst v14;
	v11 =	vld.idx.msk [tilespmem:v36+s10+$0x0], $0xffff  }
0x49: {  	v55 =	vor.u32 $0x8, v6;
	[tilespmem:s1+$0xE600] =	vst v17;
	v14 =	vld.idx.msk [tilespmem:v37+s10+$0x0], $0xffff  }
0x4a: {  	v56 =	vor.u32 $0x9, v6;
	[tilespmem:s1+$0xE680] =	vst v18;
	v17 =	vld.idx.msk [tilespmem:v38+s10+$0x0], $0xffff  }
0x4b: {  	v57 =	vor.u32 $0xA, v6;
	[tilespmem:s1+$0xE700] =	vst v21;
	v18 =	vld.idx.msk [tilespmem:v52+s10+$0x0], $0xffff  }
0x4c: {  	v58 =	vor.u32 $0xB, v6;
	[tilespmem:s1+$0xE780] =	vst v22;
	v21 =	vld.idx.msk [tilespmem:v53+s10+$0x0], $0xffff  }
0x4d: {  	v59 =	vor.u32 $0xC, v6;
	[tilespmem:s1+$0xEC00] =	vst v23;
	v22 =	vld.idx.msk [tilespmem:v54+s10+$0x0], $0xffff  }
0x4e: {  	v60 =	vor.u32 $0xD, v6;
	[tilespmem:s1+$0xEC80] =	vst v24;
	v23 =	vld.idx.msk [tilespmem:v55+s10+$0x0], $0xffff  }
0x4f: {  	v61 =	vor.u32 $0xE, v6;
	[tilespmem:s1+$0xED00] =	vst v25;
	v24 =	vld.idx.msk [tilespmem:v56+s10+$0x0], $0xffff  }
0x50: {  	v62 =	vor.u32 $0xF, v6;
	[tilespmem:s1+$0xED80] =	vst v26;
	v25 =	vld.idx.msk [tilespmem:v57+s10+$0x0], $0xffff  }
0x51: {  	v63 =	vor.u32 $0x10, v6;
	[tilespmem:s1+$0xEE00] =	vst v27;
	v26 =	vld.idx.msk [tilespmem:v58+s10+$0x0], $0xffff  }
0x52: {  	v39 =	vor.u32 $0x11, v6;
	[tilespmem:s1+$0xEE80] =	vst v28;
	v27 =	vld.idx.msk [tilespmem:v59+s10+$0x0], $0xffff  }
0x53: {  	[tilespmem:s1+$0xEF00] =	vst v29;
	v28 =	vld.idx.msk [tilespmem:v60+s10+$0x0], $0xffff;
	v38 =	vor.u32 $0x12, v6  }
0x54: {  	[tilespmem:s1+$0xEF80] =	vst v30;
	v29 =	vld.idx.msk [tilespmem:v61+s10+$0x0], $0xffff;
	v36 =	vor.u32 $0x13, v6  }
0x55: {  	[tilespmem:s1+$0xF400] =	vst v31;
	v30 =	vld.idx.msk [tilespmem:v62+s10+$0x0], $0xffff;
	v37 =	vor.u32 $0x14, v6  }
0x56: {  	s12 =	simm.s32 $0x80;
	[tilespmem:s1+$0xF480] =	vst v32;
	v31 =	vld.idx.msk [tilespmem:v63+s10+$0x0], $0xffff;
	v35 =	vor.u32 $0x15, v6  }
0x57: {  	s15 =	simm.s32 $0x100;
	s14 =	simm.s32 $0x10;
	s0 =	sshll.u32 s30, $0x2;
	v34 =	vor.u32 $0x16, v6;
	[tilespmem:s1+$0xF500] =	vst v33;
	v32 =	vld.idx.msk [tilespmem:v39+s10+$0x0], $0xffff  }
.LBB2_3:
0x58: {  	p0 =	sne.s32 s15, $0x780;
	v33 =	vld.idx.msk [tilespmem:v38+s10+$0x0], $0xffff;
	v38 =	vor.u32 $0x17, v6;
	[tilespmem:s1+$0xF580] =	vst v10  }
0x59: {  	v10 =	vld.idx.msk [tilespmem:v36+s10+$0x0], $0xffff;
	v36 =	vor.u32 $0x18, v6;
	[tilespmem:s1+$0xF600] =	vst v9  }
0x5a: {  	v9 =	vld.idx.msk [tilespmem:v37+s10+$0x0], $0xffff;
	v37 =	vor.u32 $0x1F, v6;
	[tilespmem:s1+$0xF680] =	vst v7  }
0x5b: {  	v7 =	vld.idx.msk [tilespmem:v35+s10+$0x0], $0xffff;
	v35 =	vor.u32 $0x19, v6;
	[tilespmem:s1+$0xF700] =	vst v5  }
0x5c: {  	v5 =	vld.idx.msk [tilespmem:v34+s10+$0x0], $0xffff;
	v34 =	vor.u32 $0x1A, v6;
	[tilespmem:s1+$0xF780] =	vst v4  }
0x5d: {  	v4 =	vld.idx.msk [tilespmem:v38+s10+$0x0], $0xffff;
	v38 =	vor.u32 $0x1B, v6;
	[tilespmem:s1+$0xFC00] =	vst v3  }
0x5e: {  	s11 =	sadd.s32 $0x10, s11;
	v3 =	vld.idx.msk [tilespmem:v36+s10+$0x0], $0xffff;
	v36 =	vor.u32 $0x1C, v6;
	[tilespmem:s1+$0xFC80] =	vst v15  }
0x5f: {  	v39 =	vor.u32 $0x1D, v6;
	v15 =	vmov s11;
	v37 =	vld.idx.msk [tilespmem:v37+s10+$0x0], $0xffff;
	[tilespmem:s1+$0xFD00] =	vst v16  }
0x60: {  	v16 =	vshll.u32 v15, $0x5;
	v15 =	vld.idx.msk [tilespmem:v35+s10+$0x0], $0xffff;
	v35 =	vor.u32 $0x1E, v6;
	[tilespmem:s1+$0xFD80] =	vst v12  }
0x61: {  	v6 =	vor.u32 v0, v16;
	v16 =	vld.idx.msk [tilespmem:v34+s10+$0x0], $0xffff;
	[tilespmem:s1+$0xFE00] =	vst v13  }
0x62: {  	v34 =	vor.u32 $0x1, v6;
	v12 =	vld.idx.msk [tilespmem:v38+s10+$0x0], $0xffff;
	[tilespmem:s1+$0xFE80] =	vst v19  }
0x63: {  	s16 =	sand.u32 $0x70, s14;
	s12 =	sand.u32 $0x400, s12;
	s14 =	smov.u32 s11;
	v38 =	vor.u32 $0x2, v6;
	v13 =	vld.idx.msk [tilespmem:v36+s10+$0x0], $0xffff;
	[tilespmem:s1+$0xFF00] =	vst v20  }
0x64: {  	v36 =	vor.u32 $0x3, v6;
	v19 =	vld.idx.msk [tilespmem:v39+s10+$0x0], $0xffff;
	[tilespmem:s1+$0xE400] =	vst v1;
	s1 =	sor.u32 s16, s12;
	v1 =	vmov v2;
	s12 =	smov.u32 s15  }
0x65: {  	v39 =	vor.u32 $0x4, v6;
	v20 =	vld.idx.msk [tilespmem:v35+s10+$0x0], $0xffff;
	[tilespmem:s1+$0xFF80] =	vst v37  }
0x66: {  	v35 =	vor.u32 $0x5, v6;
	v2 =	vld.idx.msk [tilespmem:v6+s10+$0x0], $0xffff;
	[tilespmem:s1+$0xE480] =	vst v8  }
0x67: {  	v8 =	vld.idx.msk [tilespmem:v34+s10+$0x0], $0xffff;
	v34 =	vor.u32 $0x6, v6;
	[tilespmem:s1+$0xE500] =	vst v11  }
0x68: {  	v37 =	vor.u32 $0x7, v6;
	v11 =	vld.idx.msk [tilespmem:v38+s10+$0x0], $0xffff;
	[tilespmem:s1+$0xE580] =	vst v14  }
0x69: {  	v14 =	vld.idx.msk [tilespmem:v36+s10+$0x0], $0xffff;
	v36 =	vor.u32 $0x8, v6;
	[tilespmem:s1+$0xE600] =	vst v17  }
0x6a: {  	v38 =	vor.u32 $0x9, v6;
	v17 =	vld.idx.msk [tilespmem:v39+s10+$0x0], $0xffff;
	[tilespmem:s1+$0xE680] =	vst v18  }
0x6b: {  	v18 =	vld.idx.msk [tilespmem:v35+s10+$0x0], $0xffff;
	v35 =	vor.u32 $0xA, v6;
	[tilespmem:s1+$0xE700] =	vst v21  }
0x6c: {  	v21 =	vld.idx.msk [tilespmem:v34+s10+$0x0], $0xffff;
	v34 =	vor.u32 $0xB, v6;
	[tilespmem:s1+$0xE780] =	vst v22  }
0x6d: {  	v22 =	vld.idx.msk [tilespmem:v37+s10+$0x0], $0xffff;
	v37 =	vor.u32 $0xC, v6;
	[tilespmem:s1+$0xEC00] =	vst v23  }
0x6e: {  	v23 =	vld.idx.msk [tilespmem:v36+s10+$0x0], $0xffff;
	v36 =	vor.u32 $0xD, v6;
	[tilespmem:s1+$0xEC80] =	vst v24  }
0x6f: {  	v39 =	vor.u32 $0xE, v6;
	v24 =	vld.idx.msk [tilespmem:v38+s10+$0x0], $0xffff;
	[tilespmem:s1+$0xED00] =	vst v25  }
0x70: {  	v25 =	vld.idx.msk [tilespmem:v35+s10+$0x0], $0xffff;
	v35 =	vor.u32 $0xF, v6;
	[tilespmem:s1+$0xED80] =	vst v26  }
0x71: {  	v26 =	vld.idx.msk [tilespmem:v34+s10+$0x0], $0xffff;
	v34 =	vor.u32 $0x10, v6;
	[tilespmem:s1+$0xEE00] =	vst v27  }
0x72: {  	v40 =	vor.u32 $0x11, v6;
	v27 =	vld.idx.msk [tilespmem:v37+s10+$0x0], $0xffff;
	[tilespmem:s1+$0xEE80] =	vst v28  }
.Ltmp0:
0x73: {  	v38 =	vor.u32 $0x12, v6;
	v28 =	vld.idx.msk [tilespmem:v36+s10+$0x0], $0xffff;
	[tilespmem:s1+$0xEF00] =	vst v29;
	(pc) =	sbr.rel @p0 .LBB2_3-.Ltmp0, $4  }
0x74: {  	v36 =	vor.u32 $0x13, v6;
	v29 =	vld.idx.msk [tilespmem:v39+s10+$0x0], $0xffff;
	[tilespmem:s1+$0xEF80] =	vst v30  }
0x75: {  	v37 =	vor.u32 $0x14, v6;
	v30 =	vld.idx.msk [tilespmem:v35+s10+$0x0], $0xffff;
	[tilespmem:s1+$0xF400] =	vst v31  }
0x76: {  	v35 =	vor.u32 $0x15, v6;
	v31 =	vld.idx.msk [tilespmem:v34+s10+$0x0], $0xffff;
	[tilespmem:s1+$0xF480] =	vst v32  }
0x77: {  	s15 =	sadd.s32 $0x80, s15;
	v34 =	vor.u32 $0x16, v6;
	v32 =	vld.idx.msk [tilespmem:v40+s10+$0x0], $0xffff;
	[tilespmem:s1+$0xF500] =	vst v33  }
0x78: {  	_ =	sdelay $0x3  }
0x79: {  	v33 =	vld.idx.msk [tilespmem:v38+s10+$0x0], $0xffff;
	v62 =	vor.u32 $0x17, v6;
	[tilespmem:s1+$0xF580] =	vst v10  }
0x7a: {  	v10 =	vld.idx.msk [tilespmem:v36+s10+$0x0], $0xffff;
	v63 =	vor.u32 $0x18, v6;
	[tilespmem:s1+$0xF600] =	vst v9  }
0x7b: {  	v9 =	vld.idx.msk [tilespmem:v37+s10+$0x0], $0xffff;
	v40 =	vor.u32 $0x1F, v6;
	[tilespmem:s1+$0xF680] =	vst v7  }
0x7c: {  	v7 =	vld.idx.msk [tilespmem:v35+s10+$0x0], $0xffff;
	v41 =	vor.u32 $0x19, v6;
	[tilespmem:s1+$0xF700] =	vst v5  }
0x7d: {  	v5 =	vld.idx.msk [tilespmem:v34+s10+$0x0], $0xffff;
	v42 =	vor.u32 $0x1A, v6;
	[tilespmem:s1+$0xF780] =	vst v4  }
0x7e: {  	v43 =	vor.u32 $0x1B, v6;
	[tilespmem:s1+$0xFC00] =	vst v3;
	v4 =	vld.idx.msk [tilespmem:v62+s10+$0x0], $0xffff  }
0x7f: {  	v44 =	vor.u32 $0x1C, v6;
	[tilespmem:s1+$0xFC80] =	vst v15;
	v3 =	vld.idx.msk [tilespmem:v63+s10+$0x0], $0xffff  }
0x80: {  	v15 =	vor.u32 $0x1D, v6;
	[tilespmem:s1+$0xFD00] =	vst v16;
	v37 =	vld.idx.msk [tilespmem:v40+s10+$0x0], $0xffff  }
0x81: {  	v6 =	vor.u32 $0x1E, v6;
	[tilespmem:s1+$0xFD80] =	vst v12;
	v16 =	vld.idx.msk [tilespmem:v41+s10+$0x0], $0xffff  }
0x82: {  	[tilespmem:s1+$0xFE00] =	vst v13;
	v12 =	vld.idx.msk [tilespmem:v42+s10+$0x0], $0xffff  }
0x83: {  	[tilespmem:s1+$0xFE80] =	vst v19;
	v13 =	vld.idx.msk [tilespmem:v43+s10+$0x0], $0xffff  }
0x84: {  	s11 =	sand.u32 $0x70, s14;
	s12 =	sand.u32 $0x400, s12;
	[tilespmem:s1+$0xFF00] =	vst v20;
	v19 =	vld.idx.msk [tilespmem:v44+s10+$0x0], $0xffff  }
0x85: {  	[tilespmem:s1+$0xE400] =	vst v1;
	s11 =	sor.u32 s11, s12;
	v15 =	vld.idx.msk [tilespmem:v15+s10+$0x0], $0xffff  }
0x86: {  	v1 =	vld.idx.msk [tilespmem:v6+s10+$0x0], $0xffff;
	[tilespmem:s11+$0xE480] =	vst v8  }
0x87: {  	[tilespmem:s11+$0xE500] =	vst v11  }
0x88: {  	[tilespmem:s11+$0xE580] =	vst v14  }
0x89: {  	[tilespmem:s11+$0xE600] =	vst v17  }
0x8a: {  	[tilespmem:s11+$0xE680] =	vst v18  }
0x8b: {  	[tilespmem:s11+$0xE700] =	vst v21  }
0x8c: {  	[tilespmem:s11+$0xE780] =	vst v22  }
0x8d: {  	[tilespmem:s11+$0xEC00] =	vst v23  }
0x8e: {  	[tilespmem:s11+$0xEC80] =	vst v24  }
0x8f: {  	[tilespmem:s11+$0xED00] =	vst v25  }
0x90: {  	[tilespmem:s11+$0xED80] =	vst v26  }
0x91: {  	[tilespmem:s11+$0xEE00] =	vst v27  }
0x92: {  	[tilespmem:s11+$0xEE80] =	vst v28  }
0x93: {  	[tilespmem:s11+$0xEF00] =	vst v29  }
0x94: {  	[tilespmem:s11+$0xEF80] =	vst v30  }
0x95: {  	[tilespmem:s11+$0xF400] =	vst v31  }
0x96: {  	[tilespmem:s11+$0xF480] =	vst v32  }
0x97: {  	[tilespmem:s11+$0xF500] =	vst v33  }
0x98: {  	[tilespmem:s11+$0xF580] =	vst v10  }
0x99: {  	[tilespmem:s11+$0xF600] =	vst v9  }
0x9a: {  	[tilespmem:s11+$0xF680] =	vst v7  }
0x9b: {  	[tilespmem:s11+$0xF700] =	vst v5  }
0x9c: {  	[tilespmem:s11+$0xE400] =	vst v2  }
0x9d: {  	[tilespmem:s11+$0xFF80] =	vst v37  }
0x9e: {  	[tilespmem:s11+$0xF780] =	vst v4  }
0x9f: {  	[tilespmem:s11+$0xFC00] =	vst v3  }
0xa0: {  	[tilespmem:s11+$0xFC80] =	vst v16  }
0xa1: {  	s15 =	sadd.s32 s6, s0;
	[tilespmem:s11+$0xFD00] =	vst v12  }
0xa2: {  	s16 =	sshll.u32 s15, $0x8;
	[tilespmem:s11+$0xFD80] =	vst v13  }
0xa3: {  	s1 =	sshll.u32 s15, $0xA;
	s12 =	sand.u32 $0x3C00, s16;
	[tilespmem:s11+$0xFE00] =	vst v19  }
0xa4: {  	s1 =	sand.u32 $0xFFF0000, s1;
	s12 =	sadd.s32 s2, s12;
	[tilespmem:s11+$0xFE80] =	vst v15  }
0xa5: {  	p0 =	seq.s32 s30, $0x18;
	s18 =	simm.s32 $0x0;
	s1 =	sadd.s32 s1, s12;
	[tilespmem:s11+$0xFF00] =	vst v1  }
0xa6: {  	[hbm4b:s1+s23] =	stream.strided.scatter [tilespmem:s25], [sflag:$0x2], $0x2000, s24, s23, $0x38;
	[tilespmem:$0x12400] =	vst v63  }
0xa7: {  	s14 =	simm.s32 @!p0 $0x6400;
	s1 =	sshll.u32 @!p0 s30, $0xA;
	_ =	swait.ge [sflag:s20], $0x2000  }
0xa8: {  	p1 =	seq.s32 @!p0 s30, $0x0;
	s1 =	sand.u32 @!p0 $0x3FFFFC00, s1;
	[sflag:s20] =	ssyncset.done $0x0  }
0xa9: {  	s12 =	simm.s32 @!p0 $0x80;
	v1 =	vmov s18;
	s11 =	sadd.s32 @!p0 $0x400, s1;
	[sflag:s20] =	ssyncadd.s32 $0xFFFFE000  }
0xaa: {  	v1 =	vshll.u32 v1, $0x5;
	[tilespmem:s14], [sflag:$0x1] =	stream.indirect.gather @!p0 [hbm4b:s4+s12], $0x20, s11, s12, $0xb8;
	[tilespmem:$0x12400] =	vst v63  }
0xab: {  	p1 =	por p0, !p1;
	v2 =	vor.u32 v0, v1;
	s11 =	sadd.s32 @!p0 $0x480, s1;
	s14 =	simm.s32 @!p0 $0x7400  }
0xac: {  	v3 =	vor.u32 $0x1, v2;
	[tilespmem:s14], [sflag:$0x1] =	stream.indirect.gather @!p0 [hbm4b:s4+s12], $0x20, s11, s12, $0xb8;
	[tilespmem:$0x12400] =	vst v63  }
0xad: {  	v4 =	vor.u32 $0x2, v2;
	_ =	swait.ge @p1 [sflag:s28], $0x2000  }
0xae: {  	v5 =	vor.u32 $0x3, v2;
	[sflag:s28] =	ssyncset.done @p1 $0x0  }
0xaf: {  	v6 =	vor.u32 $0x4, v2;
	[sflag:s28] =	ssyncadd.s32 @p1 $0xFFFFE000  }
0xb0: {  	v7 =	vor.u32 $0x5, v2;
	v1 =	vld.idx.msk [tilespmem:v2+s13+$0x0], $0xffff  }
0xb1: {  	v13 =	vor.u32 $0x1F, v2;
	v8 =	vld.idx.msk [tilespmem:v3+s13+$0x0], $0xffff  }
0xb2: {  	v3 =	vor.u32 $0x6, v2;
	v11 =	vld.idx.msk [tilespmem:v4+s13+$0x0], $0xffff  }
0xb3: {  	v4 =	vor.u32 $0x7, v2;
	v14 =	vld.idx.msk [tilespmem:v5+s13+$0x0], $0xffff  }
0xb4: {  	v5 =	vor.u32 $0x8, v2;
	v17 =	vld.idx.msk [tilespmem:v6+s13+$0x0], $0xffff  }
0xb5: {  	v6 =	vor.u32 $0x9, v2;
	v18 =	vld.idx.msk [tilespmem:v7+s13+$0x0], $0xffff  }
0xb6: {  	v7 =	vor.u32 $0xA, v2;
	v47 =	vld.idx.msk [tilespmem:v13+s13+$0x0], $0xffff  }
0xb7: {  	v21 =	vld.idx.msk [tilespmem:v3+s13+$0x0], $0xffff;
	v3 =	vor.u32 $0xB, v2  }
0xb8: {  	v22 =	vld.idx.msk [tilespmem:v4+s13+$0x0], $0xffff;
	v4 =	vor.u32 $0xC, v2  }
0xb9: {  	v23 =	vld.idx.msk [tilespmem:v5+s13+$0x0], $0xffff;
	v5 =	vor.u32 $0xD, v2  }
0xba: {  	v24 =	vld.idx.msk [tilespmem:v6+s13+$0x0], $0xffff;
	v6 =	vor.u32 $0xE, v2  }
0xbb: {  	v25 =	vld.idx.msk [tilespmem:v7+s13+$0x0], $0xffff;
	v7 =	vor.u32 $0xF, v2  }
0xbc: {  	v26 =	vld.idx.msk [tilespmem:v3+s13+$0x0], $0xffff;
	v3 =	vor.u32 $0x10, v2  }
0xbd: {  	v27 =	vld.idx.msk [tilespmem:v4+s13+$0x0], $0xffff;
	v4 =	vor.u32 $0x11, v2  }
0xbe: {  	v28 =	vld.idx.msk [tilespmem:v5+s13+$0x0], $0xffff;
	v5 =	vor.u32 $0x12, v2  }
0xbf: {  	v29 =	vld.idx.msk [tilespmem:v6+s13+$0x0], $0xffff;
	v6 =	vor.u32 $0x13, v2  }
0xc0: {  	v30 =	vld.idx.msk [tilespmem:v7+s13+$0x0], $0xffff;
	v7 =	vor.u32 $0x14, v2  }
0xc1: {  	v31 =	vld.idx.msk [tilespmem:v3+s13+$0x0], $0xffff;
	v3 =	vor.u32 $0x15, v2  }
0xc2: {  	v45 =	vld.idx.msk [tilespmem:v4+s13+$0x0], $0xffff;
	v4 =	vor.u32 $0x16, v2  }
0xc3: {  	v12 =	vor.u32 $0x17, v2;
	v46 =	vld.idx.msk [tilespmem:v5+s13+$0x0], $0xffff  }
0xc4: {  	v10 =	vld.idx.msk [tilespmem:v6+s13+$0x0], $0xffff;
	v6 =	vor.u32 $0x18, v2  }
0xc5: {  	v15 =	vor.u32 $0x19, v2;
	v9 =	vld.idx.msk [tilespmem:v7+s13+$0x0], $0xffff  }
0xc6: {  	v16 =	vor.u32 $0x1A, v2;
	v7 =	vld.idx.msk [tilespmem:v3+s13+$0x0], $0xffff  }
0xc7: {  	v19 =	vor.u32 $0x1C, v2;
	v5 =	vld.idx.msk [tilespmem:v4+s13+$0x0], $0xffff  }
0xc8: {  	v20 =	vor.u32 $0x1D, v2;
	s14 =	simm.s32 $0x10;
	v4 =	vld.idx.msk [tilespmem:v12+s13+$0x0], $0xffff  }
0xc9: {  	v12 =	vor.u32 $0x1B, v2;
	v3 =	vld.idx.msk [tilespmem:v6+s13+$0x0], $0xffff;
	v6 =	vmov s14  }
0xca: {  	v15 =	vld.idx.msk [tilespmem:v15+s13+$0x0], $0xffff;
	v2 =	vor.u32 $0x1E, v2;
	v6 =	vshll.u32 v6, $0x5  }
0xcb: {  	v16 =	vld.idx.msk [tilespmem:v16+s13+$0x0], $0xffff;
	v6 =	vor.u32 v0, v6  }
0xcc: {  	v13 =	vld.idx.msk [tilespmem:v19+s13+$0x0], $0xffff;
	v48 =	vor.u32 $0x1, v6  }
0xcd: {  	s19 =	sand.u32 $0x70, s18;
	s11 =	sand.u32 $0x400, s18;
	v19 =	vld.idx.msk [tilespmem:v20+s13+$0x0], $0xffff;
	v49 =	vor.u32 $0x2, v6  }
0xce: {  	s11 =	sor.u32 s19, s11;
	v50 =	vor.u32 $0x3, v6;
	v12 =	vld.idx.msk [tilespmem:v12+s13+$0x0], $0xffff  }
0xcf: {  	v51 =	vor.u32 $0x4, v6;
	v20 =	vld.idx.msk [tilespmem:v2+s13+$0x0], $0xffff;
	[tilespmem:s11+$0x11F80] =	vst v47  }
0xd0: {  	v52 =	vor.u32 $0x5, v6;
	[tilespmem:s11+$0x10480] =	vst v8;
	v2 =	vld.idx.msk [tilespmem:v6+s13+$0x0], $0xffff  }
0xd1: {  	v53 =	vor.u32 $0x6, v6;
	[tilespmem:s11+$0x10500] =	vst v11;
	v8 =	vld.idx.msk [tilespmem:v48+s13+$0x0], $0xffff  }
0xd2: {  	v54 =	vor.u32 $0x7, v6;
	[tilespmem:s11+$0x10580] =	vst v14;
	v11 =	vld.idx.msk [tilespmem:v49+s13+$0x0], $0xffff  }
0xd3: {  	v55 =	vor.u32 $0x8, v6;
	[tilespmem:s11+$0x10600] =	vst v17;
	v14 =	vld.idx.msk [tilespmem:v50+s13+$0x0], $0xffff  }
0xd4: {  	v56 =	vor.u32 $0x9, v6;
	[tilespmem:s11+$0x10680] =	vst v18;
	v17 =	vld.idx.msk [tilespmem:v51+s13+$0x0], $0xffff  }
0xd5: {  	v57 =	vor.u32 $0xA, v6;
	[tilespmem:s11+$0x10700] =	vst v21;
	v18 =	vld.idx.msk [tilespmem:v52+s13+$0x0], $0xffff  }
0xd6: {  	v58 =	vor.u32 $0xB, v6;
	[tilespmem:s11+$0x10780] =	vst v22;
	v21 =	vld.idx.msk [tilespmem:v53+s13+$0x0], $0xffff  }
0xd7: {  	v59 =	vor.u32 $0xC, v6;
	[tilespmem:s11+$0x10C00] =	vst v23;
	v22 =	vld.idx.msk [tilespmem:v54+s13+$0x0], $0xffff  }
0xd8: {  	v60 =	vor.u32 $0xD, v6;
	[tilespmem:s11+$0x10C80] =	vst v24;
	v23 =	vld.idx.msk [tilespmem:v55+s13+$0x0], $0xffff  }
0xd9: {  	v61 =	vor.u32 $0xE, v6;
	[tilespmem:s11+$0x10D00] =	vst v25;
	v24 =	vld.idx.msk [tilespmem:v56+s13+$0x0], $0xffff  }
0xda: {  	v62 =	vor.u32 $0xF, v6;
	[tilespmem:s11+$0x10D80] =	vst v26;
	v25 =	vld.idx.msk [tilespmem:v57+s13+$0x0], $0xffff  }
0xdb: {  	v63 =	vor.u32 $0x10, v6;
	[tilespmem:s11+$0x10E00] =	vst v27;
	v26 =	vld.idx.msk [tilespmem:v58+s13+$0x0], $0xffff  }
0xdc: {  	v39 =	vor.u32 $0x11, v6;
	[tilespmem:s11+$0x10E80] =	vst v28;
	v27 =	vld.idx.msk [tilespmem:v59+s13+$0x0], $0xffff  }
0xdd: {  	v38 =	vor.u32 $0x12, v6;
	[tilespmem:s11+$0x10F00] =	vst v29;
	v28 =	vld.idx.msk [tilespmem:v60+s13+$0x0], $0xffff  }
0xde: {  	v36 =	vor.u32 $0x13, v6;
	[tilespmem:s11+$0x10F80] =	vst v30;
	v29 =	vld.idx.msk [tilespmem:v61+s13+$0x0], $0xffff  }
0xdf: {  	v37 =	vor.u32 $0x14, v6;
	[tilespmem:s11+$0x11400] =	vst v31;
	v30 =	vld.idx.msk [tilespmem:v62+s13+$0x0], $0xffff  }
0xe0: {  	s15 =	simm.s32 $0x80;
	v35 =	vor.u32 $0x15, v6;
	[tilespmem:s11+$0x11480] =	vst v45;
	v31 =	vld.idx.msk [tilespmem:v63+s13+$0x0], $0xffff  }
0xe1: {  	s16 =	simm.s32 $0x10;
	s12 =	sor.u32 $0x1, s0;
	s18 =	simm.s32 $0x100;
	v34 =	vor.u32 $0x16, v6;
	[tilespmem:s11+$0x11500] =	vst v46;
	v32 =	vld.idx.msk [tilespmem:v39+s13+$0x0], $0xffff  }
.LBB2_5:
0xe2: {  	p1 =	sne.s32 s18, $0x780;
	v33 =	vld.idx.msk [tilespmem:v38+s13+$0x0], $0xffff;
	v38 =	vor.u32 $0x17, v6;
	[tilespmem:s11+$0x11580] =	vst v10  }
0xe3: {  	v10 =	vld.idx.msk [tilespmem:v36+s13+$0x0], $0xffff;
	v36 =	vor.u32 $0x18, v6;
	[tilespmem:s11+$0x11600] =	vst v9  }
0xe4: {  	v9 =	vld.idx.msk [tilespmem:v37+s13+$0x0], $0xffff;
	v37 =	vor.u32 $0x1F, v6;
	[tilespmem:s11+$0x11680] =	vst v7  }
0xe5: {  	v7 =	vld.idx.msk [tilespmem:v35+s13+$0x0], $0xffff;
	v35 =	vor.u32 $0x19, v6;
	[tilespmem:s11+$0x11700] =	vst v5  }
0xe6: {  	v5 =	vld.idx.msk [tilespmem:v34+s13+$0x0], $0xffff;
	v34 =	vor.u32 $0x1A, v6;
	[tilespmem:s11+$0x11780] =	vst v4  }
0xe7: {  	v4 =	vld.idx.msk [tilespmem:v38+s13+$0x0], $0xffff;
	v38 =	vor.u32 $0x1B, v6;
	[tilespmem:s11+$0x11C00] =	vst v3  }
0xe8: {  	s14 =	sadd.s32 $0x10, s14;
	v3 =	vld.idx.msk [tilespmem:v36+s13+$0x0], $0xffff;
	v36 =	vor.u32 $0x1C, v6;
	[tilespmem:s11+$0x11C80] =	vst v15  }
0xe9: {  	v39 =	vor.u32 $0x1D, v6;
	v15 =	vmov s14;
	v37 =	vld.idx.msk [tilespmem:v37+s13+$0x0], $0xffff;
	[tilespmem:s11+$0x11D00] =	vst v16  }
0xea: {  	v16 =	vshll.u32 v15, $0x5;
	v15 =	vld.idx.msk [tilespmem:v35+s13+$0x0], $0xffff;
	v35 =	vor.u32 $0x1E, v6;
	[tilespmem:s11+$0x11D80] =	vst v12  }
0xeb: {  	v6 =	vor.u32 v0, v16;
	v16 =	vld.idx.msk [tilespmem:v34+s13+$0x0], $0xffff;
	[tilespmem:s11+$0x11E00] =	vst v13  }
0xec: {  	v34 =	vor.u32 $0x1, v6;
	v12 =	vld.idx.msk [tilespmem:v38+s13+$0x0], $0xffff;
	[tilespmem:s11+$0x11E80] =	vst v19  }
0xed: {  	s19 =	sand.u32 $0x70, s16;
	s15 =	sand.u32 $0x400, s15;
	s16 =	smov.u32 s14;
	v38 =	vor.u32 $0x2, v6;
	v13 =	vld.idx.msk [tilespmem:v36+s13+$0x0], $0xffff;
	[tilespmem:s11+$0x11F00] =	vst v20  }
0xee: {  	v36 =	vor.u32 $0x3, v6;
	v19 =	vld.idx.msk [tilespmem:v39+s13+$0x0], $0xffff;
	[tilespmem:s11+$0x10400] =	vst v1;
	s11 =	sor.u32 s19, s15;
	v1 =	vmov v2;
	s15 =	smov.u32 s18  }
0xef: {  	v39 =	vor.u32 $0x4, v6;
	v20 =	vld.idx.msk [tilespmem:v35+s13+$0x0], $0xffff;
	[tilespmem:s11+$0x11F80] =	vst v37  }
0xf0: {  	v35 =	vor.u32 $0x5, v6;
	v2 =	vld.idx.msk [tilespmem:v6+s13+$0x0], $0xffff;
	[tilespmem:s11+$0x10480] =	vst v8  }
0xf1: {  	v8 =	vld.idx.msk [tilespmem:v34+s13+$0x0], $0xffff;
	v34 =	vor.u32 $0x6, v6;
	[tilespmem:s11+$0x10500] =	vst v11  }
0xf2: {  	v37 =	vor.u32 $0x7, v6;
	v11 =	vld.idx.msk [tilespmem:v38+s13+$0x0], $0xffff;
	[tilespmem:s11+$0x10580] =	vst v14  }
0xf3: {  	v14 =	vld.idx.msk [tilespmem:v36+s13+$0x0], $0xffff;
	v36 =	vor.u32 $0x8, v6;
	[tilespmem:s11+$0x10600] =	vst v17  }
0xf4: {  	v38 =	vor.u32 $0x9, v6;
	v17 =	vld.idx.msk [tilespmem:v39+s13+$0x0], $0xffff;
	[tilespmem:s11+$0x10680] =	vst v18  }
0xf5: {  	v18 =	vld.idx.msk [tilespmem:v35+s13+$0x0], $0xffff;
	v35 =	vor.u32 $0xA, v6;
	[tilespmem:s11+$0x10700] =	vst v21  }
0xf6: {  	v21 =	vld.idx.msk [tilespmem:v34+s13+$0x0], $0xffff;
	v34 =	vor.u32 $0xB, v6;
	[tilespmem:s11+$0x10780] =	vst v22  }
0xf7: {  	v22 =	vld.idx.msk [tilespmem:v37+s13+$0x0], $0xffff;
	v37 =	vor.u32 $0xC, v6;
	[tilespmem:s11+$0x10C00] =	vst v23  }
0xf8: {  	v23 =	vld.idx.msk [tilespmem:v36+s13+$0x0], $0xffff;
	v36 =	vor.u32 $0xD, v6;
	[tilespmem:s11+$0x10C80] =	vst v24  }
0xf9: {  	v39 =	vor.u32 $0xE, v6;
	v24 =	vld.idx.msk [tilespmem:v38+s13+$0x0], $0xffff;
	[tilespmem:s11+$0x10D00] =	vst v25  }
0xfa: {  	v25 =	vld.idx.msk [tilespmem:v35+s13+$0x0], $0xffff;
	v35 =	vor.u32 $0xF, v6;
	[tilespmem:s11+$0x10D80] =	vst v26  }
0xfb: {  	v26 =	vld.idx.msk [tilespmem:v34+s13+$0x0], $0xffff;
	v34 =	vor.u32 $0x10, v6;
	[tilespmem:s11+$0x10E00] =	vst v27  }
0xfc: {  	v40 =	vor.u32 $0x11, v6;
	v27 =	vld.idx.msk [tilespmem:v37+s13+$0x0], $0xffff;
	[tilespmem:s11+$0x10E80] =	vst v28  }
.Ltmp1:
0xfd: {  	v38 =	vor.u32 $0x12, v6;
	v28 =	vld.idx.msk [tilespmem:v36+s13+$0x0], $0xffff;
	[tilespmem:s11+$0x10F00] =	vst v29;
	(pc) =	sbr.rel @p1 .LBB2_5-.Ltmp1, $4  }
0xfe: {  	v36 =	vor.u32 $0x13, v6;
	v29 =	vld.idx.msk [tilespmem:v39+s13+$0x0], $0xffff;
	[tilespmem:s11+$0x10F80] =	vst v30  }
0xff: {  	v37 =	vor.u32 $0x14, v6;
	v30 =	vld.idx.msk [tilespmem:v35+s13+$0x0], $0xffff;
	[tilespmem:s11+$0x11400] =	vst v31  }
0x100: {  	v35 =	vor.u32 $0x15, v6;
	v31 =	vld.idx.msk [tilespmem:v34+s13+$0x0], $0xffff;
	[tilespmem:s11+$0x11480] =	vst v32  }
0x101: {  	s18 =	sadd.s32 $0x80, s18;
	v34 =	vor.u32 $0x16, v6;
	v32 =	vld.idx.msk [tilespmem:v40+s13+$0x0], $0xffff;
	[tilespmem:s11+$0x11500] =	vst v33  }
0x102: {  	_ =	sdelay $0x3  }
0x103: {  	v33 =	vld.idx.msk [tilespmem:v38+s13+$0x0], $0xffff;
	v62 =	vor.u32 $0x17, v6;
	[tilespmem:s11+$0x11580] =	vst v10  }
0x104: {  	v10 =	vld.idx.msk [tilespmem:v36+s13+$0x0], $0xffff;
	v63 =	vor.u32 $0x18, v6;
	[tilespmem:s11+$0x11600] =	vst v9  }
0x105: {  	v9 =	vld.idx.msk [tilespmem:v37+s13+$0x0], $0xffff;
	v40 =	vor.u32 $0x1F, v6;
	[tilespmem:s11+$0x11680] =	vst v7  }
0x106: {  	v7 =	vld.idx.msk [tilespmem:v35+s13+$0x0], $0xffff;
	v41 =	vor.u32 $0x19, v6;
	[tilespmem:s11+$0x11700] =	vst v5  }
0x107: {  	v5 =	vld.idx.msk [tilespmem:v34+s13+$0x0], $0xffff;
	v42 =	vor.u32 $0x1A, v6;
	[tilespmem:s11+$0x11780] =	vst v4  }
0x108: {  	v43 =	vor.u32 $0x1B, v6;
	[tilespmem:s11+$0x11C00] =	vst v3;
	v4 =	vld.idx.msk [tilespmem:v62+s13+$0x0], $0xffff  }
0x109: {  	v44 =	vor.u32 $0x1C, v6;
	[tilespmem:s11+$0x11C80] =	vst v15;
	v3 =	vld.idx.msk [tilespmem:v63+s13+$0x0], $0xffff  }
0x10a: {  	v15 =	vor.u32 $0x1D, v6;
	[tilespmem:s11+$0x11D00] =	vst v16;
	v37 =	vld.idx.msk [tilespmem:v40+s13+$0x0], $0xffff  }
0x10b: {  	v6 =	vor.u32 $0x1E, v6;
	[tilespmem:s11+$0x11D80] =	vst v12;
	v16 =	vld.idx.msk [tilespmem:v41+s13+$0x0], $0xffff  }
0x10c: {  	[tilespmem:s11+$0x11E00] =	vst v13;
	v12 =	vld.idx.msk [tilespmem:v42+s13+$0x0], $0xffff  }
0x10d: {  	[tilespmem:s11+$0x11E80] =	vst v19;
	v13 =	vld.idx.msk [tilespmem:v43+s13+$0x0], $0xffff  }
0x10e: {  	s14 =	sand.u32 $0x70, s16;
	s15 =	sand.u32 $0x400, s15;
	[tilespmem:s11+$0x11F00] =	vst v20;
	v19 =	vld.idx.msk [tilespmem:v44+s13+$0x0], $0xffff  }
0x10f: {  	[tilespmem:s11+$0x10400] =	vst v1;
	s14 =	sor.u32 s14, s15;
	v15 =	vld.idx.msk [tilespmem:v15+s13+$0x0], $0xffff  }
0x110: {  	v1 =	vld.idx.msk [tilespmem:v6+s13+$0x0], $0xffff;
	[tilespmem:s14+$0x10480] =	vst v8  }
0x111: {  	[tilespmem:s14+$0x10500] =	vst v11  }
0x112: {  	[tilespmem:s14+$0x10580] =	vst v14  }
0x113: {  	[tilespmem:s14+$0x10600] =	vst v17  }
0x114: {  	[tilespmem:s14+$0x10680] =	vst v18  }
0x115: {  	[tilespmem:s14+$0x10700] =	vst v21  }
0x116: {  	[tilespmem:s14+$0x10780] =	vst v22  }
0x117: {  	[tilespmem:s14+$0x10C00] =	vst v23  }
0x118: {  	[tilespmem:s14+$0x10C80] =	vst v24  }
0x119: {  	[tilespmem:s14+$0x10D00] =	vst v25  }
0x11a: {  	[tilespmem:s14+$0x10D80] =	vst v26  }
0x11b: {  	[tilespmem:s14+$0x10E00] =	vst v27  }
0x11c: {  	[tilespmem:s14+$0x10E80] =	vst v28  }
0x11d: {  	[tilespmem:s14+$0x10F00] =	vst v29  }
0x11e: {  	[tilespmem:s14+$0x10F80] =	vst v30  }
0x11f: {  	[tilespmem:s14+$0x11400] =	vst v31  }
0x120: {  	[tilespmem:s14+$0x11480] =	vst v32  }
0x121: {  	[tilespmem:s14+$0x11500] =	vst v33  }
0x122: {  	[tilespmem:s14+$0x11580] =	vst v10  }
0x123: {  	[tilespmem:s14+$0x11600] =	vst v9  }
0x124: {  	[tilespmem:s14+$0x11680] =	vst v7  }
0x125: {  	[tilespmem:s14+$0x11700] =	vst v5  }
0x126: {  	[tilespmem:s14+$0x10400] =	vst v2  }
0x127: {  	[tilespmem:s14+$0x11F80] =	vst v37  }
0x128: {  	[tilespmem:s14+$0x11780] =	vst v4  }
0x129: {  	[tilespmem:s14+$0x11C00] =	vst v3  }
0x12a: {  	[tilespmem:s14+$0x11C80] =	vst v16  }
0x12b: {  	s16 =	sadd.s32 s6, s12;
	[tilespmem:s14+$0x11D00] =	vst v12  }
0x12c: {  	s12 =	sshll.u32 s16, $0x8;
	[tilespmem:s14+$0x11D80] =	vst v13  }
0x12d: {  	s11 =	sshll.u32 s16, $0xA;
	s12 =	sand.u32 $0x3D00, s12;
	[tilespmem:s14+$0x11E00] =	vst v19  }
0x12e: {  	s11 =	sand.u32 $0xFFF0000, s11;
	s12 =	sadd.s32 s2, s12;
	[tilespmem:s14+$0x11E80] =	vst v15  }
0x12f: {  	s11 =	sadd.s32 s11, s12;
	[tilespmem:s14+$0x11F00] =	vst v1  }
0x130: {  	[hbm4b:s11+s23] =	stream.strided.scatter [tilespmem:s26], [sflag:$0x2], $0x2000, s24, s23, $0x38;
	[tilespmem:$0x12400] =	vst v63  }
0x131: {  	_ =	swait.ge [sflag:s20], $0x2000  }
0x132: {  	s18 =	simm.s32 $0x0;
	s15 =	simm.s32 @!p0 $0x8400;
	[sflag:s20] =	ssyncset.done $0x0  }
0x133: {  	s12 =	sadd.s32 @!p0 $0x500, s1;
	s14 =	simm.s32 @!p0 $0x80;
	v1 =	vmov s18;
	[sflag:s20] =	ssyncadd.s32 $0xFFFFE000  }
0x134: {  	v1 =	vshll.u32 v1, $0x5;
	[tilespmem:s15], [sflag:$0x1] =	stream.indirect.gather @!p0 [hbm4b:s4+s14], $0x20, s12, s14, $0xb8;
	[tilespmem:$0x12400] =	vst v63  }
0x135: {  	v2 =	vor.u32 v0, v1;
	s12 =	sadd.s32 @!p0 $0x580, s1;
	s15 =	simm.s32 @!p0 $0x9400  }
0x136: {  	v3 =	vor.u32 $0x1, v2;
	[tilespmem:s15], [sflag:$0x1] =	stream.indirect.gather @!p0 [hbm4b:s4+s14], $0x20, s12, s14, $0xb8;
	[tilespmem:$0x12400] =	vst v63  }
0x137: {  	v4 =	vor.u32 $0x2, v2;
	_ =	swait.ge [sflag:s28], $0x2000  }
0x138: {  	v5 =	vor.u32 $0x3, v2;
	[sflag:s28] =	ssyncset.done $0x0  }
0x139: {  	v6 =	vor.u32 $0x4, v2;
	[sflag:s28] =	ssyncadd.s32 $0xFFFFE000  }
0x13a: {  	v7 =	vor.u32 $0x5, v2;
	v1 =	vld.idx.msk [tilespmem:v2+s17+$0x0], $0xffff  }
0x13b: {  	v13 =	vor.u32 $0x1F, v2;
	v8 =	vld.idx.msk [tilespmem:v3+s17+$0x0], $0xffff  }
0x13c: {  	v3 =	vor.u32 $0x6, v2;
	v11 =	vld.idx.msk [tilespmem:v4+s17+$0x0], $0xffff  }
0x13d: {  	v4 =	vor.u32 $0x7, v2;
	v14 =	vld.idx.msk [tilespmem:v5+s17+$0x0], $0xffff  }
0x13e: {  	v5 =	vor.u32 $0x8, v2;
	v17 =	vld.idx.msk [tilespmem:v6+s17+$0x0], $0xffff  }
0x13f: {  	v6 =	vor.u32 $0x9, v2;
	v18 =	vld.idx.msk [tilespmem:v7+s17+$0x0], $0xffff  }
0x140: {  	v7 =	vor.u32 $0xA, v2;
	v47 =	vld.idx.msk [tilespmem:v13+s17+$0x0], $0xffff  }
0x141: {  	v21 =	vld.idx.msk [tilespmem:v3+s17+$0x0], $0xffff;
	v3 =	vor.u32 $0xB, v2  }
0x142: {  	v22 =	vld.idx.msk [tilespmem:v4+s17+$0x0], $0xffff;
	v4 =	vor.u32 $0xC, v2  }
0x143: {  	v23 =	vld.idx.msk [tilespmem:v5+s17+$0x0], $0xffff;
	v5 =	vor.u32 $0xD, v2  }
0x144: {  	v24 =	vld.idx.msk [tilespmem:v6+s17+$0x0], $0xffff;
	v6 =	vor.u32 $0xE, v2  }
0x145: {  	v25 =	vld.idx.msk [tilespmem:v7+s17+$0x0], $0xffff;
	v7 =	vor.u32 $0xF, v2  }
0x146: {  	v26 =	vld.idx.msk [tilespmem:v3+s17+$0x0], $0xffff;
	v3 =	vor.u32 $0x10, v2  }
0x147: {  	v27 =	vld.idx.msk [tilespmem:v4+s17+$0x0], $0xffff;
	v4 =	vor.u32 $0x11, v2  }
0x148: {  	v28 =	vld.idx.msk [tilespmem:v5+s17+$0x0], $0xffff;
	v5 =	vor.u32 $0x12, v2  }
0x149: {  	v29 =	vld.idx.msk [tilespmem:v6+s17+$0x0], $0xffff;
	v6 =	vor.u32 $0x13, v2  }
0x14a: {  	v30 =	vld.idx.msk [tilespmem:v7+s17+$0x0], $0xffff;
	v7 =	vor.u32 $0x14, v2  }
0x14b: {  	v31 =	vld.idx.msk [tilespmem:v3+s17+$0x0], $0xffff;
	v3 =	vor.u32 $0x15, v2  }
0x14c: {  	v45 =	vld.idx.msk [tilespmem:v4+s17+$0x0], $0xffff;
	v4 =	vor.u32 $0x16, v2  }
0x14d: {  	v12 =	vor.u32 $0x17, v2;
	v46 =	vld.idx.msk [tilespmem:v5+s17+$0x0], $0xffff  }
0x14e: {  	v10 =	vld.idx.msk [tilespmem:v6+s17+$0x0], $0xffff;
	v6 =	vor.u32 $0x18, v2  }
0x14f: {  	v15 =	vor.u32 $0x19, v2;
	v9 =	vld.idx.msk [tilespmem:v7+s17+$0x0], $0xffff  }
0x150: {  	v16 =	vor.u32 $0x1A, v2;
	v7 =	vld.idx.msk [tilespmem:v3+s17+$0x0], $0xffff  }
0x151: {  	v19 =	vor.u32 $0x1C, v2;
	v5 =	vld.idx.msk [tilespmem:v4+s17+$0x0], $0xffff  }
0x152: {  	v20 =	vor.u32 $0x1D, v2;
	s12 =	simm.s32 $0x10;
	v4 =	vld.idx.msk [tilespmem:v12+s17+$0x0], $0xffff  }
0x153: {  	v12 =	vor.u32 $0x1B, v2;
	v3 =	vld.idx.msk [tilespmem:v6+s17+$0x0], $0xffff;
	v6 =	vmov s12  }
0x154: {  	v15 =	vld.idx.msk [tilespmem:v15+s17+$0x0], $0xffff;
	v2 =	vor.u32 $0x1E, v2;
	v6 =	vshll.u32 v6, $0x5  }
0x155: {  	v16 =	vld.idx.msk [tilespmem:v16+s17+$0x0], $0xffff;
	v6 =	vor.u32 v0, v6  }
0x156: {  	v13 =	vld.idx.msk [tilespmem:v19+s17+$0x0], $0xffff;
	v48 =	vor.u32 $0x1, v6  }
0x157: {  	s19 =	sand.u32 $0x70, s18;
	s11 =	sand.u32 $0x400, s18;
	v19 =	vld.idx.msk [tilespmem:v20+s17+$0x0], $0xffff;
	v49 =	vor.u32 $0x2, v6  }
0x158: {  	s11 =	sor.u32 s19, s11;
	v50 =	vor.u32 $0x3, v6;
	v12 =	vld.idx.msk [tilespmem:v12+s17+$0x0], $0xffff  }
0x159: {  	v51 =	vor.u32 $0x4, v6;
	v20 =	vld.idx.msk [tilespmem:v2+s17+$0x0], $0xffff;
	[tilespmem:s11+$0xFF80] =	vst v47  }
0x15a: {  	v52 =	vor.u32 $0x5, v6;
	[tilespmem:s11+$0xE480] =	vst v8;
	v2 =	vld.idx.msk [tilespmem:v6+s17+$0x0], $0xffff  }
0x15b: {  	v53 =	vor.u32 $0x6, v6;
	[tilespmem:s11+$0xE500] =	vst v11;
	v8 =	vld.idx.msk [tilespmem:v48+s17+$0x0], $0xffff  }
0x15c: {  	v54 =	vor.u32 $0x7, v6;
	[tilespmem:s11+$0xE580] =	vst v14;
	v11 =	vld.idx.msk [tilespmem:v49+s17+$0x0], $0xffff  }
0x15d: {  	v55 =	vor.u32 $0x8, v6;
	[tilespmem:s11+$0xE600] =	vst v17;
	v14 =	vld.idx.msk [tilespmem:v50+s17+$0x0], $0xffff  }
0x15e: {  	v56 =	vor.u32 $0x9, v6;
	[tilespmem:s11+$0xE680] =	vst v18;
	v17 =	vld.idx.msk [tilespmem:v51+s17+$0x0], $0xffff  }
0x15f: {  	v57 =	vor.u32 $0xA, v6;
	[tilespmem:s11+$0xE700] =	vst v21;
	v18 =	vld.idx.msk [tilespmem:v52+s17+$0x0], $0xffff  }
0x160: {  	v58 =	vor.u32 $0xB, v6;
	[tilespmem:s11+$0xE780] =	vst v22;
	v21 =	vld.idx.msk [tilespmem:v53+s17+$0x0], $0xffff  }
0x161: {  	v59 =	vor.u32 $0xC, v6;
	[tilespmem:s11+$0xEC00] =	vst v23;
	v22 =	vld.idx.msk [tilespmem:v54+s17+$0x0], $0xffff  }
0x162: {  	v60 =	vor.u32 $0xD, v6;
	[tilespmem:s11+$0xEC80] =	vst v24;
	v23 =	vld.idx.msk [tilespmem:v55+s17+$0x0], $0xffff  }
0x163: {  	v61 =	vor.u32 $0xE, v6;
	[tilespmem:s11+$0xED00] =	vst v25;
	v24 =	vld.idx.msk [tilespmem:v56+s17+$0x0], $0xffff  }
0x164: {  	v62 =	vor.u32 $0xF, v6;
	[tilespmem:s11+$0xED80] =	vst v26;
	v25 =	vld.idx.msk [tilespmem:v57+s17+$0x0], $0xffff  }
0x165: {  	v63 =	vor.u32 $0x10, v6;
	[tilespmem:s11+$0xEE00] =	vst v27;
	v26 =	vld.idx.msk [tilespmem:v58+s17+$0x0], $0xffff  }
0x166: {  	v39 =	vor.u32 $0x11, v6;
	[tilespmem:s11+$0xEE80] =	vst v28;
	v27 =	vld.idx.msk [tilespmem:v59+s17+$0x0], $0xffff  }
0x167: {  	v38 =	vor.u32 $0x12, v6;
	[tilespmem:s11+$0xEF00] =	vst v29;
	v28 =	vld.idx.msk [tilespmem:v60+s17+$0x0], $0xffff  }
0x168: {  	v36 =	vor.u32 $0x13, v6;
	[tilespmem:s11+$0xEF80] =	vst v30;
	v29 =	vld.idx.msk [tilespmem:v61+s17+$0x0], $0xffff  }
0x169: {  	v37 =	vor.u32 $0x14, v6;
	[tilespmem:s11+$0xF400] =	vst v31;
	v30 =	vld.idx.msk [tilespmem:v62+s17+$0x0], $0xffff  }
0x16a: {  	s0 =	sor.u32 $0x2, s0;
	v35 =	vor.u32 $0x15, v6;
	[tilespmem:s11+$0xF480] =	vst v45;
	v31 =	vld.idx.msk [tilespmem:v63+s17+$0x0], $0xffff  }
0x16b: {  	s16 =	simm.s32 $0x100;
	s14 =	simm.s32 $0x80;
	s15 =	simm.s32 $0x10;
	v34 =	vor.u32 $0x16, v6;
	[tilespmem:s11+$0xF500] =	vst v46;
	v32 =	vld.idx.msk [tilespmem:v39+s17+$0x0], $0xffff  }
.LBB2_7:
0x16c: {  	p1 =	sne.s32 s16, $0x780;
	v33 =	vld.idx.msk [tilespmem:v38+s17+$0x0], $0xffff;
	v38 =	vor.u32 $0x17, v6;
	[tilespmem:s11+$0xF580] =	vst v10  }
0x16d: {  	v10 =	vld.idx.msk [tilespmem:v36+s17+$0x0], $0xffff;
	v36 =	vor.u32 $0x18, v6;
	[tilespmem:s11+$0xF600] =	vst v9  }
0x16e: {  	v9 =	vld.idx.msk [tilespmem:v37+s17+$0x0], $0xffff;
	v37 =	vor.u32 $0x1F, v6;
	[tilespmem:s11+$0xF680] =	vst v7  }
0x16f: {  	v7 =	vld.idx.msk [tilespmem:v35+s17+$0x0], $0xffff;
	v35 =	vor.u32 $0x19, v6;
	[tilespmem:s11+$0xF700] =	vst v5  }
0x170: {  	v5 =	vld.idx.msk [tilespmem:v34+s17+$0x0], $0xffff;
	v34 =	vor.u32 $0x1A, v6;
	[tilespmem:s11+$0xF780] =	vst v4  }
0x171: {  	v4 =	vld.idx.msk [tilespmem:v38+s17+$0x0], $0xffff;
	v38 =	vor.u32 $0x1B, v6;
	[tilespmem:s11+$0xFC00] =	vst v3  }
0x172: {  	s12 =	sadd.s32 $0x10, s12;
	v3 =	vld.idx.msk [tilespmem:v36+s17+$0x0], $0xffff;
	v36 =	vor.u32 $0x1C, v6;
	[tilespmem:s11+$0xFC80] =	vst v15  }
0x173: {  	v39 =	vor.u32 $0x1D, v6;
	v15 =	vmov s12;
	v37 =	vld.idx.msk [tilespmem:v37+s17+$0x0], $0xffff;
	[tilespmem:s11+$0xFD00] =	vst v16  }
0x174: {  	v16 =	vshll.u32 v15, $0x5;
	v15 =	vld.idx.msk [tilespmem:v35+s17+$0x0], $0xffff;
	v35 =	vor.u32 $0x1E, v6;
	[tilespmem:s11+$0xFD80] =	vst v12  }
0x175: {  	v6 =	vor.u32 v0, v16;
	v16 =	vld.idx.msk [tilespmem:v34+s17+$0x0], $0xffff;
	[tilespmem:s11+$0xFE00] =	vst v13  }
0x176: {  	v34 =	vor.u32 $0x1, v6;
	v12 =	vld.idx.msk [tilespmem:v38+s17+$0x0], $0xffff;
	[tilespmem:s11+$0xFE80] =	vst v19  }
0x177: {  	s18 =	sand.u32 $0x70, s15;
	s14 =	sand.u32 $0x400, s14;
	s15 =	smov.u32 s12;
	v38 =	vor.u32 $0x2, v6;
	v13 =	vld.idx.msk [tilespmem:v36+s17+$0x0], $0xffff;
	[tilespmem:s11+$0xFF00] =	vst v20  }
0x178: {  	v36 =	vor.u32 $0x3, v6;
	v19 =	vld.idx.msk [tilespmem:v39+s17+$0x0], $0xffff;
	[tilespmem:s11+$0xE400] =	vst v1;
	s11 =	sor.u32 s18, s14;
	v1 =	vmov v2;
	s14 =	smov.u32 s16  }
0x179: {  	v39 =	vor.u32 $0x4, v6;
	v20 =	vld.idx.msk [tilespmem:v35+s17+$0x0], $0xffff;
	[tilespmem:s11+$0xFF80] =	vst v37  }
0x17a: {  	v35 =	vor.u32 $0x5, v6;
	v2 =	vld.idx.msk [tilespmem:v6+s17+$0x0], $0xffff;
	[tilespmem:s11+$0xE480] =	vst v8  }
0x17b: {  	v8 =	vld.idx.msk [tilespmem:v34+s17+$0x0], $0xffff;
	v34 =	vor.u32 $0x6, v6;
	[tilespmem:s11+$0xE500] =	vst v11  }
0x17c: {  	v37 =	vor.u32 $0x7, v6;
	v11 =	vld.idx.msk [tilespmem:v38+s17+$0x0], $0xffff;
	[tilespmem:s11+$0xE580] =	vst v14  }
0x17d: {  	v14 =	vld.idx.msk [tilespmem:v36+s17+$0x0], $0xffff;
	v36 =	vor.u32 $0x8, v6;
	[tilespmem:s11+$0xE600] =	vst v17  }
0x17e: {  	v38 =	vor.u32 $0x9, v6;
	v17 =	vld.idx.msk [tilespmem:v39+s17+$0x0], $0xffff;
	[tilespmem:s11+$0xE680] =	vst v18  }
0x17f: {  	v18 =	vld.idx.msk [tilespmem:v35+s17+$0x0], $0xffff;
	v35 =	vor.u32 $0xA, v6;
	[tilespmem:s11+$0xE700] =	vst v21  }
0x180: {  	v21 =	vld.idx.msk [tilespmem:v34+s17+$0x0], $0xffff;
	v34 =	vor.u32 $0xB, v6;
	[tilespmem:s11+$0xE780] =	vst v22  }
0x181: {  	v22 =	vld.idx.msk [tilespmem:v37+s17+$0x0], $0xffff;
	v37 =	vor.u32 $0xC, v6;
	[tilespmem:s11+$0xEC00] =	vst v23  }
0x182: {  	v23 =	vld.idx.msk [tilespmem:v36+s17+$0x0], $0xffff;
	v36 =	vor.u32 $0xD, v6;
	[tilespmem:s11+$0xEC80] =	vst v24  }
0x183: {  	v39 =	vor.u32 $0xE, v6;
	v24 =	vld.idx.msk [tilespmem:v38+s17+$0x0], $0xffff;
	[tilespmem:s11+$0xED00] =	vst v25  }
0x184: {  	v25 =	vld.idx.msk [tilespmem:v35+s17+$0x0], $0xffff;
	v35 =	vor.u32 $0xF, v6;
	[tilespmem:s11+$0xED80] =	vst v26  }
0x185: {  	v26 =	vld.idx.msk [tilespmem:v34+s17+$0x0], $0xffff;
	v34 =	vor.u32 $0x10, v6;
	[tilespmem:s11+$0xEE00] =	vst v27  }
0x186: {  	v40 =	vor.u32 $0x11, v6;
	v27 =	vld.idx.msk [tilespmem:v37+s17+$0x0], $0xffff;
	[tilespmem:s11+$0xEE80] =	vst v28  }
.Ltmp2:
0x187: {  	v38 =	vor.u32 $0x12, v6;
	v28 =	vld.idx.msk [tilespmem:v36+s17+$0x0], $0xffff;
	[tilespmem:s11+$0xEF00] =	vst v29;
	(pc) =	sbr.rel @p1 .LBB2_7-.Ltmp2, $4  }
0x188: {  	v36 =	vor.u32 $0x13, v6;
	v29 =	vld.idx.msk [tilespmem:v39+s17+$0x0], $0xffff;
	[tilespmem:s11+$0xEF80] =	vst v30  }
0x189: {  	v37 =	vor.u32 $0x14, v6;
	v30 =	vld.idx.msk [tilespmem:v35+s17+$0x0], $0xffff;
	[tilespmem:s11+$0xF400] =	vst v31  }
0x18a: {  	v35 =	vor.u32 $0x15, v6;
	v31 =	vld.idx.msk [tilespmem:v34+s17+$0x0], $0xffff;
	[tilespmem:s11+$0xF480] =	vst v32  }
0x18b: {  	s16 =	sadd.s32 $0x80, s16;
	v34 =	vor.u32 $0x16, v6;
	v32 =	vld.idx.msk [tilespmem:v40+s17+$0x0], $0xffff;
	[tilespmem:s11+$0xF500] =	vst v33  }
0x18c: {  	_ =	sdelay $0x3  }
0x18d: {  	v33 =	vld.idx.msk [tilespmem:v38+s17+$0x0], $0xffff;
	v62 =	vor.u32 $0x17, v6;
	[tilespmem:s11+$0xF580] =	vst v10  }
0x18e: {  	v10 =	vld.idx.msk [tilespmem:v36+s17+$0x0], $0xffff;
	v63 =	vor.u32 $0x18, v6;
	[tilespmem:s11+$0xF600] =	vst v9  }
0x18f: {  	v9 =	vld.idx.msk [tilespmem:v37+s17+$0x0], $0xffff;
	v40 =	vor.u32 $0x1F, v6;
	[tilespmem:s11+$0xF680] =	vst v7  }
0x190: {  	v7 =	vld.idx.msk [tilespmem:v35+s17+$0x0], $0xffff;
	v41 =	vor.u32 $0x19, v6;
	[tilespmem:s11+$0xF700] =	vst v5  }
0x191: {  	v5 =	vld.idx.msk [tilespmem:v34+s17+$0x0], $0xffff;
	v42 =	vor.u32 $0x1A, v6;
	[tilespmem:s11+$0xF780] =	vst v4  }
0x192: {  	v43 =	vor.u32 $0x1B, v6;
	[tilespmem:s11+$0xFC00] =	vst v3;
	v4 =	vld.idx.msk [tilespmem:v62+s17+$0x0], $0xffff  }
0x193: {  	v44 =	vor.u32 $0x1C, v6;
	[tilespmem:s11+$0xFC80] =	vst v15;
	v3 =	vld.idx.msk [tilespmem:v63+s17+$0x0], $0xffff  }
0x194: {  	v15 =	vor.u32 $0x1D, v6;
	[tilespmem:s11+$0xFD00] =	vst v16;
	v37 =	vld.idx.msk [tilespmem:v40+s17+$0x0], $0xffff  }
0x195: {  	v6 =	vor.u32 $0x1E, v6;
	[tilespmem:s11+$0xFD80] =	vst v12;
	v16 =	vld.idx.msk [tilespmem:v41+s17+$0x0], $0xffff  }
0x196: {  	[tilespmem:s11+$0xFE00] =	vst v13;
	v12 =	vld.idx.msk [tilespmem:v42+s17+$0x0], $0xffff  }
0x197: {  	[tilespmem:s11+$0xFE80] =	vst v19;
	v13 =	vld.idx.msk [tilespmem:v43+s17+$0x0], $0xffff  }
0x198: {  	s12 =	sand.u32 $0x70, s15;
	s14 =	sand.u32 $0x400, s14;
	[tilespmem:s11+$0xFF00] =	vst v20;
	v19 =	vld.idx.msk [tilespmem:v44+s17+$0x0], $0xffff  }
0x199: {  	[tilespmem:s11+$0xE400] =	vst v1;
	s12 =	sor.u32 s12, s14;
	v15 =	vld.idx.msk [tilespmem:v15+s17+$0x0], $0xffff  }
0x19a: {  	v1 =	vld.idx.msk [tilespmem:v6+s17+$0x0], $0xffff;
	[tilespmem:s12+$0xE480] =	vst v8  }
0x19b: {  	[tilespmem:s12+$0xE500] =	vst v11  }
0x19c: {  	[tilespmem:s12+$0xE580] =	vst v14  }
0x19d: {  	[tilespmem:s12+$0xE600] =	vst v17  }
0x19e: {  	[tilespmem:s12+$0xE680] =	vst v18  }
0x19f: {  	[tilespmem:s12+$0xE700] =	vst v21  }
0x1a0: {  	[tilespmem:s12+$0xE780] =	vst v22  }
0x1a1: {  	[tilespmem:s12+$0xEC00] =	vst v23  }
0x1a2: {  	[tilespmem:s12+$0xEC80] =	vst v24  }
0x1a3: {  	[tilespmem:s12+$0xED00] =	vst v25  }
0x1a4: {  	[tilespmem:s12+$0xED80] =	vst v26  }
0x1a5: {  	[tilespmem:s12+$0xEE00] =	vst v27  }
0x1a6: {  	[tilespmem:s12+$0xEE80] =	vst v28  }
0x1a7: {  	[tilespmem:s12+$0xEF00] =	vst v29  }
0x1a8: {  	[tilespmem:s12+$0xEF80] =	vst v30  }
0x1a9: {  	[tilespmem:s12+$0xF400] =	vst v31  }
0x1aa: {  	[tilespmem:s12+$0xF480] =	vst v32  }
0x1ab: {  	[tilespmem:s12+$0xF500] =	vst v33  }
0x1ac: {  	[tilespmem:s12+$0xF580] =	vst v10  }
0x1ad: {  	[tilespmem:s12+$0xF600] =	vst v9  }
0x1ae: {  	[tilespmem:s12+$0xF680] =	vst v7  }
0x1af: {  	[tilespmem:s12+$0xF700] =	vst v5  }
0x1b0: {  	[tilespmem:s12+$0xE400] =	vst v2  }
0x1b1: {  	[tilespmem:s12+$0xFF80] =	vst v37  }
0x1b2: {  	[tilespmem:s12+$0xF780] =	vst v4  }
0x1b3: {  	[tilespmem:s12+$0xFC00] =	vst v3  }
0x1b4: {  	[tilespmem:s12+$0xFC80] =	vst v16  }
0x1b5: {  	s0 =	sadd.s32 s6, s0;
	[tilespmem:s12+$0xFD00] =	vst v12  }
0x1b6: {  	s16 =	sshll.u32 s0, $0x8;
	[tilespmem:s12+$0xFD80] =	vst v13  }
0x1b7: {  	s0 =	sshll.u32 s0, $0xA;
	s11 =	sand.u32 $0x3E00, s16;
	[tilespmem:s12+$0xFE00] =	vst v19  }
0x1b8: {  	s0 =	sand.u32 $0xFFF0000, s0;
	s11 =	sadd.s32 s2, s11;
	[tilespmem:s12+$0xFE80] =	vst v15  }
0x1b9: {  	s0 =	sadd.s32 s0, s11;
	[tilespmem:s12+$0xFF00] =	vst v1  }
0x1ba: {  	[hbm4b:s0+s23] =	stream.strided.scatter [tilespmem:s25], [sflag:$0x2], $0x2000, s24, s23, $0x38;
	[tilespmem:$0x12400] =	vst v63  }
0x1bb: {  	_ =	swait.ge [sflag:s20], $0x2000  }
0x1bc: {  	s18 =	simm.s32 $0x0;
	s14 =	simm.s32 @!p0 $0xA400;
	[sflag:s20] =	ssyncset.done $0x0  }
0x1bd: {  	s11 =	sadd.s32 @!p0 $0x600, s1;
	s12 =	simm.s32 @!p0 $0x80;
	v1 =	vmov s18;
	[sflag:s20] =	ssyncadd.s32 $0xFFFFE000  }
0x1be: {  	v1 =	vshll.u32 v1, $0x5;
	[tilespmem:s14], [sflag:$0x1] =	stream.indirect.gather @!p0 [hbm4b:s4+s12], $0x20, s11, s12, $0xb8;
	[tilespmem:$0x12400] =	vst v63  }
0x1bf: {  	s1 =	sadd.s32 @!p0 $0x680, s1;
	v2 =	vor.u32 v0, v1;
	s11 =	simm.s32 @!p0 $0xB400  }
0x1c0: {  	v3 =	vor.u32 $0x1, v2;
	[tilespmem:s11], [sflag:$0x1] =	stream.indirect.gather @!p0 [hbm4b:s4+s12], $0x20, s1, s12, $0xb8;
	[tilespmem:$0x12400] =	vst v63  }
0x1c1: {  	v4 =	vor.u32 $0x2, v2;
	_ =	swait.ge [sflag:s28], $0x2000  }
0x1c2: {  	v5 =	vor.u32 $0x3, v2;
	[sflag:s28] =	ssyncset.done $0x0  }
0x1c3: {  	v6 =	vor.u32 $0x4, v2;
	[sflag:s28] =	ssyncadd.s32 $0xFFFFE000  }
0x1c4: {  	v7 =	vor.u32 $0x5, v2;
	v1 =	vld.idx.msk [tilespmem:v2+s21+$0x0], $0xffff  }
0x1c5: {  	v13 =	vor.u32 $0x1F, v2;
	v8 =	vld.idx.msk [tilespmem:v3+s21+$0x0], $0xffff  }
0x1c6: {  	v3 =	vor.u32 $0x6, v2;
	v11 =	vld.idx.msk [tilespmem:v4+s21+$0x0], $0xffff  }
0x1c7: {  	v4 =	vor.u32 $0x7, v2;
	v14 =	vld.idx.msk [tilespmem:v5+s21+$0x0], $0xffff  }
0x1c8: {  	v5 =	vor.u32 $0x8, v2;
	v17 =	vld.idx.msk [tilespmem:v6+s21+$0x0], $0xffff  }
0x1c9: {  	v6 =	vor.u32 $0x9, v2;
	v18 =	vld.idx.msk [tilespmem:v7+s21+$0x0], $0xffff  }
0x1ca: {  	v7 =	vor.u32 $0xA, v2;
	v47 =	vld.idx.msk [tilespmem:v13+s21+$0x0], $0xffff  }
0x1cb: {  	v21 =	vld.idx.msk [tilespmem:v3+s21+$0x0], $0xffff;
	v3 =	vor.u32 $0xB, v2  }
0x1cc: {  	v22 =	vld.idx.msk [tilespmem:v4+s21+$0x0], $0xffff;
	v4 =	vor.u32 $0xC, v2  }
0x1cd: {  	v23 =	vld.idx.msk [tilespmem:v5+s21+$0x0], $0xffff;
	v5 =	vor.u32 $0xD, v2  }
0x1ce: {  	v24 =	vld.idx.msk [tilespmem:v6+s21+$0x0], $0xffff;
	v6 =	vor.u32 $0xE, v2  }
0x1cf: {  	v25 =	vld.idx.msk [tilespmem:v7+s21+$0x0], $0xffff;
	v7 =	vor.u32 $0xF, v2  }
0x1d0: {  	v26 =	vld.idx.msk [tilespmem:v3+s21+$0x0], $0xffff;
	v3 =	vor.u32 $0x10, v2  }
0x1d1: {  	v27 =	vld.idx.msk [tilespmem:v4+s21+$0x0], $0xffff;
	v4 =	vor.u32 $0x11, v2  }
0x1d2: {  	v28 =	vld.idx.msk [tilespmem:v5+s21+$0x0], $0xffff;
	v5 =	vor.u32 $0x12, v2  }
0x1d3: {  	v29 =	vld.idx.msk [tilespmem:v6+s21+$0x0], $0xffff;
	v6 =	vor.u32 $0x13, v2  }
0x1d4: {  	v30 =	vld.idx.msk [tilespmem:v7+s21+$0x0], $0xffff;
	v7 =	vor.u32 $0x14, v2  }
0x1d5: {  	v31 =	vld.idx.msk [tilespmem:v3+s21+$0x0], $0xffff;
	v3 =	vor.u32 $0x15, v2  }
0x1d6: {  	v45 =	vld.idx.msk [tilespmem:v4+s21+$0x0], $0xffff;
	v4 =	vor.u32 $0x16, v2  }
0x1d7: {  	v12 =	vor.u32 $0x17, v2;
	v46 =	vld.idx.msk [tilespmem:v5+s21+$0x0], $0xffff  }
0x1d8: {  	v10 =	vld.idx.msk [tilespmem:v6+s21+$0x0], $0xffff;
	v6 =	vor.u32 $0x18, v2  }
0x1d9: {  	v15 =	vor.u32 $0x19, v2;
	v9 =	vld.idx.msk [tilespmem:v7+s21+$0x0], $0xffff  }
0x1da: {  	v16 =	vor.u32 $0x1A, v2;
	v7 =	vld.idx.msk [tilespmem:v3+s21+$0x0], $0xffff  }
0x1db: {  	v19 =	vor.u32 $0x1C, v2;
	v5 =	vld.idx.msk [tilespmem:v4+s21+$0x0], $0xffff  }
0x1dc: {  	v20 =	vor.u32 $0x1D, v2;
	s1 =	simm.s32 $0x10;
	v4 =	vld.idx.msk [tilespmem:v12+s21+$0x0], $0xffff  }
0x1dd: {  	v12 =	vor.u32 $0x1B, v2;
	v3 =	vld.idx.msk [tilespmem:v6+s21+$0x0], $0xffff;
	v6 =	vmov s1  }
0x1de: {  	v15 =	vld.idx.msk [tilespmem:v15+s21+$0x0], $0xffff;
	v2 =	vor.u32 $0x1E, v2;
	v6 =	vshll.u32 v6, $0x5  }
0x1df: {  	v16 =	vld.idx.msk [tilespmem:v16+s21+$0x0], $0xffff;
	v6 =	vor.u32 v0, v6  }
0x1e0: {  	v13 =	vld.idx.msk [tilespmem:v19+s21+$0x0], $0xffff;
	v48 =	vor.u32 $0x1, v6  }
0x1e1: {  	s19 =	sand.u32 $0x70, s18;
	s0 =	sand.u32 $0x400, s18;
	v19 =	vld.idx.msk [tilespmem:v20+s21+$0x0], $0xffff;
	v49 =	vor.u32 $0x2, v6  }
0x1e2: {  	s0 =	sor.u32 s19, s0;
	v50 =	vor.u32 $0x3, v6;
	v12 =	vld.idx.msk [tilespmem:v12+s21+$0x0], $0xffff  }
0x1e3: {  	v51 =	vor.u32 $0x4, v6;
	v20 =	vld.idx.msk [tilespmem:v2+s21+$0x0], $0xffff;
	[tilespmem:s0+$0x11F80] =	vst v47  }
0x1e4: {  	v52 =	vor.u32 $0x5, v6;
	[tilespmem:s0+$0x10480] =	vst v8;
	v2 =	vld.idx.msk [tilespmem:v6+s21+$0x0], $0xffff  }
0x1e5: {  	v53 =	vor.u32 $0x6, v6;
	[tilespmem:s0+$0x10500] =	vst v11;
	v8 =	vld.idx.msk [tilespmem:v48+s21+$0x0], $0xffff  }
0x1e6: {  	v54 =	vor.u32 $0x7, v6;
	[tilespmem:s0+$0x10580] =	vst v14;
	v11 =	vld.idx.msk [tilespmem:v49+s21+$0x0], $0xffff  }
0x1e7: {  	v55 =	vor.u32 $0x8, v6;
	[tilespmem:s0+$0x10600] =	vst v17;
	v14 =	vld.idx.msk [tilespmem:v50+s21+$0x0], $0xffff  }
0x1e8: {  	v56 =	vor.u32 $0x9, v6;
	[tilespmem:s0+$0x10680] =	vst v18;
	v17 =	vld.idx.msk [tilespmem:v51+s21+$0x0], $0xffff  }
0x1e9: {  	v57 =	vor.u32 $0xA, v6;
	[tilespmem:s0+$0x10700] =	vst v21;
	v18 =	vld.idx.msk [tilespmem:v52+s21+$0x0], $0xffff  }
0x1ea: {  	v58 =	vor.u32 $0xB, v6;
	[tilespmem:s0+$0x10780] =	vst v22;
	v21 =	vld.idx.msk [tilespmem:v53+s21+$0x0], $0xffff  }
0x1eb: {  	v59 =	vor.u32 $0xC, v6;
	[tilespmem:s0+$0x10C00] =	vst v23;
	v22 =	vld.idx.msk [tilespmem:v54+s21+$0x0], $0xffff  }
0x1ec: {  	v60 =	vor.u32 $0xD, v6;
	[tilespmem:s0+$0x10C80] =	vst v24;
	v23 =	vld.idx.msk [tilespmem:v55+s21+$0x0], $0xffff  }
0x1ed: {  	v61 =	vor.u32 $0xE, v6;
	[tilespmem:s0+$0x10D00] =	vst v25;
	v24 =	vld.idx.msk [tilespmem:v56+s21+$0x0], $0xffff  }
0x1ee: {  	v62 =	vor.u32 $0xF, v6;
	[tilespmem:s0+$0x10D80] =	vst v26;
	v25 =	vld.idx.msk [tilespmem:v57+s21+$0x0], $0xffff  }
0x1ef: {  	v63 =	vor.u32 $0x10, v6;
	[tilespmem:s0+$0x10E00] =	vst v27;
	v26 =	vld.idx.msk [tilespmem:v58+s21+$0x0], $0xffff  }
0x1f0: {  	v39 =	vor.u32 $0x11, v6;
	[tilespmem:s0+$0x10E80] =	vst v28;
	v27 =	vld.idx.msk [tilespmem:v59+s21+$0x0], $0xffff  }
0x1f1: {  	v38 =	vor.u32 $0x12, v6;
	[tilespmem:s0+$0x10F00] =	vst v29;
	v28 =	vld.idx.msk [tilespmem:v60+s21+$0x0], $0xffff  }
0x1f2: {  	v36 =	vor.u32 $0x13, v6;
	[tilespmem:s0+$0x10F80] =	vst v30;
	v29 =	vld.idx.msk [tilespmem:v61+s21+$0x0], $0xffff  }
0x1f3: {  	v37 =	vor.u32 $0x14, v6;
	[tilespmem:s0+$0x11400] =	vst v31;
	v30 =	vld.idx.msk [tilespmem:v62+s21+$0x0], $0xffff  }
0x1f4: {  	v35 =	vor.u32 $0x15, v6;
	[tilespmem:s0+$0x11480] =	vst v45;
	v31 =	vld.idx.msk [tilespmem:v63+s21+$0x0], $0xffff  }
0x1f5: {  	s14 =	simm.s32 $0x100;
	s11 =	simm.s32 $0x80;
	s12 =	simm.s32 $0x10;
	v34 =	vor.u32 $0x16, v6;
	[tilespmem:s0+$0x11500] =	vst v46;
	v32 =	vld.idx.msk [tilespmem:v39+s21+$0x0], $0xffff  }
.LBB2_9:
0x1f6: {  	p0 =	sne.s32 s14, $0x780;
	v33 =	vld.idx.msk [tilespmem:v38+s21+$0x0], $0xffff;
	v38 =	vor.u32 $0x17, v6;
	[tilespmem:s0+$0x11580] =	vst v10  }
0x1f7: {  	v10 =	vld.idx.msk [tilespmem:v36+s21+$0x0], $0xffff;
	v36 =	vor.u32 $0x18, v6;
	[tilespmem:s0+$0x11600] =	vst v9  }
0x1f8: {  	v9 =	vld.idx.msk [tilespmem:v37+s21+$0x0], $0xffff;
	v37 =	vor.u32 $0x1F, v6;
	[tilespmem:s0+$0x11680] =	vst v7  }
0x1f9: {  	v7 =	vld.idx.msk [tilespmem:v35+s21+$0x0], $0xffff;
	v35 =	vor.u32 $0x19, v6;
	[tilespmem:s0+$0x11700] =	vst v5  }
0x1fa: {  	v5 =	vld.idx.msk [tilespmem:v34+s21+$0x0], $0xffff;
	v34 =	vor.u32 $0x1A, v6;
	[tilespmem:s0+$0x11780] =	vst v4  }
0x1fb: {  	v4 =	vld.idx.msk [tilespmem:v38+s21+$0x0], $0xffff;
	v38 =	vor.u32 $0x1B, v6;
	[tilespmem:s0+$0x11C00] =	vst v3  }
0x1fc: {  	s1 =	sadd.s32 $0x10, s1;
	v3 =	vld.idx.msk [tilespmem:v36+s21+$0x0], $0xffff;
	v36 =	vor.u32 $0x1C, v6;
	[tilespmem:s0+$0x11C80] =	vst v15  }
0x1fd: {  	v39 =	vor.u32 $0x1D, v6;
	v15 =	vmov s1;
	v37 =	vld.idx.msk [tilespmem:v37+s21+$0x0], $0xffff;
	[tilespmem:s0+$0x11D00] =	vst v16  }
0x1fe: {  	v16 =	vshll.u32 v15, $0x5;
	v15 =	vld.idx.msk [tilespmem:v35+s21+$0x0], $0xffff;
	v35 =	vor.u32 $0x1E, v6;
	[tilespmem:s0+$0x11D80] =	vst v12  }
0x1ff: {  	v6 =	vor.u32 v0, v16;
	v16 =	vld.idx.msk [tilespmem:v34+s21+$0x0], $0xffff;
	[tilespmem:s0+$0x11E00] =	vst v13  }
0x200: {  	v34 =	vor.u32 $0x1, v6;
	v12 =	vld.idx.msk [tilespmem:v38+s21+$0x0], $0xffff;
	[tilespmem:s0+$0x11E80] =	vst v19  }
0x201: {  	s15 =	sand.u32 $0x70, s12;
	s11 =	sand.u32 $0x400, s11;
	s12 =	smov.u32 s1;
	v38 =	vor.u32 $0x2, v6;
	v13 =	vld.idx.msk [tilespmem:v36+s21+$0x0], $0xffff;
	[tilespmem:s0+$0x11F00] =	vst v20  }
0x202: {  	v36 =	vor.u32 $0x3, v6;
	v19 =	vld.idx.msk [tilespmem:v39+s21+$0x0], $0xffff;
	[tilespmem:s0+$0x10400] =	vst v1;
	s0 =	sor.u32 s15, s11;
	v1 =	vmov v2;
	s11 =	smov.u32 s14  }
0x203: {  	v39 =	vor.u32 $0x4, v6;
	v20 =	vld.idx.msk [tilespmem:v35+s21+$0x0], $0xffff;
	[tilespmem:s0+$0x11F80] =	vst v37  }
0x204: {  	v35 =	vor.u32 $0x5, v6;
	v2 =	vld.idx.msk [tilespmem:v6+s21+$0x0], $0xffff;
	[tilespmem:s0+$0x10480] =	vst v8  }
0x205: {  	v8 =	vld.idx.msk [tilespmem:v34+s21+$0x0], $0xffff;
	v34 =	vor.u32 $0x6, v6;
	[tilespmem:s0+$0x10500] =	vst v11  }
0x206: {  	v37 =	vor.u32 $0x7, v6;
	v11 =	vld.idx.msk [tilespmem:v38+s21+$0x0], $0xffff;
	[tilespmem:s0+$0x10580] =	vst v14  }
0x207: {  	v14 =	vld.idx.msk [tilespmem:v36+s21+$0x0], $0xffff;
	v36 =	vor.u32 $0x8, v6;
	[tilespmem:s0+$0x10600] =	vst v17  }
0x208: {  	v38 =	vor.u32 $0x9, v6;
	v17 =	vld.idx.msk [tilespmem:v39+s21+$0x0], $0xffff;
	[tilespmem:s0+$0x10680] =	vst v18  }
0x209: {  	v18 =	vld.idx.msk [tilespmem:v35+s21+$0x0], $0xffff;
	v35 =	vor.u32 $0xA, v6;
	[tilespmem:s0+$0x10700] =	vst v21  }
0x20a: {  	v21 =	vld.idx.msk [tilespmem:v34+s21+$0x0], $0xffff;
	v34 =	vor.u32 $0xB, v6;
	[tilespmem:s0+$0x10780] =	vst v22  }
0x20b: {  	v22 =	vld.idx.msk [tilespmem:v37+s21+$0x0], $0xffff;
	v37 =	vor.u32 $0xC, v6;
	[tilespmem:s0+$0x10C00] =	vst v23  }
0x20c: {  	v23 =	vld.idx.msk [tilespmem:v36+s21+$0x0], $0xffff;
	v36 =	vor.u32 $0xD, v6;
	[tilespmem:s0+$0x10C80] =	vst v24  }
0x20d: {  	v39 =	vor.u32 $0xE, v6;
	v24 =	vld.idx.msk [tilespmem:v38+s21+$0x0], $0xffff;
	[tilespmem:s0+$0x10D00] =	vst v25  }
0x20e: {  	v25 =	vld.idx.msk [tilespmem:v35+s21+$0x0], $0xffff;
	v35 =	vor.u32 $0xF, v6;
	[tilespmem:s0+$0x10D80] =	vst v26  }
0x20f: {  	v26 =	vld.idx.msk [tilespmem:v34+s21+$0x0], $0xffff;
	v34 =	vor.u32 $0x10, v6;
	[tilespmem:s0+$0x10E00] =	vst v27  }
0x210: {  	v40 =	vor.u32 $0x11, v6;
	v27 =	vld.idx.msk [tilespmem:v37+s21+$0x0], $0xffff;
	[tilespmem:s0+$0x10E80] =	vst v28  }
.Ltmp3:
0x211: {  	v38 =	vor.u32 $0x12, v6;
	v28 =	vld.idx.msk [tilespmem:v36+s21+$0x0], $0xffff;
	[tilespmem:s0+$0x10F00] =	vst v29;
	(pc) =	sbr.rel @p0 .LBB2_9-.Ltmp3, $4  }
0x212: {  	v36 =	vor.u32 $0x13, v6;
	v29 =	vld.idx.msk [tilespmem:v39+s21+$0x0], $0xffff;
	[tilespmem:s0+$0x10F80] =	vst v30  }
0x213: {  	v37 =	vor.u32 $0x14, v6;
	v30 =	vld.idx.msk [tilespmem:v35+s21+$0x0], $0xffff;
	[tilespmem:s0+$0x11400] =	vst v31  }
0x214: {  	v35 =	vor.u32 $0x15, v6;
	v31 =	vld.idx.msk [tilespmem:v34+s21+$0x0], $0xffff;
	[tilespmem:s0+$0x11480] =	vst v32  }
0x215: {  	s14 =	sadd.s32 $0x80, s14;
	v34 =	vor.u32 $0x16, v6;
	v32 =	vld.idx.msk [tilespmem:v40+s21+$0x0], $0xffff;
	[tilespmem:s0+$0x11500] =	vst v33  }
0x216: {  	_ =	sdelay $0x3  }
0x217: {  	v33 =	vld.idx.msk [tilespmem:v38+s21+$0x0], $0xffff;
	v46 =	vor.u32 $0x17, v6;
	[tilespmem:s0+$0x11580] =	vst v10  }
0x218: {  	v47 =	vld.idx.msk [tilespmem:v36+s21+$0x0], $0xffff;
	v48 =	vor.u32 $0x18, v6;
	[tilespmem:s0+$0x11600] =	vst v9  }
0x219: {  	v49 =	vld.idx.msk [tilespmem:v37+s21+$0x0], $0xffff;
	v50 =	vor.u32 $0x1F, v6;
	[tilespmem:s0+$0x11680] =	vst v7  }
0x21a: {  	v51 =	vld.idx.msk [tilespmem:v35+s21+$0x0], $0xffff;
	v52 =	vor.u32 $0x19, v6;
	[tilespmem:s0+$0x11700] =	vst v5  }
0x21b: {  	v53 =	vld.idx.msk [tilespmem:v34+s21+$0x0], $0xffff;
	v54 =	vor.u32 $0x1A, v6;
	[tilespmem:s0+$0x11780] =	vst v4  }
0x21c: {  	v56 =	vor.u32 $0x1B, v6;
	[tilespmem:s0+$0x11C00] =	vst v3;
	v55 =	vld.idx.msk [tilespmem:v46+s21+$0x0], $0xffff  }
0x21d: {  	v57 =	vor.u32 $0x1C, v6;
	[tilespmem:s0+$0x11C80] =	vst v15;
	v3 =	vld.idx.msk [tilespmem:v48+s21+$0x0], $0xffff  }
0x21e: {  	v58 =	vor.u32 $0x1D, v6;
	[tilespmem:s0+$0x11D00] =	vst v16;
	v37 =	vld.idx.msk [tilespmem:v50+s21+$0x0], $0xffff  }
0x21f: {  	v60 =	vor.u32 $0x1E, v6;
	[tilespmem:s0+$0x11D80] =	vst v12;
	v59 =	vld.idx.msk [tilespmem:v52+s21+$0x0], $0xffff  }
0x220: {  	[tilespmem:s0+$0x11E00] =	vst v13;
	v61 =	vld.idx.msk [tilespmem:v54+s21+$0x0], $0xffff  }
0x221: {  	[tilespmem:s0+$0x11E80] =	vst v19;
	v62 =	vld.idx.msk [tilespmem:v56+s21+$0x0], $0xffff  }
0x222: {  	s1 =	sand.u32 $0x70, s12;
	s11 =	sand.u32 $0x400, s11;
	[tilespmem:s0+$0x11F00] =	vst v20;
	v63 =	vld.idx.msk [tilespmem:v57+s21+$0x0], $0xffff  }
0x223: {  	[tilespmem:s0+$0x10400] =	vst v1;
	s1 =	sor.u32 s1, s11;
	v15 =	vld.idx.msk [tilespmem:v58+s21+$0x0], $0xffff  }
0x224: {  	v1 =	vld.idx.msk [tilespmem:v60+s21+$0x0], $0xffff;
	[tilespmem:s1+$0x10480] =	vst v8  }
0x225: {  	[tilespmem:s1+$0x10500] =	vst v11  }
0x226: {  	[tilespmem:s1+$0x10580] =	vst v14  }
0x227: {  	[tilespmem:s1+$0x10600] =	vst v17  }
0x228: {  	[tilespmem:s1+$0x10680] =	vst v18  }
0x229: {  	[tilespmem:s1+$0x10700] =	vst v21  }
0x22a: {  	[tilespmem:s1+$0x10780] =	vst v22  }
0x22b: {  	[tilespmem:s1+$0x10C00] =	vst v23  }
0x22c: {  	[tilespmem:s1+$0x10C80] =	vst v24  }
0x22d: {  	[tilespmem:s1+$0x10D00] =	vst v25  }
0x22e: {  	[tilespmem:s1+$0x10D80] =	vst v26  }
0x22f: {  	[tilespmem:s1+$0x10E00] =	vst v27  }
0x230: {  	[tilespmem:s1+$0x10E80] =	vst v28  }
0x231: {  	[tilespmem:s1+$0x10F00] =	vst v29  }
0x232: {  	[tilespmem:s1+$0x10F80] =	vst v30  }
0x233: {  	[tilespmem:s1+$0x11400] =	vst v31  }
0x234: {  	[tilespmem:s1+$0x11480] =	vst v32  }
0x235: {  	[tilespmem:s1+$0x11500] =	vst v33  }
0x236: {  	[tilespmem:s1+$0x11580] =	vst v47  }
0x237: {  	[tilespmem:s1+$0x11600] =	vst v49  }
0x238: {  	[tilespmem:s1+$0x11680] =	vst v51  }
0x239: {  	[tilespmem:s1+$0x11700] =	vst v53  }
0x23a: {  	[tilespmem:s1+$0x10400] =	vst v2  }
0x23b: {  	[tilespmem:s1+$0x11F80] =	vst v37  }
0x23c: {  	[tilespmem:s1+$0x11780] =	vst v55  }
0x23d: {  	[tilespmem:s1+$0x11C00] =	vst v3  }
0x23e: {  	s30 =	sadd.s32 $0x1, s30;
	[tilespmem:s1+$0x11C80] =	vst v59  }
0x23f: {  	s19 =	sadd.s32 s6, s31;
	p0 =	sne.s32 s30, $0x19;
	[tilespmem:s1+$0x11D00] =	vst v61  }
.Ltmp4:
0x240: {  	s31 =	sshll.u32 s19, $0x8;
	[tilespmem:s1+$0x11D80] =	vst v62;
	(pc) =	sbr.rel @p0 .LBB2_2-.Ltmp4, $4  }
0x241: {  	s0 =	sshll.u32 s19, $0xA;
	s11 =	sand.u32 $0x3F00, s31;
	[tilespmem:s1+$0x11E00] =	vst v63  }
0x242: {  	s0 =	sand.u32 $0xFFF0000, s0;
	s11 =	sadd.s32 s2, s11;
	[tilespmem:s1+$0x11E80] =	vst v15  }
0x243: {  	s0 =	sadd.s32 s0, s11;
	[tilespmem:s1+$0x11F00] =	vst v1  }
0x244: {  	[hbm4b:s0+s23] =	stream.strided.scatter [tilespmem:s26], [sflag:$0x2], $0x2000, s24, s23, $0x38;
	[tilespmem:$0x12400] =	vst v63  }
0x245: {  	s29 =	sadd.s32 $0x1, s29  }
0x246: {  	_ =	swait.ge [sflag:s28], $0x2000;
	p0 =	sne.s32 s29, s7  }
.Ltmp5:
0x247: {  	[sflag:s28] =	ssyncset.done $0x0;
	(pc) =	sbr.rel @p0 .LBB2_1-.Ltmp5, $4  }
0x248: {  	[sflag:s28] =	ssyncadd.s32 $0xFFFFE000  }
0x249: {  	_ =	swait.ge [sflag:s28], $0x2000  }
0x24a: {  	[sflag:s28] =	ssyncset.done $0x0  }
0x24b: {  	[sflag:s28] =	ssyncadd.s32 $0xFFFFE000  }
0x24c: {  	_ =	sfence.sel $0x180000  }
0x24d: {  	[bflag:$0x0] =	sbarrier.arrive $0xFFFF  }
0x24e: {  	_ =	strace $0x90000047  }
0x24f: {  	s0 =	stileid.u32;
	[bflag:$0x2] =	sbarrier.arrive $0xFFFF  }
0x250: {  	p0 =	sne.s32 s0, $0x0;
	s0 =	rddreg [dreg:$0x2]  }
0x251: {  	s0 =	sadd.s32 @!p0 $0x100000, s0  }
0x252: {  	[sflag:s0] =	ssyncadd.tile.s32 @!p0 $0x1;
	_ =	shalt  }
.Lfunc_end2:
_tile_overlayer_lowered:
.L_overlay_start_2:
0x253: {  	(tag) =	ssettag $0x2  }
0x254: {  	s0 =	rddreg [dreg:$0x0];
	s2 =	stileid.u32  }
0x255: {  	s1 =	rddreg [dreg:$0x1];
	p0 =	sne.s32 s2, $0x0  }
0x256: {  	s3 =	rddreg [dreg:$0x2];
	[bflag:$0x3] =	sbarrier.arrive $0xFFFF;
	s2 =	simm.s32 @!p0 $0x1C03  }
0x257: {  	[timem:s3], [sflag:s2] =	dma.local @!p0 [hbm:s0], s1  }
0x258: {  	s0 =	simm.s32 @!p0 $0x3  }
0x259: {  	_ =	swait.ge @!p0 [sflag:s0], s1  }
0x25a: {  	s1 =	ssub.s32 @!p0 $0x0, s1;
	[sflag:s0] =	ssyncset.done @!p0 $0x0  }
0x25b: {  	[sflag:s0] =	ssyncadd.s32 @!p0 s1  }
0x25c: {  	[bflag:$0x3] =	sbarrier.arrive $0xFFFF  }
0x25d: {  	_ =	shalt  }

</sc_bundles>
